<compile_context>
chip_gen: v7x
topology: tpu7x:2x2x1
jax: 0.10.2.dev20260603
libtpu: 0.0.44.dev20260713+nightly
codegen_flags: <defaults>
</compile_context>

<pallas_src>
import functools
import jax
import jax.numpy as jnp
from jax import lax
from jax.experimental import pallas as pl
from jax.experimental.pallas import tpu as pltpu
from jax.experimental.pallas import tpu_sc as plsc

_D = 16
_B = 16384
_NW = 32
_BPW = _B // _NW
_G = 16
_NG = _BPW // _G

_mesh = plsc.VectorSubcoreMesh(core_axis_name="c", subcore_axis_name="s")


@functools.partial(
    pl.kernel,
    mesh=_mesh,
    compiler_params=pltpu.CompilerParams(needs_layout_passes=False),
    out_type=jax.ShapeDtypeStruct((_D, _B), jnp.float32),
    scratch_types=[
        pltpu.VMEM((_BPW,), jnp.int32),
        pltpu.VMEM((3 * _G * _D, 128), jnp.float32),
        pltpu.VMEM((_D, _BPW), jnp.float32),
        pltpu.SemaphoreType.DMA,
        pltpu.SemaphoreType.DMA,
        pltpu.SemaphoreType.DMA,
        pltpu.SemaphoreType.DMA,
    ],
)
def _lookup(idx_hbm, table_t_hbm, out_hbm, idx_v, tiles, colbuf, sem0, sem1,
            sem2, sem3):
    wid = lax.axis_index("s") * 2 + lax.axis_index("c")
    base = wid * _BPW
    pltpu.sync_copy(idx_hbm.at[pl.ds(base, _BPW)], idx_v)
    rows = lax.iota(jnp.int32, 16)
    sems = [sem0, sem1, sem2]

    def fire(g, b):
        vec = idx_v[pl.ds(g * _G, _G)]
        for l in range(_G):
            v = vec[l]
            cal = pl.multiple_of((v >> 7) * 128, 128)
            pltpu.async_copy(
                table_t_hbm.at[:, pl.ds(cal, 128)],
                tiles.at[pl.ds((b * _G + l) * _D, _D), :],
                sems[b],
            )

    def drain(b):
        for l in range(_G):
            pltpu.make_async_copy(
                table_t_hbm.at[:, pl.ds(0, 128)],
                tiles.at[pl.ds((b * _G + l) * _D, _D), :],
                sems[b],
            ).wait()

    def extract(g, b):
        vec = idx_v[pl.ds(g * _G, _G)]
        for l in range(_G):
            v = vec[l]
            w = jnp.full((16,), v & 127, jnp.int32)
            emb = plsc.load_gather(tiles, [(b * _G + l) * _D + rows, w])
            j = jnp.full((16,), g * _G + l, jnp.int32)
            plsc.store_scatter(colbuf, [rows, j], emb)

    def body(k, carry):
        for j in range(3):
            g = k * 3 + j

            @pl.when(g + 2 < _NG)
            def _(g=g, j=j):
                fire(g + 2, (j + 2) % 3)

            @pl.when(g < _NG)
            def _(g=g, j=j):
                drain(j)
                extract(g, j)

                @pl.when(lax.rem(g, 8) == 7)
                def _(g=g):
                    q = (g // 8) * 128
                    pltpu.async_copy(
                        colbuf.at[:, pl.ds(q, 128)],
                        out_hbm.at[:, pl.ds(base + q, 128)],
                        sem3,
                    )
        return carry

    fire(0, 0)
    fire(1, 1)
    lax.fori_loop(0, (_NG + 2) // 3, body, 0)
    for q in range(_NG // 8):
        pltpu.make_async_copy(
            table_t_hbm.at[:, pl.ds(0, 128)],
            colbuf.at[:, pl.ds(q * 128, 128)],
            sem3,
        ).wait()


def kernel(value, table):
    table_t = jnp.swapaxes(table, 0, 1)
    out_t = _lookup(value, table_t)
    return jnp.swapaxes(out_t, 0, 1)

# --- scband reference (transcript-rebuilt; emitter-appended) ---
"""Pipeline reference for scband-bounded-integer-embedding-66279935312616 (READ-ONLY COPY).

The authoritative reference and input builder live on the scoring server;
editing this copy changes nothing except your own understanding.
"""

import jax, jax.numpy as jnp
import numpy as np

MIN_VAL = 0
MAX_VAL = 999999
VOCAB = MAX_VAL - MIN_VAL + 1  # 1,000,000
EMBED_DIM = 16
BATCH = 16384


def setup_inputs(seed: int = 0) -> dict:
    key = jax.random.key(seed)
    k_idx, k_tab = jax.random.split(key)
    value = jax.random.randint(k_idx, (BATCH,), 0, VOCAB, dtype=jnp.int32)
    # learned embedding table sized per init_module(embedding_dim)
    table = jax.random.normal(k_tab, (VOCAB, EMBED_DIM), dtype=jnp.float32)
    return {"value": value, "table": table}


def reference(value, table):
    # forward: self._embed(value - self._min)
    idx = value - MIN_VAL
    return jnp.take(table, idx, axis=0)

if __name__ == "__main__":
    import jax
    _d = setup_inputs()
    print(jax.jit(kernel)(*tuple(_d.values())))

</pallas_src>

<mosaic_0001>
#map = affine_map<(d0, d1) -> (0)>
#map1 = affine_map<(d0, d1) -> (0, 0)>
module attributes {stable_mosaic.version = 14 : i64} {
  func.func @_lookup(%arg0: i32, %arg1: i32, %arg2: memref<16384xi32, #tpu.memory_space<hbm>>, %arg3: memref<16x1000000xf32, #tpu.memory_space<hbm>>, %arg4: memref<16x16384xf32, #tpu.memory_space<hbm>>, %arg5: memref<512xi32, #tpu.memory_space<vmem>>, %arg6: memref<768x128xf32, #tpu.memory_space<vmem>>, %arg7: memref<16x512xf32, #tpu.memory_space<vmem>>, %arg8: memref<!tpu.dma_semaphore, #tpu.memory_space<semaphore_mem>>, %arg9: memref<!tpu.dma_semaphore, #tpu.memory_space<semaphore_mem>>, %arg10: memref<!tpu.dma_semaphore, #tpu.memory_space<semaphore_mem>>, %arg11: memref<!tpu.dma_semaphore, #tpu.memory_space<semaphore_mem>>) attributes {dimension_semantics = [#tpu.dimension_semantics<core_parallel>, #tpu.dimension_semantics<subcore_parallel>], iteration_bounds = array<i64: 2, 16>, scalar_prefetch = 0 : i64, scratch_operands = 7 : i64, tpu.core_type = #tpu.core_type<sc_vector_subcore>, window_params = [{transform_indices = #map}, {transform_indices = #map1}, {transform_indices = #map1}]} {
    %mul3A = arith.constant 2 : i32
    %mul3A_0 = arith.muli %arg1, %mul3A : i32
    %add3A = arith.addi %mul3A_0, %arg0 : i32
    %mul3A_1 = arith.constant 512 : i32
    %mul3A_2 = arith.muli %add3A, %mul3A_1 : i32
    "tpu.region"() ({
      %run_scoped3A = tpu.sem_alloc : memref<!tpu.dma_semaphore, #tpu.memory_space<semaphore_mem>>
      %dma_start3A_597 = tpu.memref_slice %arg2[%mul3A_2] : memref<16384xi32, #tpu.memory_space<hbm>> -> memref<512xi32, #tpu.memory_space<hbm>>
      %dma_start3A_598 = tpu.memref_slice %arg2[%mul3A_2] : memref<16384xi32, #tpu.memory_space<hbm>> -> memref<512xi32, #tpu.memory_space<hbm>>
      tpu.enqueue_dma source(%dma_start3A_598 : memref<512xi32, #tpu.memory_space<hbm>>) target(%arg5 : memref<512xi32, #tpu.memory_space<vmem>>) target_semaphore(%run_scoped3A : memref<!tpu.dma_semaphore, #tpu.memory_space<semaphore_mem>>)
      %dma_wait3A_599 = tpu.memref_slice %arg2[%mul3A_2] : memref<16384xi32, #tpu.memory_space<hbm>> -> memref<512xi32, #tpu.memory_space<hbm>>
      %dma_wait3A_600 = tpu.memref_slice %arg2[%mul3A_2] : memref<16384xi32, #tpu.memory_space<hbm>> -> memref<512xi32, #tpu.memory_space<hbm>>
      tpu.wait_dma2 semaphore(%run_scoped3A : memref<!tpu.dma_semaphore, #tpu.memory_space<semaphore_mem>>) src(%dma_wait3A_600 : memref<512xi32, #tpu.memory_space<hbm>>) dst(%arg5 : memref<512xi32, #tpu.memory_space<vmem>>)
      tpu.yield
    }) : () -> ()
    %iota3A = tpu.iota {dimensions = array<i32: 0>} : vector<16xi32>
    %get3A = arith.constant 0 : index
    %get3A_3 = tpu.vector_load %arg5[%get3A] {strides = array<i32>} : memref<512xi32, #tpu.memory_space<vmem>>, vector<16xi32>,
    %slice3A = vector.extract_strided_slice %get3A_3 {offsets = [0], sizes = [1], strides = [1]} : vector<16xi32> to vector<1xi32>
    %squeeze3A = vector.extract %slice3A[0] : i32 from vector<1xi32>
    %shift_right_arithmetic3A = arith.constant 7 : i32
    %shift_right_arithmetic3A_4 = arith.shrsi %squeeze3A, %shift_right_arithmetic3A : i32
    %mul3A_5 = arith.constant 128 : i32
    %mul3A_6 = arith.muli %shift_right_arithmetic3A_4, %mul3A_5 : i32
    %multiple_of3A = tpu.assume_multiple %mul3A_6, 128 : i32
    %dma_start3A = arith.constant 0 : i32
    %dma_start3A_7 = arith.constant 0 : i32
    %dma_start3A_8 = tpu.memref_slice %arg6[%dma_start3A, %dma_start3A_7] : memref<768x128xf32, #tpu.memory_space<vmem>> -> memref<16x128xf32, #tpu.memory_space<vmem>>
    %dma_start3A_9 = arith.constant 0 : i32
    %dma_start3A_10 = tpu.memref_slice %arg3[%dma_start3A_9, %multiple_of3A] : memref<16x1000000xf32, #tpu.memory_space<hbm>> -> memref<16x128xf32, #tpu.memory_space<hbm>>
    %dma_start3A_11 = arith.constant 0 : i32
    %dma_start3A_12 = arith.constant 0 : i32
    %dma_start3A_13 = tpu.memref_slice %arg6[%dma_start3A_11, %dma_start3A_12] : memref<768x128xf32, #tpu.memory_space<vmem>> -> memref<16x128xf32, #tpu.memory_space<vmem>>
    %dma_start3A_14 = arith.constant 0 : i32
    %dma_start3A_15 = tpu.memref_slice %arg3[%dma_start3A_14, %multiple_of3A] : memref<16x1000000xf32, #tpu.memory_space<hbm>> -> memref<16x128xf32, #tpu.memory_space<hbm>>
    tpu.enqueue_dma source(%dma_start3A_15 : memref<16x128xf32, #tpu.memory_space<hbm>>) target(%dma_start3A_13 : memref<16x128xf32, #tpu.memory_space<vmem>>) target_semaphore(%arg8 : memref<!tpu.dma_semaphore, #tpu.memory_space<semaphore_mem>>)
    %slice3A_16 = vector.extract_strided_slice %get3A_3 {offsets = [1], sizes = [1], strides = [1]} : vector<16xi32> to vector<1xi32>
    %squeeze3A_17 = vector.extract %slice3A_16[0] : i32 from vector<1xi32>
    %shift_right_arithmetic3A_18 = arith.constant 7 : i32
    %shift_right_arithmetic3A_19 = arith.shrsi %squeeze3A_17, %shift_right_arithmetic3A_18 : i32
    %mul3A_20 = arith.constant 128 : i32
    %mul3A_21 = arith.muli %shift_right_arithmetic3A_19, %mul3A_20 : i32
    %multiple_of3A_22 = tpu.assume_multiple %mul3A_21, 128 : i32
    %dma_start3A_23 = arith.constant 16 : i32
    %dma_start3A_24 = arith.constant 0 : i32
    %dma_start3A_25 = tpu.memref_slice %arg6[%dma_start3A_23, %dma_start3A_24] : memref<768x128xf32, #tpu.memory_space<vmem>> -> memref<16x128xf32, #tpu.memory_space<vmem>>
    %dma_start3A_26 = arith.constant 0 : i32
    %dma_start3A_27 = tpu.memref_slice %arg3[%dma_start3A_26, %multiple_of3A_22] : memref<16x1000000xf32, #tpu.memory_space<hbm>> -> memref<16x128xf32, #tpu.memory_space<hbm>>
    %dma_start3A_28 = arith.constant 16 : i32
    %dma_start3A_29 = arith.constant 0 : i32
    %dma_start3A_30 = tpu.memref_slice %arg6[%dma_start3A_28, %dma_start3A_29] : memref<768x128xf32, #tpu.memory_space<vmem>> -> memref<16x128xf32, #tpu.memory_space<vmem>>
    %dma_start3A_31 = arith.constant 0 : i32
    %dma_start3A_32 = tpu.memref_slice %arg3[%dma_start3A_31, %multiple_of3A_22] : memref<16x1000000xf32, #tpu.memory_space<hbm>> -> memref<16x128xf32, #tpu.memory_space<hbm>>
    tpu.enqueue_dma source(%dma_start3A_32 : memref<16x128xf32, #tpu.memory_space<hbm>>) target(%dma_start3A_30 : memref<16x128xf32, #tpu.memory_space<vmem>>) target_semaphore(%arg8 : memref<!tpu.dma_semaphore, #tpu.memory_space<semaphore_mem>>)
    %slice3A_33 = vector.extract_strided_slice %get3A_3 {offsets = [2], sizes = [1], strides = [1]} : vector<16xi32> to vector<1xi32>
    %squeeze3A_34 = vector.extract %slice3A_33[0] : i32 from vector<1xi32>
    %shift_right_arithmetic3A_35 = arith.constant 7 : i32
    %shift_right_arithmetic3A_36 = arith.shrsi %squeeze3A_34, %shift_right_arithmetic3A_35 : i32
    %mul3A_37 = arith.constant 128 : i32
    %mul3A_38 = arith.muli %shift_right_arithmetic3A_36, %mul3A_37 : i32
    %multiple_of3A_39 = tpu.assume_multiple %mul3A_38, 128 : i32
    %dma_start3A_40 = arith.constant 32 : i32
    %dma_start3A_41 = arith.constant 0 : i32
    %dma_start3A_42 = tpu.memref_slice %arg6[%dma_start3A_40, %dma_start3A_41] : memref<768x128xf32, #tpu.memory_space<vmem>> -> memref<16x128xf32, #tpu.memory_space<vmem>>
    %dma_start3A_43 = arith.constant 0 : i32
    %dma_start3A_44 = tpu.memref_slice %arg3[%dma_start3A_43, %multiple_of3A_39] : memref<16x1000000xf32, #tpu.memory_space<hbm>> -> memref<16x128xf32, #tpu.memory_space<hbm>>
    %dma_start3A_45 = arith.constant 32 : i32
    %dma_start3A_46 = arith.constant 0 : i32
    %dma_start3A_47 = tpu.memref_slice %arg6[%dma_start3A_45, %dma_start3A_46] : memref<768x128xf32, #tpu.memory_space<vmem>> -> memref<16x128xf32, #tpu.memory_space<vmem>>
    %dma_start3A_48 = arith.constant 0 : i32
    %dma_start3A_49 = tpu.memref_slice %arg3[%dma_start3A_48, %multiple_of3A_39] : memref<16x1000000xf32, #tpu.memory_space<hbm>> -> memref<16x128xf32, #tpu.memory_space<hbm>>
    tpu.enqueue_dma source(%dma_start3A_49 : memref<16x128xf32, #tpu.memory_space<hbm>>) target(%dma_start3A_47 : memref<16x128xf32, #tpu.memory_space<vmem>>) target_semaphore(%arg8 : memref<!tpu.dma_semaphore, #tpu.memory_space<semaphore_mem>>)
    %slice3A_50 = vector.extract_strided_slice %get3A_3 {offsets = [3], sizes = [1], strides = [1]} : vector<16xi32> to vector<1xi32>
    %squeeze3A_51 = vector.extract %slice3A_50[0] : i32 from vector<1xi32>
    %shift_right_arithmetic3A_52 = arith.constant 7 : i32
    %shift_right_arithmetic3A_53 = arith.shrsi %squeeze3A_51, %shift_right_arithmetic3A_52 : i32
    %mul3A_54 = arith.constant 128 : i32
    %mul3A_55 = arith.muli %shift_right_arithmetic3A_53, %mul3A_54 : i32
    %multiple_of3A_56 = tpu.assume_multiple %mul3A_55, 128 : i32
    %dma_start3A_57 = arith.constant 48 : i32
    %dma_start3A_58 = arith.constant 0 : i32
    %dma_start3A_59 = tpu.memref_slice %arg6[%dma_start3A_57, %dma_start3A_58] : memref<768x128xf32, #tpu.memory_space<vmem>> -> memref<16x128xf32, #tpu.memory_space<vmem>>
    %dma_start3A_60 = arith.constant 0 : i32
    %dma_start3A_61 = tpu.memref_slice %arg3[%dma_start3A_60, %multiple_of3A_56] : memref<16x1000000xf32, #tpu.memory_space<hbm>> -> memref<16x128xf32, #tpu.memory_space<hbm>>
    %dma_start3A_62 = arith.constant 48 : i32
    %dma_start3A_63 = arith.constant 0 : i32
    %dma_start3A_64 = tpu.memref_slice %arg6[%dma_start3A_62, %dma_start3A_63] : memref<768x128xf32, #tpu.memory_space<vmem>> -> memref<16x128xf32, #tpu.memory_space<vmem>>
    %dma_start3A_65 = arith.constant 0 : i32
    %dma_start3A_66 = tpu.memref_slice %arg3[%dma_start3A_65, %multiple_of3A_56] : memref<16x1000000xf32, #tpu.memory_space<hbm>> -> memref<16x128xf32, #tpu.memory_space<hbm>>
    tpu.enqueue_dma source(%dma_start3A_66 : memref<16x128xf32, #tpu.memory_space<hbm>>) target(%dma_start3A_64 : memref<16x128xf32, #tpu.memory_space<vmem>>) target_semaphore(%arg8 : memref<!tpu.dma_semaphore, #tpu.memory_space<semaphore_mem>>)
    %slice3A_67 = vector.extract_strided_slice %get3A_3 {offsets = [4], sizes = [1], strides = [1]} : vector<16xi32> to vector<1xi32>
    %squeeze3A_68 = vector.extract %slice3A_67[0] : i32 from vector<1xi32>
    %shift_right_arithmetic3A_69 = arith.constant 7 : i32
    %shift_right_arithmetic3A_70 = arith.shrsi %squeeze3A_68, %shift_right_arithmetic3A_69 : i32
    %mul3A_71 = arith.constant 128 : i32
    %mul3A_72 = arith.muli %shift_right_arithmetic3A_70, %mul3A_71 : i32
    %multiple_of3A_73 = tpu.assume_multiple %mul3A_72, 128 : i32
    %dma_start3A_74 = arith.constant 64 : i32
    %dma_start3A_75 = arith.constant 0 : i32
    %dma_start3A_76 = tpu.memref_slice %arg6[%dma_start3A_74, %dma_start3A_75] : memref<768x128xf32, #tpu.memory_space<vmem>> -> memref<16x128xf32, #tpu.memory_space<vmem>>
    %dma_start3A_77 = arith.constant 0 : i32
    %dma_start3A_78 = tpu.memref_slice %arg3[%dma_start3A_77, %multiple_of3A_73] : memref<16x1000000xf32, #tpu.memory_space<hbm>> -> memref<16x128xf32, #tpu.memory_space<hbm>>
    %dma_start3A_79 = arith.constant 64 : i32
    %dma_start3A_80 = arith.constant 0 : i32
    %dma_start3A_81 = tpu.memref_slice %arg6[%dma_start3A_79, %dma_start3A_80] : memref<768x128xf32, #tpu.memory_space<vmem>> -> memref<16x128xf32, #tpu.memory_space<vmem>>
    %dma_start3A_82 = arith.constant 0 : i32
    %dma_start3A_83 = tpu.memref_slice %arg3[%dma_start3A_82, %multiple_of3A_73] : memref<16x1000000xf32, #tpu.memory_space<hbm>> -> memref<16x128xf32, #tpu.memory_space<hbm>>
    tpu.enqueue_dma source(%dma_start3A_83 : memref<16x128xf32, #tpu.memory_space<hbm>>) target(%dma_start3A_81 : memref<16x128xf32, #tpu.memory_space<vmem>>) target_semaphore(%arg8 : memref<!tpu.dma_semaphore, #tpu.memory_space<semaphore_mem>>)
    %slice3A_84 = vector.extract_strided_slice %get3A_3 {offsets = [5], sizes = [1], strides = [1]} : vector<16xi32> to vector<1xi32>
    %squeeze3A_85 = vector.extract %slice3A_84[0] : i32 from vector<1xi32>
    %shift_right_arithmetic3A_86 = arith.constant 7 : i32
    %shift_right_arithmetic3A_87 = arith.shrsi %squeeze3A_85, %shift_right_arithmetic3A_86 : i32
    %mul3A_88 = arith.constant 128 : i32
    %mul3A_89 = arith.muli %shift_right_arithmetic3A_87, %mul3A_88 : i32
    %multiple_of3A_90 = tpu.assume_multiple %mul3A_89, 128 : i32
    %dma_start3A_91 = arith.constant 80 : i32
    %dma_start3A_92 = arith.constant 0 : i32
    %dma_start3A_93 = tpu.memref_slice %arg6[%dma_start3A_91, %dma_start3A_92] : memref<768x128xf32, #tpu.memory_space<vmem>> -> memref<16x128xf32, #tpu.memory_space<vmem>>
    %dma_start3A_94 = arith.constant 0 : i32
    %dma_start3A_95 = tpu.memref_slice %arg3[%dma_start3A_94, %multiple_of3A_90] : memref<16x1000000xf32, #tpu.memory_space<hbm>> -> memref<16x128xf32, #tpu.memory_space<hbm>>
    %dma_start3A_96 = arith.constant 80 : i32
    %dma_start3A_97 = arith.constant 0 : i32
    %dma_start3A_98 = tpu.memref_slice %arg6[%dma_start3A_96, %dma_start3A_97] : memref<768x128xf32, #tpu.memory_space<vmem>> -> memref<16x128xf32, #tpu.memory_space<vmem>>
    %dma_start3A_99 = arith.constant 0 : i32
    %dma_start3A_100 = tpu.memref_slice %arg3[%dma_start3A_99, %multiple_of3A_90] : memref<16x1000000xf32, #tpu.memory_space<hbm>> -> memref<16x128xf32, #tpu.memory_space<hbm>>
    tpu.enqueue_dma source(%dma_start3A_100 : memref<16x128xf32, #tpu.memory_space<hbm>>) target(%dma_start3A_98 : memref<16x128xf32, #tpu.memory_space<vmem>>) target_semaphore(%arg8 : memref<!tpu.dma_semaphore, #tpu.memory_space<semaphore_mem>>)
    %slice3A_101 = vector.extract_strided_slice %get3A_3 {offsets = [6], sizes = [1], strides = [1]} : vector<16xi32> to vector<1xi32>
    %squeeze3A_102 = vector.extract %slice3A_101[0] : i32 from vector<1xi32>
    %shift_right_arithmetic3A_103 = arith.constant 7 : i32
    %shift_right_arithmetic3A_104 = arith.shrsi %squeeze3A_102, %shift_right_arithmetic3A_103 : i32
    %mul3A_105 = arith.constant 128 : i32
    %mul3A_106 = arith.muli %shift_right_arithmetic3A_104, %mul3A_105 : i32
    %multiple_of3A_107 = tpu.assume_multiple %mul3A_106, 128 : i32
    %dma_start3A_108 = arith.constant 96 : i32
    %dma_start3A_109 = arith.constant 0 : i32
    %dma_start3A_110 = tpu.memref_slice %arg6[%dma_start3A_108, %dma_start3A_109] : memref<768x128xf32, #tpu.memory_space<vmem>> -> memref<16x128xf32, #tpu.memory_space<vmem>>
    %dma_start3A_111 = arith.constant 0 : i32
    %dma_start3A_112 = tpu.memref_slice %arg3[%dma_start3A_111, %multiple_of3A_107] : memref<16x1000000xf32, #tpu.memory_space<hbm>> -> memref<16x128xf32, #tpu.memory_space<hbm>>
    %dma_start3A_113 = arith.constant 96 : i32
    %dma_start3A_114 = arith.constant 0 : i32
    %dma_start3A_115 = tpu.memref_slice %arg6[%dma_start3A_113, %dma_start3A_114] : memref<768x128xf32, #tpu.memory_space<vmem>> -> memref<16x128xf32, #tpu.memory_space<vmem>>
    %dma_start3A_116 = arith.constant 0 : i32
    %dma_start3A_117 = tpu.memref_slice %arg3[%dma_start3A_116, %multiple_of3A_107] : memref<16x1000000xf32, #tpu.memory_space<hbm>> -> memref<16x128xf32, #tpu.memory_space<hbm>>
    tpu.enqueue_dma source(%dma_start3A_117 : memref<16x128xf32, #tpu.memory_space<hbm>>) target(%dma_start3A_115 : memref<16x128xf32, #tpu.memory_space<vmem>>) target_semaphore(%arg8 : memref<!tpu.dma_semaphore, #tpu.memory_space<semaphore_mem>>)
    %slice3A_118 = vector.extract_strided_slice %get3A_3 {offsets = [7], sizes = [1], strides = [1]} : vector<16xi32> to vector<1xi32>
    %squeeze3A_119 = vector.extract %slice3A_118[0] : i32 from vector<1xi32>
    %shift_right_arithmetic3A_120 = arith.constant 7 : i32
    %shift_right_arithmetic3A_121 = arith.shrsi %squeeze3A_119, %shift_right_arithmetic3A_120 : i32
    %mul3A_122 = arith.constant 128 : i32
    %mul3A_123 = arith.muli %shift_right_arithmetic3A_121, %mul3A_122 : i32
    %multiple_of3A_124 = tpu.assume_multiple %mul3A_123, 128 : i32
    %dma_start3A_125 = arith.constant 112 : i32
    %dma_start3A_126 = arith.constant 0 : i32
    %dma_start3A_127 = tpu.memref_slice %arg6[%dma_start3A_125, %dma_start3A_126] : memref<768x128xf32, #tpu.memory_space<vmem>> -> memref<16x128xf32, #tpu.memory_space<vmem>>
    %dma_start3A_128 = arith.constant 0 : i32
    %dma_start3A_129 = tpu.memref_slice %arg3[%dma_start3A_128, %multiple_of3A_124] : memref<16x1000000xf32, #tpu.memory_space<hbm>> -> memref<16x128xf32, #tpu.memory_space<hbm>>
    %dma_start3A_130 = arith.constant 112 : i32
    %dma_start3A_131 = arith.constant 0 : i32
    %dma_start3A_132 = tpu.memref_slice %arg6[%dma_start3A_130, %dma_start3A_131] : memref<768x128xf32, #tpu.memory_space<vmem>> -> memref<16x128xf32, #tpu.memory_space<vmem>>
    %dma_start3A_133 = arith.constant 0 : i32
    %dma_start3A_134 = tpu.memref_slice %arg3[%dma_start3A_133, %multiple_of3A_124] : memref<16x1000000xf32, #tpu.memory_space<hbm>> -> memref<16x128xf32, #tpu.memory_space<hbm>>
    tpu.enqueue_dma source(%dma_start3A_134 : memref<16x128xf32, #tpu.memory_space<hbm>>) target(%dma_start3A_132 : memref<16x128xf32, #tpu.memory_space<vmem>>) target_semaphore(%arg8 : memref<!tpu.dma_semaphore, #tpu.memory_space<semaphore_mem>>)
    %slice3A_135 = vector.extract_strided_slice %get3A_3 {offsets = [8], sizes = [1], strides = [1]} : vector<16xi32> to vector<1xi32>
    %squeeze3A_136 = vector.extract %slice3A_135[0] : i32 from vector<1xi32>
    %shift_right_arithmetic3A_137 = arith.constant 7 : i32
    %shift_right_arithmetic3A_138 = arith.shrsi %squeeze3A_136, %shift_right_arithmetic3A_137 : i32
    %mul3A_139 = arith.constant 128 : i32
    %mul3A_140 = arith.muli %shift_right_arithmetic3A_138, %mul3A_139 : i32
    %multiple_of3A_141 = tpu.assume_multiple %mul3A_140, 128 : i32
    %dma_start3A_142 = arith.constant 128 : i32
    %dma_start3A_143 = arith.constant 0 : i32
    %dma_start3A_144 = tpu.memref_slice %arg6[%dma_start3A_142, %dma_start3A_143] : memref<768x128xf32, #tpu.memory_space<vmem>> -> memref<16x128xf32, #tpu.memory_space<vmem>>
    %dma_start3A_145 = arith.constant 0 : i32
    %dma_start3A_146 = tpu.memref_slice %arg3[%dma_start3A_145, %multiple_of3A_141] : memref<16x1000000xf32, #tpu.memory_space<hbm>> -> memref<16x128xf32, #tpu.memory_space<hbm>>
    %dma_start3A_147 = arith.constant 128 : i32
    %dma_start3A_148 = arith.constant 0 : i32
    %dma_start3A_149 = tpu.memref_slice %arg6[%dma_start3A_147, %dma_start3A_148] : memref<768x128xf32, #tpu.memory_space<vmem>> -> memref<16x128xf32, #tpu.memory_space<vmem>>
    %dma_start3A_150 = arith.constant 0 : i32
    %dma_start3A_151 = tpu.memref_slice %arg3[%dma_start3A_150, %multiple_of3A_141] : memref<16x1000000xf32, #tpu.memory_space<hbm>> -> memref<16x128xf32, #tpu.memory_space<hbm>>
    tpu.enqueue_dma source(%dma_start3A_151 : memref<16x128xf32, #tpu.memory_space<hbm>>) target(%dma_start3A_149 : memref<16x128xf32, #tpu.memory_space<vmem>>) target_semaphore(%arg8 : memref<!tpu.dma_semaphore, #tpu.memory_space<semaphore_mem>>)
    %slice3A_152 = vector.extract_strided_slice %get3A_3 {offsets = [9], sizes = [1], strides = [1]} : vector<16xi32> to vector<1xi32>
    %squeeze3A_153 = vector.extract %slice3A_152[0] : i32 from vector<1xi32>
    %shift_right_arithmetic3A_154 = arith.constant 7 : i32
    %shift_right_arithmetic3A_155 = arith.shrsi %squeeze3A_153, %shift_right_arithmetic3A_154 : i32
    %mul3A_156 = arith.constant 128 : i32
    %mul3A_157 = arith.muli %shift_right_arithmetic3A_155, %mul3A_156 : i32
    %multiple_of3A_158 = tpu.assume_multiple %mul3A_157, 128 : i32
    %dma_start3A_159 = arith.constant 144 : i32
    %dma_start3A_160 = arith.constant 0 : i32
    %dma_start3A_161 = tpu.memref_slice %arg6[%dma_start3A_159, %dma_start3A_160] : memref<768x128xf32, #tpu.memory_space<vmem>> -> memref<16x128xf32, #tpu.memory_space<vmem>>
    %dma_start3A_162 = arith.constant 0 : i32
    %dma_start3A_163 = tpu.memref_slice %arg3[%dma_start3A_162, %multiple_of3A_158] : memref<16x1000000xf32, #tpu.memory_space<hbm>> -> memref<16x128xf32, #tpu.memory_space<hbm>>
    %dma_start3A_164 = arith.constant 144 : i32
    %dma_start3A_165 = arith.constant 0 : i32
    %dma_start3A_166 = tpu.memref_slice %arg6[%dma_start3A_164, %dma_start3A_165] : memref<768x128xf32, #tpu.memory_space<vmem>> -> memref<16x128xf32, #tpu.memory_space<vmem>>
    %dma_start3A_167 = arith.constant 0 : i32
    %dma_start3A_168 = tpu.memref_slice %arg3[%dma_start3A_167, %multiple_of3A_158] : memref<16x1000000xf32, #tpu.memory_space<hbm>> -> memref<16x128xf32, #tpu.memory_space<hbm>>
    tpu.enqueue_dma source(%dma_start3A_168 : memref<16x128xf32, #tpu.memory_space<hbm>>) target(%dma_start3A_166 : memref<16x128xf32, #tpu.memory_space<vmem>>) target_semaphore(%arg8 : memref<!tpu.dma_semaphore, #tpu.memory_space<semaphore_mem>>)
    %slice3A_169 = vector.extract_strided_slice %get3A_3 {offsets = [10], sizes = [1], strides = [1]} : vector<16xi32> to vector<1xi32>
    %squeeze3A_170 = vector.extract %slice3A_169[0] : i32 from vector<1xi32>
    %shift_right_arithmetic3A_171 = arith.constant 7 : i32
    %shift_right_arithmetic3A_172 = arith.shrsi %squeeze3A_170, %shift_right_arithmetic3A_171 : i32
    %mul3A_173 = arith.constant 128 : i32
    %mul3A_174 = arith.muli %shift_right_arithmetic3A_172, %mul3A_173 : i32
    %multiple_of3A_175 = tpu.assume_multiple %mul3A_174, 128 : i32
    %dma_start3A_176 = arith.constant 160 : i32
    %dma_start3A_177 = arith.constant 0 : i32
    %dma_start3A_178 = tpu.memref_slice %arg6[%dma_start3A_176, %dma_start3A_177] : memref<768x128xf32, #tpu.memory_space<vmem>> -> memref<16x128xf32, #tpu.memory_space<vmem>>
    %dma_start3A_179 = arith.constant 0 : i32
    %dma_start3A_180 = tpu.memref_slice %arg3[%dma_start3A_179, %multiple_of3A_175] : memref<16x1000000xf32, #tpu.memory_space<hbm>> -> memref<16x128xf32, #tpu.memory_space<hbm>>
    %dma_start3A_181 = arith.constant 160 : i32
    %dma_start3A_182 = arith.constant 0 : i32
    %dma_start3A_183 = tpu.memref_slice %arg6[%dma_start3A_181, %dma_start3A_182] : memref<768x128xf32, #tpu.memory_space<vmem>> -> memref<16x128xf32, #tpu.memory_space<vmem>>
    %dma_start3A_184 = arith.constant 0 : i32
    %dma_start3A_185 = tpu.memref_slice %arg3[%dma_start3A_184, %multiple_of3A_175] : memref<16x1000000xf32, #tpu.memory_space<hbm>> -> memref<16x128xf32, #tpu.memory_space<hbm>>
    tpu.enqueue_dma source(%dma_start3A_185 : memref<16x128xf32, #tpu.memory_space<hbm>>) target(%dma_start3A_183 : memref<16x128xf32, #tpu.memory_space<vmem>>) target_semaphore(%arg8 : memref<!tpu.dma_semaphore, #tpu.memory_space<semaphore_mem>>)
    %slice3A_186 = vector.extract_strided_slice %get3A_3 {offsets = [11], sizes = [1], strides = [1]} : vector<16xi32> to vector<1xi32>
    %squeeze3A_187 = vector.extract %slice3A_186[0] : i32 from vector<1xi32>
    %shift_right_arithmetic3A_188 = arith.constant 7 : i32
    %shift_right_arithmetic3A_189 = arith.shrsi %squeeze3A_187, %shift_right_arithmetic3A_188 : i32
    %mul3A_190 = arith.constant 128 : i32
    %mul3A_191 = arith.muli %shift_right_arithmetic3A_189, %mul3A_190 : i32
    %multiple_of3A_192 = tpu.assume_multiple %mul3A_191, 128 : i32
    %dma_start3A_193 = arith.constant 176 : i32
    %dma_start3A_194 = arith.constant 0 : i32
    %dma_start3A_195 = tpu.memref_slice %arg6[%dma_start3A_193, %dma_start3A_194] : memref<768x128xf32, #tpu.memory_space<vmem>> -> memref<16x128xf32, #tpu.memory_space<vmem>>
    %dma_start3A_196 = arith.constant 0 : i32
    %dma_start3A_197 = tpu.memref_slice %arg3[%dma_start3A_196, %multiple_of3A_192] : memref<16x1000000xf32, #tpu.memory_space<hbm>> -> memref<16x128xf32, #tpu.memory_space<hbm>>
    %dma_start3A_198 = arith.constant 176 : i32
    %dma_start3A_199 = arith.constant 0 : i32
    %dma_start3A_200 = tpu.memref_slice %arg6[%dma_start3A_198, %dma_start3A_199] : memref<768x128xf32, #tpu.memory_space<vmem>> -> memref<16x128xf32, #tpu.memory_space<vmem>>
    %dma_start3A_201 = arith.constant 0 : i32
    %dma_start3A_202 = tpu.memref_slice %arg3[%dma_start3A_201, %multiple_of3A_192] : memref<16x1000000xf32, #tpu.memory_space<hbm>> -> memref<16x128xf32, #tpu.memory_space<hbm>>
    tpu.enqueue_dma source(%dma_start3A_202 : memref<16x128xf32, #tpu.memory_space<hbm>>) target(%dma_start3A_200 : memref<16x128xf32, #tpu.memory_space<vmem>>) target_semaphore(%arg8 : memref<!tpu.dma_semaphore, #tpu.memory_space<semaphore_mem>>)
    %slice3A_203 = vector.extract_strided_slice %get3A_3 {offsets = [12], sizes = [1], strides = [1]} : vector<16xi32> to vector<1xi32>
    %squeeze3A_204 = vector.extract %slice3A_203[0] : i32 from vector<1xi32>
    %shift_right_arithmetic3A_205 = arith.constant 7 : i32
    %shift_right_arithmetic3A_206 = arith.shrsi %squeeze3A_204, %shift_right_arithmetic3A_205 : i32
    %mul3A_207 = arith.constant 128 : i32
    %mul3A_208 = arith.muli %shift_right_arithmetic3A_206, %mul3A_207 : i32
    %multiple_of3A_209 = tpu.assume_multiple %mul3A_208, 128 : i32
    %dma_start3A_210 = arith.constant 192 : i32
    %dma_start3A_211 = arith.constant 0 : i32
    %dma_start3A_212 = tpu.memref_slice %arg6[%dma_start3A_210, %dma_start3A_211] : memref<768x128xf32, #tpu.memory_space<vmem>> -> memref<16x128xf32, #tpu.memory_space<vmem>>
    %dma_start3A_213 = arith.constant 0 : i32
    %dma_start3A_214 = tpu.memref_slice %arg3[%dma_start3A_213, %multiple_of3A_209] : memref<16x1000000xf32, #tpu.memory_space<hbm>> -> memref<16x128xf32, #tpu.memory_space<hbm>>
    %dma_start3A_215 = arith.constant 192 : i32
    %dma_start3A_216 = arith.constant 0 : i32
    %dma_start3A_217 = tpu.memref_slice %arg6[%dma_start3A_215, %dma_start3A_216] : memref<768x128xf32, #tpu.memory_space<vmem>> -> memref<16x128xf32, #tpu.memory_space<vmem>>
    %dma_start3A_218 = arith.constant 0 : i32
    %dma_start3A_219 = tpu.memref_slice %arg3[%dma_start3A_218, %multiple_of3A_209] : memref<16x1000000xf32, #tpu.memory_space<hbm>> -> memref<16x128xf32, #tpu.memory_space<hbm>>
    tpu.enqueue_dma source(%dma_start3A_219 : memref<16x128xf32, #tpu.memory_space<hbm>>) target(%dma_start3A_217 : memref<16x128xf32, #tpu.memory_space<vmem>>) target_semaphore(%arg8 : memref<!tpu.dma_semaphore, #tpu.memory_space<semaphore_mem>>)
    %slice3A_220 = vector.extract_strided_slice %get3A_3 {offsets = [13], sizes = [1], strides = [1]} : vector<16xi32> to vector<1xi32>
    %squeeze3A_221 = vector.extract %slice3A_220[0] : i32 from vector<1xi32>
    %shift_right_arithmetic3A_222 = arith.constant 7 : i32
    %shift_right_arithmetic3A_223 = arith.shrsi %squeeze3A_221, %shift_right_arithmetic3A_222 : i32
    %mul3A_224 = arith.constant 128 : i32
    %mul3A_225 = arith.muli %shift_right_arithmetic3A_223, %mul3A_224 : i32
    %multiple_of3A_226 = tpu.assume_multiple %mul3A_225, 128 : i32
    %dma_start3A_227 = arith.constant 208 : i32
    %dma_start3A_228 = arith.constant 0 : i32
    %dma_start3A_229 = tpu.memref_slice %arg6[%dma_start3A_227, %dma_start3A_228] : memref<768x128xf32, #tpu.memory_space<vmem>> -> memref<16x128xf32, #tpu.memory_space<vmem>>
    %dma_start3A_230 = arith.constant 0 : i32
    %dma_start3A_231 = tpu.memref_slice %arg3[%dma_start3A_230, %multiple_of3A_226] : memref<16x1000000xf32, #tpu.memory_space<hbm>> -> memref<16x128xf32, #tpu.memory_space<hbm>>
    %dma_start3A_232 = arith.constant 208 : i32
    %dma_start3A_233 = arith.constant 0 : i32
    %dma_start3A_234 = tpu.memref_slice %arg6[%dma_start3A_232, %dma_start3A_233] : memref<768x128xf32, #tpu.memory_space<vmem>> -> memref<16x128xf32, #tpu.memory_space<vmem>>
    %dma_start3A_235 = arith.constant 0 : i32
    %dma_start3A_236 = tpu.memref_slice %arg3[%dma_start3A_235, %multiple_of3A_226] : memref<16x1000000xf32, #tpu.memory_space<hbm>> -> memref<16x128xf32, #tpu.memory_space<hbm>>
    tpu.enqueue_dma source(%dma_start3A_236 : memref<16x128xf32, #tpu.memory_space<hbm>>) target(%dma_start3A_234 : memref<16x128xf32, #tpu.memory_space<vmem>>) target_semaphore(%arg8 : memref<!tpu.dma_semaphore, #tpu.memory_space<semaphore_mem>>)
    %slice3A_237 = vector.extract_strided_slice %get3A_3 {offsets = [14], sizes = [1], strides = [1]} : vector<16xi32> to vector<1xi32>
    %squeeze3A_238 = vector.extract %slice3A_237[0] : i32 from vector<1xi32>
    %shift_right_arithmetic3A_239 = arith.constant 7 : i32
    %shift_right_arithmetic3A_240 = arith.shrsi %squeeze3A_238, %shift_right_arithmetic3A_239 : i32
    %mul3A_241 = arith.constant 128 : i32
    %mul3A_242 = arith.muli %shift_right_arithmetic3A_240, %mul3A_241 : i32
    %multiple_of3A_243 = tpu.assume_multiple %mul3A_242, 128 : i32
    %dma_start3A_244 = arith.constant 224 : i32
    %dma_start3A_245 = arith.constant 0 : i32
    %dma_start3A_246 = tpu.memref_slice %arg6[%dma_start3A_244, %dma_start3A_245] : memref<768x128xf32, #tpu.memory_space<vmem>> -> memref<16x128xf32, #tpu.memory_space<vmem>>
    %dma_start3A_247 = arith.constant 0 : i32
    %dma_start3A_248 = tpu.memref_slice %arg3[%dma_start3A_247, %multiple_of3A_243] : memref<16x1000000xf32, #tpu.memory_space<hbm>> -> memref<16x128xf32, #tpu.memory_space<hbm>>
    %dma_start3A_249 = arith.constant 224 : i32
    %dma_start3A_250 = arith.constant 0 : i32
    %dma_start3A_251 = tpu.memref_slice %arg6[%dma_start3A_249, %dma_start3A_250] : memref<768x128xf32, #tpu.memory_space<vmem>> -> memref<16x128xf32, #tpu.memory_space<vmem>>
    %dma_start3A_252 = arith.constant 0 : i32
    %dma_start3A_253 = tpu.memref_slice %arg3[%dma_start3A_252, %multiple_of3A_243] : memref<16x1000000xf32, #tpu.memory_space<hbm>> -> memref<16x128xf32, #tpu.memory_space<hbm>>
    tpu.enqueue_dma source(%dma_start3A_253 : memref<16x128xf32, #tpu.memory_space<hbm>>) target(%dma_start3A_251 : memref<16x128xf32, #tpu.memory_space<vmem>>) target_semaphore(%arg8 : memref<!tpu.dma_semaphore, #tpu.memory_space<semaphore_mem>>)
    %slice3A_254 = vector.extract_strided_slice %get3A_3 {offsets = [15], sizes = [1], strides = [1]} : vector<16xi32> to vector<1xi32>
    %squeeze3A_255 = vector.extract %slice3A_254[0] : i32 from vector<1xi32>
    %shift_right_arithmetic3A_256 = arith.constant 7 : i32
    %shift_right_arithmetic3A_257 = arith.shrsi %squeeze3A_255, %shift_right_arithmetic3A_256 : i32
    %mul3A_258 = arith.constant 128 : i32
    %mul3A_259 = arith.muli %shift_right_arithmetic3A_257, %mul3A_258 : i32
    %multiple_of3A_260 = tpu.assume_multiple %mul3A_259, 128 : i32
    %dma_start3A_261 = arith.constant 240 : i32
    %dma_start3A_262 = arith.constant 0 : i32
    %dma_start3A_263 = tpu.memref_slice %arg6[%dma_start3A_261, %dma_start3A_262] : memref<768x128xf32, #tpu.memory_space<vmem>> -> memref<16x128xf32, #tpu.memory_space<vmem>>
    %dma_start3A_264 = arith.constant 0 : i32
    %dma_start3A_265 = tpu.memref_slice %arg3[%dma_start3A_264, %multiple_of3A_260] : memref<16x1000000xf32, #tpu.memory_space<hbm>> -> memref<16x128xf32, #tpu.memory_space<hbm>>
    %dma_start3A_266 = arith.constant 240 : i32
    %dma_start3A_267 = arith.constant 0 : i32
    %dma_start3A_268 = tpu.memref_slice %arg6[%dma_start3A_266, %dma_start3A_267] : memref<768x128xf32, #tpu.memory_space<vmem>> -> memref<16x128xf32, #tpu.memory_space<vmem>>
    %dma_start3A_269 = arith.constant 0 : i32
    %dma_start3A_270 = tpu.memref_slice %arg3[%dma_start3A_269, %multiple_of3A_260] : memref<16x1000000xf32, #tpu.memory_space<hbm>> -> memref<16x128xf32, #tpu.memory_space<hbm>>
    tpu.enqueue_dma source(%dma_start3A_270 : memref<16x128xf32, #tpu.memory_space<hbm>>) target(%dma_start3A_268 : memref<16x128xf32, #tpu.memory_space<vmem>>) target_semaphore(%arg8 : memref<!tpu.dma_semaphore, #tpu.memory_space<semaphore_mem>>)
    %get3A_271 = arith.constant 16 : index
    %get3A_272 = tpu.vector_load %arg5[%get3A_271] {strides = array<i32>} : memref<512xi32, #tpu.memory_space<vmem>>, vector<16xi32>,
    %slice3A_273 = vector.extract_strided_slice %get3A_272 {offsets = [0], sizes = [1], strides = [1]} : vector<16xi32> to vector<1xi32>
    %squeeze3A_274 = vector.extract %slice3A_273[0] : i32 from vector<1xi32>
    %shift_right_arithmetic3A_275 = arith.constant 7 : i32
    %shift_right_arithmetic3A_276 = arith.shrsi %squeeze3A_274, %shift_right_arithmetic3A_275 : i32
    %mul3A_277 = arith.constant 128 : i32
    %mul3A_278 = arith.muli %shift_right_arithmetic3A_276, %mul3A_277 : i32
    %multiple_of3A_279 = tpu.assume_multiple %mul3A_278, 128 : i32
    %dma_start3A_280 = arith.constant 256 : i32
    %dma_start3A_281 = arith.constant 0 : i32
    %dma_start3A_282 = tpu.memref_slice %arg6[%dma_start3A_280, %dma_start3A_281] : memref<768x128xf32, #tpu.memory_space<vmem>> -> memref<16x128xf32, #tpu.memory_space<vmem>>
    %dma_start3A_283 = arith.constant 0 : i32
    %dma_start3A_284 = tpu.memref_slice %arg3[%dma_start3A_283, %multiple_of3A_279] : memref<16x1000000xf32, #tpu.memory_space<hbm>> -> memref<16x128xf32, #tpu.memory_space<hbm>>
    %dma_start3A_285 = arith.constant 256 : i32
    %dma_start3A_286 = arith.constant 0 : i32
    %dma_start3A_287 = tpu.memref_slice %arg6[%dma_start3A_285, %dma_start3A_286] : memref<768x128xf32, #tpu.memory_space<vmem>> -> memref<16x128xf32, #tpu.memory_space<vmem>>
    %dma_start3A_288 = arith.constant 0 : i32
    %dma_start3A_289 = tpu.memref_slice %arg3[%dma_start3A_288, %multiple_of3A_279] : memref<16x1000000xf32, #tpu.memory_space<hbm>> -> memref<16x128xf32, #tpu.memory_space<hbm>>
    tpu.enqueue_dma source(%dma_start3A_289 : memref<16x128xf32, #tpu.memory_space<hbm>>) target(%dma_start3A_287 : memref<16x128xf32, #tpu.memory_space<vmem>>) target_semaphore(%arg9 : memref<!tpu.dma_semaphore, #tpu.memory_space<semaphore_mem>>)
    %slice3A_290 = vector.extract_strided_slice %get3A_272 {offsets = [1], sizes = [1], strides = [1]} : vector<16xi32> to vector<1xi32>
    %squeeze3A_291 = vector.extract %slice3A_290[0] : i32 from vector<1xi32>
    %shift_right_arithmetic3A_292 = arith.constant 7 : i32
    %shift_right_arithmetic3A_293 = arith.shrsi %squeeze3A_291, %shift_right_arithmetic3A_292 : i32
    %mul3A_294 = arith.constant 128 : i32
    %mul3A_295 = arith.muli %shift_right_arithmetic3A_293, %mul3A_294 : i32
    %multiple_of3A_296 = tpu.assume_multiple %mul3A_295, 128 : i32
    %dma_start3A_297 = arith.constant 272 : i32
    %dma_start3A_298 = arith.constant 0 : i32
    %dma_start3A_299 = tpu.memref_slice %arg6[%dma_start3A_297, %dma_start3A_298] : memref<768x128xf32, #tpu.memory_space<vmem>> -> memref<16x128xf32, #tpu.memory_space<vmem>>
    %dma_start3A_300 = arith.constant 0 : i32
    %dma_start3A_301 = tpu.memref_slice %arg3[%dma_start3A_300, %multiple_of3A_296] : memref<16x1000000xf32, #tpu.memory_space<hbm>> -> memref<16x128xf32, #tpu.memory_space<hbm>>
    %dma_start3A_302 = arith.constant 272 : i32
    %dma_start3A_303 = arith.constant 0 : i32
    %dma_start3A_304 = tpu.memref_slice %arg6[%dma_start3A_302, %dma_start3A_303] : memref<768x128xf32, #tpu.memory_space<vmem>> -> memref<16x128xf32, #tpu.memory_space<vmem>>
    %dma_start3A_305 = arith.constant 0 : i32
    %dma_start3A_306 = tpu.memref_slice %arg3[%dma_start3A_305, %multiple_of3A_296] : memref<16x1000000xf32, #tpu.memory_space<hbm>> -> memref<16x128xf32, #tpu.memory_space<hbm>>
    tpu.enqueue_dma source(%dma_start3A_306 : memref<16x128xf32, #tpu.memory_space<hbm>>) target(%dma_start3A_304 : memref<16x128xf32, #tpu.memory_space<vmem>>) target_semaphore(%arg9 : memref<!tpu.dma_semaphore, #tpu.memory_space<semaphore_mem>>)
    %slice3A_307 = vector.extract_strided_slice %get3A_272 {offsets = [2], sizes = [1], strides = [1]} : vector<16xi32> to vector<1xi32>
    %squeeze3A_308 = vector.extract %slice3A_307[0] : i32 from vector<1xi32>
    %shift_right_arithmetic3A_309 = arith.constant 7 : i32
    %shift_right_arithmetic3A_310 = arith.shrsi %squeeze3A_308, %shift_right_arithmetic3A_309 : i32
    %mul3A_311 = arith.constant 128 : i32
    %mul3A_312 = arith.muli %shift_right_arithmetic3A_310, %mul3A_311 : i32
    %multiple_of3A_313 = tpu.assume_multiple %mul3A_312, 128 : i32
    %dma_start3A_314 = arith.constant 288 : i32
    %dma_start3A_315 = arith.constant 0 : i32
    %dma_start3A_316 = tpu.memref_slice %arg6[%dma_start3A_314, %dma_start3A_315] : memref<768x128xf32, #tpu.memory_space<vmem>> -> memref<16x128xf32, #tpu.memory_space<vmem>>
    %dma_start3A_317 = arith.constant 0 : i32
    %dma_start3A_318 = tpu.memref_slice %arg3[%dma_start3A_317, %multiple_of3A_313] : memref<16x1000000xf32, #tpu.memory_space<hbm>> -> memref<16x128xf32, #tpu.memory_space<hbm>>
    %dma_start3A_319 = arith.constant 288 : i32
    %dma_start3A_320 = arith.constant 0 : i32
    %dma_start3A_321 = tpu.memref_slice %arg6[%dma_start3A_319, %dma_start3A_320] : memref<768x128xf32, #tpu.memory_space<vmem>> -> memref<16x128xf32, #tpu.memory_space<vmem>>
    %dma_start3A_322 = arith.constant 0 : i32
    %dma_start3A_323 = tpu.memref_slice %arg3[%dma_start3A_322, %multiple_of3A_313] : memref<16x1000000xf32, #tpu.memory_space<hbm>> -> memref<16x128xf32, #tpu.memory_space<hbm>>
    tpu.enqueue_dma source(%dma_start3A_323 : memref<16x128xf32, #tpu.memory_space<hbm>>) target(%dma_start3A_321 : memref<16x128xf32, #tpu.memory_space<vmem>>) target_semaphore(%arg9 : memref<!tpu.dma_semaphore, #tpu.memory_space<semaphore_mem>>)
    %slice3A_324 = vector.extract_strided_slice %get3A_272 {offsets = [3], sizes = [1], strides = [1]} : vector<16xi32> to vector<1xi32>
    %squeeze3A_325 = vector.extract %slice3A_324[0] : i32 from vector<1xi32>
    %shift_right_arithmetic3A_326 = arith.constant 7 : i32
    %shift_right_arithmetic3A_327 = arith.shrsi %squeeze3A_325, %shift_right_arithmetic3A_326 : i32
    %mul3A_328 = arith.constant 128 : i32
    %mul3A_329 = arith.muli %shift_right_arithmetic3A_327, %mul3A_328 : i32
    %multiple_of3A_330 = tpu.assume_multiple %mul3A_329, 128 : i32
    %dma_start3A_331 = arith.constant 304 : i32
    %dma_start3A_332 = arith.constant 0 : i32
    %dma_start3A_333 = tpu.memref_slice %arg6[%dma_start3A_331, %dma_start3A_332] : memref<768x128xf32, #tpu.memory_space<vmem>> -> memref<16x128xf32, #tpu.memory_space<vmem>>
    %dma_start3A_334 = arith.constant 0 : i32
    %dma_start3A_335 = tpu.memref_slice %arg3[%dma_start3A_334, %multiple_of3A_330] : memref<16x1000000xf32, #tpu.memory_space<hbm>> -> memref<16x128xf32, #tpu.memory_space<hbm>>
    %dma_start3A_336 = arith.constant 304 : i32
    %dma_start3A_337 = arith.constant 0 : i32
    %dma_start3A_338 = tpu.memref_slice %arg6[%dma_start3A_336, %dma_start3A_337] : memref<768x128xf32, #tpu.memory_space<vmem>> -> memref<16x128xf32, #tpu.memory_space<vmem>>
    %dma_start3A_339 = arith.constant 0 : i32
    %dma_start3A_340 = tpu.memref_slice %arg3[%dma_start3A_339, %multiple_of3A_330] : memref<16x1000000xf32, #tpu.memory_space<hbm>> -> memref<16x128xf32, #tpu.memory_space<hbm>>
    tpu.enqueue_dma source(%dma_start3A_340 : memref<16x128xf32, #tpu.memory_space<hbm>>) target(%dma_start3A_338 : memref<16x128xf32, #tpu.memory_space<vmem>>) target_semaphore(%arg9 : memref<!tpu.dma_semaphore, #tpu.memory_space<semaphore_mem>>)
    %slice3A_341 = vector.extract_strided_slice %get3A_272 {offsets = [4], sizes = [1], strides = [1]} : vector<16xi32> to vector<1xi32>
    %squeeze3A_342 = vector.extract %slice3A_341[0] : i32 from vector<1xi32>
    %shift_right_arithmetic3A_343 = arith.constant 7 : i32
    %shift_right_arithmetic3A_344 = arith.shrsi %squeeze3A_342, %shift_right_arithmetic3A_343 : i32
    %mul3A_345 = arith.constant 128 : i32
    %mul3A_346 = arith.muli %shift_right_arithmetic3A_344, %mul3A_345 : i32
    %multiple_of3A_347 = tpu.assume_multiple %mul3A_346, 128 : i32
    %dma_start3A_348 = arith.constant 320 : i32
    %dma_start3A_349 = arith.constant 0 : i32
    %dma_start3A_350 = tpu.memref_slice %arg6[%dma_start3A_348, %dma_start3A_349] : memref<768x128xf32, #tpu.memory_space<vmem>> -> memref<16x128xf32, #tpu.memory_space<vmem>>
    %dma_start3A_351 = arith.constant 0 : i32
    %dma_start3A_352 = tpu.memref_slice %arg3[%dma_start3A_351, %multiple_of3A_347] : memref<16x1000000xf32, #tpu.memory_space<hbm>> -> memref<16x128xf32, #tpu.memory_space<hbm>>
    %dma_start3A_353 = arith.constant 320 : i32
    %dma_start3A_354 = arith.constant 0 : i32
    %dma_start3A_355 = tpu.memref_slice %arg6[%dma_start3A_353, %dma_start3A_354] : memref<768x128xf32, #tpu.memory_space<vmem>> -> memref<16x128xf32, #tpu.memory_space<vmem>>
    %dma_start3A_356 = arith.constant 0 : i32
    %dma_start3A_357 = tpu.memref_slice %arg3[%dma_start3A_356, %multiple_of3A_347] : memref<16x1000000xf32, #tpu.memory_space<hbm>> -> memref<16x128xf32, #tpu.memory_space<hbm>>
    tpu.enqueue_dma source(%dma_start3A_357 : memref<16x128xf32, #tpu.memory_space<hbm>>) target(%dma_start3A_355 : memref<16x128xf32, #tpu.memory_space<vmem>>) target_semaphore(%arg9 : memref<!tpu.dma_semaphore, #tpu.memory_space<semaphore_mem>>)
    %slice3A_358 = vector.extract_strided_slice %get3A_272 {offsets = [5], sizes = [1], strides = [1]} : vector<16xi32> to vector<1xi32>
    %squeeze3A_359 = vector.extract %slice3A_358[0] : i32 from vector<1xi32>
    %shift_right_arithmetic3A_360 = arith.constant 7 : i32
    %shift_right_arithmetic3A_361 = arith.shrsi %squeeze3A_359, %shift_right_arithmetic3A_360 : i32
    %mul3A_362 = arith.constant 128 : i32
    %mul3A_363 = arith.muli %shift_right_arithmetic3A_361, %mul3A_362 : i32
    %multiple_of3A_364 = tpu.assume_multiple %mul3A_363, 128 : i32
    %dma_start3A_365 = arith.constant 336 : i32
    %dma_start3A_366 = arith.constant 0 : i32
    %dma_start3A_367 = tpu.memref_slice %arg6[%dma_start3A_365, %dma_start3A_366] : memref<768x128xf32, #tpu.memory_space<vmem>> -> memref<16x128xf32, #tpu.memory_space<vmem>>
    %dma_start3A_368 = arith.constant 0 : i32
    %dma_start3A_369 = tpu.memref_slice %arg3[%dma_start3A_368, %multiple_of3A_364] : memref<16x1000000xf32, #tpu.memory_space<hbm>> -> memref<16x128xf32, #tpu.memory_space<hbm>>
    %dma_start3A_370 = arith.constant 336 : i32
    %dma_start3A_371 = arith.constant 0 : i32
    %dma_start3A_372 = tpu.memref_slice %arg6[%dma_start3A_370, %dma_start3A_371] : memref<768x128xf32, #tpu.memory_space<vmem>> -> memref<16x128xf32, #tpu.memory_space<vmem>>
    %dma_start3A_373 = arith.constant 0 : i32
    %dma_start3A_374 = tpu.memref_slice %arg3[%dma_start3A_373, %multiple_of3A_364] : memref<16x1000000xf32, #tpu.memory_space<hbm>> -> memref<16x128xf32, #tpu.memory_space<hbm>>
    tpu.enqueue_dma source(%dma_start3A_374 : memref<16x128xf32, #tpu.memory_space<hbm>>) target(%dma_start3A_372 : memref<16x128xf32, #tpu.memory_space<vmem>>) target_semaphore(%arg9 : memref<!tpu.dma_semaphore, #tpu.memory_space<semaphore_mem>>)
    %slice3A_375 = vector.extract_strided_slice %get3A_272 {offsets = [6], sizes = [1], strides = [1]} : vector<16xi32> to vector<1xi32>
    %squeeze3A_376 = vector.extract %slice3A_375[0] : i32 from vector<1xi32>
    %shift_right_arithmetic3A_377 = arith.constant 7 : i32
    %shift_right_arithmetic3A_378 = arith.shrsi %squeeze3A_376, %shift_right_arithmetic3A_377 : i32
    %mul3A_379 = arith.constant 128 : i32
    %mul3A_380 = arith.muli %shift_right_arithmetic3A_378, %mul3A_379 : i32
    %multiple_of3A_381 = tpu.assume_multiple %mul3A_380, 128 : i32
    %dma_start3A_382 = arith.constant 352 : i32
    %dma_start3A_383 = arith.constant 0 : i32
    %dma_start3A_384 = tpu.memref_slice %arg6[%dma_start3A_382, %dma_start3A_383] : memref<768x128xf32, #tpu.memory_space<vmem>> -> memref<16x128xf32, #tpu.memory_space<vmem>>
    %dma_start3A_385 = arith.constant 0 : i32
    %dma_start3A_386 = tpu.memref_slice %arg3[%dma_start3A_385, %multiple_of3A_381] : memref<16x1000000xf32, #tpu.memory_space<hbm>> -> memref<16x128xf32, #tpu.memory_space<hbm>>
    %dma_start3A_387 = arith.constant 352 : i32
    %dma_start3A_388 = arith.constant 0 : i32
    %dma_start3A_389 = tpu.memref_slice %arg6[%dma_start3A_387, %dma_start3A_388] : memref<768x128xf32, #tpu.memory_space<vmem>> -> memref<16x128xf32, #tpu.memory_space<vmem>>
    %dma_start3A_390 = arith.constant 0 : i32
    %dma_start3A_391 = tpu.memref_slice %arg3[%dma_start3A_390, %multiple_of3A_381] : memref<16x1000000xf32, #tpu.memory_space<hbm>> -> memref<16x128xf32, #tpu.memory_space<hbm>>
    tpu.enqueue_dma source(%dma_start3A_391 : memref<16x128xf32, #tpu.memory_space<hbm>>) target(%dma_start3A_389 : memref<16x128xf32, #tpu.memory_space<vmem>>) target_semaphore(%arg9 : memref<!tpu.dma_semaphore, #tpu.memory_space<semaphore_mem>>)
    %slice3A_392 = vector.extract_strided_slice %get3A_272 {offsets = [7], sizes = [1], strides = [1]} : vector<16xi32> to vector<1xi32>
    %squeeze3A_393 = vector.extract %slice3A_392[0] : i32 from vector<1xi32>
    %shift_right_arithmetic3A_394 = arith.constant 7 : i32
    %shift_right_arithmetic3A_395 = arith.shrsi %squeeze3A_393, %shift_right_arithmetic3A_394 : i32
    %mul3A_396 = arith.constant 128 : i32
    %mul3A_397 = arith.muli %shift_right_arithmetic3A_395, %mul3A_396 : i32
    %multiple_of3A_398 = tpu.assume_multiple %mul3A_397, 128 : i32
    %dma_start3A_399 = arith.constant 368 : i32
    %dma_start3A_400 = arith.constant 0 : i32
    %dma_start3A_401 = tpu.memref_slice %arg6[%dma_start3A_399, %dma_start3A_400] : memref<768x128xf32, #tpu.memory_space<vmem>> -> memref<16x128xf32, #tpu.memory_space<vmem>>
    %dma_start3A_402 = arith.constant 0 : i32
    %dma_start3A_403 = tpu.memref_slice %arg3[%dma_start3A_402, %multiple_of3A_398] : memref<16x1000000xf32, #tpu.memory_space<hbm>> -> memref<16x128xf32, #tpu.memory_space<hbm>>
    %dma_start3A_404 = arith.constant 368 : i32
    %dma_start3A_405 = arith.constant 0 : i32
    %dma_start3A_406 = tpu.memref_slice %arg6[%dma_start3A_404, %dma_start3A_405] : memref<768x128xf32, #tpu.memory_space<vmem>> -> memref<16x128xf32, #tpu.memory_space<vmem>>
    %dma_start3A_407 = arith.constant 0 : i32
    %dma_start3A_408 = tpu.memref_slice %arg3[%dma_start3A_407, %multiple_of3A_398] : memref<16x1000000xf32, #tpu.memory_space<hbm>> -> memref<16x128xf32, #tpu.memory_space<hbm>>
    tpu.enqueue_dma source(%dma_start3A_408 : memref<16x128xf32, #tpu.memory_space<hbm>>) target(%dma_start3A_406 : memref<16x128xf32, #tpu.memory_space<vmem>>) target_semaphore(%arg9 : memref<!tpu.dma_semaphore, #tpu.memory_space<semaphore_mem>>)
    %slice3A_409 = vector.extract_strided_slice %get3A_272 {offsets = [8], sizes = [1], strides = [1]} : vector<16xi32> to vector<1xi32>
    %squeeze3A_410 = vector.extract %slice3A_409[0] : i32 from vector<1xi32>
    %shift_right_arithmetic3A_411 = arith.constant 7 : i32
    %shift_right_arithmetic3A_412 = arith.shrsi %squeeze3A_410, %shift_right_arithmetic3A_411 : i32
    %mul3A_413 = arith.constant 128 : i32
    %mul3A_414 = arith.muli %shift_right_arithmetic3A_412, %mul3A_413 : i32
    %multiple_of3A_415 = tpu.assume_multiple %mul3A_414, 128 : i32
    %dma_start3A_416 = arith.constant 384 : i32
    %dma_start3A_417 = arith.constant 0 : i32
    %dma_start3A_418 = tpu.memref_slice %arg6[%dma_start3A_416, %dma_start3A_417] : memref<768x128xf32, #tpu.memory_space<vmem>> -> memref<16x128xf32, #tpu.memory_space<vmem>>
    %dma_start3A_419 = arith.constant 0 : i32
    %dma_start3A_420 = tpu.memref_slice %arg3[%dma_start3A_419, %multiple_of3A_415] : memref<16x1000000xf32, #tpu.memory_space<hbm>> -> memref<16x128xf32, #tpu.memory_space<hbm>>
    %dma_start3A_421 = arith.constant 384 : i32
    %dma_start3A_422 = arith.constant 0 : i32
    %dma_start3A_423 = tpu.memref_slice %arg6[%dma_start3A_421, %dma_start3A_422] : memref<768x128xf32, #tpu.memory_space<vmem>> -> memref<16x128xf32, #tpu.memory_space<vmem>>
    %dma_start3A_424 = arith.constant 0 : i32
    %dma_start3A_425 = tpu.memref_slice %arg3[%dma_start3A_424, %multiple_of3A_415] : memref<16x1000000xf32, #tpu.memory_space<hbm>> -> memref<16x128xf32, #tpu.memory_space<hbm>>
    tpu.enqueue_dma source(%dma_start3A_425 : memref<16x128xf32, #tpu.memory_space<hbm>>) target(%dma_start3A_423 : memref<16x128xf32, #tpu.memory_space<vmem>>) target_semaphore(%arg9 : memref<!tpu.dma_semaphore, #tpu.memory_space<semaphore_mem>>)
    %slice3A_426 = vector.extract_strided_slice %get3A_272 {offsets = [9], sizes = [1], strides = [1]} : vector<16xi32> to vector<1xi32>
    %squeeze3A_427 = vector.extract %slice3A_426[0] : i32 from vector<1xi32>
    %shift_right_arithmetic3A_428 = arith.constant 7 : i32
    %shift_right_arithmetic3A_429 = arith.shrsi %squeeze3A_427, %shift_right_arithmetic3A_428 : i32
    %mul3A_430 = arith.constant 128 : i32
    %mul3A_431 = arith.muli %shift_right_arithmetic3A_429, %mul3A_430 : i32
    %multiple_of3A_432 = tpu.assume_multiple %mul3A_431, 128 : i32
    %dma_start3A_433 = arith.constant 400 : i32
    %dma_start3A_434 = arith.constant 0 : i32
    %dma_start3A_435 = tpu.memref_slice %arg6[%dma_start3A_433, %dma_start3A_434] : memref<768x128xf32, #tpu.memory_space<vmem>> -> memref<16x128xf32, #tpu.memory_space<vmem>>
    %dma_start3A_436 = arith.constant 0 : i32
    %dma_start3A_437 = tpu.memref_slice %arg3[%dma_start3A_436, %multiple_of3A_432] : memref<16x1000000xf32, #tpu.memory_space<hbm>> -> memref<16x128xf32, #tpu.memory_space<hbm>>
    %dma_start3A_438 = arith.constant 400 : i32
    %dma_start3A_439 = arith.constant 0 : i32
    %dma_start3A_440 = tpu.memref_slice %arg6[%dma_start3A_438, %dma_start3A_439] : memref<768x128xf32, #tpu.memory_space<vmem>> -> memref<16x128xf32, #tpu.memory_space<vmem>>
    %dma_start3A_441 = arith.constant 0 : i32
    %dma_start3A_442 = tpu.memref_slice %arg3[%dma_start3A_441, %multiple_of3A_432] : memref<16x1000000xf32, #tpu.memory_space<hbm>> -> memref<16x128xf32, #tpu.memory_space<hbm>>
    tpu.enqueue_dma source(%dma_start3A_442 : memref<16x128xf32, #tpu.memory_space<hbm>>) target(%dma_start3A_440 : memref<16x128xf32, #tpu.memory_space<vmem>>) target_semaphore(%arg9 : memref<!tpu.dma_semaphore, #tpu.memory_space<semaphore_mem>>)
    %slice3A_443 = vector.extract_strided_slice %get3A_272 {offsets = [10], sizes = [1], strides = [1]} : vector<16xi32> to vector<1xi32>
    %squeeze3A_444 = vector.extract %slice3A_443[0] : i32 from vector<1xi32>
    %shift_right_arithmetic3A_445 = arith.constant 7 : i32
    %shift_right_arithmetic3A_446 = arith.shrsi %squeeze3A_444, %shift_right_arithmetic3A_445 : i32
    %mul3A_447 = arith.constant 128 : i32
    %mul3A_448 = arith.muli %shift_right_arithmetic3A_446, %mul3A_447 : i32
    %multiple_of3A_449 = tpu.assume_multiple %mul3A_448, 128 : i32
    %dma_start3A_450 = arith.constant 416 : i32
    %dma_start3A_451 = arith.constant 0 : i32
    %dma_start3A_452 = tpu.memref_slice %arg6[%dma_start3A_450, %dma_start3A_451] : memref<768x128xf32, #tpu.memory_space<vmem>> -> memref<16x128xf32, #tpu.memory_space<vmem>>
    %dma_start3A_453 = arith.constant 0 : i32
    %dma_start3A_454 = tpu.memref_slice %arg3[%dma_start3A_453, %multiple_of3A_449] : memref<16x1000000xf32, #tpu.memory_space<hbm>> -> memref<16x128xf32, #tpu.memory_space<hbm>>
    %dma_start3A_455 = arith.constant 416 : i32
    %dma_start3A_456 = arith.constant 0 : i32
    %dma_start3A_457 = tpu.memref_slice %arg6[%dma_start3A_455, %dma_start3A_456] : memref<768x128xf32, #tpu.memory_space<vmem>> -> memref<16x128xf32, #tpu.memory_space<vmem>>
    %dma_start3A_458 = arith.constant 0 : i32
    %dma_start3A_459 = tpu.memref_slice %arg3[%dma_start3A_458, %multiple_of3A_449] : memref<16x1000000xf32, #tpu.memory_space<hbm>> -> memref<16x128xf32, #tpu.memory_space<hbm>>
    tpu.enqueue_dma source(%dma_start3A_459 : memref<16x128xf32, #tpu.memory_space<hbm>>) target(%dma_start3A_457 : memref<16x128xf32, #tpu.memory_space<vmem>>) target_semaphore(%arg9 : memref<!tpu.dma_semaphore, #tpu.memory_space<semaphore_mem>>)
    %slice3A_460 = vector.extract_strided_slice %get3A_272 {offsets = [11], sizes = [1], strides = [1]} : vector<16xi32> to vector<1xi32>
    %squeeze3A_461 = vector.extract %slice3A_460[0] : i32 from vector<1xi32>
    %shift_right_arithmetic3A_462 = arith.constant 7 : i32
    %shift_right_arithmetic3A_463 = arith.shrsi %squeeze3A_461, %shift_right_arithmetic3A_462 : i32
    %mul3A_464 = arith.constant 128 : i32
    %mul3A_465 = arith.muli %shift_right_arithmetic3A_463, %mul3A_464 : i32
    %multiple_of3A_466 = tpu.assume_multiple %mul3A_465, 128 : i32
    %dma_start3A_467 = arith.constant 432 : i32
    %dma_start3A_468 = arith.constant 0 : i32
    %dma_start3A_469 = tpu.memref_slice %arg6[%dma_start3A_467, %dma_start3A_468] : memref<768x128xf32, #tpu.memory_space<vmem>> -> memref<16x128xf32, #tpu.memory_space<vmem>>
    %dma_start3A_470 = arith.constant 0 : i32
    %dma_start3A_471 = tpu.memref_slice %arg3[%dma_start3A_470, %multiple_of3A_466] : memref<16x1000000xf32, #tpu.memory_space<hbm>> -> memref<16x128xf32, #tpu.memory_space<hbm>>
    %dma_start3A_472 = arith.constant 432 : i32
    %dma_start3A_473 = arith.constant 0 : i32
    %dma_start3A_474 = tpu.memref_slice %arg6[%dma_start3A_472, %dma_start3A_473] : memref<768x128xf32, #tpu.memory_space<vmem>> -> memref<16x128xf32, #tpu.memory_space<vmem>>
    %dma_start3A_475 = arith.constant 0 : i32
    %dma_start3A_476 = tpu.memref_slice %arg3[%dma_start3A_475, %multiple_of3A_466] : memref<16x1000000xf32, #tpu.memory_space<hbm>> -> memref<16x128xf32, #tpu.memory_space<hbm>>
    tpu.enqueue_dma source(%dma_start3A_476 : memref<16x128xf32, #tpu.memory_space<hbm>>) target(%dma_start3A_474 : memref<16x128xf32, #tpu.memory_space<vmem>>) target_semaphore(%arg9 : memref<!tpu.dma_semaphore, #tpu.memory_space<semaphore_mem>>)
    %slice3A_477 = vector.extract_strided_slice %get3A_272 {offsets = [12], sizes = [1], strides = [1]} : vector<16xi32> to vector<1xi32>
    %squeeze3A_478 = vector.extract %slice3A_477[0] : i32 from vector<1xi32>
    %shift_right_arithmetic3A_479 = arith.constant 7 : i32
    %shift_right_arithmetic3A_480 = arith.shrsi %squeeze3A_478, %shift_right_arithmetic3A_479 : i32
    %mul3A_481 = arith.constant 128 : i32
    %mul3A_482 = arith.muli %shift_right_arithmetic3A_480, %mul3A_481 : i32
    %multiple_of3A_483 = tpu.assume_multiple %mul3A_482, 128 : i32
    %dma_start3A_484 = arith.constant 448 : i32
    %dma_start3A_485 = arith.constant 0 : i32
    %dma_start3A_486 = tpu.memref_slice %arg6[%dma_start3A_484, %dma_start3A_485] : memref<768x128xf32, #tpu.memory_space<vmem>> -> memref<16x128xf32, #tpu.memory_space<vmem>>
    %dma_start3A_487 = arith.constant 0 : i32
    %dma_start3A_488 = tpu.memref_slice %arg3[%dma_start3A_487, %multiple_of3A_483] : memref<16x1000000xf32, #tpu.memory_space<hbm>> -> memref<16x128xf32, #tpu.memory_space<hbm>>
    %dma_start3A_489 = arith.constant 448 : i32
    %dma_start3A_490 = arith.constant 0 : i32
    %dma_start3A_491 = tpu.memref_slice %arg6[%dma_start3A_489, %dma_start3A_490] : memref<768x128xf32, #tpu.memory_space<vmem>> -> memref<16x128xf32, #tpu.memory_space<vmem>>
    %dma_start3A_492 = arith.constant 0 : i32
    %dma_start3A_493 = tpu.memref_slice %arg3[%dma_start3A_492, %multiple_of3A_483] : memref<16x1000000xf32, #tpu.memory_space<hbm>> -> memref<16x128xf32, #tpu.memory_space<hbm>>
    tpu.enqueue_dma source(%dma_start3A_493 : memref<16x128xf32, #tpu.memory_space<hbm>>) target(%dma_start3A_491 : memref<16x128xf32, #tpu.memory_space<vmem>>) target_semaphore(%arg9 : memref<!tpu.dma_semaphore, #tpu.memory_space<semaphore_mem>>)
    %slice3A_494 = vector.extract_strided_slice %get3A_272 {offsets = [13], sizes = [1], strides = [1]} : vector<16xi32> to vector<1xi32>
    %squeeze3A_495 = vector.extract %slice3A_494[0] : i32 from vector<1xi32>
    %shift_right_arithmetic3A_496 = arith.constant 7 : i32
    %shift_right_arithmetic3A_497 = arith.shrsi %squeeze3A_495, %shift_right_arithmetic3A_496 : i32
    %mul3A_498 = arith.constant 128 : i32
    %mul3A_499 = arith.muli %shift_right_arithmetic3A_497, %mul3A_498 : i32
    %multiple_of3A_500 = tpu.assume_multiple %mul3A_499, 128 : i32
    %dma_start3A_501 = arith.constant 464 : i32
    %dma_start3A_502 = arith.constant 0 : i32
    %dma_start3A_503 = tpu.memref_slice %arg6[%dma_start3A_501, %dma_start3A_502] : memref<768x128xf32, #tpu.memory_space<vmem>> -> memref<16x128xf32, #tpu.memory_space<vmem>>
    %dma_start3A_504 = arith.constant 0 : i32
    %dma_start3A_505 = tpu.memref_slice %arg3[%dma_start3A_504, %multiple_of3A_500] : memref<16x1000000xf32, #tpu.memory_space<hbm>> -> memref<16x128xf32, #tpu.memory_space<hbm>>
    %dma_start3A_506 = arith.constant 464 : i32
    %dma_start3A_507 = arith.constant 0 : i32
    %dma_start3A_508 = tpu.memref_slice %arg6[%dma_start3A_506, %dma_start3A_507] : memref<768x128xf32, #tpu.memory_space<vmem>> -> memref<16x128xf32, #tpu.memory_space<vmem>>
    %dma_start3A_509 = arith.constant 0 : i32
    %dma_start3A_510 = tpu.memref_slice %arg3[%dma_start3A_509, %multiple_of3A_500] : memref<16x1000000xf32, #tpu.memory_space<hbm>> -> memref<16x128xf32, #tpu.memory_space<hbm>>
    tpu.enqueue_dma source(%dma_start3A_510 : memref<16x128xf32, #tpu.memory_space<hbm>>) target(%dma_start3A_508 : memref<16x128xf32, #tpu.memory_space<vmem>>) target_semaphore(%arg9 : memref<!tpu.dma_semaphore, #tpu.memory_space<semaphore_mem>>)
    %slice3A_511 = vector.extract_strided_slice %get3A_272 {offsets = [14], sizes = [1], strides = [1]} : vector<16xi32> to vector<1xi32>
    %squeeze3A_512 = vector.extract %slice3A_511[0] : i32 from vector<1xi32>
    %shift_right_arithmetic3A_513 = arith.constant 7 : i32
    %shift_right_arithmetic3A_514 = arith.shrsi %squeeze3A_512, %shift_right_arithmetic3A_513 : i32
    %mul3A_515 = arith.constant 128 : i32
    %mul3A_516 = arith.muli %shift_right_arithmetic3A_514, %mul3A_515 : i32
    %multiple_of3A_517 = tpu.assume_multiple %mul3A_516, 128 : i32
    %dma_start3A_518 = arith.constant 480 : i32
    %dma_start3A_519 = arith.constant 0 : i32
    %dma_start3A_520 = tpu.memref_slice %arg6[%dma_start3A_518, %dma_start3A_519] : memref<768x128xf32, #tpu.memory_space<vmem>> -> memref<16x128xf32, #tpu.memory_space<vmem>>
    %dma_start3A_521 = arith.constant 0 : i32
    %dma_start3A_522 = tpu.memref_slice %arg3[%dma_start3A_521, %multiple_of3A_517] : memref<16x1000000xf32, #tpu.memory_space<hbm>> -> memref<16x128xf32, #tpu.memory_space<hbm>>
    %dma_start3A_523 = arith.constant 480 : i32
    %dma_start3A_524 = arith.constant 0 : i32
    %dma_start3A_525 = tpu.memref_slice %arg6[%dma_start3A_523, %dma_start3A_524] : memref<768x128xf32, #tpu.memory_space<vmem>> -> memref<16x128xf32, #tpu.memory_space<vmem>>
    %dma_start3A_526 = arith.constant 0 : i32
    %dma_start3A_527 = tpu.memref_slice %arg3[%dma_start3A_526, %multiple_of3A_517] : memref<16x1000000xf32, #tpu.memory_space<hbm>> -> memref<16x128xf32, #tpu.memory_space<hbm>>
    tpu.enqueue_dma source(%dma_start3A_527 : memref<16x128xf32, #tpu.memory_space<hbm>>) target(%dma_start3A_525 : memref<16x128xf32, #tpu.memory_space<vmem>>) target_semaphore(%arg9 : memref<!tpu.dma_semaphore, #tpu.memory_space<semaphore_mem>>)
    %slice3A_528 = vector.extract_strided_slice %get3A_272 {offsets = [15], sizes = [1], strides = [1]} : vector<16xi32> to vector<1xi32>
    %squeeze3A_529 = vector.extract %slice3A_528[0] : i32 from vector<1xi32>
    %shift_right_arithmetic3A_530 = arith.constant 7 : i32
    %shift_right_arithmetic3A_531 = arith.shrsi %squeeze3A_529, %shift_right_arithmetic3A_530 : i32
    %mul3A_532 = arith.constant 128 : i32
    %mul3A_533 = arith.muli %shift_right_arithmetic3A_531, %mul3A_532 : i32
    %multiple_of3A_534 = tpu.assume_multiple %mul3A_533, 128 : i32
    %dma_start3A_535 = arith.constant 496 : i32
    %dma_start3A_536 = arith.constant 0 : i32
    %dma_start3A_537 = tpu.memref_slice %arg6[%dma_start3A_535, %dma_start3A_536] : memref<768x128xf32, #tpu.memory_space<vmem>> -> memref<16x128xf32, #tpu.memory_space<vmem>>
    %dma_start3A_538 = arith.constant 0 : i32
    %dma_start3A_539 = tpu.memref_slice %arg3[%dma_start3A_538, %multiple_of3A_534] : memref<16x1000000xf32, #tpu.memory_space<hbm>> -> memref<16x128xf32, #tpu.memory_space<hbm>>
    %dma_start3A_540 = arith.constant 496 : i32
    %dma_start3A_541 = arith.constant 0 : i32
    %dma_start3A_542 = tpu.memref_slice %arg6[%dma_start3A_540, %dma_start3A_541] : memref<768x128xf32, #tpu.memory_space<vmem>> -> memref<16x128xf32, #tpu.memory_space<vmem>>
    %dma_start3A_543 = arith.constant 0 : i32
    %dma_start3A_544 = tpu.memref_slice %arg3[%dma_start3A_543, %multiple_of3A_534] : memref<16x1000000xf32, #tpu.memory_space<hbm>> -> memref<16x128xf32, #tpu.memory_space<hbm>>
    tpu.enqueue_dma source(%dma_start3A_544 : memref<16x128xf32, #tpu.memory_space<hbm>>) target(%dma_start3A_542 : memref<16x128xf32, #tpu.memory_space<vmem>>) target_semaphore(%arg9 : memref<!tpu.dma_semaphore, #tpu.memory_space<semaphore_mem>>)
    %scan3A = arith.constant 0 : i32
    %scan3A_545 = arith.constant 0 : i32
    %scan3A_546 = arith.constant 11 : i32
    %scan3A_547 = arith.addi %scan3A_545, %scan3A_546 : i32
    %scan3A_548 = arith.constant 1 : i32
    scf.for %scan3A_597 = %scan3A_545 to %scan3A_547 step %scan3A_548  : i32 {
      %mul3A_598 = arith.constant 3 : i32
      %mul3A_599 = arith.muli %scan3A_597, %mul3A_598 : i32
      %add3A_600 = arith.constant 0 : i32
      %add3A_601 = arith.addi %mul3A_599, %add3A_600 : i32
      %add3A_602 = arith.constant 2 : i32
      %add3A_603 = arith.addi %add3A_601, %add3A_602 : i32
      %lt3A = arith.constant 32 : i32
      %lt3A_604 = arith.cmpi slt, %add3A_603, %lt3A : i32
      %convert_element_type3A = arith.extui %lt3A_604 : i1 to i32
      %cond3A = arith.constant 0 : i32
      %cond3A_605 = arith.cmpi ne, %convert_element_type3A, %cond3A : i32
      scf.if %cond3A_605 {
        %add3A_643 = arith.constant 2 : i32
        %add3A_644 = arith.addi %add3A_601, %add3A_643 : i32
        %mul3A_645 = arith.constant 16 : i32
        %mul3A_646 = arith.muli %add3A_644, %mul3A_645 : i32
        %get3A_647 = arith.index_cast %mul3A_646 : i32 to index
        %get3A_648 = tpu.vector_load %arg5[%get3A_647] {strides = array<i32>} : memref<512xi32, #tpu.memory_space<vmem>>, vector<16xi32>,
        %slice3A_649 = vector.extract_strided_slice %get3A_648 {offsets = [0], sizes = [1], strides = [1]} : vector<16xi32> to vector<1xi32>
        %squeeze3A_650 = vector.extract %slice3A_649[0] : i32 from vector<1xi32>
        %shift_right_arithmetic3A_651 = arith.constant 7 : i32
        %shift_right_arithmetic3A_652 = arith.shrsi %squeeze3A_650, %shift_right_arithmetic3A_651 : i32
        %mul3A_653 = arith.constant 128 : i32
        %mul3A_654 = arith.muli %shift_right_arithmetic3A_652, %mul3A_653 : i32
        %multiple_of3A_655 = tpu.assume_multiple %mul3A_654, 128 : i32
        %dma_start3A_656 = arith.constant 512 : i32
        %dma_start3A_657 = arith.constant 0 : i32
        %dma_start3A_658 = tpu.memref_slice %arg6[%dma_start3A_656, %dma_start3A_657] : memref<768x128xf32, #tpu.memory_space<vmem>> -> memref<16x128xf32, #tpu.memory_space<vmem>>
        %dma_start3A_659 = arith.constant 0 : i32
        %dma_start3A_660 = tpu.memref_slice %arg3[%dma_start3A_659, %multiple_of3A_655] : memref<16x1000000xf32, #tpu.memory_space<hbm>> -> memref<16x128xf32, #tpu.memory_space<hbm>>
        %dma_start3A_661 = arith.constant 512 : i32
        %dma_start3A_662 = arith.constant 0 : i32
        %dma_start3A_663 = tpu.memref_slice %arg6[%dma_start3A_661, %dma_start3A_662] : memref<768x128xf32, #tpu.memory_space<vmem>> -> memref<16x128xf32, #tpu.memory_space<vmem>>
        %dma_start3A_664 = arith.constant 0 : i32
        %dma_start3A_665 = tpu.memref_slice %arg3[%dma_start3A_664, %multiple_of3A_655] : memref<16x1000000xf32, #tpu.memory_space<hbm>> -> memref<16x128xf32, #tpu.memory_space<hbm>>
        tpu.enqueue_dma source(%dma_start3A_665 : memref<16x128xf32, #tpu.memory_space<hbm>>) target(%dma_start3A_663 : memref<16x128xf32, #tpu.memory_space<vmem>>) target_semaphore(%arg10 : memref<!tpu.dma_semaphore, #tpu.memory_space<semaphore_mem>>)
        %slice3A_666 = vector.extract_strided_slice %get3A_648 {offsets = [1], sizes = [1], strides = [1]} : vector<16xi32> to vector<1xi32>
        %squeeze3A_667 = vector.extract %slice3A_666[0] : i32 from vector<1xi32>
        %shift_right_arithmetic3A_668 = arith.constant 7 : i32
        %shift_right_arithmetic3A_669 = arith.shrsi %squeeze3A_667, %shift_right_arithmetic3A_668 : i32
        %mul3A_670 = arith.constant 128 : i32
        %mul3A_671 = arith.muli %shift_right_arithmetic3A_669, %mul3A_670 : i32
        %multiple_of3A_672 = tpu.assume_multiple %mul3A_671, 128 : i32
        %dma_start3A_673 = arith.constant 528 : i32
        %dma_start3A_674 = arith.constant 0 : i32
        %dma_start3A_675 = tpu.memref_slice %arg6[%dma_start3A_673, %dma_start3A_674] : memref<768x128xf32, #tpu.memory_space<vmem>> -> memref<16x128xf32, #tpu.memory_space<vmem>>
        %dma_start3A_676 = arith.constant 0 : i32
        %dma_start3A_677 = tpu.memref_slice %arg3[%dma_start3A_676, %multiple_of3A_672] : memref<16x1000000xf32, #tpu.memory_space<hbm>> -> memref<16x128xf32, #tpu.memory_space<hbm>>
        %dma_start3A_678 = arith.constant 528 : i32
        %dma_start3A_679 = arith.constant 0 : i32
        %dma_start3A_680 = tpu.memref_slice %arg6[%dma_start3A_678, %dma_start3A_679] : memref<768x128xf32, #tpu.memory_space<vmem>> -> memref<16x128xf32, #tpu.memory_space<vmem>>
        %dma_start3A_681 = arith.constant 0 : i32
        %dma_start3A_682 = tpu.memref_slice %arg3[%dma_start3A_681, %multiple_of3A_672] : memref<16x1000000xf32, #tpu.memory_space<hbm>> -> memref<16x128xf32, #tpu.memory_space<hbm>>
        tpu.enqueue_dma source(%dma_start3A_682 : memref<16x128xf32, #tpu.memory_space<hbm>>) target(%dma_start3A_680 : memref<16x128xf32, #tpu.memory_space<vmem>>) target_semaphore(%arg10 : memref<!tpu.dma_semaphore, #tpu.memory_space<semaphore_mem>>)
        %slice3A_683 = vector.extract_strided_slice %get3A_648 {offsets = [2], sizes = [1], strides = [1]} : vector<16xi32> to vector<1xi32>
        %squeeze3A_684 = vector.extract %slice3A_683[0] : i32 from vector<1xi32>
        %shift_right_arithmetic3A_685 = arith.constant 7 : i32
        %shift_right_arithmetic3A_686 = arith.shrsi %squeeze3A_684, %shift_right_arithmetic3A_685 : i32
        %mul3A_687 = arith.constant 128 : i32
        %mul3A_688 = arith.muli %shift_right_arithmetic3A_686, %mul3A_687 : i32
        %multiple_of3A_689 = tpu.assume_multiple %mul3A_688, 128 : i32
        %dma_start3A_690 = arith.constant 544 : i32
        %dma_start3A_691 = arith.constant 0 : i32
        %dma_start3A_692 = tpu.memref_slice %arg6[%dma_start3A_690, %dma_start3A_691] : memref<768x128xf32, #tpu.memory_space<vmem>> -> memref<16x128xf32, #tpu.memory_space<vmem>>
        %dma_start3A_693 = arith.constant 0 : i32
        %dma_start3A_694 = tpu.memref_slice %arg3[%dma_start3A_693, %multiple_of3A_689] : memref<16x1000000xf32, #tpu.memory_space<hbm>> -> memref<16x128xf32, #tpu.memory_space<hbm>>
        %dma_start3A_695 = arith.constant 544 : i32
        %dma_start3A_696 = arith.constant 0 : i32
        %dma_start3A_697 = tpu.memref_slice %arg6[%dma_start3A_695, %dma_start3A_696] : memref<768x128xf32, #tpu.memory_space<vmem>> -> memref<16x128xf32, #tpu.memory_space<vmem>>
        %dma_start3A_698 = arith.constant 0 : i32
        %dma_start3A_699 = tpu.memref_slice %arg3[%dma_start3A_698, %multiple_of3A_689] : memref<16x1000000xf32, #tpu.memory_space<hbm>> -> memref<16x128xf32, #tpu.memory_space<hbm>>
        tpu.enqueue_dma source(%dma_start3A_699 : memref<16x128xf32, #tpu.memory_space<hbm>>) target(%dma_start3A_697 : memref<16x128xf32, #tpu.memory_space<vmem>>) target_semaphore(%arg10 : memref<!tpu.dma_semaphore, #tpu.memory_space<semaphore_mem>>)
        %slice3A_700 = vector.extract_strided_slice %get3A_648 {offsets = [3], sizes = [1], strides = [1]} : vector<16xi32> to vector<1xi32>
        %squeeze3A_701 = vector.extract %slice3A_700[0] : i32 from vector<1xi32>
        %shift_right_arithmetic3A_702 = arith.constant 7 : i32
        %shift_right_arithmetic3A_703 = arith.shrsi %squeeze3A_701, %shift_right_arithmetic3A_702 : i32
        %mul3A_704 = arith.constant 128 : i32
        %mul3A_705 = arith.muli %shift_right_arithmetic3A_703, %mul3A_704 : i32
        %multiple_of3A_706 = tpu.assume_multiple %mul3A_705, 128 : i32
        %dma_start3A_707 = arith.constant 560 : i32
        %dma_start3A_708 = arith.constant 0 : i32
        %dma_start3A_709 = tpu.memref_slice %arg6[%dma_start3A_707, %dma_start3A_708] : memref<768x128xf32, #tpu.memory_space<vmem>> -> memref<16x128xf32, #tpu.memory_space<vmem>>
        %dma_start3A_710 = arith.constant 0 : i32
        %dma_start3A_711 = tpu.memref_slice %arg3[%dma_start3A_710, %multiple_of3A_706] : memref<16x1000000xf32, #tpu.memory_space<hbm>> -> memref<16x128xf32, #tpu.memory_space<hbm>>
        %dma_start3A_712 = arith.constant 560 : i32
        %dma_start3A_713 = arith.constant 0 : i32
        %dma_start3A_714 = tpu.memref_slice %arg6[%dma_start3A_712, %dma_start3A_713] : memref<768x128xf32, #tpu.memory_space<vmem>> -> memref<16x128xf32, #tpu.memory_space<vmem>>
        %dma_start3A_715 = arith.constant 0 : i32
        %dma_start3A_716 = tpu.memref_slice %arg3[%dma_start3A_715, %multiple_of3A_706] : memref<16x1000000xf32, #tpu.memory_space<hbm>> -> memref<16x128xf32, #tpu.memory_space<hbm>>
        tpu.enqueue_dma source(%dma_start3A_716 : memref<16x128xf32, #tpu.memory_space<hbm>>) target(%dma_start3A_714 : memref<16x128xf32, #tpu.memory_space<vmem>>) target_semaphore(%arg10 : memref<!tpu.dma_semaphore, #tpu.memory_space<semaphore_mem>>)
        %slice3A_717 = vector.extract_strided_slice %get3A_648 {offsets = [4], sizes = [1], strides = [1]} : vector<16xi32> to vector<1xi32>
        %squeeze3A_718 = vector.extract %slice3A_717[0] : i32 from vector<1xi32>
        %shift_right_arithmetic3A_719 = arith.constant 7 : i32
        %shift_right_arithmetic3A_720 = arith.shrsi %squeeze3A_718, %shift_right_arithmetic3A_719 : i32
        %mul3A_721 = arith.constant 128 : i32
        %mul3A_722 = arith.muli %shift_right_arithmetic3A_720, %mul3A_721 : i32
        %multiple_of3A_723 = tpu.assume_multiple %mul3A_722, 128 : i32
        %dma_start3A_724 = arith.constant 576 : i32
        %dma_start3A_725 = arith.constant 0 : i32
        %dma_start3A_726 = tpu.memref_slice %arg6[%dma_start3A_724, %dma_start3A_725] : memref<768x128xf32, #tpu.memory_space<vmem>> -> memref<16x128xf32, #tpu.memory_space<vmem>>
        %dma_start3A_727 = arith.constant 0 : i32
        %dma_start3A_728 = tpu.memref_slice %arg3[%dma_start3A_727, %multiple_of3A_723] : memref<16x1000000xf32, #tpu.memory_space<hbm>> -> memref<16x128xf32, #tpu.memory_space<hbm>>
        %dma_start3A_729 = arith.constant 576 : i32
        %dma_start3A_730 = arith.constant 0 : i32
        %dma_start3A_731 = tpu.memref_slice %arg6[%dma_start3A_729, %dma_start3A_730] : memref<768x128xf32, #tpu.memory_space<vmem>> -> memref<16x128xf32, #tpu.memory_space<vmem>>
        %dma_start3A_732 = arith.constant 0 : i32
        %dma_start3A_733 = tpu.memref_slice %arg3[%dma_start3A_732, %multiple_of3A_723] : memref<16x1000000xf32, #tpu.memory_space<hbm>> -> memref<16x128xf32, #tpu.memory_space<hbm>>
        tpu.enqueue_dma source(%dma_start3A_733 : memref<16x128xf32, #tpu.memory_space<hbm>>) target(%dma_start3A_731 : memref<16x128xf32, #tpu.memory_space<vmem>>) target_semaphore(%arg10 : memref<!tpu.dma_semaphore, #tpu.memory_space<semaphore_mem>>)
        %slice3A_734 = vector.extract_strided_slice %get3A_648 {offsets = [5], sizes = [1], strides = [1]} : vector<16xi32> to vector<1xi32>
        %squeeze3A_735 = vector.extract %slice3A_734[0] : i32 from vector<1xi32>
        %shift_right_arithmetic3A_736 = arith.constant 7 : i32
        %shift_right_arithmetic3A_737 = arith.shrsi %squeeze3A_735, %shift_right_arithmetic3A_736 : i32
        %mul3A_738 = arith.constant 128 : i32
        %mul3A_739 = arith.muli %shift_right_arithmetic3A_737, %mul3A_738 : i32
        %multiple_of3A_740 = tpu.assume_multiple %mul3A_739, 128 : i32
        %dma_start3A_741 = arith.constant 592 : i32
        %dma_start3A_742 = arith.constant 0 : i32
        %dma_start3A_743 = tpu.memref_slice %arg6[%dma_start3A_741, %dma_start3A_742] : memref<768x128xf32, #tpu.memory_space<vmem>> -> memref<16x128xf32, #tpu.memory_space<vmem>>
        %dma_start3A_744 = arith.constant 0 : i32
        %dma_start3A_745 = tpu.memref_slice %arg3[%dma_start3A_744, %multiple_of3A_740] : memref<16x1000000xf32, #tpu.memory_space<hbm>> -> memref<16x128xf32, #tpu.memory_space<hbm>>
        %dma_start3A_746 = arith.constant 592 : i32
        %dma_start3A_747 = arith.constant 0 : i32
        %dma_start3A_748 = tpu.memref_slice %arg6[%dma_start3A_746, %dma_start3A_747] : memref<768x128xf32, #tpu.memory_space<vmem>> -> memref<16x128xf32, #tpu.memory_space<vmem>>
        %dma_start3A_749 = arith.constant 0 : i32
        %dma_start3A_750 = tpu.memref_slice %arg3[%dma_start3A_749, %multiple_of3A_740] : memref<16x1000000xf32, #tpu.memory_space<hbm>> -> memref<16x128xf32, #tpu.memory_space<hbm>>
        tpu.enqueue_dma source(%dma_start3A_750 : memref<16x128xf32, #tpu.memory_space<hbm>>) target(%dma_start3A_748 : memref<16x128xf32, #tpu.memory_space<vmem>>) target_semaphore(%arg10 : memref<!tpu.dma_semaphore, #tpu.memory_space<semaphore_mem>>)
        %slice3A_751 = vector.extract_strided_slice %get3A_648 {offsets = [6], sizes = [1], strides = [1]} : vector<16xi32> to vector<1xi32>
        %squeeze3A_752 = vector.extract %slice3A_751[0] : i32 from vector<1xi32>
        %shift_right_arithmetic3A_753 = arith.constant 7 : i32
        %shift_right_arithmetic3A_754 = arith.shrsi %squeeze3A_752, %shift_right_arithmetic3A_753 : i32
        %mul3A_755 = arith.constant 128 : i32
        %mul3A_756 = arith.muli %shift_right_arithmetic3A_754, %mul3A_755 : i32
        %multiple_of3A_757 = tpu.assume_multiple %mul3A_756, 128 : i32
        %dma_start3A_758 = arith.constant 608 : i32
        %dma_start3A_759 = arith.constant 0 : i32
        %dma_start3A_760 = tpu.memref_slice %arg6[%dma_start3A_758, %dma_start3A_759] : memref<768x128xf32, #tpu.memory_space<vmem>> -> memref<16x128xf32, #tpu.memory_space<vmem>>
        %dma_start3A_761 = arith.constant 0 : i32
        %dma_start3A_762 = tpu.memref_slice %arg3[%dma_start3A_761, %multiple_of3A_757] : memref<16x1000000xf32, #tpu.memory_space<hbm>> -> memref<16x128xf32, #tpu.memory_space<hbm>>
        %dma_start3A_763 = arith.constant 608 : i32
        %dma_start3A_764 = arith.constant 0 : i32
        %dma_start3A_765 = tpu.memref_slice %arg6[%dma_start3A_763, %dma_start3A_764] : memref<768x128xf32, #tpu.memory_space<vmem>> -> memref<16x128xf32, #tpu.memory_space<vmem>>
        %dma_start3A_766 = arith.constant 0 : i32
        %dma_start3A_767 = tpu.memref_slice %arg3[%dma_start3A_766, %multiple_of3A_757] : memref<16x1000000xf32, #tpu.memory_space<hbm>> -> memref<16x128xf32, #tpu.memory_space<hbm>>
        tpu.enqueue_dma source(%dma_start3A_767 : memref<16x128xf32, #tpu.memory_space<hbm>>) target(%dma_start3A_765 : memref<16x128xf32, #tpu.memory_space<vmem>>) target_semaphore(%arg10 : memref<!tpu.dma_semaphore, #tpu.memory_space<semaphore_mem>>)
        %slice3A_768 = vector.extract_strided_slice %get3A_648 {offsets = [7], sizes = [1], strides = [1]} : vector<16xi32> to vector<1xi32>
        %squeeze3A_769 = vector.extract %slice3A_768[0] : i32 from vector<1xi32>
        %shift_right_arithmetic3A_770 = arith.constant 7 : i32
        %shift_right_arithmetic3A_771 = arith.shrsi %squeeze3A_769, %shift_right_arithmetic3A_770 : i32
        %mul3A_772 = arith.constant 128 : i32
        %mul3A_773 = arith.muli %shift_right_arithmetic3A_771, %mul3A_772 : i32
        %multiple_of3A_774 = tpu.assume_multiple %mul3A_773, 128 : i32
        %dma_start3A_775 = arith.constant 624 : i32
        %dma_start3A_776 = arith.constant 0 : i32
        %dma_start3A_777 = tpu.memref_slice %arg6[%dma_start3A_775, %dma_start3A_776] : memref<768x128xf32, #tpu.memory_space<vmem>> -> memref<16x128xf32, #tpu.memory_space<vmem>>
        %dma_start3A_778 = arith.constant 0 : i32
        %dma_start3A_779 = tpu.memref_slice %arg3[%dma_start3A_778, %multiple_of3A_774] : memref<16x1000000xf32, #tpu.memory_space<hbm>> -> memref<16x128xf32, #tpu.memory_space<hbm>>
        %dma_start3A_780 = arith.constant 624 : i32
        %dma_start3A_781 = arith.constant 0 : i32
        %dma_start3A_782 = tpu.memref_slice %arg6[%dma_start3A_780, %dma_start3A_781] : memref<768x128xf32, #tpu.memory_space<vmem>> -> memref<16x128xf32, #tpu.memory_space<vmem>>
        %dma_start3A_783 = arith.constant 0 : i32
        %dma_start3A_784 = tpu.memref_slice %arg3[%dma_start3A_783, %multiple_of3A_774] : memref<16x1000000xf32, #tpu.memory_space<hbm>> -> memref<16x128xf32, #tpu.memory_space<hbm>>
        tpu.enqueue_dma source(%dma_start3A_784 : memref<16x128xf32, #tpu.memory_space<hbm>>) target(%dma_start3A_782 : memref<16x128xf32, #tpu.memory_space<vmem>>) target_semaphore(%arg10 : memref<!tpu.dma_semaphore, #tpu.memory_space<semaphore_mem>>)
        %slice3A_785 = vector.extract_strided_slice %get3A_648 {offsets = [8], sizes = [1], strides = [1]} : vector<16xi32> to vector<1xi32>
        %squeeze3A_786 = vector.extract %slice3A_785[0] : i32 from vector<1xi32>
        %shift_right_arithmetic3A_787 = arith.constant 7 : i32
        %shift_right_arithmetic3A_788 = arith.shrsi %squeeze3A_786, %shift_right_arithmetic3A_787 : i32
        %mul3A_789 = arith.constant 128 : i32
        %mul3A_790 = arith.muli %shift_right_arithmetic3A_788, %mul3A_789 : i32
        %multiple_of3A_791 = tpu.assume_multiple %mul3A_790, 128 : i32
        %dma_start3A_792 = arith.constant 640 : i32
        %dma_start3A_793 = arith.constant 0 : i32
        %dma_start3A_794 = tpu.memref_slice %arg6[%dma_start3A_792, %dma_start3A_793] : memref<768x128xf32, #tpu.memory_space<vmem>> -> memref<16x128xf32, #tpu.memory_space<vmem>>
        %dma_start3A_795 = arith.constant 0 : i32
        %dma_start3A_796 = tpu.memref_slice %arg3[%dma_start3A_795, %multiple_of3A_791] : memref<16x1000000xf32, #tpu.memory_space<hbm>> -> memref<16x128xf32, #tpu.memory_space<hbm>>
        %dma_start3A_797 = arith.constant 640 : i32
        %dma_start3A_798 = arith.constant 0 : i32
        %dma_start3A_799 = tpu.memref_slice %arg6[%dma_start3A_797, %dma_start3A_798] : memref<768x128xf32, #tpu.memory_space<vmem>> -> memref<16x128xf32, #tpu.memory_space<vmem>>
        %dma_start3A_800 = arith.constant 0 : i32
        %dma_start3A_801 = tpu.memref_slice %arg3[%dma_start3A_800, %multiple_of3A_791] : memref<16x1000000xf32, #tpu.memory_space<hbm>> -> memref<16x128xf32, #tpu.memory_space<hbm>>
        tpu.enqueue_dma source(%dma_start3A_801 : memref<16x128xf32, #tpu.memory_space<hbm>>) target(%dma_start3A_799 : memref<16x128xf32, #tpu.memory_space<vmem>>) target_semaphore(%arg10 : memref<!tpu.dma_semaphore, #tpu.memory_space<semaphore_mem>>)
        %slice3A_802 = vector.extract_strided_slice %get3A_648 {offsets = [9], sizes = [1], strides = [1]} : vector<16xi32> to vector<1xi32>
        %squeeze3A_803 = vector.extract %slice3A_802[0] : i32 from vector<1xi32>
        %shift_right_arithmetic3A_804 = arith.constant 7 : i32
        %shift_right_arithmetic3A_805 = arith.shrsi %squeeze3A_803, %shift_right_arithmetic3A_804 : i32
        %mul3A_806 = arith.constant 128 : i32
        %mul3A_807 = arith.muli %shift_right_arithmetic3A_805, %mul3A_806 : i32
        %multiple_of3A_808 = tpu.assume_multiple %mul3A_807, 128 : i32
        %dma_start3A_809 = arith.constant 656 : i32
        %dma_start3A_810 = arith.constant 0 : i32
        %dma_start3A_811 = tpu.memref_slice %arg6[%dma_start3A_809, %dma_start3A_810] : memref<768x128xf32, #tpu.memory_space<vmem>> -> memref<16x128xf32, #tpu.memory_space<vmem>>
        %dma_start3A_812 = arith.constant 0 : i32
        %dma_start3A_813 = tpu.memref_slice %arg3[%dma_start3A_812, %multiple_of3A_808] : memref<16x1000000xf32, #tpu.memory_space<hbm>> -> memref<16x128xf32, #tpu.memory_space<hbm>>
        %dma_start3A_814 = arith.constant 656 : i32
        %dma_start3A_815 = arith.constant 0 : i32
        %dma_start3A_816 = tpu.memref_slice %arg6[%dma_start3A_814, %dma_start3A_815] : memref<768x128xf32, #tpu.memory_space<vmem>> -> memref<16x128xf32, #tpu.memory_space<vmem>>
        %dma_start3A_817 = arith.constant 0 : i32
        %dma_start3A_818 = tpu.memref_slice %arg3[%dma_start3A_817, %multiple_of3A_808] : memref<16x1000000xf32, #tpu.memory_space<hbm>> -> memref<16x128xf32, #tpu.memory_space<hbm>>
        tpu.enqueue_dma source(%dma_start3A_818 : memref<16x128xf32, #tpu.memory_space<hbm>>) target(%dma_start3A_816 : memref<16x128xf32, #tpu.memory_space<vmem>>) target_semaphore(%arg10 : memref<!tpu.dma_semaphore, #tpu.memory_space<semaphore_mem>>)
        %slice3A_819 = vector.extract_strided_slice %get3A_648 {offsets = [10], sizes = [1], strides = [1]} : vector<16xi32> to vector<1xi32>
        %squeeze3A_820 = vector.extract %slice3A_819[0] : i32 from vector<1xi32>
        %shift_right_arithmetic3A_821 = arith.constant 7 : i32
        %shift_right_arithmetic3A_822 = arith.shrsi %squeeze3A_820, %shift_right_arithmetic3A_821 : i32
        %mul3A_823 = arith.constant 128 : i32
        %mul3A_824 = arith.muli %shift_right_arithmetic3A_822, %mul3A_823 : i32
        %multiple_of3A_825 = tpu.assume_multiple %mul3A_824, 128 : i32
        %dma_start3A_826 = arith.constant 672 : i32
        %dma_start3A_827 = arith.constant 0 : i32
        %dma_start3A_828 = tpu.memref_slice %arg6[%dma_start3A_826, %dma_start3A_827] : memref<768x128xf32, #tpu.memory_space<vmem>> -> memref<16x128xf32, #tpu.memory_space<vmem>>
        %dma_start3A_829 = arith.constant 0 : i32
        %dma_start3A_830 = tpu.memref_slice %arg3[%dma_start3A_829, %multiple_of3A_825] : memref<16x1000000xf32, #tpu.memory_space<hbm>> -> memref<16x128xf32, #tpu.memory_space<hbm>>
        %dma_start3A_831 = arith.constant 672 : i32
        %dma_start3A_832 = arith.constant 0 : i32
        %dma_start3A_833 = tpu.memref_slice %arg6[%dma_start3A_831, %dma_start3A_832] : memref<768x128xf32, #tpu.memory_space<vmem>> -> memref<16x128xf32, #tpu.memory_space<vmem>>
        %dma_start3A_834 = arith.constant 0 : i32
        %dma_start3A_835 = tpu.memref_slice %arg3[%dma_start3A_834, %multiple_of3A_825] : memref<16x1000000xf32, #tpu.memory_space<hbm>> -> memref<16x128xf32, #tpu.memory_space<hbm>>
        tpu.enqueue_dma source(%dma_start3A_835 : memref<16x128xf32, #tpu.memory_space<hbm>>) target(%dma_start3A_833 : memref<16x128xf32, #tpu.memory_space<vmem>>) target_semaphore(%arg10 : memref<!tpu.dma_semaphore, #tpu.memory_space<semaphore_mem>>)
        %slice3A_836 = vector.extract_strided_slice %get3A_648 {offsets = [11], sizes = [1], strides = [1]} : vector<16xi32> to vector<1xi32>
        %squeeze3A_837 = vector.extract %slice3A_836[0] : i32 from vector<1xi32>
        %shift_right_arithmetic3A_838 = arith.constant 7 : i32
        %shift_right_arithmetic3A_839 = arith.shrsi %squeeze3A_837, %shift_right_arithmetic3A_838 : i32
        %mul3A_840 = arith.constant 128 : i32
        %mul3A_841 = arith.muli %shift_right_arithmetic3A_839, %mul3A_840 : i32
        %multiple_of3A_842 = tpu.assume_multiple %mul3A_841, 128 : i32
        %dma_start3A_843 = arith.constant 688 : i32
        %dma_start3A_844 = arith.constant 0 : i32
        %dma_start3A_845 = tpu.memref_slice %arg6[%dma_start3A_843, %dma_start3A_844] : memref<768x128xf32, #tpu.memory_space<vmem>> -> memref<16x128xf32, #tpu.memory_space<vmem>>
        %dma_start3A_846 = arith.constant 0 : i32
        %dma_start3A_847 = tpu.memref_slice %arg3[%dma_start3A_846, %multiple_of3A_842] : memref<16x1000000xf32, #tpu.memory_space<hbm>> -> memref<16x128xf32, #tpu.memory_space<hbm>>
        %dma_start3A_848 = arith.constant 688 : i32
        %dma_start3A_849 = arith.constant 0 : i32
        %dma_start3A_850 = tpu.memref_slice %arg6[%dma_start3A_848, %dma_start3A_849] : memref<768x128xf32, #tpu.memory_space<vmem>> -> memref<16x128xf32, #tpu.memory_space<vmem>>
        %dma_start3A_851 = arith.constant 0 : i32
        %dma_start3A_852 = tpu.memref_slice %arg3[%dma_start3A_851, %multiple_of3A_842] : memref<16x1000000xf32, #tpu.memory_space<hbm>> -> memref<16x128xf32, #tpu.memory_space<hbm>>
        tpu.enqueue_dma source(%dma_start3A_852 : memref<16x128xf32, #tpu.memory_space<hbm>>) target(%dma_start3A_850 : memref<16x128xf32, #tpu.memory_space<vmem>>) target_semaphore(%arg10 : memref<!tpu.dma_semaphore, #tpu.memory_space<semaphore_mem>>)
        %slice3A_853 = vector.extract_strided_slice %get3A_648 {offsets = [12], sizes = [1], strides = [1]} : vector<16xi32> to vector<1xi32>
        %squeeze3A_854 = vector.extract %slice3A_853[0] : i32 from vector<1xi32>
        %shift_right_arithmetic3A_855 = arith.constant 7 : i32
        %shift_right_arithmetic3A_856 = arith.shrsi %squeeze3A_854, %shift_right_arithmetic3A_855 : i32
        %mul3A_857 = arith.constant 128 : i32
        %mul3A_858 = arith.muli %shift_right_arithmetic3A_856, %mul3A_857 : i32
        %multiple_of3A_859 = tpu.assume_multiple %mul3A_858, 128 : i32
        %dma_start3A_860 = arith.constant 704 : i32
        %dma_start3A_861 = arith.constant 0 : i32
        %dma_start3A_862 = tpu.memref_slice %arg6[%dma_start3A_860, %dma_start3A_861] : memref<768x128xf32, #tpu.memory_space<vmem>> -> memref<16x128xf32, #tpu.memory_space<vmem>>
        %dma_start3A_863 = arith.constant 0 : i32
        %dma_start3A_864 = tpu.memref_slice %arg3[%dma_start3A_863, %multiple_of3A_859] : memref<16x1000000xf32, #tpu.memory_space<hbm>> -> memref<16x128xf32, #tpu.memory_space<hbm>>
        %dma_start3A_865 = arith.constant 704 : i32
        %dma_start3A_866 = arith.constant 0 : i32
        %dma_start3A_867 = tpu.memref_slice %arg6[%dma_start3A_865, %dma_start3A_866] : memref<768x128xf32, #tpu.memory_space<vmem>> -> memref<16x128xf32, #tpu.memory_space<vmem>>
        %dma_start3A_868 = arith.constant 0 : i32
        %dma_start3A_869 = tpu.memref_slice %arg3[%dma_start3A_868, %multiple_of3A_859] : memref<16x1000000xf32, #tpu.memory_space<hbm>> -> memref<16x128xf32, #tpu.memory_space<hbm>>
        tpu.enqueue_dma source(%dma_start3A_869 : memref<16x128xf32, #tpu.memory_space<hbm>>) target(%dma_start3A_867 : memref<16x128xf32, #tpu.memory_space<vmem>>) target_semaphore(%arg10 : memref<!tpu.dma_semaphore, #tpu.memory_space<semaphore_mem>>)
        %slice3A_870 = vector.extract_strided_slice %get3A_648 {offsets = [13], sizes = [1], strides = [1]} : vector<16xi32> to vector<1xi32>
        %squeeze3A_871 = vector.extract %slice3A_870[0] : i32 from vector<1xi32>
        %shift_right_arithmetic3A_872 = arith.constant 7 : i32
        %shift_right_arithmetic3A_873 = arith.shrsi %squeeze3A_871, %shift_right_arithmetic3A_872 : i32
        %mul3A_874 = arith.constant 128 : i32
        %mul3A_875 = arith.muli %shift_right_arithmetic3A_873, %mul3A_874 : i32
        %multiple_of3A_876 = tpu.assume_multiple %mul3A_875, 128 : i32
        %dma_start3A_877 = arith.constant 720 : i32
        %dma_start3A_878 = arith.constant 0 : i32
        %dma_start3A_879 = tpu.memref_slice %arg6[%dma_start3A_877, %dma_start3A_878] : memref<768x128xf32, #tpu.memory_space<vmem>> -> memref<16x128xf32, #tpu.memory_space<vmem>>
        %dma_start3A_880 = arith.constant 0 : i32
        %dma_start3A_881 = tpu.memref_slice %arg3[%dma_start3A_880, %multiple_of3A_876] : memref<16x1000000xf32, #tpu.memory_space<hbm>> -> memref<16x128xf32, #tpu.memory_space<hbm>>
        %dma_start3A_882 = arith.constant 720 : i32
        %dma_start3A_883 = arith.constant 0 : i32
        %dma_start3A_884 = tpu.memref_slice %arg6[%dma_start3A_882, %dma_start3A_883] : memref<768x128xf32, #tpu.memory_space<vmem>> -> memref<16x128xf32, #tpu.memory_space<vmem>>
        %dma_start3A_885 = arith.constant 0 : i32
        %dma_start3A_886 = tpu.memref_slice %arg3[%dma_start3A_885, %multiple_of3A_876] : memref<16x1000000xf32, #tpu.memory_space<hbm>> -> memref<16x128xf32, #tpu.memory_space<hbm>>
        tpu.enqueue_dma source(%dma_start3A_886 : memref<16x128xf32, #tpu.memory_space<hbm>>) target(%dma_start3A_884 : memref<16x128xf32, #tpu.memory_space<vmem>>) target_semaphore(%arg10 : memref<!tpu.dma_semaphore, #tpu.memory_space<semaphore_mem>>)
        %slice3A_887 = vector.extract_strided_slice %get3A_648 {offsets = [14], sizes = [1], strides = [1]} : vector<16xi32> to vector<1xi32>
        %squeeze3A_888 = vector.extract %slice3A_887[0] : i32 from vector<1xi32>
        %shift_right_arithmetic3A_889 = arith.constant 7 : i32
        %shift_right_arithmetic3A_890 = arith.shrsi %squeeze3A_888, %shift_right_arithmetic3A_889 : i32
        %mul3A_891 = arith.constant 128 : i32
        %mul3A_892 = arith.muli %shift_right_arithmetic3A_890, %mul3A_891 : i32
        %multiple_of3A_893 = tpu.assume_multiple %mul3A_892, 128 : i32
        %dma_start3A_894 = arith.constant 736 : i32
        %dma_start3A_895 = arith.constant 0 : i32
        %dma_start3A_896 = tpu.memref_slice %arg6[%dma_start3A_894, %dma_start3A_895] : memref<768x128xf32, #tpu.memory_space<vmem>> -> memref<16x128xf32, #tpu.memory_space<vmem>>
        %dma_start3A_897 = arith.constant 0 : i32
        %dma_start3A_898 = tpu.memref_slice %arg3[%dma_start3A_897, %multiple_of3A_893] : memref<16x1000000xf32, #tpu.memory_space<hbm>> -> memref<16x128xf32, #tpu.memory_space<hbm>>
        %dma_start3A_899 = arith.constant 736 : i32
        %dma_start3A_900 = arith.constant 0 : i32
        %dma_start3A_901 = tpu.memref_slice %arg6[%dma_start3A_899, %dma_start3A_900] : memref<768x128xf32, #tpu.memory_space<vmem>> -> memref<16x128xf32, #tpu.memory_space<vmem>>
        %dma_start3A_902 = arith.constant 0 : i32
        %dma_start3A_903 = tpu.memref_slice %arg3[%dma_start3A_902, %multiple_of3A_893] : memref<16x1000000xf32, #tpu.memory_space<hbm>> -> memref<16x128xf32, #tpu.memory_space<hbm>>
        tpu.enqueue_dma source(%dma_start3A_903 : memref<16x128xf32, #tpu.memory_space<hbm>>) target(%dma_start3A_901 : memref<16x128xf32, #tpu.memory_space<vmem>>) target_semaphore(%arg10 : memref<!tpu.dma_semaphore, #tpu.memory_space<semaphore_mem>>)
        %slice3A_904 = vector.extract_strided_slice %get3A_648 {offsets = [15], sizes = [1], strides = [1]} : vector<16xi32> to vector<1xi32>
        %squeeze3A_905 = vector.extract %slice3A_904[0] : i32 from vector<1xi32>
        %shift_right_arithmetic3A_906 = arith.constant 7 : i32
        %shift_right_arithmetic3A_907 = arith.shrsi %squeeze3A_905, %shift_right_arithmetic3A_906 : i32
        %mul3A_908 = arith.constant 128 : i32
        %mul3A_909 = arith.muli %shift_right_arithmetic3A_907, %mul3A_908 : i32
        %multiple_of3A_910 = tpu.assume_multiple %mul3A_909, 128 : i32
        %dma_start3A_911 = arith.constant 752 : i32
        %dma_start3A_912 = arith.constant 0 : i32
        %dma_start3A_913 = tpu.memref_slice %arg6[%dma_start3A_911, %dma_start3A_912] : memref<768x128xf32, #tpu.memory_space<vmem>> -> memref<16x128xf32, #tpu.memory_space<vmem>>
        %dma_start3A_914 = arith.constant 0 : i32
        %dma_start3A_915 = tpu.memref_slice %arg3[%dma_start3A_914, %multiple_of3A_910] : memref<16x1000000xf32, #tpu.memory_space<hbm>> -> memref<16x128xf32, #tpu.memory_space<hbm>>
        %dma_start3A_916 = arith.constant 752 : i32
        %dma_start3A_917 = arith.constant 0 : i32
        %dma_start3A_918 = tpu.memref_slice %arg6[%dma_start3A_916, %dma_start3A_917] : memref<768x128xf32, #tpu.memory_space<vmem>> -> memref<16x128xf32, #tpu.memory_space<vmem>>
        %dma_start3A_919 = arith.constant 0 : i32
        %dma_start3A_920 = tpu.memref_slice %arg3[%dma_start3A_919, %multiple_of3A_910] : memref<16x1000000xf32, #tpu.memory_space<hbm>> -> memref<16x128xf32, #tpu.memory_space<hbm>>
        tpu.enqueue_dma source(%dma_start3A_920 : memref<16x128xf32, #tpu.memory_space<hbm>>) target(%dma_start3A_918 : memref<16x128xf32, #tpu.memory_space<vmem>>) target_semaphore(%arg10 : memref<!tpu.dma_semaphore, #tpu.memory_space<semaphore_mem>>)
      } else {
      }
      %lt3A_606 = arith.constant 32 : i32
      %lt3A_607 = arith.cmpi slt, %add3A_601, %lt3A_606 : i32
      %convert_element_type3A_608 = arith.extui %lt3A_607 : i1 to i32
      %cond3A_609 = arith.constant 0 : i32
      %cond3A_610 = arith.cmpi ne, %convert_element_type3A_608, %cond3A_609 : i32
      scf.if %cond3A_610 {
        %dma_wait3A_643 = arith.constant 0 : i32
        %dma_wait3A_644 = arith.constant 0 : i32
        %dma_wait3A_645 = tpu.memref_slice %arg6[%dma_wait3A_643, %dma_wait3A_644] : memref<768x128xf32, #tpu.memory_space<vmem>> -> memref<16x128xf32, #tpu.memory_space<vmem>>
        %dma_wait3A_646 = arith.constant 0 : i32
        %dma_wait3A_647 = arith.constant 0 : i32
        %dma_wait3A_648 = tpu.memref_slice %arg3[%dma_wait3A_646, %dma_wait3A_647] : memref<16x1000000xf32, #tpu.memory_space<hbm>> -> memref<16x128xf32, #tpu.memory_space<hbm>>
        %dma_wait3A_649 = arith.constant 0 : i32
        %dma_wait3A_650 = arith.constant 0 : i32
        %dma_wait3A_651 = tpu.memref_slice %arg6[%dma_wait3A_649, %dma_wait3A_650] : memref<768x128xf32, #tpu.memory_space<vmem>> -> memref<16x128xf32, #tpu.memory_space<vmem>>
        %dma_wait3A_652 = arith.constant 0 : i32
        %dma_wait3A_653 = arith.constant 0 : i32
        %dma_wait3A_654 = tpu.memref_slice %arg3[%dma_wait3A_652, %dma_wait3A_653] : memref<16x1000000xf32, #tpu.memory_space<hbm>> -> memref<16x128xf32, #tpu.memory_space<hbm>>
        tpu.wait_dma2 semaphore(%arg8 : memref<!tpu.dma_semaphore, #tpu.memory_space<semaphore_mem>>) src(%dma_wait3A_654 : memref<16x128xf32, #tpu.memory_space<hbm>>) dst(%dma_wait3A_651 : memref<16x128xf32, #tpu.memory_space<vmem>>)
        %dma_wait3A_655 = arith.constant 16 : i32
        %dma_wait3A_656 = arith.constant 0 : i32
        %dma_wait3A_657 = tpu.memref_slice %arg6[%dma_wait3A_655, %dma_wait3A_656] : memref<768x128xf32, #tpu.memory_space<vmem>> -> memref<16x128xf32, #tpu.memory_space<vmem>>
        %dma_wait3A_658 = arith.constant 0 : i32
        %dma_wait3A_659 = arith.constant 0 : i32
        %dma_wait3A_660 = tpu.memref_slice %arg3[%dma_wait3A_658, %dma_wait3A_659] : memref<16x1000000xf32, #tpu.memory_space<hbm>> -> memref<16x128xf32, #tpu.memory_space<hbm>>
        %dma_wait3A_661 = arith.constant 16 : i32
        %dma_wait3A_662 = arith.constant 0 : i32
        %dma_wait3A_663 = tpu.memref_slice %arg6[%dma_wait3A_661, %dma_wait3A_662] : memref<768x128xf32, #tpu.memory_space<vmem>> -> memref<16x128xf32, #tpu.memory_space<vmem>>
        %dma_wait3A_664 = arith.constant 0 : i32
        %dma_wait3A_665 = arith.constant 0 : i32
        %dma_wait3A_666 = tpu.memref_slice %arg3[%dma_wait3A_664, %dma_wait3A_665] : memref<16x1000000xf32, #tpu.memory_space<hbm>> -> memref<16x128xf32, #tpu.memory_space<hbm>>
        tpu.wait_dma2 semaphore(%arg8 : memref<!tpu.dma_semaphore, #tpu.memory_space<semaphore_mem>>) src(%dma_wait3A_666 : memref<16x128xf32, #tpu.memory_space<hbm>>) dst(%dma_wait3A_663 : memref<16x128xf32, #tpu.memory_space<vmem>>)
        %dma_wait3A_667 = arith.constant 32 : i32
        %dma_wait3A_668 = arith.constant 0 : i32
        %dma_wait3A_669 = tpu.memref_slice %arg6[%dma_wait3A_667, %dma_wait3A_668] : memref<768x128xf32, #tpu.memory_space<vmem>> -> memref<16x128xf32, #tpu.memory_space<vmem>>
        %dma_wait3A_670 = arith.constant 0 : i32
        %dma_wait3A_671 = arith.constant 0 : i32
        %dma_wait3A_672 = tpu.memref_slice %arg3[%dma_wait3A_670, %dma_wait3A_671] : memref<16x1000000xf32, #tpu.memory_space<hbm>> -> memref<16x128xf32, #tpu.memory_space<hbm>>
        %dma_wait3A_673 = arith.constant 32 : i32
        %dma_wait3A_674 = arith.constant 0 : i32
        %dma_wait3A_675 = tpu.memref_slice %arg6[%dma_wait3A_673, %dma_wait3A_674] : memref<768x128xf32, #tpu.memory_space<vmem>> -> memref<16x128xf32, #tpu.memory_space<vmem>>
        %dma_wait3A_676 = arith.constant 0 : i32
        %dma_wait3A_677 = arith.constant 0 : i32
        %dma_wait3A_678 = tpu.memref_slice %arg3[%dma_wait3A_676, %dma_wait3A_677] : memref<16x1000000xf32, #tpu.memory_space<hbm>> -> memref<16x128xf32, #tpu.memory_space<hbm>>
        tpu.wait_dma2 semaphore(%arg8 : memref<!tpu.dma_semaphore, #tpu.memory_space<semaphore_mem>>) src(%dma_wait3A_678 : memref<16x128xf32, #tpu.memory_space<hbm>>) dst(%dma_wait3A_675 : memref<16x128xf32, #tpu.memory_space<vmem>>)
        %dma_wait3A_679 = arith.constant 48 : i32
        %dma_wait3A_680 = arith.constant 0 : i32
        %dma_wait3A_681 = tpu.memref_slice %arg6[%dma_wait3A_679, %dma_wait3A_680] : memref<768x128xf32, #tpu.memory_space<vmem>> -> memref<16x128xf32, #tpu.memory_space<vmem>>
        %dma_wait3A_682 = arith.constant 0 : i32
        %dma_wait3A_683 = arith.constant 0 : i32
        %dma_wait3A_684 = tpu.memref_slice %arg3[%dma_wait3A_682, %dma_wait3A_683] : memref<16x1000000xf32, #tpu.memory_space<hbm>> -> memref<16x128xf32, #tpu.memory_space<hbm>>
        %dma_wait3A_685 = arith.constant 48 : i32
        %dma_wait3A_686 = arith.constant 0 : i32
        %dma_wait3A_687 = tpu.memref_slice %arg6[%dma_wait3A_685, %dma_wait3A_686] : memref<768x128xf32, #tpu.memory_space<vmem>> -> memref<16x128xf32, #tpu.memory_space<vmem>>
        %dma_wait3A_688 = arith.constant 0 : i32
        %dma_wait3A_689 = arith.constant 0 : i32
        %dma_wait3A_690 = tpu.memref_slice %arg3[%dma_wait3A_688, %dma_wait3A_689] : memref<16x1000000xf32, #tpu.memory_space<hbm>> -> memref<16x128xf32, #tpu.memory_space<hbm>>
        tpu.wait_dma2 semaphore(%arg8 : memref<!tpu.dma_semaphore, #tpu.memory_space<semaphore_mem>>) src(%dma_wait3A_690 : memref<16x128xf32, #tpu.memory_space<hbm>>) dst(%dma_wait3A_687 : memref<16x128xf32, #tpu.memory_space<vmem>>)
        %dma_wait3A_691 = arith.constant 64 : i32
        %dma_wait3A_692 = arith.constant 0 : i32
        %dma_wait3A_693 = tpu.memref_slice %arg6[%dma_wait3A_691, %dma_wait3A_692] : memref<768x128xf32, #tpu.memory_space<vmem>> -> memref<16x128xf32, #tpu.memory_space<vmem>>
        %dma_wait3A_694 = arith.constant 0 : i32
        %dma_wait3A_695 = arith.constant 0 : i32
        %dma_wait3A_696 = tpu.memref_slice %arg3[%dma_wait3A_694, %dma_wait3A_695] : memref<16x1000000xf32, #tpu.memory_space<hbm>> -> memref<16x128xf32, #tpu.memory_space<hbm>>
        %dma_wait3A_697 = arith.constant 64 : i32
        %dma_wait3A_698 = arith.constant 0 : i32
        %dma_wait3A_699 = tpu.memref_slice %arg6[%dma_wait3A_697, %dma_wait3A_698] : memref<768x128xf32, #tpu.memory_space<vmem>> -> memref<16x128xf32, #tpu.memory_space<vmem>>
        %dma_wait3A_700 = arith.constant 0 : i32
        %dma_wait3A_701 = arith.constant 0 : i32
        %dma_wait3A_702 = tpu.memref_slice %arg3[%dma_wait3A_700, %dma_wait3A_701] : memref<16x1000000xf32, #tpu.memory_space<hbm>> -> memref<16x128xf32, #tpu.memory_space<hbm>>
        tpu.wait_dma2 semaphore(%arg8 : memref<!tpu.dma_semaphore, #tpu.memory_space<semaphore_mem>>) src(%dma_wait3A_702 : memref<16x128xf32, #tpu.memory_space<hbm>>) dst(%dma_wait3A_699 : memref<16x128xf32, #tpu.memory_space<vmem>>)
        %dma_wait3A_703 = arith.constant 80 : i32
        %dma_wait3A_704 = arith.constant 0 : i32
        %dma_wait3A_705 = tpu.memref_slice %arg6[%dma_wait3A_703, %dma_wait3A_704] : memref<768x128xf32, #tpu.memory_space<vmem>> -> memref<16x128xf32, #tpu.memory_space<vmem>>
        %dma_wait3A_706 = arith.constant 0 : i32
        %dma_wait3A_707 = arith.constant 0 : i32
        %dma_wait3A_708 = tpu.memref_slice %arg3[%dma_wait3A_706, %dma_wait3A_707] : memref<16x1000000xf32, #tpu.memory_space<hbm>> -> memref<16x128xf32, #tpu.memory_space<hbm>>
        %dma_wait3A_709 = arith.constant 80 : i32
        %dma_wait3A_710 = arith.constant 0 : i32
        %dma_wait3A_711 = tpu.memref_slice %arg6[%dma_wait3A_709, %dma_wait3A_710] : memref<768x128xf32, #tpu.memory_space<vmem>> -> memref<16x128xf32, #tpu.memory_space<vmem>>
        %dma_wait3A_712 = arith.constant 0 : i32
        %dma_wait3A_713 = arith.constant 0 : i32
        %dma_wait3A_714 = tpu.memref_slice %arg3[%dma_wait3A_712, %dma_wait3A_713] : memref<16x1000000xf32, #tpu.memory_space<hbm>> -> memref<16x128xf32, #tpu.memory_space<hbm>>
        tpu.wait_dma2 semaphore(%arg8 : memref<!tpu.dma_semaphore, #tpu.memory_space<semaphore_mem>>) src(%dma_wait3A_714 : memref<16x128xf32, #tpu.memory_space<hbm>>) dst(%dma_wait3A_711 : memref<16x128xf32, #tpu.memory_space<vmem>>)
        %dma_wait3A_715 = arith.constant 96 : i32
        %dma_wait3A_716 = arith.constant 0 : i32
        %dma_wait3A_717 = tpu.memref_slice %arg6[%dma_wait3A_715, %dma_wait3A_716] : memref<768x128xf32, #tpu.memory_space<vmem>> -> memref<16x128xf32, #tpu.memory_space<vmem>>
        %dma_wait3A_718 = arith.constant 0 : i32
        %dma_wait3A_719 = arith.constant 0 : i32
        %dma_wait3A_720 = tpu.memref_slice %arg3[%dma_wait3A_718, %dma_wait3A_719] : memref<16x1000000xf32, #tpu.memory_space<hbm>> -> memref<16x128xf32, #tpu.memory_space<hbm>>
        %dma_wait3A_721 = arith.constant 96 : i32
        %dma_wait3A_722 = arith.constant 0 : i32
        %dma_wait3A_723 = tpu.memref_slice %arg6[%dma_wait3A_721, %dma_wait3A_722] : memref<768x128xf32, #tpu.memory_space<vmem>> -> memref<16x128xf32, #tpu.memory_space<vmem>>
        %dma_wait3A_724 = arith.constant 0 : i32
        %dma_wait3A_725 = arith.constant 0 : i32
        %dma_wait3A_726 = tpu.memref_slice %arg3[%dma_wait3A_724, %dma_wait3A_725] : memref<16x1000000xf32, #tpu.memory_space<hbm>> -> memref<16x128xf32, #tpu.memory_space<hbm>>
        tpu.wait_dma2 semaphore(%arg8 : memref<!tpu.dma_semaphore, #tpu.memory_space<semaphore_mem>>) src(%dma_wait3A_726 : memref<16x128xf32, #tpu.memory_space<hbm>>) dst(%dma_wait3A_723 : memref<16x128xf32, #tpu.memory_space<vmem>>)
        %dma_wait3A_727 = arith.constant 112 : i32
        %dma_wait3A_728 = arith.constant 0 : i32
        %dma_wait3A_729 = tpu.memref_slice %arg6[%dma_wait3A_727, %dma_wait3A_728] : memref<768x128xf32, #tpu.memory_space<vmem>> -> memref<16x128xf32, #tpu.memory_space<vmem>>
        %dma_wait3A_730 = arith.constant 0 : i32
        %dma_wait3A_731 = arith.constant 0 : i32
        %dma_wait3A_732 = tpu.memref_slice %arg3[%dma_wait3A_730, %dma_wait3A_731] : memref<16x1000000xf32, #tpu.memory_space<hbm>> -> memref<16x128xf32, #tpu.memory_space<hbm>>
        %dma_wait3A_733 = arith.constant 112 : i32
        %dma_wait3A_734 = arith.constant 0 : i32
        %dma_wait3A_735 = tpu.memref_slice %arg6[%dma_wait3A_733, %dma_wait3A_734] : memref<768x128xf32, #tpu.memory_space<vmem>> -> memref<16x128xf32, #tpu.memory_space<vmem>>
        %dma_wait3A_736 = arith.constant 0 : i32
        %dma_wait3A_737 = arith.constant 0 : i32
        %dma_wait3A_738 = tpu.memref_slice %arg3[%dma_wait3A_736, %dma_wait3A_737] : memref<16x1000000xf32, #tpu.memory_space<hbm>> -> memref<16x128xf32, #tpu.memory_space<hbm>>
        tpu.wait_dma2 semaphore(%arg8 : memref<!tpu.dma_semaphore, #tpu.memory_space<semaphore_mem>>) src(%dma_wait3A_738 : memref<16x128xf32, #tpu.memory_space<hbm>>) dst(%dma_wait3A_735 : memref<16x128xf32, #tpu.memory_space<vmem>>)
        %dma_wait3A_739 = arith.constant 128 : i32
        %dma_wait3A_740 = arith.constant 0 : i32
        %dma_wait3A_741 = tpu.memref_slice %arg6[%dma_wait3A_739, %dma_wait3A_740] : memref<768x128xf32, #tpu.memory_space<vmem>> -> memref<16x128xf32, #tpu.memory_space<vmem>>
        %dma_wait3A_742 = arith.constant 0 : i32
        %dma_wait3A_743 = arith.constant 0 : i32
        %dma_wait3A_744 = tpu.memref_slice %arg3[%dma_wait3A_742, %dma_wait3A_743] : memref<16x1000000xf32, #tpu.memory_space<hbm>> -> memref<16x128xf32, #tpu.memory_space<hbm>>
        %dma_wait3A_745 = arith.constant 128 : i32
        %dma_wait3A_746 = arith.constant 0 : i32
        %dma_wait3A_747 = tpu.memref_slice %arg6[%dma_wait3A_745, %dma_wait3A_746] : memref<768x128xf32, #tpu.memory_space<vmem>> -> memref<16x128xf32, #tpu.memory_space<vmem>>
        %dma_wait3A_748 = arith.constant 0 : i32
        %dma_wait3A_749 = arith.constant 0 : i32
        %dma_wait3A_750 = tpu.memref_slice %arg3[%dma_wait3A_748, %dma_wait3A_749] : memref<16x1000000xf32, #tpu.memory_space<hbm>> -> memref<16x128xf32, #tpu.memory_space<hbm>>
        tpu.wait_dma2 semaphore(%arg8 : memref<!tpu.dma_semaphore, #tpu.memory_space<semaphore_mem>>) src(%dma_wait3A_750 : memref<16x128xf32, #tpu.memory_space<hbm>>) dst(%dma_wait3A_747 : memref<16x128xf32, #tpu.memory_space<vmem>>)
        %dma_wait3A_751 = arith.constant 144 : i32
        %dma_wait3A_752 = arith.constant 0 : i32
        %dma_wait3A_753 = tpu.memref_slice %arg6[%dma_wait3A_751, %dma_wait3A_752] : memref<768x128xf32, #tpu.memory_space<vmem>> -> memref<16x128xf32, #tpu.memory_space<vmem>>
        %dma_wait3A_754 = arith.constant 0 : i32
        %dma_wait3A_755 = arith.constant 0 : i32
        %dma_wait3A_756 = tpu.memref_slice %arg3[%dma_wait3A_754, %dma_wait3A_755] : memref<16x1000000xf32, #tpu.memory_space<hbm>> -> memref<16x128xf32, #tpu.memory_space<hbm>>
        %dma_wait3A_757 = arith.constant 144 : i32
        %dma_wait3A_758 = arith.constant 0 : i32
        %dma_wait3A_759 = tpu.memref_slice %arg6[%dma_wait3A_757, %dma_wait3A_758] : memref<768x128xf32, #tpu.memory_space<vmem>> -> memref<16x128xf32, #tpu.memory_space<vmem>>
        %dma_wait3A_760 = arith.constant 0 : i32
        %dma_wait3A_761 = arith.constant 0 : i32
        %dma_wait3A_762 = tpu.memref_slice %arg3[%dma_wait3A_760, %dma_wait3A_761] : memref<16x1000000xf32, #tpu.memory_space<hbm>> -> memref<16x128xf32, #tpu.memory_space<hbm>>
        tpu.wait_dma2 semaphore(%arg8 : memref<!tpu.dma_semaphore, #tpu.memory_space<semaphore_mem>>) src(%dma_wait3A_762 : memref<16x128xf32, #tpu.memory_space<hbm>>) dst(%dma_wait3A_759 : memref<16x128xf32, #tpu.memory_space<vmem>>)
        %dma_wait3A_763 = arith.constant 160 : i32
        %dma_wait3A_764 = arith.constant 0 : i32
        %dma_wait3A_765 = tpu.memref_slice %arg6[%dma_wait3A_763, %dma_wait3A_764] : memref<768x128xf32, #tpu.memory_space<vmem>> -> memref<16x128xf32, #tpu.memory_space<vmem>>
        %dma_wait3A_766 = arith.constant 0 : i32
        %dma_wait3A_767 = arith.constant 0 : i32
        %dma_wait3A_768 = tpu.memref_slice %arg3[%dma_wait3A_766, %dma_wait3A_767] : memref<16x1000000xf32, #tpu.memory_space<hbm>> -> memref<16x128xf32, #tpu.memory_space<hbm>>
        %dma_wait3A_769 = arith.constant 160 : i32
        %dma_wait3A_770 = arith.constant 0 : i32
        %dma_wait3A_771 = tpu.memref_slice %arg6[%dma_wait3A_769, %dma_wait3A_770] : memref<768x128xf32, #tpu.memory_space<vmem>> -> memref<16x128xf32, #tpu.memory_space<vmem>>
        %dma_wait3A_772 = arith.constant 0 : i32
        %dma_wait3A_773 = arith.constant 0 : i32
        %dma_wait3A_774 = tpu.memref_slice %arg3[%dma_wait3A_772, %dma_wait3A_773] : memref<16x1000000xf32, #tpu.memory_space<hbm>> -> memref<16x128xf32, #tpu.memory_space<hbm>>
        tpu.wait_dma2 semaphore(%arg8 : memref<!tpu.dma_semaphore, #tpu.memory_space<semaphore_mem>>) src(%dma_wait3A_774 : memref<16x128xf32, #tpu.memory_space<hbm>>) dst(%dma_wait3A_771 : memref<16x128xf32, #tpu.memory_space<vmem>>)
        %dma_wait3A_775 = arith.constant 176 : i32
        %dma_wait3A_776 = arith.constant 0 : i32
        %dma_wait3A_777 = tpu.memref_slice %arg6[%dma_wait3A_775, %dma_wait3A_776] : memref<768x128xf32, #tpu.memory_space<vmem>> -> memref<16x128xf32, #tpu.memory_space<vmem>>
        %dma_wait3A_778 = arith.constant 0 : i32
        %dma_wait3A_779 = arith.constant 0 : i32
        %dma_wait3A_780 = tpu.memref_slice %arg3[%dma_wait3A_778, %dma_wait3A_779] : memref<16x1000000xf32, #tpu.memory_space<hbm>> -> memref<16x128xf32, #tpu.memory_space<hbm>>
        %dma_wait3A_781 = arith.constant 176 : i32
        %dma_wait3A_782 = arith.constant 0 : i32
        %dma_wait3A_783 = tpu.memref_slice %arg6[%dma_wait3A_781, %dma_wait3A_782] : memref<768x128xf32, #tpu.memory_space<vmem>> -> memref<16x128xf32, #tpu.memory_space<vmem>>
        %dma_wait3A_784 = arith.constant 0 : i32
        %dma_wait3A_785 = arith.constant 0 : i32
        %dma_wait3A_786 = tpu.memref_slice %arg3[%dma_wait3A_784, %dma_wait3A_785] : memref<16x1000000xf32, #tpu.memory_space<hbm>> -> memref<16x128xf32, #tpu.memory_space<hbm>>
        tpu.wait_dma2 semaphore(%arg8 : memref<!tpu.dma_semaphore, #tpu.memory_space<semaphore_mem>>) src(%dma_wait3A_786 : memref<16x128xf32, #tpu.memory_space<hbm>>) dst(%dma_wait3A_783 : memref<16x128xf32, #tpu.memory_space<vmem>>)
        %dma_wait3A_787 = arith.constant 192 : i32
        %dma_wait3A_788 = arith.constant 0 : i32
        %dma_wait3A_789 = tpu.memref_slice %arg6[%dma_wait3A_787, %dma_wait3A_788] : memref<768x128xf32, #tpu.memory_space<vmem>> -> memref<16x128xf32, #tpu.memory_space<vmem>>
        %dma_wait3A_790 = arith.constant 0 : i32
        %dma_wait3A_791 = arith.constant 0 : i32
        %dma_wait3A_792 = tpu.memref_slice %arg3[%dma_wait3A_790, %dma_wait3A_791] : memref<16x1000000xf32, #tpu.memory_space<hbm>> -> memref<16x128xf32, #tpu.memory_space<hbm>>
        %dma_wait3A_793 = arith.constant 192 : i32
        %dma_wait3A_794 = arith.constant 0 : i32
        %dma_wait3A_795 = tpu.memref_slice %arg6[%dma_wait3A_793, %dma_wait3A_794] : memref<768x128xf32, #tpu.memory_space<vmem>> -> memref<16x128xf32, #tpu.memory_space<vmem>>
        %dma_wait3A_796 = arith.constant 0 : i32
        %dma_wait3A_797 = arith.constant 0 : i32
        %dma_wait3A_798 = tpu.memref_slice %arg3[%dma_wait3A_796, %dma_wait3A_797] : memref<16x1000000xf32, #tpu.memory_space<hbm>> -> memref<16x128xf32, #tpu.memory_space<hbm>>
        tpu.wait_dma2 semaphore(%arg8 : memref<!tpu.dma_semaphore, #tpu.memory_space<semaphore_mem>>) src(%dma_wait3A_798 : memref<16x128xf32, #tpu.memory_space<hbm>>) dst(%dma_wait3A_795 : memref<16x128xf32, #tpu.memory_space<vmem>>)
        %dma_wait3A_799 = arith.constant 208 : i32
        %dma_wait3A_800 = arith.constant 0 : i32
        %dma_wait3A_801 = tpu.memref_slice %arg6[%dma_wait3A_799, %dma_wait3A_800] : memref<768x128xf32, #tpu.memory_space<vmem>> -> memref<16x128xf32, #tpu.memory_space<vmem>>
        %dma_wait3A_802 = arith.constant 0 : i32
        %dma_wait3A_803 = arith.constant 0 : i32
        %dma_wait3A_804 = tpu.memref_slice %arg3[%dma_wait3A_802, %dma_wait3A_803] : memref<16x1000000xf32, #tpu.memory_space<hbm>> -> memref<16x128xf32, #tpu.memory_space<hbm>>
        %dma_wait3A_805 = arith.constant 208 : i32
        %dma_wait3A_806 = arith.constant 0 : i32
        %dma_wait3A_807 = tpu.memref_slice %arg6[%dma_wait3A_805, %dma_wait3A_806] : memref<768x128xf32, #tpu.memory_space<vmem>> -> memref<16x128xf32, #tpu.memory_space<vmem>>
        %dma_wait3A_808 = arith.constant 0 : i32
        %dma_wait3A_809 = arith.constant 0 : i32
        %dma_wait3A_810 = tpu.memref_slice %arg3[%dma_wait3A_808, %dma_wait3A_809] : memref<16x1000000xf32, #tpu.memory_space<hbm>> -> memref<16x128xf32, #tpu.memory_space<hbm>>
        tpu.wait_dma2 semaphore(%arg8 : memref<!tpu.dma_semaphore, #tpu.memory_space<semaphore_mem>>) src(%dma_wait3A_810 : memref<16x128xf32, #tpu.memory_space<hbm>>) dst(%dma_wait3A_807 : memref<16x128xf32, #tpu.memory_space<vmem>>)
        %dma_wait3A_811 = arith.constant 224 : i32
        %dma_wait3A_812 = arith.constant 0 : i32
        %dma_wait3A_813 = tpu.memref_slice %arg6[%dma_wait3A_811, %dma_wait3A_812] : memref<768x128xf32, #tpu.memory_space<vmem>> -> memref<16x128xf32, #tpu.memory_space<vmem>>
        %dma_wait3A_814 = arith.constant 0 : i32
        %dma_wait3A_815 = arith.constant 0 : i32
        %dma_wait3A_816 = tpu.memref_slice %arg3[%dma_wait3A_814, %dma_wait3A_815] : memref<16x1000000xf32, #tpu.memory_space<hbm>> -> memref<16x128xf32, #tpu.memory_space<hbm>>
        %dma_wait3A_817 = arith.constant 224 : i32
        %dma_wait3A_818 = arith.constant 0 : i32
        %dma_wait3A_819 = tpu.memref_slice %arg6[%dma_wait3A_817, %dma_wait3A_818] : memref<768x128xf32, #tpu.memory_space<vmem>> -> memref<16x128xf32, #tpu.memory_space<vmem>>
        %dma_wait3A_820 = arith.constant 0 : i32
        %dma_wait3A_821 = arith.constant 0 : i32
        %dma_wait3A_822 = tpu.memref_slice %arg3[%dma_wait3A_820, %dma_wait3A_821] : memref<16x1000000xf32, #tpu.memory_space<hbm>> -> memref<16x128xf32, #tpu.memory_space<hbm>>
        tpu.wait_dma2 semaphore(%arg8 : memref<!tpu.dma_semaphore, #tpu.memory_space<semaphore_mem>>) src(%dma_wait3A_822 : memref<16x128xf32, #tpu.memory_space<hbm>>) dst(%dma_wait3A_819 : memref<16x128xf32, #tpu.memory_space<vmem>>)
        %dma_wait3A_823 = arith.constant 240 : i32
        %dma_wait3A_824 = arith.constant 0 : i32
        %dma_wait3A_825 = tpu.memref_slice %arg6[%dma_wait3A_823, %dma_wait3A_824] : memref<768x128xf32, #tpu.memory_space<vmem>> -> memref<16x128xf32, #tpu.memory_space<vmem>>
        %dma_wait3A_826 = arith.constant 0 : i32
        %dma_wait3A_827 = arith.constant 0 : i32
        %dma_wait3A_828 = tpu.memref_slice %arg3[%dma_wait3A_826, %dma_wait3A_827] : memref<16x1000000xf32, #tpu.memory_space<hbm>> -> memref<16x128xf32, #tpu.memory_space<hbm>>
        %dma_wait3A_829 = arith.constant 240 : i32
        %dma_wait3A_830 = arith.constant 0 : i32
        %dma_wait3A_831 = tpu.memref_slice %arg6[%dma_wait3A_829, %dma_wait3A_830] : memref<768x128xf32, #tpu.memory_space<vmem>> -> memref<16x128xf32, #tpu.memory_space<vmem>>
        %dma_wait3A_832 = arith.constant 0 : i32
        %dma_wait3A_833 = arith.constant 0 : i32
        %dma_wait3A_834 = tpu.memref_slice %arg3[%dma_wait3A_832, %dma_wait3A_833] : memref<16x1000000xf32, #tpu.memory_space<hbm>> -> memref<16x128xf32, #tpu.memory_space<hbm>>
        tpu.wait_dma2 semaphore(%arg8 : memref<!tpu.dma_semaphore, #tpu.memory_space<semaphore_mem>>) src(%dma_wait3A_834 : memref<16x128xf32, #tpu.memory_space<hbm>>) dst(%dma_wait3A_831 : memref<16x128xf32, #tpu.memory_space<vmem>>)
        %mul3A_835 = arith.constant 16 : i32
        %mul3A_836 = arith.muli %add3A_601, %mul3A_835 : i32
        %get3A_837 = arith.index_cast %mul3A_836 : i32 to index
        %get3A_838 = tpu.vector_load %arg5[%get3A_837] {strides = array<i32>} : memref<512xi32, #tpu.memory_space<vmem>>, vector<16xi32>,
        %slice3A_839 = vector.extract_strided_slice %get3A_838 {offsets = [0], sizes = [1], strides = [1]} : vector<16xi32> to vector<1xi32>
        %squeeze3A_840 = vector.extract %slice3A_839[0] : i32 from vector<1xi32>
        %and3A = arith.constant 127 : i32
        %and3A_841 = arith.andi %squeeze3A_840, %and3A : i32
        %broadcast_in_dim3A = vector.broadcast %and3A_841 : i32 to vector<16xi32>
        %add3A_842 = arith.constant 0 : i32
        %add3A_843 = vector.broadcast %add3A_842 : i32 to vector<16xi32>
        %add3A_844 = arith.addi %add3A_843, %iota3A : vector<16xi32>
        %gather3A = tpu.vector_load_idx %arg6[%add3A_844, %broadcast_in_dim3A] : memref<768x128xf32, #tpu.memory_space<vmem>>[vector<16xi32>, vector<16xi32>], vector<16xf32>,
        %mul3A_845 = arith.constant 16 : i32
        %mul3A_846 = arith.muli %add3A_601, %mul3A_845 : i32
        %add3A_847 = arith.constant 0 : i32
        %add3A_848 = arith.addi %mul3A_846, %add3A_847 : i32
        %broadcast_in_dim3A_849 = vector.broadcast %add3A_848 : i32 to vector<16xi32>
        tpu.vector_store_idx %arg7[%iota3A, %broadcast_in_dim3A_849], %gather3A : memref<16x512xf32, #tpu.memory_space<vmem>>[vector<16xi32>, vector<16xi32>], vector<16xf32>,
        %slice3A_850 = vector.extract_strided_slice %get3A_838 {offsets = [1], sizes = [1], strides = [1]} : vector<16xi32> to vector<1xi32>
        %squeeze3A_851 = vector.extract %slice3A_850[0] : i32 from vector<1xi32>
        %and3A_852 = arith.constant 127 : i32
        %and3A_853 = arith.andi %squeeze3A_851, %and3A_852 : i32
        %broadcast_in_dim3A_854 = vector.broadcast %and3A_853 : i32 to vector<16xi32>
        %add3A_855 = arith.constant 16 : i32
        %add3A_856 = vector.broadcast %add3A_855 : i32 to vector<16xi32>
        %add3A_857 = arith.addi %add3A_856, %iota3A : vector<16xi32>
        %gather3A_858 = tpu.vector_load_idx %arg6[%add3A_857, %broadcast_in_dim3A_854] : memref<768x128xf32, #tpu.memory_space<vmem>>[vector<16xi32>, vector<16xi32>], vector<16xf32>,
        %mul3A_859 = arith.constant 16 : i32
        %mul3A_860 = arith.muli %add3A_601, %mul3A_859 : i32
        %add3A_861 = arith.constant 1 : i32
        %add3A_862 = arith.addi %mul3A_860, %add3A_861 : i32
        %broadcast_in_dim3A_863 = vector.broadcast %add3A_862 : i32 to vector<16xi32>
        tpu.vector_store_idx %arg7[%iota3A, %broadcast_in_dim3A_863], %gather3A_858 : memref<16x512xf32, #tpu.memory_space<vmem>>[vector<16xi32>, vector<16xi32>], vector<16xf32>,
        %slice3A_864 = vector.extract_strided_slice %get3A_838 {offsets = [2], sizes = [1], strides = [1]} : vector<16xi32> to vector<1xi32>
        %squeeze3A_865 = vector.extract %slice3A_864[0] : i32 from vector<1xi32>
        %and3A_866 = arith.constant 127 : i32
        %and3A_867 = arith.andi %squeeze3A_865, %and3A_866 : i32
        %broadcast_in_dim3A_868 = vector.broadcast %and3A_867 : i32 to vector<16xi32>
        %add3A_869 = arith.constant 32 : i32
        %add3A_870 = vector.broadcast %add3A_869 : i32 to vector<16xi32>
        %add3A_871 = arith.addi %add3A_870, %iota3A : vector<16xi32>
        %gather3A_872 = tpu.vector_load_idx %arg6[%add3A_871, %broadcast_in_dim3A_868] : memref<768x128xf32, #tpu.memory_space<vmem>>[vector<16xi32>, vector<16xi32>], vector<16xf32>,
        %mul3A_873 = arith.constant 16 : i32
        %mul3A_874 = arith.muli %add3A_601, %mul3A_873 : i32
        %add3A_875 = arith.constant 2 : i32
        %add3A_876 = arith.addi %mul3A_874, %add3A_875 : i32
        %broadcast_in_dim3A_877 = vector.broadcast %add3A_876 : i32 to vector<16xi32>
        tpu.vector_store_idx %arg7[%iota3A, %broadcast_in_dim3A_877], %gather3A_872 : memref<16x512xf32, #tpu.memory_space<vmem>>[vector<16xi32>, vector<16xi32>], vector<16xf32>,
        %slice3A_878 = vector.extract_strided_slice %get3A_838 {offsets = [3], sizes = [1], strides = [1]} : vector<16xi32> to vector<1xi32>
        %squeeze3A_879 = vector.extract %slice3A_878[0] : i32 from vector<1xi32>
        %and3A_880 = arith.constant 127 : i32
        %and3A_881 = arith.andi %squeeze3A_879, %and3A_880 : i32
        %broadcast_in_dim3A_882 = vector.broadcast %and3A_881 : i32 to vector<16xi32>
        %add3A_883 = arith.constant 48 : i32
        %add3A_884 = vector.broadcast %add3A_883 : i32 to vector<16xi32>
        %add3A_885 = arith.addi %add3A_884, %iota3A : vector<16xi32>
        %gather3A_886 = tpu.vector_load_idx %arg6[%add3A_885, %broadcast_in_dim3A_882] : memref<768x128xf32, #tpu.memory_space<vmem>>[vector<16xi32>, vector<16xi32>], vector<16xf32>,
        %mul3A_887 = arith.constant 16 : i32
        %mul3A_888 = arith.muli %add3A_601, %mul3A_887 : i32
        %add3A_889 = arith.constant 3 : i32
        %add3A_890 = arith.addi %mul3A_888, %add3A_889 : i32
        %broadcast_in_dim3A_891 = vector.broadcast %add3A_890 : i32 to vector<16xi32>
        tpu.vector_store_idx %arg7[%iota3A, %broadcast_in_dim3A_891], %gather3A_886 : memref<16x512xf32, #tpu.memory_space<vmem>>[vector<16xi32>, vector<16xi32>], vector<16xf32>,
        %slice3A_892 = vector.extract_strided_slice %get3A_838 {offsets = [4], sizes = [1], strides = [1]} : vector<16xi32> to vector<1xi32>
        %squeeze3A_893 = vector.extract %slice3A_892[0] : i32 from vector<1xi32>
        %and3A_894 = arith.constant 127 : i32
        %and3A_895 = arith.andi %squeeze3A_893, %and3A_894 : i32
        %broadcast_in_dim3A_896 = vector.broadcast %and3A_895 : i32 to vector<16xi32>
        %add3A_897 = arith.constant 64 : i32
        %add3A_898 = vector.broadcast %add3A_897 : i32 to vector<16xi32>
        %add3A_899 = arith.addi %add3A_898, %iota3A : vector<16xi32>
        %gather3A_900 = tpu.vector_load_idx %arg6[%add3A_899, %broadcast_in_dim3A_896] : memref<768x128xf32, #tpu.memory_space<vmem>>[vector<16xi32>, vector<16xi32>], vector<16xf32>,
        %mul3A_901 = arith.constant 16 : i32
        %mul3A_902 = arith.muli %add3A_601, %mul3A_901 : i32
        %add3A_903 = arith.constant 4 : i32
        %add3A_904 = arith.addi %mul3A_902, %add3A_903 : i32
        %broadcast_in_dim3A_905 = vector.broadcast %add3A_904 : i32 to vector<16xi32>
        tpu.vector_store_idx %arg7[%iota3A, %broadcast_in_dim3A_905], %gather3A_900 : memref<16x512xf32, #tpu.memory_space<vmem>>[vector<16xi32>, vector<16xi32>], vector<16xf32>,
        %slice3A_906 = vector.extract_strided_slice %get3A_838 {offsets = [5], sizes = [1], strides = [1]} : vector<16xi32> to vector<1xi32>
        %squeeze3A_907 = vector.extract %slice3A_906[0] : i32 from vector<1xi32>
        %and3A_908 = arith.constant 127 : i32
        %and3A_909 = arith.andi %squeeze3A_907, %and3A_908 : i32
        %broadcast_in_dim3A_910 = vector.broadcast %and3A_909 : i32 to vector<16xi32>
        %add3A_911 = arith.constant 80 : i32
        %add3A_912 = vector.broadcast %add3A_911 : i32 to vector<16xi32>
        %add3A_913 = arith.addi %add3A_912, %iota3A : vector<16xi32>
        %gather3A_914 = tpu.vector_load_idx %arg6[%add3A_913, %broadcast_in_dim3A_910] : memref<768x128xf32, #tpu.memory_space<vmem>>[vector<16xi32>, vector<16xi32>], vector<16xf32>,
        %mul3A_915 = arith.constant 16 : i32
        %mul3A_916 = arith.muli %add3A_601, %mul3A_915 : i32
        %add3A_917 = arith.constant 5 : i32
        %add3A_918 = arith.addi %mul3A_916, %add3A_917 : i32
        %broadcast_in_dim3A_919 = vector.broadcast %add3A_918 : i32 to vector<16xi32>
        tpu.vector_store_idx %arg7[%iota3A, %broadcast_in_dim3A_919], %gather3A_914 : memref<16x512xf32, #tpu.memory_space<vmem>>[vector<16xi32>, vector<16xi32>], vector<16xf32>,
        %slice3A_920 = vector.extract_strided_slice %get3A_838 {offsets = [6], sizes = [1], strides = [1]} : vector<16xi32> to vector<1xi32>
        %squeeze3A_921 = vector.extract %slice3A_920[0] : i32 from vector<1xi32>
        %and3A_922 = arith.constant 127 : i32
        %and3A_923 = arith.andi %squeeze3A_921, %and3A_922 : i32
        %broadcast_in_dim3A_924 = vector.broadcast %and3A_923 : i32 to vector<16xi32>
        %add3A_925 = arith.constant 96 : i32
        %add3A_926 = vector.broadcast %add3A_925 : i32 to vector<16xi32>
        %add3A_927 = arith.addi %add3A_926, %iota3A : vector<16xi32>
        %gather3A_928 = tpu.vector_load_idx %arg6[%add3A_927, %broadcast_in_dim3A_924] : memref<768x128xf32, #tpu.memory_space<vmem>>[vector<16xi32>, vector<16xi32>], vector<16xf32>,
        %mul3A_929 = arith.constant 16 : i32
        %mul3A_930 = arith.muli %add3A_601, %mul3A_929 : i32
        %add3A_931 = arith.constant 6 : i32
        %add3A_932 = arith.addi %mul3A_930, %add3A_931 : i32
        %broadcast_in_dim3A_933 = vector.broadcast %add3A_932 : i32 to vector<16xi32>
        tpu.vector_store_idx %arg7[%iota3A, %broadcast_in_dim3A_933], %gather3A_928 : memref<16x512xf32, #tpu.memory_space<vmem>>[vector<16xi32>, vector<16xi32>], vector<16xf32>,
        %slice3A_934 = vector.extract_strided_slice %get3A_838 {offsets = [7], sizes = [1], strides = [1]} : vector<16xi32> to vector<1xi32>
        %squeeze3A_935 = vector.extract %slice3A_934[0] : i32 from vector<1xi32>
        %and3A_936 = arith.constant 127 : i32
        %and3A_937 = arith.andi %squeeze3A_935, %and3A_936 : i32
        %broadcast_in_dim3A_938 = vector.broadcast %and3A_937 : i32 to vector<16xi32>
        %add3A_939 = arith.constant 112 : i32
        %add3A_940 = vector.broadcast %add3A_939 : i32 to vector<16xi32>
        %add3A_941 = arith.addi %add3A_940, %iota3A : vector<16xi32>
        %gather3A_942 = tpu.vector_load_idx %arg6[%add3A_941, %broadcast_in_dim3A_938] : memref<768x128xf32, #tpu.memory_space<vmem>>[vector<16xi32>, vector<16xi32>], vector<16xf32>,
        %mul3A_943 = arith.constant 16 : i32
        %mul3A_944 = arith.muli %add3A_601, %mul3A_943 : i32
        %add3A_945 = arith.constant 7 : i32
        %add3A_946 = arith.addi %mul3A_944, %add3A_945 : i32
        %broadcast_in_dim3A_947 = vector.broadcast %add3A_946 : i32 to vector<16xi32>
        tpu.vector_store_idx %arg7[%iota3A, %broadcast_in_dim3A_947], %gather3A_942 : memref<16x512xf32, #tpu.memory_space<vmem>>[vector<16xi32>, vector<16xi32>], vector<16xf32>,
        %slice3A_948 = vector.extract_strided_slice %get3A_838 {offsets = [8], sizes = [1], strides = [1]} : vector<16xi32> to vector<1xi32>
        %squeeze3A_949 = vector.extract %slice3A_948[0] : i32 from vector<1xi32>
        %and3A_950 = arith.constant 127 : i32
        %and3A_951 = arith.andi %squeeze3A_949, %and3A_950 : i32
        %broadcast_in_dim3A_952 = vector.broadcast %and3A_951 : i32 to vector<16xi32>
        %add3A_953 = arith.constant 128 : i32
        %add3A_954 = vector.broadcast %add3A_953 : i32 to vector<16xi32>
        %add3A_955 = arith.addi %add3A_954, %iota3A : vector<16xi32>
        %gather3A_956 = tpu.vector_load_idx %arg6[%add3A_955, %broadcast_in_dim3A_952] : memref<768x128xf32, #tpu.memory_space<vmem>>[vector<16xi32>, vector<16xi32>], vector<16xf32>,
        %mul3A_957 = arith.constant 16 : i32
        %mul3A_958 = arith.muli %add3A_601, %mul3A_957 : i32
        %add3A_959 = arith.constant 8 : i32
        %add3A_960 = arith.addi %mul3A_958, %add3A_959 : i32
        %broadcast_in_dim3A_961 = vector.broadcast %add3A_960 : i32 to vector<16xi32>
        tpu.vector_store_idx %arg7[%iota3A, %broadcast_in_dim3A_961], %gather3A_956 : memref<16x512xf32, #tpu.memory_space<vmem>>[vector<16xi32>, vector<16xi32>], vector<16xf32>,
        %slice3A_962 = vector.extract_strided_slice %get3A_838 {offsets = [9], sizes = [1], strides = [1]} : vector<16xi32> to vector<1xi32>
        %squeeze3A_963 = vector.extract %slice3A_962[0] : i32 from vector<1xi32>
        %and3A_964 = arith.constant 127 : i32
        %and3A_965 = arith.andi %squeeze3A_963, %and3A_964 : i32
        %broadcast_in_dim3A_966 = vector.broadcast %and3A_965 : i32 to vector<16xi32>
        %add3A_967 = arith.constant 144 : i32
        %add3A_968 = vector.broadcast %add3A_967 : i32 to vector<16xi32>
        %add3A_969 = arith.addi %add3A_968, %iota3A : vector<16xi32>
        %gather3A_970 = tpu.vector_load_idx %arg6[%add3A_969, %broadcast_in_dim3A_966] : memref<768x128xf32, #tpu.memory_space<vmem>>[vector<16xi32>, vector<16xi32>], vector<16xf32>,
        %mul3A_971 = arith.constant 16 : i32
        %mul3A_972 = arith.muli %add3A_601, %mul3A_971 : i32
        %add3A_973 = arith.constant 9 : i32
        %add3A_974 = arith.addi %mul3A_972, %add3A_973 : i32
        %broadcast_in_dim3A_975 = vector.broadcast %add3A_974 : i32 to vector<16xi32>
        tpu.vector_store_idx %arg7[%iota3A, %broadcast_in_dim3A_975], %gather3A_970 : memref<16x512xf32, #tpu.memory_space<vmem>>[vector<16xi32>, vector<16xi32>], vector<16xf32>,
        %slice3A_976 = vector.extract_strided_slice %get3A_838 {offsets = [10], sizes = [1], strides = [1]} : vector<16xi32> to vector<1xi32>
        %squeeze3A_977 = vector.extract %slice3A_976[0] : i32 from vector<1xi32>
        %and3A_978 = arith.constant 127 : i32
        %and3A_979 = arith.andi %squeeze3A_977, %and3A_978 : i32
        %broadcast_in_dim3A_980 = vector.broadcast %and3A_979 : i32 to vector<16xi32>
        %add3A_981 = arith.constant 160 : i32
        %add3A_982 = vector.broadcast %add3A_981 : i32 to vector<16xi32>
        %add3A_983 = arith.addi %add3A_982, %iota3A : vector<16xi32>
        %gather3A_984 = tpu.vector_load_idx %arg6[%add3A_983, %broadcast_in_dim3A_980] : memref<768x128xf32, #tpu.memory_space<vmem>>[vector<16xi32>, vector<16xi32>], vector<16xf32>,
        %mul3A_985 = arith.constant 16 : i32
        %mul3A_986 = arith.muli %add3A_601, %mul3A_985 : i32
        %add3A_987 = arith.constant 10 : i32
        %add3A_988 = arith.addi %mul3A_986, %add3A_987 : i32
        %broadcast_in_dim3A_989 = vector.broadcast %add3A_988 : i32 to vector<16xi32>
        tpu.vector_store_idx %arg7[%iota3A, %broadcast_in_dim3A_989], %gather3A_984 : memref<16x512xf32, #tpu.memory_space<vmem>>[vector<16xi32>, vector<16xi32>], vector<16xf32>,
        %slice3A_990 = vector.extract_strided_slice %get3A_838 {offsets = [11], sizes = [1], strides = [1]} : vector<16xi32> to vector<1xi32>
        %squeeze3A_991 = vector.extract %slice3A_990[0] : i32 from vector<1xi32>
        %and3A_992 = arith.constant 127 : i32
        %and3A_993 = arith.andi %squeeze3A_991, %and3A_992 : i32
        %broadcast_in_dim3A_994 = vector.broadcast %and3A_993 : i32 to vector<16xi32>
        %add3A_995 = arith.constant 176 : i32
        %add3A_996 = vector.broadcast %add3A_995 : i32 to vector<16xi32>
        %add3A_997 = arith.addi %add3A_996, %iota3A : vector<16xi32>
        %gather3A_998 = tpu.vector_load_idx %arg6[%add3A_997, %broadcast_in_dim3A_994] : memref<768x128xf32, #tpu.memory_space<vmem>>[vector<16xi32>, vector<16xi32>], vector<16xf32>,
        %mul3A_999 = arith.constant 16 : i32
        %mul3A_1000 = arith.muli %add3A_601, %mul3A_999 : i32
        %add3A_1001 = arith.constant 11 : i32
        %add3A_1002 = arith.addi %mul3A_1000, %add3A_1001 : i32
        %broadcast_in_dim3A_1003 = vector.broadcast %add3A_1002 : i32 to vector<16xi32>
        tpu.vector_store_idx %arg7[%iota3A, %broadcast_in_dim3A_1003], %gather3A_998 : memref<16x512xf32, #tpu.memory_space<vmem>>[vector<16xi32>, vector<16xi32>], vector<16xf32>,
        %slice3A_1004 = vector.extract_strided_slice %get3A_838 {offsets = [12], sizes = [1], strides = [1]} : vector<16xi32> to vector<1xi32>
        %squeeze3A_1005 = vector.extract %slice3A_1004[0] : i32 from vector<1xi32>
        %and3A_1006 = arith.constant 127 : i32
        %and3A_1007 = arith.andi %squeeze3A_1005, %and3A_1006 : i32
        %broadcast_in_dim3A_1008 = vector.broadcast %and3A_1007 : i32 to vector<16xi32>
        %add3A_1009 = arith.constant 192 : i32
        %add3A_1010 = vector.broadcast %add3A_1009 : i32 to vector<16xi32>
        %add3A_1011 = arith.addi %add3A_1010, %iota3A : vector<16xi32>
        %gather3A_1012 = tpu.vector_load_idx %arg6[%add3A_1011, %broadcast_in_dim3A_1008] : memref<768x128xf32, #tpu.memory_space<vmem>>[vector<16xi32>, vector<16xi32>], vector<16xf32>,
        %mul3A_1013 = arith.constant 16 : i32
        %mul3A_1014 = arith.muli %add3A_601, %mul3A_1013 : i32
        %add3A_1015 = arith.constant 12 : i32
        %add3A_1016 = arith.addi %mul3A_1014, %add3A_1015 : i32
        %broadcast_in_dim3A_1017 = vector.broadcast %add3A_1016 : i32 to vector<16xi32>
        tpu.vector_store_idx %arg7[%iota3A, %broadcast_in_dim3A_1017], %gather3A_1012 : memref<16x512xf32, #tpu.memory_space<vmem>>[vector<16xi32>, vector<16xi32>], vector<16xf32>,
        %slice3A_1018 = vector.extract_strided_slice %get3A_838 {offsets = [13], sizes = [1], strides = [1]} : vector<16xi32> to vector<1xi32>
        %squeeze3A_1019 = vector.extract %slice3A_1018[0] : i32 from vector<1xi32>
        %and3A_1020 = arith.constant 127 : i32
        %and3A_1021 = arith.andi %squeeze3A_1019, %and3A_1020 : i32
        %broadcast_in_dim3A_1022 = vector.broadcast %and3A_1021 : i32 to vector<16xi32>
        %add3A_1023 = arith.constant 208 : i32
        %add3A_1024 = vector.broadcast %add3A_1023 : i32 to vector<16xi32>
        %add3A_1025 = arith.addi %add3A_1024, %iota3A : vector<16xi32>
        %gather3A_1026 = tpu.vector_load_idx %arg6[%add3A_1025, %broadcast_in_dim3A_1022] : memref<768x128xf32, #tpu.memory_space<vmem>>[vector<16xi32>, vector<16xi32>], vector<16xf32>,
        %mul3A_1027 = arith.constant 16 : i32
        %mul3A_1028 = arith.muli %add3A_601, %mul3A_1027 : i32
        %add3A_1029 = arith.constant 13 : i32
        %add3A_1030 = arith.addi %mul3A_1028, %add3A_1029 : i32
        %broadcast_in_dim3A_1031 = vector.broadcast %add3A_1030 : i32 to vector<16xi32>
        tpu.vector_store_idx %arg7[%iota3A, %broadcast_in_dim3A_1031], %gather3A_1026 : memref<16x512xf32, #tpu.memory_space<vmem>>[vector<16xi32>, vector<16xi32>], vector<16xf32>,
        %slice3A_1032 = vector.extract_strided_slice %get3A_838 {offsets = [14], sizes = [1], strides = [1]} : vector<16xi32> to vector<1xi32>
        %squeeze3A_1033 = vector.extract %slice3A_1032[0] : i32 from vector<1xi32>
        %and3A_1034 = arith.constant 127 : i32
        %and3A_1035 = arith.andi %squeeze3A_1033, %and3A_1034 : i32
        %broadcast_in_dim3A_1036 = vector.broadcast %and3A_1035 : i32 to vector<16xi32>
        %add3A_1037 = arith.constant 224 : i32
        %add3A_1038 = vector.broadcast %add3A_1037 : i32 to vector<16xi32>
        %add3A_1039 = arith.addi %add3A_1038, %iota3A : vector<16xi32>
        %gather3A_1040 = tpu.vector_load_idx %arg6[%add3A_1039, %broadcast_in_dim3A_1036] : memref<768x128xf32, #tpu.memory_space<vmem>>[vector<16xi32>, vector<16xi32>], vector<16xf32>,
        %mul3A_1041 = arith.constant 16 : i32
        %mul3A_1042 = arith.muli %add3A_601, %mul3A_1041 : i32
        %add3A_1043 = arith.constant 14 : i32
        %add3A_1044 = arith.addi %mul3A_1042, %add3A_1043 : i32
        %broadcast_in_dim3A_1045 = vector.broadcast %add3A_1044 : i32 to vector<16xi32>
        tpu.vector_store_idx %arg7[%iota3A, %broadcast_in_dim3A_1045], %gather3A_1040 : memref<16x512xf32, #tpu.memory_space<vmem>>[vector<16xi32>, vector<16xi32>], vector<16xf32>,
        %slice3A_1046 = vector.extract_strided_slice %get3A_838 {offsets = [15], sizes = [1], strides = [1]} : vector<16xi32> to vector<1xi32>
        %squeeze3A_1047 = vector.extract %slice3A_1046[0] : i32 from vector<1xi32>
        %and3A_1048 = arith.constant 127 : i32
        %and3A_1049 = arith.andi %squeeze3A_1047, %and3A_1048 : i32
        %broadcast_in_dim3A_1050 = vector.broadcast %and3A_1049 : i32 to vector<16xi32>
        %add3A_1051 = arith.constant 240 : i32
        %add3A_1052 = vector.broadcast %add3A_1051 : i32 to vector<16xi32>
        %add3A_1053 = arith.addi %add3A_1052, %iota3A : vector<16xi32>
        %gather3A_1054 = tpu.vector_load_idx %arg6[%add3A_1053, %broadcast_in_dim3A_1050] : memref<768x128xf32, #tpu.memory_space<vmem>>[vector<16xi32>, vector<16xi32>], vector<16xf32>,
        %mul3A_1055 = arith.constant 16 : i32
        %mul3A_1056 = arith.muli %add3A_601, %mul3A_1055 : i32
        %add3A_1057 = arith.constant 15 : i32
        %add3A_1058 = arith.addi %mul3A_1056, %add3A_1057 : i32
        %broadcast_in_dim3A_1059 = vector.broadcast %add3A_1058 : i32 to vector<16xi32>
        tpu.vector_store_idx %arg7[%iota3A, %broadcast_in_dim3A_1059], %gather3A_1054 : memref<16x512xf32, #tpu.memory_space<vmem>>[vector<16xi32>, vector<16xi32>], vector<16xf32>,
        %rem3A = arith.constant 8 : i32
        %rem3A_1060 = arith.remsi %add3A_601, %rem3A : i32
        %eq3A = arith.constant 7 : i32
        %eq3A_1061 = arith.cmpi eq, %rem3A_1060, %eq3A : i32
        %convert_element_type3A_1062 = arith.extui %eq3A_1061 : i1 to i32
        %cond3A_1063 = arith.constant 0 : i32
        %cond3A_1064 = arith.cmpi ne, %convert_element_type3A_1062, %cond3A_1063 : i32
        scf.if %cond3A_1064 {
          %jit3A = arith.constant 8 : i32
          %div3A = arith.divsi %add3A_601, %jit3A : i32
          %sign3A = arith.constant 0 : i32
          %sign3A_1065 = arith.cmpi sgt, %add3A_601, %sign3A : i32
          %sign3A_1066 = arith.extui %sign3A_1065 : i1 to i32
          %sign3A_1067 = arith.constant 0 : i32
          %sign3A_1068 = arith.cmpi slt, %add3A_601, %sign3A_1067 : i32
          %sign3A_1069 = arith.extui %sign3A_1068 : i1 to i32
          %sign3A_1070 = arith.subi %sign3A_1066, %sign3A_1069 : i32
          %sign3A_1071 = arith.constant 0 : i32
          %sign3A_1072 = arith.cmpi sgt, %jit3A, %sign3A_1071 : i32
          %sign3A_1073 = arith.extui %sign3A_1072 : i1 to i32
          %sign3A_1074 = arith.constant 0 : i32
          %sign3A_1075 = arith.cmpi slt, %jit3A, %sign3A_1074 : i32
          %sign3A_1076 = arith.extui %sign3A_1075 : i1 to i32
          %sign3A_1077 = arith.subi %sign3A_1073, %sign3A_1076 : i32
          %ne3A = arith.cmpi ne, %sign3A_1070, %sign3A_1077 : i32
          %rem3A_1078 = arith.remsi %add3A_601, %jit3A : i32
          %ne3A_1079 = arith.constant 0 : i32
          %ne3A_1080 = arith.cmpi ne, %rem3A_1078, %ne3A_1079 : i32
          %and3A_1081 = arith.andi %ne3A, %ne3A_1080 : i1
          %sub3A = arith.constant 1 : i32
          %sub3A_1082 = arith.subi %div3A, %sub3A : i32
          %select_n3A = arith.select %and3A_1081, %sub3A_1082, %div3A : i32
          %mul3A_1083 = arith.constant 128 : i32
          %mul3A_1084 = arith.muli %select_n3A, %mul3A_1083 : i32
          %add3A_1085 = arith.addi %mul3A_2, %mul3A_1084 : i32
          %dma_start3A_1086 = arith.constant 0 : i32
          %dma_start3A_1087 = tpu.memref_slice %arg7[%dma_start3A_1086, %mul3A_1084] : memref<16x512xf32, #tpu.memory_space<vmem>> -> memref<16x128xf32, #tpu.memory_space<vmem>>
          %dma_start3A_1088 = arith.constant 0 : i32
          %dma_start3A_1089 = tpu.memref_slice %arg4[%dma_start3A_1088, %add3A_1085] : memref<16x16384xf32, #tpu.memory_space<hbm>> -> memref<16x128xf32, #tpu.memory_space<hbm>>
          %dma_start3A_1090 = arith.constant 0 : i32
          %dma_start3A_1091 = tpu.memref_slice %arg4[%dma_start3A_1090, %add3A_1085] : memref<16x16384xf32, #tpu.memory_space<hbm>> -> memref<16x128xf32, #tpu.memory_space<hbm>>
          %dma_start3A_1092 = arith.constant 0 : i32
          %dma_start3A_1093 = tpu.memref_slice %arg7[%dma_start3A_1092, %mul3A_1084] : memref<16x512xf32, #tpu.memory_space<vmem>> -> memref<16x128xf32, #tpu.memory_space<vmem>>
          tpu.enqueue_dma source(%dma_start3A_1093 : memref<16x128xf32, #tpu.memory_space<vmem>>) target(%dma_start3A_1091 : memref<16x128xf32, #tpu.memory_space<hbm>>) target_semaphore(%arg11 : memref<!tpu.dma_semaphore, #tpu.memory_space<semaphore_mem>>)
        } else {
        }
      } else {
      }
      %mul3A_611 = arith.constant 3 : i32
      %mul3A_612 = arith.muli %scan3A_597, %mul3A_611 : i32
      %add3A_613 = arith.constant 1 : i32
      %add3A_614 = arith.addi %mul3A_612, %add3A_613 : i32
      %add3A_615 = arith.constant 2 : i32
      %add3A_616 = arith.addi %add3A_614, %add3A_615 : i32
      %lt3A_617 = arith.constant 32 : i32
      %lt3A_618 = arith.cmpi slt, %add3A_616, %lt3A_617 : i32
      %convert_element_type3A_619 = arith.extui %lt3A_618 : i1 to i32
      %cond3A_620 = arith.constant 0 : i32
      %cond3A_621 = arith.cmpi ne, %convert_element_type3A_619, %cond3A_620 : i32
      scf.if %cond3A_621 {
        %add3A_643 = arith.constant 2 : i32
        %add3A_644 = arith.addi %add3A_614, %add3A_643 : i32
        %mul3A_645 = arith.constant 16 : i32
        %mul3A_646 = arith.muli %add3A_644, %mul3A_645 : i32
        %get3A_647 = arith.index_cast %mul3A_646 : i32 to index
        %get3A_648 = tpu.vector_load %arg5[%get3A_647] {strides = array<i32>} : memref<512xi32, #tpu.memory_space<vmem>>, vector<16xi32>,
        %slice3A_649 = vector.extract_strided_slice %get3A_648 {offsets = [0], sizes = [1], strides = [1]} : vector<16xi32> to vector<1xi32>
        %squeeze3A_650 = vector.extract %slice3A_649[0] : i32 from vector<1xi32>
        %shift_right_arithmetic3A_651 = arith.constant 7 : i32
        %shift_right_arithmetic3A_652 = arith.shrsi %squeeze3A_650, %shift_right_arithmetic3A_651 : i32
        %mul3A_653 = arith.constant 128 : i32
        %mul3A_654 = arith.muli %shift_right_arithmetic3A_652, %mul3A_653 : i32
        %multiple_of3A_655 = tpu.assume_multiple %mul3A_654, 128 : i32
        %dma_start3A_656 = arith.constant 0 : i32
        %dma_start3A_657 = arith.constant 0 : i32
        %dma_start3A_658 = tpu.memref_slice %arg6[%dma_start3A_656, %dma_start3A_657] : memref<768x128xf32, #tpu.memory_space<vmem>> -> memref<16x128xf32, #tpu.memory_space<vmem>>
        %dma_start3A_659 = arith.constant 0 : i32
        %dma_start3A_660 = tpu.memref_slice %arg3[%dma_start3A_659, %multiple_of3A_655] : memref<16x1000000xf32, #tpu.memory_space<hbm>> -> memref<16x128xf32, #tpu.memory_space<hbm>>
        %dma_start3A_661 = arith.constant 0 : i32
        %dma_start3A_662 = arith.constant 0 : i32
        %dma_start3A_663 = tpu.memref_slice %arg6[%dma_start3A_661, %dma_start3A_662] : memref<768x128xf32, #tpu.memory_space<vmem>> -> memref<16x128xf32, #tpu.memory_space<vmem>>
        %dma_start3A_664 = arith.constant 0 : i32
        %dma_start3A_665 = tpu.memref_slice %arg3[%dma_start3A_664, %multiple_of3A_655] : memref<16x1000000xf32, #tpu.memory_space<hbm>> -> memref<16x128xf32, #tpu.memory_space<hbm>>
        tpu.enqueue_dma source(%dma_start3A_665 : memref<16x128xf32, #tpu.memory_space<hbm>>) target(%dma_start3A_663 : memref<16x128xf32, #tpu.memory_space<vmem>>) target_semaphore(%arg8 : memref<!tpu.dma_semaphore, #tpu.memory_space<semaphore_mem>>)
        %slice3A_666 = vector.extract_strided_slice %get3A_648 {offsets = [1], sizes = [1], strides = [1]} : vector<16xi32> to vector<1xi32>
        %squeeze3A_667 = vector.extract %slice3A_666[0] : i32 from vector<1xi32>
        %shift_right_arithmetic3A_668 = arith.constant 7 : i32
        %shift_right_arithmetic3A_669 = arith.shrsi %squeeze3A_667, %shift_right_arithmetic3A_668 : i32
        %mul3A_670 = arith.constant 128 : i32
        %mul3A_671 = arith.muli %shift_right_arithmetic3A_669, %mul3A_670 : i32
        %multiple_of3A_672 = tpu.assume_multiple %mul3A_671, 128 : i32
        %dma_start3A_673 = arith.constant 16 : i32
        %dma_start3A_674 = arith.constant 0 : i32
        %dma_start3A_675 = tpu.memref_slice %arg6[%dma_start3A_673, %dma_start3A_674] : memref<768x128xf32, #tpu.memory_space<vmem>> -> memref<16x128xf32, #tpu.memory_space<vmem>>
        %dma_start3A_676 = arith.constant 0 : i32
        %dma_start3A_677 = tpu.memref_slice %arg3[%dma_start3A_676, %multiple_of3A_672] : memref<16x1000000xf32, #tpu.memory_space<hbm>> -> memref<16x128xf32, #tpu.memory_space<hbm>>
        %dma_start3A_678 = arith.constant 16 : i32
        %dma_start3A_679 = arith.constant 0 : i32
        %dma_start3A_680 = tpu.memref_slice %arg6[%dma_start3A_678, %dma_start3A_679] : memref<768x128xf32, #tpu.memory_space<vmem>> -> memref<16x128xf32, #tpu.memory_space<vmem>>
        %dma_start3A_681 = arith.constant 0 : i32
        %dma_start3A_682 = tpu.memref_slice %arg3[%dma_start3A_681, %multiple_of3A_672] : memref<16x1000000xf32, #tpu.memory_space<hbm>> -> memref<16x128xf32, #tpu.memory_space<hbm>>
        tpu.enqueue_dma source(%dma_start3A_682 : memref<16x128xf32, #tpu.memory_space<hbm>>) target(%dma_start3A_680 : memref<16x128xf32, #tpu.memory_space<vmem>>) target_semaphore(%arg8 : memref<!tpu.dma_semaphore, #tpu.memory_space<semaphore_mem>>)
        %slice3A_683 = vector.extract_strided_slice %get3A_648 {offsets = [2], sizes = [1], strides = [1]} : vector<16xi32> to vector<1xi32>
        %squeeze3A_684 = vector.extract %slice3A_683[0] : i32 from vector<1xi32>
        %shift_right_arithmetic3A_685 = arith.constant 7 : i32
        %shift_right_arithmetic3A_686 = arith.shrsi %squeeze3A_684, %shift_right_arithmetic3A_685 : i32
        %mul3A_687 = arith.constant 128 : i32
        %mul3A_688 = arith.muli %shift_right_arithmetic3A_686, %mul3A_687 : i32
        %multiple_of3A_689 = tpu.assume_multiple %mul3A_688, 128 : i32
        %dma_start3A_690 = arith.constant 32 : i32
        %dma_start3A_691 = arith.constant 0 : i32
        %dma_start3A_692 = tpu.memref_slice %arg6[%dma_start3A_690, %dma_start3A_691] : memref<768x128xf32, #tpu.memory_space<vmem>> -> memref<16x128xf32, #tpu.memory_space<vmem>>
        %dma_start3A_693 = arith.constant 0 : i32
        %dma_start3A_694 = tpu.memref_slice %arg3[%dma_start3A_693, %multiple_of3A_689] : memref<16x1000000xf32, #tpu.memory_space<hbm>> -> memref<16x128xf32, #tpu.memory_space<hbm>>
        %dma_start3A_695 = arith.constant 32 : i32
        %dma_start3A_696 = arith.constant 0 : i32
        %dma_start3A_697 = tpu.memref_slice %arg6[%dma_start3A_695, %dma_start3A_696] : memref<768x128xf32, #tpu.memory_space<vmem>> -> memref<16x128xf32, #tpu.memory_space<vmem>>
        %dma_start3A_698 = arith.constant 0 : i32
        %dma_start3A_699 = tpu.memref_slice %arg3[%dma_start3A_698, %multiple_of3A_689] : memref<16x1000000xf32, #tpu.memory_space<hbm>> -> memref<16x128xf32, #tpu.memory_space<hbm>>
        tpu.enqueue_dma source(%dma_start3A_699 : memref<16x128xf32, #tpu.memory_space<hbm>>) target(%dma_start3A_697 : memref<16x128xf32, #tpu.memory_space<vmem>>) target_semaphore(%arg8 : memref<!tpu.dma_semaphore, #tpu.memory_space<semaphore_mem>>)
        %slice3A_700 = vector.extract_strided_slice %get3A_648 {offsets = [3], sizes = [1], strides = [1]} : vector<16xi32> to vector<1xi32>
        %squeeze3A_701 = vector.extract %slice3A_700[0] : i32 from vector<1xi32>
        %shift_right_arithmetic3A_702 = arith.constant 7 : i32
        %shift_right_arithmetic3A_703 = arith.shrsi %squeeze3A_701, %shift_right_arithmetic3A_702 : i32
        %mul3A_704 = arith.constant 128 : i32
        %mul3A_705 = arith.muli %shift_right_arithmetic3A_703, %mul3A_704 : i32
        %multiple_of3A_706 = tpu.assume_multiple %mul3A_705, 128 : i32
        %dma_start3A_707 = arith.constant 48 : i32
        %dma_start3A_708 = arith.constant 0 : i32
        %dma_start3A_709 = tpu.memref_slice %arg6[%dma_start3A_707, %dma_start3A_708] : memref<768x128xf32, #tpu.memory_space<vmem>> -> memref<16x128xf32, #tpu.memory_space<vmem>>
        %dma_start3A_710 = arith.constant 0 : i32
        %dma_start3A_711 = tpu.memref_slice %arg3[%dma_start3A_710, %multiple_of3A_706] : memref<16x1000000xf32, #tpu.memory_space<hbm>> -> memref<16x128xf32, #tpu.memory_space<hbm>>
        %dma_start3A_712 = arith.constant 48 : i32
        %dma_start3A_713 = arith.constant 0 : i32
        %dma_start3A_714 = tpu.memref_slice %arg6[%dma_start3A_712, %dma_start3A_713] : memref<768x128xf32, #tpu.memory_space<vmem>> -> memref<16x128xf32, #tpu.memory_space<vmem>>
        %dma_start3A_715 = arith.constant 0 : i32
        %dma_start3A_716 = tpu.memref_slice %arg3[%dma_start3A_715, %multiple_of3A_706] : memref<16x1000000xf32, #tpu.memory_space<hbm>> -> memref<16x128xf32, #tpu.memory_space<hbm>>
        tpu.enqueue_dma source(%dma_start3A_716 : memref<16x128xf32, #tpu.memory_space<hbm>>) target(%dma_start3A_714 : memref<16x128xf32, #tpu.memory_space<vmem>>) target_semaphore(%arg8 : memref<!tpu.dma_semaphore, #tpu.memory_space<semaphore_mem>>)
        %slice3A_717 = vector.extract_strided_slice %get3A_648 {offsets = [4], sizes = [1], strides = [1]} : vector<16xi32> to vector<1xi32>
        %squeeze3A_718 = vector.extract %slice3A_717[0] : i32 from vector<1xi32>
        %shift_right_arithmetic3A_719 = arith.constant 7 : i32
        %shift_right_arithmetic3A_720 = arith.shrsi %squeeze3A_718, %shift_right_arithmetic3A_719 : i32
        %mul3A_721 = arith.constant 128 : i32
        %mul3A_722 = arith.muli %shift_right_arithmetic3A_720, %mul3A_721 : i32
        %multiple_of3A_723 = tpu.assume_multiple %mul3A_722, 128 : i32
        %dma_start3A_724 = arith.constant 64 : i32
        %dma_start3A_725 = arith.constant 0 : i32
        %dma_start3A_726 = tpu.memref_slice %arg6[%dma_start3A_724, %dma_start3A_725] : memref<768x128xf32, #tpu.memory_space<vmem>> -> memref<16x128xf32, #tpu.memory_space<vmem>>
        %dma_start3A_727 = arith.constant 0 : i32
        %dma_start3A_728 = tpu.memref_slice %arg3[%dma_start3A_727, %multiple_of3A_723] : memref<16x1000000xf32, #tpu.memory_space<hbm>> -> memref<16x128xf32, #tpu.memory_space<hbm>>
        %dma_start3A_729 = arith.constant 64 : i32
        %dma_start3A_730 = arith.constant 0 : i32
        %dma_start3A_731 = tpu.memref_slice %arg6[%dma_start3A_729, %dma_start3A_730] : memref<768x128xf32, #tpu.memory_space<vmem>> -> memref<16x128xf32, #tpu.memory_space<vmem>>
        %dma_start3A_732 = arith.constant 0 : i32
        %dma_start3A_733 = tpu.memref_slice %arg3[%dma_start3A_732, %multiple_of3A_723] : memref<16x1000000xf32, #tpu.memory_space<hbm>> -> memref<16x128xf32, #tpu.memory_space<hbm>>
        tpu.enqueue_dma source(%dma_start3A_733 : memref<16x128xf32, #tpu.memory_space<hbm>>) target(%dma_start3A_731 : memref<16x128xf32, #tpu.memory_space<vmem>>) target_semaphore(%arg8 : memref<!tpu.dma_semaphore, #tpu.memory_space<semaphore_mem>>)
        %slice3A_734 = vector.extract_strided_slice %get3A_648 {offsets = [5], sizes = [1], strides = [1]} : vector<16xi32> to vector<1xi32>
        %squeeze3A_735 = vector.extract %slice3A_734[0] : i32 from vector<1xi32>
        %shift_right_arithmetic3A_736 = arith.constant 7 : i32
        %shift_right_arithmetic3A_737 = arith.shrsi %squeeze3A_735, %shift_right_arithmetic3A_736 : i32
        %mul3A_738 = arith.constant 128 : i32
        %mul3A_739 = arith.muli %shift_right_arithmetic3A_737, %mul3A_738 : i32
        %multiple_of3A_740 = tpu.assume_multiple %mul3A_739, 128 : i32
        %dma_start3A_741 = arith.constant 80 : i32
        %dma_start3A_742 = arith.constant 0 : i32
        %dma_start3A_743 = tpu.memref_slice %arg6[%dma_start3A_741, %dma_start3A_742] : memref<768x128xf32, #tpu.memory_space<vmem>> -> memref<16x128xf32, #tpu.memory_space<vmem>>
        %dma_start3A_744 = arith.constant 0 : i32
        %dma_start3A_745 = tpu.memref_slice %arg3[%dma_start3A_744, %multiple_of3A_740] : memref<16x1000000xf32, #tpu.memory_space<hbm>> -> memref<16x128xf32, #tpu.memory_space<hbm>>
        %dma_start3A_746 = arith.constant 80 : i32
        %dma_start3A_747 = arith.constant 0 : i32
        %dma_start3A_748 = tpu.memref_slice %arg6[%dma_start3A_746, %dma_start3A_747] : memref<768x128xf32, #tpu.memory_space<vmem>> -> memref<16x128xf32, #tpu.memory_space<vmem>>
        %dma_start3A_749 = arith.constant 0 : i32
        %dma_start3A_750 = tpu.memref_slice %arg3[%dma_start3A_749, %multiple_of3A_740] : memref<16x1000000xf32, #tpu.memory_space<hbm>> -> memref<16x128xf32, #tpu.memory_space<hbm>>
        tpu.enqueue_dma source(%dma_start3A_750 : memref<16x128xf32, #tpu.memory_space<hbm>>) target(%dma_start3A_748 : memref<16x128xf32, #tpu.memory_space<vmem>>) target_semaphore(%arg8 : memref<!tpu.dma_semaphore, #tpu.memory_space<semaphore_mem>>)
        %slice3A_751 = vector.extract_strided_slice %get3A_648 {offsets = [6], sizes = [1], strides = [1]} : vector<16xi32> to vector<1xi32>
        %squeeze3A_752 = vector.extract %slice3A_751[0] : i32 from vector<1xi32>
        %shift_right_arithmetic3A_753 = arith.constant 7 : i32
        %shift_right_arithmetic3A_754 = arith.shrsi %squeeze3A_752, %shift_right_arithmetic3A_753 : i32
        %mul3A_755 = arith.constant 128 : i32
        %mul3A_756 = arith.muli %shift_right_arithmetic3A_754, %mul3A_755 : i32
        %multiple_of3A_757 = tpu.assume_multiple %mul3A_756, 128 : i32
        %dma_start3A_758 = arith.constant 96 : i32
        %dma_start3A_759 = arith.constant 0 : i32
        %dma_start3A_760 = tpu.memref_slice %arg6[%dma_start3A_758, %dma_start3A_759] : memref<768x128xf32, #tpu.memory_space<vmem>> -> memref<16x128xf32, #tpu.memory_space<vmem>>
        %dma_start3A_761 = arith.constant 0 : i32
        %dma_start3A_762 = tpu.memref_slice %arg3[%dma_start3A_761, %multiple_of3A_757] : memref<16x1000000xf32, #tpu.memory_space<hbm>> -> memref<16x128xf32, #tpu.memory_space<hbm>>
        %dma_start3A_763 = arith.constant 96 : i32
        %dma_start3A_764 = arith.constant 0 : i32
        %dma_start3A_765 = tpu.memref_slice %arg6[%dma_start3A_763, %dma_start3A_764] : memref<768x128xf32, #tpu.memory_space<vmem>> -> memref<16x128xf32, #tpu.memory_space<vmem>>
        %dma_start3A_766 = arith.constant 0 : i32
        %dma_start3A_767 = tpu.memref_slice %arg3[%dma_start3A_766, %multiple_of3A_757] : memref<16x1000000xf32, #tpu.memory_space<hbm>> -> memref<16x128xf32, #tpu.memory_space<hbm>>
        tpu.enqueue_dma source(%dma_start3A_767 : memref<16x128xf32, #tpu.memory_space<hbm>>) target(%dma_start3A_765 : memref<16x128xf32, #tpu.memory_space<vmem>>) target_semaphore(%arg8 : memref<!tpu.dma_semaphore, #tpu.memory_space<semaphore_mem>>)
        %slice3A_768 = vector.extract_strided_slice %get3A_648 {offsets = [7], sizes = [1], strides = [1]} : vector<16xi32> to vector<1xi32>
        %squeeze3A_769 = vector.extract %slice3A_768[0] : i32 from vector<1xi32>
        %shift_right_arithmetic3A_770 = arith.constant 7 : i32
        %shift_right_arithmetic3A_771 = arith.shrsi %squeeze3A_769, %shift_right_arithmetic3A_770 : i32
        %mul3A_772 = arith.constant 128 : i32
        %mul3A_773 = arith.muli %shift_right_arithmetic3A_771, %mul3A_772 : i32
        %multiple_of3A_774 = tpu.assume_multiple %mul3A_773, 128 : i32
        %dma_start3A_775 = arith.constant 112 : i32
        %dma_start3A_776 = arith.constant 0 : i32
        %dma_start3A_777 = tpu.memref_slice %arg6[%dma_start3A_775, %dma_start3A_776] : memref<768x128xf32, #tpu.memory_space<vmem>> -> memref<16x128xf32, #tpu.memory_space<vmem>>
        %dma_start3A_778 = arith.constant 0 : i32
        %dma_start3A_779 = tpu.memref_slice %arg3[%dma_start3A_778, %multiple_of3A_774] : memref<16x1000000xf32, #tpu.memory_space<hbm>> -> memref<16x128xf32, #tpu.memory_space<hbm>>
        %dma_start3A_780 = arith.constant 112 : i32
        %dma_start3A_781 = arith.constant 0 : i32
        %dma_start3A_782 = tpu.memref_slice %arg6[%dma_start3A_780, %dma_start3A_781] : memref<768x128xf32, #tpu.memory_space<vmem>> -> memref<16x128xf32, #tpu.memory_space<vmem>>
        %dma_start3A_783 = arith.constant 0 : i32
        %dma_start3A_784 = tpu.memref_slice %arg3[%dma_start3A_783, %multiple_of3A_774] : memref<16x1000000xf32, #tpu.memory_space<hbm>> -> memref<16x128xf32, #tpu.memory_space<hbm>>
        tpu.enqueue_dma source(%dma_start3A_784 : memref<16x128xf32, #tpu.memory_space<hbm>>) target(%dma_start3A_782 : memref<16x128xf32, #tpu.memory_space<vmem>>) target_semaphore(%arg8 : memref<!tpu.dma_semaphore, #tpu.memory_space<semaphore_mem>>)
        %slice3A_785 = vector.extract_strided_slice %get3A_648 {offsets = [8], sizes = [1], strides = [1]} : vector<16xi32> to vector<1xi32>
        %squeeze3A_786 = vector.extract %slice3A_785[0] : i32 from vector<1xi32>
        %shift_right_arithmetic3A_787 = arith.constant 7 : i32
        %shift_right_arithmetic3A_788 = arith.shrsi %squeeze3A_786, %shift_right_arithmetic3A_787 : i32
        %mul3A_789 = arith.constant 128 : i32
        %mul3A_790 = arith.muli %shift_right_arithmetic3A_788, %mul3A_789 : i32
        %multiple_of3A_791 = tpu.assume_multiple %mul3A_790, 128 : i32
        %dma_start3A_792 = arith.constant 128 : i32
        %dma_start3A_793 = arith.constant 0 : i32
        %dma_start3A_794 = tpu.memref_slice %arg6[%dma_start3A_792, %dma_start3A_793] : memref<768x128xf32, #tpu.memory_space<vmem>> -> memref<16x128xf32, #tpu.memory_space<vmem>>
        %dma_start3A_795 = arith.constant 0 : i32
        %dma_start3A_796 = tpu.memref_slice %arg3[%dma_start3A_795, %multiple_of3A_791] : memref<16x1000000xf32, #tpu.memory_space<hbm>> -> memref<16x128xf32, #tpu.memory_space<hbm>>
        %dma_start3A_797 = arith.constant 128 : i32
        %dma_start3A_798 = arith.constant 0 : i32
        %dma_start3A_799 = tpu.memref_slice %arg6[%dma_start3A_797, %dma_start3A_798] : memref<768x128xf32, #tpu.memory_space<vmem>> -> memref<16x128xf32, #tpu.memory_space<vmem>>
        %dma_start3A_800 = arith.constant 0 : i32
        %dma_start3A_801 = tpu.memref_slice %arg3[%dma_start3A_800, %multiple_of3A_791] : memref<16x1000000xf32, #tpu.memory_space<hbm>> -> memref<16x128xf32, #tpu.memory_space<hbm>>
        tpu.enqueue_dma source(%dma_start3A_801 : memref<16x128xf32, #tpu.memory_space<hbm>>) target(%dma_start3A_799 : memref<16x128xf32, #tpu.memory_space<vmem>>) target_semaphore(%arg8 : memref<!tpu.dma_semaphore, #tpu.memory_space<semaphore_mem>>)
        %slice3A_802 = vector.extract_strided_slice %get3A_648 {offsets = [9], sizes = [1], strides = [1]} : vector<16xi32> to vector<1xi32>
        %squeeze3A_803 = vector.extract %slice3A_802[0] : i32 from vector<1xi32>
        %shift_right_arithmetic3A_804 = arith.constant 7 : i32
        %shift_right_arithmetic3A_805 = arith.shrsi %squeeze3A_803, %shift_right_arithmetic3A_804 : i32
        %mul3A_806 = arith.constant 128 : i32
        %mul3A_807 = arith.muli %shift_right_arithmetic3A_805, %mul3A_806 : i32
        %multiple_of3A_808 = tpu.assume_multiple %mul3A_807, 128 : i32
        %dma_start3A_809 = arith.constant 144 : i32
        %dma_start3A_810 = arith.constant 0 : i32
        %dma_start3A_811 = tpu.memref_slice %arg6[%dma_start3A_809, %dma_start3A_810] : memref<768x128xf32, #tpu.memory_space<vmem>> -> memref<16x128xf32, #tpu.memory_space<vmem>>
        %dma_start3A_812 = arith.constant 0 : i32
        %dma_start3A_813 = tpu.memref_slice %arg3[%dma_start3A_812, %multiple_of3A_808] : memref<16x1000000xf32, #tpu.memory_space<hbm>> -> memref<16x128xf32, #tpu.memory_space<hbm>>
        %dma_start3A_814 = arith.constant 144 : i32
        %dma_start3A_815 = arith.constant 0 : i32
        %dma_start3A_816 = tpu.memref_slice %arg6[%dma_start3A_814, %dma_start3A_815] : memref<768x128xf32, #tpu.memory_space<vmem>> -> memref<16x128xf32, #tpu.memory_space<vmem>>
        %dma_start3A_817 = arith.constant 0 : i32
        %dma_start3A_818 = tpu.memref_slice %arg3[%dma_start3A_817, %multiple_of3A_808] : memref<16x1000000xf32, #tpu.memory_space<hbm>> -> memref<16x128xf32, #tpu.memory_space<hbm>>
        tpu.enqueue_dma source(%dma_start3A_818 : memref<16x128xf32, #tpu.memory_space<hbm>>) target(%dma_start3A_816 : memref<16x128xf32, #tpu.memory_space<vmem>>) target_semaphore(%arg8 : memref<!tpu.dma_semaphore, #tpu.memory_space<semaphore_mem>>)
        %slice3A_819 = vector.extract_strided_slice %get3A_648 {offsets = [10], sizes = [1], strides = [1]} : vector<16xi32> to vector<1xi32>
        %squeeze3A_820 = vector.extract %slice3A_819[0] : i32 from vector<1xi32>
        %shift_right_arithmetic3A_821 = arith.constant 7 : i32
        %shift_right_arithmetic3A_822 = arith.shrsi %squeeze3A_820, %shift_right_arithmetic3A_821 : i32
        %mul3A_823 = arith.constant 128 : i32
        %mul3A_824 = arith.muli %shift_right_arithmetic3A_822, %mul3A_823 : i32
        %multiple_of3A_825 = tpu.assume_multiple %mul3A_824, 128 : i32
        %dma_start3A_826 = arith.constant 160 : i32
        %dma_start3A_827 = arith.constant 0 : i32
        %dma_start3A_828 = tpu.memref_slice %arg6[%dma_start3A_826, %dma_start3A_827] : memref<768x128xf32, #tpu.memory_space<vmem>> -> memref<16x128xf32, #tpu.memory_space<vmem>>
        %dma_start3A_829 = arith.constant 0 : i32
        %dma_start3A_830 = tpu.memref_slice %arg3[%dma_start3A_829, %multiple_of3A_825] : memref<16x1000000xf32, #tpu.memory_space<hbm>> -> memref<16x128xf32, #tpu.memory_space<hbm>>
        %dma_start3A_831 = arith.constant 160 : i32
        %dma_start3A_832 = arith.constant 0 : i32
        %dma_start3A_833 = tpu.memref_slice %arg6[%dma_start3A_831, %dma_start3A_832] : memref<768x128xf32, #tpu.memory_space<vmem>> -> memref<16x128xf32, #tpu.memory_space<vmem>>
        %dma_start3A_834 = arith.constant 0 : i32
        %dma_start3A_835 = tpu.memref_slice %arg3[%dma_start3A_834, %multiple_of3A_825] : memref<16x1000000xf32, #tpu.memory_space<hbm>> -> memref<16x128xf32, #tpu.memory_space<hbm>>
        tpu.enqueue_dma source(%dma_start3A_835 : memref<16x128xf32, #tpu.memory_space<hbm>>) target(%dma_start3A_833 : memref<16x128xf32, #tpu.memory_space<vmem>>) target_semaphore(%arg8 : memref<!tpu.dma_semaphore, #tpu.memory_space<semaphore_mem>>)
        %slice3A_836 = vector.extract_strided_slice %get3A_648 {offsets = [11], sizes = [1], strides = [1]} : vector<16xi32> to vector<1xi32>
        %squeeze3A_837 = vector.extract %slice3A_836[0] : i32 from vector<1xi32>
        %shift_right_arithmetic3A_838 = arith.constant 7 : i32
        %shift_right_arithmetic3A_839 = arith.shrsi %squeeze3A_837, %shift_right_arithmetic3A_838 : i32
        %mul3A_840 = arith.constant 128 : i32
        %mul3A_841 = arith.muli %shift_right_arithmetic3A_839, %mul3A_840 : i32
        %multiple_of3A_842 = tpu.assume_multiple %mul3A_841, 128 : i32
        %dma_start3A_843 = arith.constant 176 : i32
        %dma_start3A_844 = arith.constant 0 : i32
        %dma_start3A_845 = tpu.memref_slice %arg6[%dma_start3A_843, %dma_start3A_844] : memref<768x128xf32, #tpu.memory_space<vmem>> -> memref<16x128xf32, #tpu.memory_space<vmem>>
        %dma_start3A_846 = arith.constant 0 : i32
        %dma_start3A_847 = tpu.memref_slice %arg3[%dma_start3A_846, %multiple_of3A_842] : memref<16x1000000xf32, #tpu.memory_space<hbm>> -> memref<16x128xf32, #tpu.memory_space<hbm>>
        %dma_start3A_848 = arith.constant 176 : i32
        %dma_start3A_849 = arith.constant 0 : i32
        %dma_start3A_850 = tpu.memref_slice %arg6[%dma_start3A_848, %dma_start3A_849] : memref<768x128xf32, #tpu.memory_space<vmem>> -> memref<16x128xf32, #tpu.memory_space<vmem>>
        %dma_start3A_851 = arith.constant 0 : i32
        %dma_start3A_852 = tpu.memref_slice %arg3[%dma_start3A_851, %multiple_of3A_842] : memref<16x1000000xf32, #tpu.memory_space<hbm>> -> memref<16x128xf32, #tpu.memory_space<hbm>>
        tpu.enqueue_dma source(%dma_start3A_852 : memref<16x128xf32, #tpu.memory_space<hbm>>) target(%dma_start3A_850 : memref<16x128xf32, #tpu.memory_space<vmem>>) target_semaphore(%arg8 : memref<!tpu.dma_semaphore, #tpu.memory_space<semaphore_mem>>)
        %slice3A_853 = vector.extract_strided_slice %get3A_648 {offsets = [12], sizes = [1], strides = [1]} : vector<16xi32> to vector<1xi32>
        %squeeze3A_854 = vector.extract %slice3A_853[0] : i32 from vector<1xi32>
        %shift_right_arithmetic3A_855 = arith.constant 7 : i32
        %shift_right_arithmetic3A_856 = arith.shrsi %squeeze3A_854, %shift_right_arithmetic3A_855 : i32
        %mul3A_857 = arith.constant 128 : i32
        %mul3A_858 = arith.muli %shift_right_arithmetic3A_856, %mul3A_857 : i32
        %multiple_of3A_859 = tpu.assume_multiple %mul3A_858, 128 : i32
        %dma_start3A_860 = arith.constant 192 : i32
        %dma_start3A_861 = arith.constant 0 : i32
        %dma_start3A_862 = tpu.memref_slice %arg6[%dma_start3A_860, %dma_start3A_861] : memref<768x128xf32, #tpu.memory_space<vmem>> -> memref<16x128xf32, #tpu.memory_space<vmem>>
        %dma_start3A_863 = arith.constant 0 : i32
        %dma_start3A_864 = tpu.memref_slice %arg3[%dma_start3A_863, %multiple_of3A_859] : memref<16x1000000xf32, #tpu.memory_space<hbm>> -> memref<16x128xf32, #tpu.memory_space<hbm>>
        %dma_start3A_865 = arith.constant 192 : i32
        %dma_start3A_866 = arith.constant 0 : i32
        %dma_start3A_867 = tpu.memref_slice %arg6[%dma_start3A_865, %dma_start3A_866] : memref<768x128xf32, #tpu.memory_space<vmem>> -> memref<16x128xf32, #tpu.memory_space<vmem>>
        %dma_start3A_868 = arith.constant 0 : i32
        %dma_start3A_869 = tpu.memref_slice %arg3[%dma_start3A_868, %multiple_of3A_859] : memref<16x1000000xf32, #tpu.memory_space<hbm>> -> memref<16x128xf32, #tpu.memory_space<hbm>>
        tpu.enqueue_dma source(%dma_start3A_869 : memref<16x128xf32, #tpu.memory_space<hbm>>) target(%dma_start3A_867 : memref<16x128xf32, #tpu.memory_space<vmem>>) target_semaphore(%arg8 : memref<!tpu.dma_semaphore, #tpu.memory_space<semaphore_mem>>)
        %slice3A_870 = vector.extract_strided_slice %get3A_648 {offsets = [13], sizes = [1], strides = [1]} : vector<16xi32> to vector<1xi32>
        %squeeze3A_871 = vector.extract %slice3A_870[0] : i32 from vector<1xi32>
        %shift_right_arithmetic3A_872 = arith.constant 7 : i32
        %shift_right_arithmetic3A_873 = arith.shrsi %squeeze3A_871, %shift_right_arithmetic3A_872 : i32
        %mul3A_874 = arith.constant 128 : i32
        %mul3A_875 = arith.muli %shift_right_arithmetic3A_873, %mul3A_874 : i32
        %multiple_of3A_876 = tpu.assume_multiple %mul3A_875, 128 : i32
        %dma_start3A_877 = arith.constant 208 : i32
        %dma_start3A_878 = arith.constant 0 : i32
        %dma_start3A_879 = tpu.memref_slice %arg6[%dma_start3A_877, %dma_start3A_878] : memref<768x128xf32, #tpu.memory_space<vmem>> -> memref<16x128xf32, #tpu.memory_space<vmem>>
        %dma_start3A_880 = arith.constant 0 : i32
        %dma_start3A_881 = tpu.memref_slice %arg3[%dma_start3A_880, %multiple_of3A_876] : memref<16x1000000xf32, #tpu.memory_space<hbm>> -> memref<16x128xf32, #tpu.memory_space<hbm>>
        %dma_start3A_882 = arith.constant 208 : i32
        %dma_start3A_883 = arith.constant 0 : i32
        %dma_start3A_884 = tpu.memref_slice %arg6[%dma_start3A_882, %dma_start3A_883] : memref<768x128xf32, #tpu.memory_space<vmem>> -> memref<16x128xf32, #tpu.memory_space<vmem>>
        %dma_start3A_885 = arith.constant 0 : i32
        %dma_start3A_886 = tpu.memref_slice %arg3[%dma_start3A_885, %multiple_of3A_876] : memref<16x1000000xf32, #tpu.memory_space<hbm>> -> memref<16x128xf32, #tpu.memory_space<hbm>>
        tpu.enqueue_dma source(%dma_start3A_886 : memref<16x128xf32, #tpu.memory_space<hbm>>) target(%dma_start3A_884 : memref<16x128xf32, #tpu.memory_space<vmem>>) target_semaphore(%arg8 : memref<!tpu.dma_semaphore, #tpu.memory_space<semaphore_mem>>)
        %slice3A_887 = vector.extract_strided_slice %get3A_648 {offsets = [14], sizes = [1], strides = [1]} : vector<16xi32> to vector<1xi32>
        %squeeze3A_888 = vector.extract %slice3A_887[0] : i32 from vector<1xi32>
        %shift_right_arithmetic3A_889 = arith.constant 7 : i32
        %shift_right_arithmetic3A_890 = arith.shrsi %squeeze3A_888, %shift_right_arithmetic3A_889 : i32
        %mul3A_891 = arith.constant 128 : i32
        %mul3A_892 = arith.muli %shift_right_arithmetic3A_890, %mul3A_891 : i32
        %multiple_of3A_893 = tpu.assume_multiple %mul3A_892, 128 : i32
        %dma_start3A_894 = arith.constant 224 : i32
        %dma_start3A_895 = arith.constant 0 : i32
        %dma_start3A_896 = tpu.memref_slice %arg6[%dma_start3A_894, %dma_start3A_895] : memref<768x128xf32, #tpu.memory_space<vmem>> -> memref<16x128xf32, #tpu.memory_space<vmem>>
        %dma_start3A_897 = arith.constant 0 : i32
        %dma_start3A_898 = tpu.memref_slice %arg3[%dma_start3A_897, %multiple_of3A_893] : memref<16x1000000xf32, #tpu.memory_space<hbm>> -> memref<16x128xf32, #tpu.memory_space<hbm>>
        %dma_start3A_899 = arith.constant 224 : i32
        %dma_start3A_900 = arith.constant 0 : i32
        %dma_start3A_901 = tpu.memref_slice %arg6[%dma_start3A_899, %dma_start3A_900] : memref<768x128xf32, #tpu.memory_space<vmem>> -> memref<16x128xf32, #tpu.memory_space<vmem>>
        %dma_start3A_902 = arith.constant 0 : i32
        %dma_start3A_903 = tpu.memref_slice %arg3[%dma_start3A_902, %multiple_of3A_893] : memref<16x1000000xf32, #tpu.memory_space<hbm>> -> memref<16x128xf32, #tpu.memory_space<hbm>>
        tpu.enqueue_dma source(%dma_start3A_903 : memref<16x128xf32, #tpu.memory_space<hbm>>) target(%dma_start3A_901 : memref<16x128xf32, #tpu.memory_space<vmem>>) target_semaphore(%arg8 : memref<!tpu.dma_semaphore, #tpu.memory_space<semaphore_mem>>)
        %slice3A_904 = vector.extract_strided_slice %get3A_648 {offsets = [15], sizes = [1], strides = [1]} : vector<16xi32> to vector<1xi32>
        %squeeze3A_905 = vector.extract %slice3A_904[0] : i32 from vector<1xi32>
        %shift_right_arithmetic3A_906 = arith.constant 7 : i32
        %shift_right_arithmetic3A_907 = arith.shrsi %squeeze3A_905, %shift_right_arithmetic3A_906 : i32
        %mul3A_908 = arith.constant 128 : i32
        %mul3A_909 = arith.muli %shift_right_arithmetic3A_907, %mul3A_908 : i32
        %multiple_of3A_910 = tpu.assume_multiple %mul3A_909, 128 : i32
        %dma_start3A_911 = arith.constant 240 : i32
        %dma_start3A_912 = arith.constant 0 : i32
        %dma_start3A_913 = tpu.memref_slice %arg6[%dma_start3A_911, %dma_start3A_912] : memref<768x128xf32, #tpu.memory_space<vmem>> -> memref<16x128xf32, #tpu.memory_space<vmem>>
        %dma_start3A_914 = arith.constant 0 : i32
        %dma_start3A_915 = tpu.memref_slice %arg3[%dma_start3A_914, %multiple_of3A_910] : memref<16x1000000xf32, #tpu.memory_space<hbm>> -> memref<16x128xf32, #tpu.memory_space<hbm>>
        %dma_start3A_916 = arith.constant 240 : i32
        %dma_start3A_917 = arith.constant 0 : i32
        %dma_start3A_918 = tpu.memref_slice %arg6[%dma_start3A_916, %dma_start3A_917] : memref<768x128xf32, #tpu.memory_space<vmem>> -> memref<16x128xf32, #tpu.memory_space<vmem>>
        %dma_start3A_919 = arith.constant 0 : i32
        %dma_start3A_920 = tpu.memref_slice %arg3[%dma_start3A_919, %multiple_of3A_910] : memref<16x1000000xf32, #tpu.memory_space<hbm>> -> memref<16x128xf32, #tpu.memory_space<hbm>>
        tpu.enqueue_dma source(%dma_start3A_920 : memref<16x128xf32, #tpu.memory_space<hbm>>) target(%dma_start3A_918 : memref<16x128xf32, #tpu.memory_space<vmem>>) target_semaphore(%arg8 : memref<!tpu.dma_semaphore, #tpu.memory_space<semaphore_mem>>)
      } else {
      }
      %lt3A_622 = arith.constant 32 : i32
      %lt3A_623 = arith.cmpi slt, %add3A_614, %lt3A_622 : i32
      %convert_element_type3A_624 = arith.extui %lt3A_623 : i1 to i32
      %cond3A_625 = arith.constant 0 : i32
      %cond3A_626 = arith.cmpi ne, %convert_element_type3A_624, %cond3A_625 : i32
      scf.if %cond3A_626 {
        %dma_wait3A_643 = arith.constant 256 : i32
        %dma_wait3A_644 = arith.constant 0 : i32
        %dma_wait3A_645 = tpu.memref_slice %arg6[%dma_wait3A_643, %dma_wait3A_644] : memref<768x128xf32, #tpu.memory_space<vmem>> -> memref<16x128xf32, #tpu.memory_space<vmem>>
        %dma_wait3A_646 = arith.constant 0 : i32
        %dma_wait3A_647 = arith.constant 0 : i32
        %dma_wait3A_648 = tpu.memref_slice %arg3[%dma_wait3A_646, %dma_wait3A_647] : memref<16x1000000xf32, #tpu.memory_space<hbm>> -> memref<16x128xf32, #tpu.memory_space<hbm>>
        %dma_wait3A_649 = arith.constant 256 : i32
        %dma_wait3A_650 = arith.constant 0 : i32
        %dma_wait3A_651 = tpu.memref_slice %arg6[%dma_wait3A_649, %dma_wait3A_650] : memref<768x128xf32, #tpu.memory_space<vmem>> -> memref<16x128xf32, #tpu.memory_space<vmem>>
        %dma_wait3A_652 = arith.constant 0 : i32
        %dma_wait3A_653 = arith.constant 0 : i32
        %dma_wait3A_654 = tpu.memref_slice %arg3[%dma_wait3A_652, %dma_wait3A_653] : memref<16x1000000xf32, #tpu.memory_space<hbm>> -> memref<16x128xf32, #tpu.memory_space<hbm>>
        tpu.wait_dma2 semaphore(%arg9 : memref<!tpu.dma_semaphore, #tpu.memory_space<semaphore_mem>>) src(%dma_wait3A_654 : memref<16x128xf32, #tpu.memory_space<hbm>>) dst(%dma_wait3A_651 : memref<16x128xf32, #tpu.memory_space<vmem>>)
        %dma_wait3A_655 = arith.constant 272 : i32
        %dma_wait3A_656 = arith.constant 0 : i32
        %dma_wait3A_657 = tpu.memref_slice %arg6[%dma_wait3A_655, %dma_wait3A_656] : memref<768x128xf32, #tpu.memory_space<vmem>> -> memref<16x128xf32, #tpu.memory_space<vmem>>
        %dma_wait3A_658 = arith.constant 0 : i32
        %dma_wait3A_659 = arith.constant 0 : i32
        %dma_wait3A_660 = tpu.memref_slice %arg3[%dma_wait3A_658, %dma_wait3A_659] : memref<16x1000000xf32, #tpu.memory_space<hbm>> -> memref<16x128xf32, #tpu.memory_space<hbm>>
        %dma_wait3A_661 = arith.constant 272 : i32
        %dma_wait3A_662 = arith.constant 0 : i32
        %dma_wait3A_663 = tpu.memref_slice %arg6[%dma_wait3A_661, %dma_wait3A_662] : memref<768x128xf32, #tpu.memory_space<vmem>> -> memref<16x128xf32, #tpu.memory_space<vmem>>
        %dma_wait3A_664 = arith.constant 0 : i32
        %dma_wait3A_665 = arith.constant 0 : i32
        %dma_wait3A_666 = tpu.memref_slice %arg3[%dma_wait3A_664, %dma_wait3A_665] : memref<16x1000000xf32, #tpu.memory_space<hbm>> -> memref<16x128xf32, #tpu.memory_space<hbm>>
        tpu.wait_dma2 semaphore(%arg9 : memref<!tpu.dma_semaphore, #tpu.memory_space<semaphore_mem>>) src(%dma_wait3A_666 : memref<16x128xf32, #tpu.memory_space<hbm>>) dst(%dma_wait3A_663 : memref<16x128xf32, #tpu.memory_space<vmem>>)
        %dma_wait3A_667 = arith.constant 288 : i32
        %dma_wait3A_668 = arith.constant 0 : i32
        %dma_wait3A_669 = tpu.memref_slice %arg6[%dma_wait3A_667, %dma_wait3A_668] : memref<768x128xf32, #tpu.memory_space<vmem>> -> memref<16x128xf32, #tpu.memory_space<vmem>>
        %dma_wait3A_670 = arith.constant 0 : i32
        %dma_wait3A_671 = arith.constant 0 : i32
        %dma_wait3A_672 = tpu.memref_slice %arg3[%dma_wait3A_670, %dma_wait3A_671] : memref<16x1000000xf32, #tpu.memory_space<hbm>> -> memref<16x128xf32, #tpu.memory_space<hbm>>
        %dma_wait3A_673 = arith.constant 288 : i32
        %dma_wait3A_674 = arith.constant 0 : i32
        %dma_wait3A_675 = tpu.memref_slice %arg6[%dma_wait3A_673, %dma_wait3A_674] : memref<768x128xf32, #tpu.memory_space<vmem>> -> memref<16x128xf32, #tpu.memory_space<vmem>>
        %dma_wait3A_676 = arith.constant 0 : i32
        %dma_wait3A_677 = arith.constant 0 : i32
        %dma_wait3A_678 = tpu.memref_slice %arg3[%dma_wait3A_676, %dma_wait3A_677] : memref<16x1000000xf32, #tpu.memory_space<hbm>> -> memref<16x128xf32, #tpu.memory_space<hbm>>
        tpu.wait_dma2 semaphore(%arg9 : memref<!tpu.dma_semaphore, #tpu.memory_space<semaphore_mem>>) src(%dma_wait3A_678 : memref<16x128xf32, #tpu.memory_space<hbm>>) dst(%dma_wait3A_675 : memref<16x128xf32, #tpu.memory_space<vmem>>)
        %dma_wait3A_679 = arith.constant 304 : i32
        %dma_wait3A_680 = arith.constant 0 : i32
        %dma_wait3A_681 = tpu.memref_slice %arg6[%dma_wait3A_679, %dma_wait3A_680] : memref<768x128xf32, #tpu.memory_space<vmem>> -> memref<16x128xf32, #tpu.memory_space<vmem>>
        %dma_wait3A_682 = arith.constant 0 : i32
        %dma_wait3A_683 = arith.constant 0 : i32
        %dma_wait3A_684 = tpu.memref_slice %arg3[%dma_wait3A_682, %dma_wait3A_683] : memref<16x1000000xf32, #tpu.memory_space<hbm>> -> memref<16x128xf32, #tpu.memory_space<hbm>>
        %dma_wait3A_685 = arith.constant 304 : i32
        %dma_wait3A_686 = arith.constant 0 : i32
        %dma_wait3A_687 = tpu.memref_slice %arg6[%dma_wait3A_685, %dma_wait3A_686] : memref<768x128xf32, #tpu.memory_space<vmem>> -> memref<16x128xf32, #tpu.memory_space<vmem>>
        %dma_wait3A_688 = arith.constant 0 : i32
        %dma_wait3A_689 = arith.constant 0 : i32
        %dma_wait3A_690 = tpu.memref_slice %arg3[%dma_wait3A_688, %dma_wait3A_689] : memref<16x1000000xf32, #tpu.memory_space<hbm>> -> memref<16x128xf32, #tpu.memory_space<hbm>>
        tpu.wait_dma2 semaphore(%arg9 : memref<!tpu.dma_semaphore, #tpu.memory_space<semaphore_mem>>) src(%dma_wait3A_690 : memref<16x128xf32, #tpu.memory_space<hbm>>) dst(%dma_wait3A_687 : memref<16x128xf32, #tpu.memory_space<vmem>>)
        %dma_wait3A_691 = arith.constant 320 : i32
        %dma_wait3A_692 = arith.constant 0 : i32
        %dma_wait3A_693 = tpu.memref_slice %arg6[%dma_wait3A_691, %dma_wait3A_692] : memref<768x128xf32, #tpu.memory_space<vmem>> -> memref<16x128xf32, #tpu.memory_space<vmem>>
        %dma_wait3A_694 = arith.constant 0 : i32
        %dma_wait3A_695 = arith.constant 0 : i32
        %dma_wait3A_696 = tpu.memref_slice %arg3[%dma_wait3A_694, %dma_wait3A_695] : memref<16x1000000xf32, #tpu.memory_space<hbm>> -> memref<16x128xf32, #tpu.memory_space<hbm>>
        %dma_wait3A_697 = arith.constant 320 : i32
        %dma_wait3A_698 = arith.constant 0 : i32
        %dma_wait3A_699 = tpu.memref_slice %arg6[%dma_wait3A_697, %dma_wait3A_698] : memref<768x128xf32, #tpu.memory_space<vmem>> -> memref<16x128xf32, #tpu.memory_space<vmem>>
        %dma_wait3A_700 = arith.constant 0 : i32
        %dma_wait3A_701 = arith.constant 0 : i32
        %dma_wait3A_702 = tpu.memref_slice %arg3[%dma_wait3A_700, %dma_wait3A_701] : memref<16x1000000xf32, #tpu.memory_space<hbm>> -> memref<16x128xf32, #tpu.memory_space<hbm>>
        tpu.wait_dma2 semaphore(%arg9 : memref<!tpu.dma_semaphore, #tpu.memory_space<semaphore_mem>>) src(%dma_wait3A_702 : memref<16x128xf32, #tpu.memory_space<hbm>>) dst(%dma_wait3A_699 : memref<16x128xf32, #tpu.memory_space<vmem>>)
        %dma_wait3A_703 = arith.constant 336 : i32
        %dma_wait3A_704 = arith.constant 0 : i32
        %dma_wait3A_705 = tpu.memref_slice %arg6[%dma_wait3A_703, %dma_wait3A_704] : memref<768x128xf32, #tpu.memory_space<vmem>> -> memref<16x128xf32, #tpu.memory_space<vmem>>
        %dma_wait3A_706 = arith.constant 0 : i32
        %dma_wait3A_707 = arith.constant 0 : i32
        %dma_wait3A_708 = tpu.memref_slice %arg3[%dma_wait3A_706, %dma_wait3A_707] : memref<16x1000000xf32, #tpu.memory_space<hbm>> -> memref<16x128xf32, #tpu.memory_space<hbm>>
        %dma_wait3A_709 = arith.constant 336 : i32
        %dma_wait3A_710 = arith.constant 0 : i32
        %dma_wait3A_711 = tpu.memref_slice %arg6[%dma_wait3A_709, %dma_wait3A_710] : memref<768x128xf32, #tpu.memory_space<vmem>> -> memref<16x128xf32, #tpu.memory_space<vmem>>
        %dma_wait3A_712 = arith.constant 0 : i32
        %dma_wait3A_713 = arith.constant 0 : i32
        %dma_wait3A_714 = tpu.memref_slice %arg3[%dma_wait3A_712, %dma_wait3A_713] : memref<16x1000000xf32, #tpu.memory_space<hbm>> -> memref<16x128xf32, #tpu.memory_space<hbm>>
        tpu.wait_dma2 semaphore(%arg9 : memref<!tpu.dma_semaphore, #tpu.memory_space<semaphore_mem>>) src(%dma_wait3A_714 : memref<16x128xf32, #tpu.memory_space<hbm>>) dst(%dma_wait3A_711 : memref<16x128xf32, #tpu.memory_space<vmem>>)
        %dma_wait3A_715 = arith.constant 352 : i32
        %dma_wait3A_716 = arith.constant 0 : i32
        %dma_wait3A_717 = tpu.memref_slice %arg6[%dma_wait3A_715, %dma_wait3A_716] : memref<768x128xf32, #tpu.memory_space<vmem>> -> memref<16x128xf32, #tpu.memory_space<vmem>>
        %dma_wait3A_718 = arith.constant 0 : i32
        %dma_wait3A_719 = arith.constant 0 : i32
        %dma_wait3A_720 = tpu.memref_slice %arg3[%dma_wait3A_718, %dma_wait3A_719] : memref<16x1000000xf32, #tpu.memory_space<hbm>> -> memref<16x128xf32, #tpu.memory_space<hbm>>
        %dma_wait3A_721 = arith.constant 352 : i32
        %dma_wait3A_722 = arith.constant 0 : i32
        %dma_wait3A_723 = tpu.memref_slice %arg6[%dma_wait3A_721, %dma_wait3A_722] : memref<768x128xf32, #tpu.memory_space<vmem>> -> memref<16x128xf32, #tpu.memory_space<vmem>>
        %dma_wait3A_724 = arith.constant 0 : i32
        %dma_wait3A_725 = arith.constant 0 : i32
        %dma_wait3A_726 = tpu.memref_slice %arg3[%dma_wait3A_724, %dma_wait3A_725] : memref<16x1000000xf32, #tpu.memory_space<hbm>> -> memref<16x128xf32, #tpu.memory_space<hbm>>
        tpu.wait_dma2 semaphore(%arg9 : memref<!tpu.dma_semaphore, #tpu.memory_space<semaphore_mem>>) src(%dma_wait3A_726 : memref<16x128xf32, #tpu.memory_space<hbm>>) dst(%dma_wait3A_723 : memref<16x128xf32, #tpu.memory_space<vmem>>)
        %dma_wait3A_727 = arith.constant 368 : i32
        %dma_wait3A_728 = arith.constant 0 : i32
        %dma_wait3A_729 = tpu.memref_slice %arg6[%dma_wait3A_727, %dma_wait3A_728] : memref<768x128xf32, #tpu.memory_space<vmem>> -> memref<16x128xf32, #tpu.memory_space<vmem>>
        %dma_wait3A_730 = arith.constant 0 : i32
        %dma_wait3A_731 = arith.constant 0 : i32
        %dma_wait3A_732 = tpu.memref_slice %arg3[%dma_wait3A_730, %dma_wait3A_731] : memref<16x1000000xf32, #tpu.memory_space<hbm>> -> memref<16x128xf32, #tpu.memory_space<hbm>>
        %dma_wait3A_733 = arith.constant 368 : i32
        %dma_wait3A_734 = arith.constant 0 : i32
        %dma_wait3A_735 = tpu.memref_slice %arg6[%dma_wait3A_733, %dma_wait3A_734] : memref<768x128xf32, #tpu.memory_space<vmem>> -> memref<16x128xf32, #tpu.memory_space<vmem>>
        %dma_wait3A_736 = arith.constant 0 : i32
        %dma_wait3A_737 = arith.constant 0 : i32
        %dma_wait3A_738 = tpu.memref_slice %arg3[%dma_wait3A_736, %dma_wait3A_737] : memref<16x1000000xf32, #tpu.memory_space<hbm>> -> memref<16x128xf32, #tpu.memory_space<hbm>>
        tpu.wait_dma2 semaphore(%arg9 : memref<!tpu.dma_semaphore, #tpu.memory_space<semaphore_mem>>) src(%dma_wait3A_738 : memref<16x128xf32, #tpu.memory_space<hbm>>) dst(%dma_wait3A_735 : memref<16x128xf32, #tpu.memory_space<vmem>>)
        %dma_wait3A_739 = arith.constant 384 : i32
        %dma_wait3A_740 = arith.constant 0 : i32
        %dma_wait3A_741 = tpu.memref_slice %arg6[%dma_wait3A_739, %dma_wait3A_740] : memref<768x128xf32, #tpu.memory_space<vmem>> -> memref<16x128xf32, #tpu.memory_space<vmem>>
        %dma_wait3A_742 = arith.constant 0 : i32
        %dma_wait3A_743 = arith.constant 0 : i32
        %dma_wait3A_744 = tpu.memref_slice %arg3[%dma_wait3A_742, %dma_wait3A_743] : memref<16x1000000xf32, #tpu.memory_space<hbm>> -> memref<16x128xf32, #tpu.memory_space<hbm>>
        %dma_wait3A_745 = arith.constant 384 : i32
        %dma_wait3A_746 = arith.constant 0 : i32
        %dma_wait3A_747 = tpu.memref_slice %arg6[%dma_wait3A_745, %dma_wait3A_746] : memref<768x128xf32, #tpu.memory_space<vmem>> -> memref<16x128xf32, #tpu.memory_space<vmem>>
        %dma_wait3A_748 = arith.constant 0 : i32
        %dma_wait3A_749 = arith.constant 0 : i32
        %dma_wait3A_750 = tpu.memref_slice %arg3[%dma_wait3A_748, %dma_wait3A_749] : memref<16x1000000xf32, #tpu.memory_space<hbm>> -> memref<16x128xf32, #tpu.memory_space<hbm>>
        tpu.wait_dma2 semaphore(%arg9 : memref<!tpu.dma_semaphore, #tpu.memory_space<semaphore_mem>>) src(%dma_wait3A_750 : memref<16x128xf32, #tpu.memory_space<hbm>>) dst(%dma_wait3A_747 : memref<16x128xf32, #tpu.memory_space<vmem>>)
        %dma_wait3A_751 = arith.constant 400 : i32
        %dma_wait3A_752 = arith.constant 0 : i32
        %dma_wait3A_753 = tpu.memref_slice %arg6[%dma_wait3A_751, %dma_wait3A_752] : memref<768x128xf32, #tpu.memory_space<vmem>> -> memref<16x128xf32, #tpu.memory_space<vmem>>
        %dma_wait3A_754 = arith.constant 0 : i32
        %dma_wait3A_755 = arith.constant 0 : i32
        %dma_wait3A_756 = tpu.memref_slice %arg3[%dma_wait3A_754, %dma_wait3A_755] : memref<16x1000000xf32, #tpu.memory_space<hbm>> -> memref<16x128xf32, #tpu.memory_space<hbm>>
        %dma_wait3A_757 = arith.constant 400 : i32
        %dma_wait3A_758 = arith.constant 0 : i32
        %dma_wait3A_759 = tpu.memref_slice %arg6[%dma_wait3A_757, %dma_wait3A_758] : memref<768x128xf32, #tpu.memory_space<vmem>> -> memref<16x128xf32, #tpu.memory_space<vmem>>
        %dma_wait3A_760 = arith.constant 0 : i32
        %dma_wait3A_761 = arith.constant 0 : i32
        %dma_wait3A_762 = tpu.memref_slice %arg3[%dma_wait3A_760, %dma_wait3A_761] : memref<16x1000000xf32, #tpu.memory_space<hbm>> -> memref<16x128xf32, #tpu.memory_space<hbm>>
        tpu.wait_dma2 semaphore(%arg9 : memref<!tpu.dma_semaphore, #tpu.memory_space<semaphore_mem>>) src(%dma_wait3A_762 : memref<16x128xf32, #tpu.memory_space<hbm>>) dst(%dma_wait3A_759 : memref<16x128xf32, #tpu.memory_space<vmem>>)
        %dma_wait3A_763 = arith.constant 416 : i32
        %dma_wait3A_764 = arith.constant 0 : i32
        %dma_wait3A_765 = tpu.memref_slice %arg6[%dma_wait3A_763, %dma_wait3A_764] : memref<768x128xf32, #tpu.memory_space<vmem>> -> memref<16x128xf32, #tpu.memory_space<vmem>>
        %dma_wait3A_766 = arith.constant 0 : i32
        %dma_wait3A_767 = arith.constant 0 : i32
        %dma_wait3A_768 = tpu.memref_slice %arg3[%dma_wait3A_766, %dma_wait3A_767] : memref<16x1000000xf32, #tpu.memory_space<hbm>> -> memref<16x128xf32, #tpu.memory_space<hbm>>
        %dma_wait3A_769 = arith.constant 416 : i32
        %dma_wait3A_770 = arith.constant 0 : i32
        %dma_wait3A_771 = tpu.memref_slice %arg6[%dma_wait3A_769, %dma_wait3A_770] : memref<768x128xf32, #tpu.memory_space<vmem>> -> memref<16x128xf32, #tpu.memory_space<vmem>>
        %dma_wait3A_772 = arith.constant 0 : i32
        %dma_wait3A_773 = arith.constant 0 : i32
        %dma_wait3A_774 = tpu.memref_slice %arg3[%dma_wait3A_772, %dma_wait3A_773] : memref<16x1000000xf32, #tpu.memory_space<hbm>> -> memref<16x128xf32, #tpu.memory_space<hbm>>
        tpu.wait_dma2 semaphore(%arg9 : memref<!tpu.dma_semaphore, #tpu.memory_space<semaphore_mem>>) src(%dma_wait3A_774 : memref<16x128xf32, #tpu.memory_space<hbm>>) dst(%dma_wait3A_771 : memref<16x128xf32, #tpu.memory_space<vmem>>)
        %dma_wait3A_775 = arith.constant 432 : i32
        %dma_wait3A_776 = arith.constant 0 : i32
        %dma_wait3A_777 = tpu.memref_slice %arg6[%dma_wait3A_775, %dma_wait3A_776] : memref<768x128xf32, #tpu.memory_space<vmem>> -> memref<16x128xf32, #tpu.memory_space<vmem>>
        %dma_wait3A_778 = arith.constant 0 : i32
        %dma_wait3A_779 = arith.constant 0 : i32
        %dma_wait3A_780 = tpu.memref_slice %arg3[%dma_wait3A_778, %dma_wait3A_779] : memref<16x1000000xf32, #tpu.memory_space<hbm>> -> memref<16x128xf32, #tpu.memory_space<hbm>>
        %dma_wait3A_781 = arith.constant 432 : i32
        %dma_wait3A_782 = arith.constant 0 : i32
        %dma_wait3A_783 = tpu.memref_slice %arg6[%dma_wait3A_781, %dma_wait3A_782] : memref<768x128xf32, #tpu.memory_space<vmem>> -> memref<16x128xf32, #tpu.memory_space<vmem>>
        %dma_wait3A_784 = arith.constant 0 : i32
        %dma_wait3A_785 = arith.constant 0 : i32
        %dma_wait3A_786 = tpu.memref_slice %arg3[%dma_wait3A_784, %dma_wait3A_785] : memref<16x1000000xf32, #tpu.memory_space<hbm>> -> memref<16x128xf32, #tpu.memory_space<hbm>>
        tpu.wait_dma2 semaphore(%arg9 : memref<!tpu.dma_semaphore, #tpu.memory_space<semaphore_mem>>) src(%dma_wait3A_786 : memref<16x128xf32, #tpu.memory_space<hbm>>) dst(%dma_wait3A_783 : memref<16x128xf32, #tpu.memory_space<vmem>>)
        %dma_wait3A_787 = arith.constant 448 : i32
        %dma_wait3A_788 = arith.constant 0 : i32
        %dma_wait3A_789 = tpu.memref_slice %arg6[%dma_wait3A_787, %dma_wait3A_788] : memref<768x128xf32, #tpu.memory_space<vmem>> -> memref<16x128xf32, #tpu.memory_space<vmem>>
        %dma_wait3A_790 = arith.constant 0 : i32
        %dma_wait3A_791 = arith.constant 0 : i32
        %dma_wait3A_792 = tpu.memref_slice %arg3[%dma_wait3A_790, %dma_wait3A_791] : memref<16x1000000xf32, #tpu.memory_space<hbm>> -> memref<16x128xf32, #tpu.memory_space<hbm>>
        %dma_wait3A_793 = arith.constant 448 : i32
        %dma_wait3A_794 = arith.constant 0 : i32
        %dma_wait3A_795 = tpu.memref_slice %arg6[%dma_wait3A_793, %dma_wait3A_794] : memref<768x128xf32, #tpu.memory_space<vmem>> -> memref<16x128xf32, #tpu.memory_space<vmem>>
        %dma_wait3A_796 = arith.constant 0 : i32
        %dma_wait3A_797 = arith.constant 0 : i32
        %dma_wait3A_798 = tpu.memref_slice %arg3[%dma_wait3A_796, %dma_wait3A_797] : memref<16x1000000xf32, #tpu.memory_space<hbm>> -> memref<16x128xf32, #tpu.memory_space<hbm>>
        tpu.wait_dma2 semaphore(%arg9 : memref<!tpu.dma_semaphore, #tpu.memory_space<semaphore_mem>>) src(%dma_wait3A_798 : memref<16x128xf32, #tpu.memory_space<hbm>>) dst(%dma_wait3A_795 : memref<16x128xf32, #tpu.memory_space<vmem>>)
        %dma_wait3A_799 = arith.constant 464 : i32
        %dma_wait3A_800 = arith.constant 0 : i32
        %dma_wait3A_801 = tpu.memref_slice %arg6[%dma_wait3A_799, %dma_wait3A_800] : memref<768x128xf32, #tpu.memory_space<vmem>> -> memref<16x128xf32, #tpu.memory_space<vmem>>
        %dma_wait3A_802 = arith.constant 0 : i32
        %dma_wait3A_803 = arith.constant 0 : i32
        %dma_wait3A_804 = tpu.memref_slice %arg3[%dma_wait3A_802, %dma_wait3A_803] : memref<16x1000000xf32, #tpu.memory_space<hbm>> -> memref<16x128xf32, #tpu.memory_space<hbm>>
        %dma_wait3A_805 = arith.constant 464 : i32
        %dma_wait3A_806 = arith.constant 0 : i32
        %dma_wait3A_807 = tpu.memref_slice %arg6[%dma_wait3A_805, %dma_wait3A_806] : memref<768x128xf32, #tpu.memory_space<vmem>> -> memref<16x128xf32, #tpu.memory_space<vmem>>
        %dma_wait3A_808 = arith.constant 0 : i32
        %dma_wait3A_809 = arith.constant 0 : i32
        %dma_wait3A_810 = tpu.memref_slice %arg3[%dma_wait3A_808, %dma_wait3A_809] : memref<16x1000000xf32, #tpu.memory_space<hbm>> -> memref<16x128xf32, #tpu.memory_space<hbm>>
        tpu.wait_dma2 semaphore(%arg9 : memref<!tpu.dma_semaphore, #tpu.memory_space<semaphore_mem>>) src(%dma_wait3A_810 : memref<16x128xf32, #tpu.memory_space<hbm>>) dst(%dma_wait3A_807 : memref<16x128xf32, #tpu.memory_space<vmem>>)
        %dma_wait3A_811 = arith.constant 480 : i32
        %dma_wait3A_812 = arith.constant 0 : i32
        %dma_wait3A_813 = tpu.memref_slice %arg6[%dma_wait3A_811, %dma_wait3A_812] : memref<768x128xf32, #tpu.memory_space<vmem>> -> memref<16x128xf32, #tpu.memory_space<vmem>>
        %dma_wait3A_814 = arith.constant 0 : i32
        %dma_wait3A_815 = arith.constant 0 : i32
        %dma_wait3A_816 = tpu.memref_slice %arg3[%dma_wait3A_814, %dma_wait3A_815] : memref<16x1000000xf32, #tpu.memory_space<hbm>> -> memref<16x128xf32, #tpu.memory_space<hbm>>
        %dma_wait3A_817 = arith.constant 480 : i32
        %dma_wait3A_818 = arith.constant 0 : i32
        %dma_wait3A_819 = tpu.memref_slice %arg6[%dma_wait3A_817, %dma_wait3A_818] : memref<768x128xf32, #tpu.memory_space<vmem>> -> memref<16x128xf32, #tpu.memory_space<vmem>>
        %dma_wait3A_820 = arith.constant 0 : i32
        %dma_wait3A_821 = arith.constant 0 : i32
        %dma_wait3A_822 = tpu.memref_slice %arg3[%dma_wait3A_820, %dma_wait3A_821] : memref<16x1000000xf32, #tpu.memory_space<hbm>> -> memref<16x128xf32, #tpu.memory_space<hbm>>
        tpu.wait_dma2 semaphore(%arg9 : memref<!tpu.dma_semaphore, #tpu.memory_space<semaphore_mem>>) src(%dma_wait3A_822 : memref<16x128xf32, #tpu.memory_space<hbm>>) dst(%dma_wait3A_819 : memref<16x128xf32, #tpu.memory_space<vmem>>)
        %dma_wait3A_823 = arith.constant 496 : i32
        %dma_wait3A_824 = arith.constant 0 : i32
        %dma_wait3A_825 = tpu.memref_slice %arg6[%dma_wait3A_823, %dma_wait3A_824] : memref<768x128xf32, #tpu.memory_space<vmem>> -> memref<16x128xf32, #tpu.memory_space<vmem>>
        %dma_wait3A_826 = arith.constant 0 : i32
        %dma_wait3A_827 = arith.constant 0 : i32
        %dma_wait3A_828 = tpu.memref_slice %arg3[%dma_wait3A_826, %dma_wait3A_827] : memref<16x1000000xf32, #tpu.memory_space<hbm>> -> memref<16x128xf32, #tpu.memory_space<hbm>>
        %dma_wait3A_829 = arith.constant 496 : i32
        %dma_wait3A_830 = arith.constant 0 : i32
        %dma_wait3A_831 = tpu.memref_slice %arg6[%dma_wait3A_829, %dma_wait3A_830] : memref<768x128xf32, #tpu.memory_space<vmem>> -> memref<16x128xf32, #tpu.memory_space<vmem>>
        %dma_wait3A_832 = arith.constant 0 : i32
        %dma_wait3A_833 = arith.constant 0 : i32
        %dma_wait3A_834 = tpu.memref_slice %arg3[%dma_wait3A_832, %dma_wait3A_833] : memref<16x1000000xf32, #tpu.memory_space<hbm>> -> memref<16x128xf32, #tpu.memory_space<hbm>>
        tpu.wait_dma2 semaphore(%arg9 : memref<!tpu.dma_semaphore, #tpu.memory_space<semaphore_mem>>) src(%dma_wait3A_834 : memref<16x128xf32, #tpu.memory_space<hbm>>) dst(%dma_wait3A_831 : memref<16x128xf32, #tpu.memory_space<vmem>>)
        %mul3A_835 = arith.constant 16 : i32
        %mul3A_836 = arith.muli %add3A_614, %mul3A_835 : i32
        %get3A_837 = arith.index_cast %mul3A_836 : i32 to index
        %get3A_838 = tpu.vector_load %arg5[%get3A_837] {strides = array<i32>} : memref<512xi32, #tpu.memory_space<vmem>>, vector<16xi32>,
        %slice3A_839 = vector.extract_strided_slice %get3A_838 {offsets = [0], sizes = [1], strides = [1]} : vector<16xi32> to vector<1xi32>
        %squeeze3A_840 = vector.extract %slice3A_839[0] : i32 from vector<1xi32>
        %and3A = arith.constant 127 : i32
        %and3A_841 = arith.andi %squeeze3A_840, %and3A : i32
        %broadcast_in_dim3A = vector.broadcast %and3A_841 : i32 to vector<16xi32>
        %add3A_842 = arith.constant 256 : i32
        %add3A_843 = vector.broadcast %add3A_842 : i32 to vector<16xi32>
        %add3A_844 = arith.addi %add3A_843, %iota3A : vector<16xi32>
        %gather3A = tpu.vector_load_idx %arg6[%add3A_844, %broadcast_in_dim3A] : memref<768x128xf32, #tpu.memory_space<vmem>>[vector<16xi32>, vector<16xi32>], vector<16xf32>,
        %mul3A_845 = arith.constant 16 : i32
        %mul3A_846 = arith.muli %add3A_614, %mul3A_845 : i32
        %add3A_847 = arith.constant 0 : i32
        %add3A_848 = arith.addi %mul3A_846, %add3A_847 : i32
        %broadcast_in_dim3A_849 = vector.broadcast %add3A_848 : i32 to vector<16xi32>
        tpu.vector_store_idx %arg7[%iota3A, %broadcast_in_dim3A_849], %gather3A : memref<16x512xf32, #tpu.memory_space<vmem>>[vector<16xi32>, vector<16xi32>], vector<16xf32>,
        %slice3A_850 = vector.extract_strided_slice %get3A_838 {offsets = [1], sizes = [1], strides = [1]} : vector<16xi32> to vector<1xi32>
        %squeeze3A_851 = vector.extract %slice3A_850[0] : i32 from vector<1xi32>
        %and3A_852 = arith.constant 127 : i32
        %and3A_853 = arith.andi %squeeze3A_851, %and3A_852 : i32
        %broadcast_in_dim3A_854 = vector.broadcast %and3A_853 : i32 to vector<16xi32>
        %add3A_855 = arith.constant 272 : i32
        %add3A_856 = vector.broadcast %add3A_855 : i32 to vector<16xi32>
        %add3A_857 = arith.addi %add3A_856, %iota3A : vector<16xi32>
        %gather3A_858 = tpu.vector_load_idx %arg6[%add3A_857, %broadcast_in_dim3A_854] : memref<768x128xf32, #tpu.memory_space<vmem>>[vector<16xi32>, vector<16xi32>], vector<16xf32>,
        %mul3A_859 = arith.constant 16 : i32
        %mul3A_860 = arith.muli %add3A_614, %mul3A_859 : i32
        %add3A_861 = arith.constant 1 : i32
        %add3A_862 = arith.addi %mul3A_860, %add3A_861 : i32
        %broadcast_in_dim3A_863 = vector.broadcast %add3A_862 : i32 to vector<16xi32>
        tpu.vector_store_idx %arg7[%iota3A, %broadcast_in_dim3A_863], %gather3A_858 : memref<16x512xf32, #tpu.memory_space<vmem>>[vector<16xi32>, vector<16xi32>], vector<16xf32>,
        %slice3A_864 = vector.extract_strided_slice %get3A_838 {offsets = [2], sizes = [1], strides = [1]} : vector<16xi32> to vector<1xi32>
        %squeeze3A_865 = vector.extract %slice3A_864[0] : i32 from vector<1xi32>
        %and3A_866 = arith.constant 127 : i32
        %and3A_867 = arith.andi %squeeze3A_865, %and3A_866 : i32
        %broadcast_in_dim3A_868 = vector.broadcast %and3A_867 : i32 to vector<16xi32>
        %add3A_869 = arith.constant 288 : i32
        %add3A_870 = vector.broadcast %add3A_869 : i32 to vector<16xi32>
        %add3A_871 = arith.addi %add3A_870, %iota3A : vector<16xi32>
        %gather3A_872 = tpu.vector_load_idx %arg6[%add3A_871, %broadcast_in_dim3A_868] : memref<768x128xf32, #tpu.memory_space<vmem>>[vector<16xi32>, vector<16xi32>], vector<16xf32>,
        %mul3A_873 = arith.constant 16 : i32
        %mul3A_874 = arith.muli %add3A_614, %mul3A_873 : i32
        %add3A_875 = arith.constant 2 : i32
        %add3A_876 = arith.addi %mul3A_874, %add3A_875 : i32
        %broadcast_in_dim3A_877 = vector.broadcast %add3A_876 : i32 to vector<16xi32>
        tpu.vector_store_idx %arg7[%iota3A, %broadcast_in_dim3A_877], %gather3A_872 : memref<16x512xf32, #tpu.memory_space<vmem>>[vector<16xi32>, vector<16xi32>], vector<16xf32>,
        %slice3A_878 = vector.extract_strided_slice %get3A_838 {offsets = [3], sizes = [1], strides = [1]} : vector<16xi32> to vector<1xi32>
        %squeeze3A_879 = vector.extract %slice3A_878[0] : i32 from vector<1xi32>
        %and3A_880 = arith.constant 127 : i32
        %and3A_881 = arith.andi %squeeze3A_879, %and3A_880 : i32
        %broadcast_in_dim3A_882 = vector.broadcast %and3A_881 : i32 to vector<16xi32>
        %add3A_883 = arith.constant 304 : i32
        %add3A_884 = vector.broadcast %add3A_883 : i32 to vector<16xi32>
        %add3A_885 = arith.addi %add3A_884, %iota3A : vector<16xi32>
        %gather3A_886 = tpu.vector_load_idx %arg6[%add3A_885, %broadcast_in_dim3A_882] : memref<768x128xf32, #tpu.memory_space<vmem>>[vector<16xi32>, vector<16xi32>], vector<16xf32>,
        %mul3A_887 = arith.constant 16 : i32
        %mul3A_888 = arith.muli %add3A_614, %mul3A_887 : i32
        %add3A_889 = arith.constant 3 : i32
        %add3A_890 = arith.addi %mul3A_888, %add3A_889 : i32
        %broadcast_in_dim3A_891 = vector.broadcast %add3A_890 : i32 to vector<16xi32>
        tpu.vector_store_idx %arg7[%iota3A, %broadcast_in_dim3A_891], %gather3A_886 : memref<16x512xf32, #tpu.memory_space<vmem>>[vector<16xi32>, vector<16xi32>], vector<16xf32>,
        %slice3A_892 = vector.extract_strided_slice %get3A_838 {offsets = [4], sizes = [1], strides = [1]} : vector<16xi32> to vector<1xi32>
        %squeeze3A_893 = vector.extract %slice3A_892[0] : i32 from vector<1xi32>
        %and3A_894 = arith.constant 127 : i32
        %and3A_895 = arith.andi %squeeze3A_893, %and3A_894 : i32
        %broadcast_in_dim3A_896 = vector.broadcast %and3A_895 : i32 to vector<16xi32>
        %add3A_897 = arith.constant 320 : i32
        %add3A_898 = vector.broadcast %add3A_897 : i32 to vector<16xi32>
        %add3A_899 = arith.addi %add3A_898, %iota3A : vector<16xi32>
        %gather3A_900 = tpu.vector_load_idx %arg6[%add3A_899, %broadcast_in_dim3A_896] : memref<768x128xf32, #tpu.memory_space<vmem>>[vector<16xi32>, vector<16xi32>], vector<16xf32>,
        %mul3A_901 = arith.constant 16 : i32
        %mul3A_902 = arith.muli %add3A_614, %mul3A_901 : i32
        %add3A_903 = arith.constant 4 : i32
        %add3A_904 = arith.addi %mul3A_902, %add3A_903 : i32
        %broadcast_in_dim3A_905 = vector.broadcast %add3A_904 : i32 to vector<16xi32>
        tpu.vector_store_idx %arg7[%iota3A, %broadcast_in_dim3A_905], %gather3A_900 : memref<16x512xf32, #tpu.memory_space<vmem>>[vector<16xi32>, vector<16xi32>], vector<16xf32>,
        %slice3A_906 = vector.extract_strided_slice %get3A_838 {offsets = [5], sizes = [1], strides = [1]} : vector<16xi32> to vector<1xi32>
        %squeeze3A_907 = vector.extract %slice3A_906[0] : i32 from vector<1xi32>
        %and3A_908 = arith.constant 127 : i32
        %and3A_909 = arith.andi %squeeze3A_907, %and3A_908 : i32
        %broadcast_in_dim3A_910 = vector.broadcast %and3A_909 : i32 to vector<16xi32>
        %add3A_911 = arith.constant 336 : i32
        %add3A_912 = vector.broadcast %add3A_911 : i32 to vector<16xi32>
        %add3A_913 = arith.addi %add3A_912, %iota3A : vector<16xi32>
        %gather3A_914 = tpu.vector_load_idx %arg6[%add3A_913, %broadcast_in_dim3A_910] : memref<768x128xf32, #tpu.memory_space<vmem>>[vector<16xi32>, vector<16xi32>], vector<16xf32>,
        %mul3A_915 = arith.constant 16 : i32
        %mul3A_916 = arith.muli %add3A_614, %mul3A_915 : i32
        %add3A_917 = arith.constant 5 : i32
        %add3A_918 = arith.addi %mul3A_916, %add3A_917 : i32
        %broadcast_in_dim3A_919 = vector.broadcast %add3A_918 : i32 to vector<16xi32>
        tpu.vector_store_idx %arg7[%iota3A, %broadcast_in_dim3A_919], %gather3A_914 : memref<16x512xf32, #tpu.memory_space<vmem>>[vector<16xi32>, vector<16xi32>], vector<16xf32>,
        %slice3A_920 = vector.extract_strided_slice %get3A_838 {offsets = [6], sizes = [1], strides = [1]} : vector<16xi32> to vector<1xi32>
        %squeeze3A_921 = vector.extract %slice3A_920[0] : i32 from vector<1xi32>
        %and3A_922 = arith.constant 127 : i32
        %and3A_923 = arith.andi %squeeze3A_921, %and3A_922 : i32
        %broadcast_in_dim3A_924 = vector.broadcast %and3A_923 : i32 to vector<16xi32>
        %add3A_925 = arith.constant 352 : i32
        %add3A_926 = vector.broadcast %add3A_925 : i32 to vector<16xi32>
        %add3A_927 = arith.addi %add3A_926, %iota3A : vector<16xi32>
        %gather3A_928 = tpu.vector_load_idx %arg6[%add3A_927, %broadcast_in_dim3A_924] : memref<768x128xf32, #tpu.memory_space<vmem>>[vector<16xi32>, vector<16xi32>], vector<16xf32>,
        %mul3A_929 = arith.constant 16 : i32
        %mul3A_930 = arith.muli %add3A_614, %mul3A_929 : i32
        %add3A_931 = arith.constant 6 : i32
        %add3A_932 = arith.addi %mul3A_930, %add3A_931 : i32
        %broadcast_in_dim3A_933 = vector.broadcast %add3A_932 : i32 to vector<16xi32>
        tpu.vector_store_idx %arg7[%iota3A, %broadcast_in_dim3A_933], %gather3A_928 : memref<16x512xf32, #tpu.memory_space<vmem>>[vector<16xi32>, vector<16xi32>], vector<16xf32>,
        %slice3A_934 = vector.extract_strided_slice %get3A_838 {offsets = [7], sizes = [1], strides = [1]} : vector<16xi32> to vector<1xi32>
        %squeeze3A_935 = vector.extract %slice3A_934[0] : i32 from vector<1xi32>
        %and3A_936 = arith.constant 127 : i32
        %and3A_937 = arith.andi %squeeze3A_935, %and3A_936 : i32
        %broadcast_in_dim3A_938 = vector.broadcast %and3A_937 : i32 to vector<16xi32>
        %add3A_939 = arith.constant 368 : i32
        %add3A_940 = vector.broadcast %add3A_939 : i32 to vector<16xi32>
        %add3A_941 = arith.addi %add3A_940, %iota3A : vector<16xi32>
        %gather3A_942 = tpu.vector_load_idx %arg6[%add3A_941, %broadcast_in_dim3A_938] : memref<768x128xf32, #tpu.memory_space<vmem>>[vector<16xi32>, vector<16xi32>], vector<16xf32>,
        %mul3A_943 = arith.constant 16 : i32
        %mul3A_944 = arith.muli %add3A_614, %mul3A_943 : i32
        %add3A_945 = arith.constant 7 : i32
        %add3A_946 = arith.addi %mul3A_944, %add3A_945 : i32
        %broadcast_in_dim3A_947 = vector.broadcast %add3A_946 : i32 to vector<16xi32>
        tpu.vector_store_idx %arg7[%iota3A, %broadcast_in_dim3A_947], %gather3A_942 : memref<16x512xf32, #tpu.memory_space<vmem>>[vector<16xi32>, vector<16xi32>], vector<16xf32>,
        %slice3A_948 = vector.extract_strided_slice %get3A_838 {offsets = [8], sizes = [1], strides = [1]} : vector<16xi32> to vector<1xi32>
        %squeeze3A_949 = vector.extract %slice3A_948[0] : i32 from vector<1xi32>
        %and3A_950 = arith.constant 127 : i32
        %and3A_951 = arith.andi %squeeze3A_949, %and3A_950 : i32
        %broadcast_in_dim3A_952 = vector.broadcast %and3A_951 : i32 to vector<16xi32>
        %add3A_953 = arith.constant 384 : i32
        %add3A_954 = vector.broadcast %add3A_953 : i32 to vector<16xi32>
        %add3A_955 = arith.addi %add3A_954, %iota3A : vector<16xi32>
        %gather3A_956 = tpu.vector_load_idx %arg6[%add3A_955, %broadcast_in_dim3A_952] : memref<768x128xf32, #tpu.memory_space<vmem>>[vector<16xi32>, vector<16xi32>], vector<16xf32>,
        %mul3A_957 = arith.constant 16 : i32
        %mul3A_958 = arith.muli %add3A_614, %mul3A_957 : i32
        %add3A_959 = arith.constant 8 : i32
        %add3A_960 = arith.addi %mul3A_958, %add3A_959 : i32
        %broadcast_in_dim3A_961 = vector.broadcast %add3A_960 : i32 to vector<16xi32>
        tpu.vector_store_idx %arg7[%iota3A, %broadcast_in_dim3A_961], %gather3A_956 : memref<16x512xf32, #tpu.memory_space<vmem>>[vector<16xi32>, vector<16xi32>], vector<16xf32>,
        %slice3A_962 = vector.extract_strided_slice %get3A_838 {offsets = [9], sizes = [1], strides = [1]} : vector<16xi32> to vector<1xi32>
        %squeeze3A_963 = vector.extract %slice3A_962[0] : i32 from vector<1xi32>
        %and3A_964 = arith.constant 127 : i32
        %and3A_965 = arith.andi %squeeze3A_963, %and3A_964 : i32
        %broadcast_in_dim3A_966 = vector.broadcast %and3A_965 : i32 to vector<16xi32>
        %add3A_967 = arith.constant 400 : i32
        %add3A_968 = vector.broadcast %add3A_967 : i32 to vector<16xi32>
        %add3A_969 = arith.addi %add3A_968, %iota3A : vector<16xi32>
        %gather3A_970 = tpu.vector_load_idx %arg6[%add3A_969, %broadcast_in_dim3A_966] : memref<768x128xf32, #tpu.memory_space<vmem>>[vector<16xi32>, vector<16xi32>], vector<16xf32>,
        %mul3A_971 = arith.constant 16 : i32
        %mul3A_972 = arith.muli %add3A_614, %mul3A_971 : i32
        %add3A_973 = arith.constant 9 : i32
        %add3A_974 = arith.addi %mul3A_972, %add3A_973 : i32
        %broadcast_in_dim3A_975 = vector.broadcast %add3A_974 : i32 to vector<16xi32>
        tpu.vector_store_idx %arg7[%iota3A, %broadcast_in_dim3A_975], %gather3A_970 : memref<16x512xf32, #tpu.memory_space<vmem>>[vector<16xi32>, vector<16xi32>], vector<16xf32>,
        %slice3A_976 = vector.extract_strided_slice %get3A_838 {offsets = [10], sizes = [1], strides = [1]} : vector<16xi32> to vector<1xi32>
        %squeeze3A_977 = vector.extract %slice3A_976[0] : i32 from vector<1xi32>
        %and3A_978 = arith.constant 127 : i32
        %and3A_979 = arith.andi %squeeze3A_977, %and3A_978 : i32
        %broadcast_in_dim3A_980 = vector.broadcast %and3A_979 : i32 to vector<16xi32>
        %add3A_981 = arith.constant 416 : i32
        %add3A_982 = vector.broadcast %add3A_981 : i32 to vector<16xi32>
        %add3A_983 = arith.addi %add3A_982, %iota3A : vector<16xi32>
        %gather3A_984 = tpu.vector_load_idx %arg6[%add3A_983, %broadcast_in_dim3A_980] : memref<768x128xf32, #tpu.memory_space<vmem>>[vector<16xi32>, vector<16xi32>], vector<16xf32>,
        %mul3A_985 = arith.constant 16 : i32
        %mul3A_986 = arith.muli %add3A_614, %mul3A_985 : i32
        %add3A_987 = arith.constant 10 : i32
        %add3A_988 = arith.addi %mul3A_986, %add3A_987 : i32
        %broadcast_in_dim3A_989 = vector.broadcast %add3A_988 : i32 to vector<16xi32>
        tpu.vector_store_idx %arg7[%iota3A, %broadcast_in_dim3A_989], %gather3A_984 : memref<16x512xf32, #tpu.memory_space<vmem>>[vector<16xi32>, vector<16xi32>], vector<16xf32>,
        %slice3A_990 = vector.extract_strided_slice %get3A_838 {offsets = [11], sizes = [1], strides = [1]} : vector<16xi32> to vector<1xi32>
        %squeeze3A_991 = vector.extract %slice3A_990[0] : i32 from vector<1xi32>
        %and3A_992 = arith.constant 127 : i32
        %and3A_993 = arith.andi %squeeze3A_991, %and3A_992 : i32
        %broadcast_in_dim3A_994 = vector.broadcast %and3A_993 : i32 to vector<16xi32>
        %add3A_995 = arith.constant 432 : i32
        %add3A_996 = vector.broadcast %add3A_995 : i32 to vector<16xi32>
        %add3A_997 = arith.addi %add3A_996, %iota3A : vector<16xi32>
        %gather3A_998 = tpu.vector_load_idx %arg6[%add3A_997, %broadcast_in_dim3A_994] : memref<768x128xf32, #tpu.memory_space<vmem>>[vector<16xi32>, vector<16xi32>], vector<16xf32>,
        %mul3A_999 = arith.constant 16 : i32
        %mul3A_1000 = arith.muli %add3A_614, %mul3A_999 : i32
        %add3A_1001 = arith.constant 11 : i32
        %add3A_1002 = arith.addi %mul3A_1000, %add3A_1001 : i32
        %broadcast_in_dim3A_1003 = vector.broadcast %add3A_1002 : i32 to vector<16xi32>
        tpu.vector_store_idx %arg7[%iota3A, %broadcast_in_dim3A_1003], %gather3A_998 : memref<16x512xf32, #tpu.memory_space<vmem>>[vector<16xi32>, vector<16xi32>], vector<16xf32>,
        %slice3A_1004 = vector.extract_strided_slice %get3A_838 {offsets = [12], sizes = [1], strides = [1]} : vector<16xi32> to vector<1xi32>
        %squeeze3A_1005 = vector.extract %slice3A_1004[0] : i32 from vector<1xi32>
        %and3A_1006 = arith.constant 127 : i32
        %and3A_1007 = arith.andi %squeeze3A_1005, %and3A_1006 : i32
        %broadcast_in_dim3A_1008 = vector.broadcast %and3A_1007 : i32 to vector<16xi32>
        %add3A_1009 = arith.constant 448 : i32
        %add3A_1010 = vector.broadcast %add3A_1009 : i32 to vector<16xi32>
        %add3A_1011 = arith.addi %add3A_1010, %iota3A : vector<16xi32>
        %gather3A_1012 = tpu.vector_load_idx %arg6[%add3A_1011, %broadcast_in_dim3A_1008] : memref<768x128xf32, #tpu.memory_space<vmem>>[vector<16xi32>, vector<16xi32>], vector<16xf32>,
        %mul3A_1013 = arith.constant 16 : i32
        %mul3A_1014 = arith.muli %add3A_614, %mul3A_1013 : i32
        %add3A_1015 = arith.constant 12 : i32
        %add3A_1016 = arith.addi %mul3A_1014, %add3A_1015 : i32
        %broadcast_in_dim3A_1017 = vector.broadcast %add3A_1016 : i32 to vector<16xi32>
        tpu.vector_store_idx %arg7[%iota3A, %broadcast_in_dim3A_1017], %gather3A_1012 : memref<16x512xf32, #tpu.memory_space<vmem>>[vector<16xi32>, vector<16xi32>], vector<16xf32>,
        %slice3A_1018 = vector.extract_strided_slice %get3A_838 {offsets = [13], sizes = [1], strides = [1]} : vector<16xi32> to vector<1xi32>
        %squeeze3A_1019 = vector.extract %slice3A_1018[0] : i32 from vector<1xi32>
        %and3A_1020 = arith.constant 127 : i32
        %and3A_1021 = arith.andi %squeeze3A_1019, %and3A_1020 : i32
        %broadcast_in_dim3A_1022 = vector.broadcast %and3A_1021 : i32 to vector<16xi32>
        %add3A_1023 = arith.constant 464 : i32
        %add3A_1024 = vector.broadcast %add3A_1023 : i32 to vector<16xi32>
        %add3A_1025 = arith.addi %add3A_1024, %iota3A : vector<16xi32>
        %gather3A_1026 = tpu.vector_load_idx %arg6[%add3A_1025, %broadcast_in_dim3A_1022] : memref<768x128xf32, #tpu.memory_space<vmem>>[vector<16xi32>, vector<16xi32>], vector<16xf32>,
        %mul3A_1027 = arith.constant 16 : i32
        %mul3A_1028 = arith.muli %add3A_614, %mul3A_1027 : i32
        %add3A_1029 = arith.constant 13 : i32
        %add3A_1030 = arith.addi %mul3A_1028, %add3A_1029 : i32
        %broadcast_in_dim3A_1031 = vector.broadcast %add3A_1030 : i32 to vector<16xi32>
        tpu.vector_store_idx %arg7[%iota3A, %broadcast_in_dim3A_1031], %gather3A_1026 : memref<16x512xf32, #tpu.memory_space<vmem>>[vector<16xi32>, vector<16xi32>], vector<16xf32>,
        %slice3A_1032 = vector.extract_strided_slice %get3A_838 {offsets = [14], sizes = [1], strides = [1]} : vector<16xi32> to vector<1xi32>
        %squeeze3A_1033 = vector.extract %slice3A_1032[0] : i32 from vector<1xi32>
        %and3A_1034 = arith.constant 127 : i32
        %and3A_1035 = arith.andi %squeeze3A_1033, %and3A_1034 : i32
        %broadcast_in_dim3A_1036 = vector.broadcast %and3A_1035 : i32 to vector<16xi32>
        %add3A_1037 = arith.constant 480 : i32
        %add3A_1038 = vector.broadcast %add3A_1037 : i32 to vector<16xi32>
        %add3A_1039 = arith.addi %add3A_1038, %iota3A : vector<16xi32>
        %gather3A_1040 = tpu.vector_load_idx %arg6[%add3A_1039, %broadcast_in_dim3A_1036] : memref<768x128xf32, #tpu.memory_space<vmem>>[vector<16xi32>, vector<16xi32>], vector<16xf32>,
        %mul3A_1041 = arith.constant 16 : i32
        %mul3A_1042 = arith.muli %add3A_614, %mul3A_1041 : i32
        %add3A_1043 = arith.constant 14 : i32
        %add3A_1044 = arith.addi %mul3A_1042, %add3A_1043 : i32
        %broadcast_in_dim3A_1045 = vector.broadcast %add3A_1044 : i32 to vector<16xi32>
        tpu.vector_store_idx %arg7[%iota3A, %broadcast_in_dim3A_1045], %gather3A_1040 : memref<16x512xf32, #tpu.memory_space<vmem>>[vector<16xi32>, vector<16xi32>], vector<16xf32>,
        %slice3A_1046 = vector.extract_strided_slice %get3A_838 {offsets = [15], sizes = [1], strides = [1]} : vector<16xi32> to vector<1xi32>
        %squeeze3A_1047 = vector.extract %slice3A_1046[0] : i32 from vector<1xi32>
        %and3A_1048 = arith.constant 127 : i32
        %and3A_1049 = arith.andi %squeeze3A_1047, %and3A_1048 : i32
        %broadcast_in_dim3A_1050 = vector.broadcast %and3A_1049 : i32 to vector<16xi32>
        %add3A_1051 = arith.constant 496 : i32
        %add3A_1052 = vector.broadcast %add3A_1051 : i32 to vector<16xi32>
        %add3A_1053 = arith.addi %add3A_1052, %iota3A : vector<16xi32>
        %gather3A_1054 = tpu.vector_load_idx %arg6[%add3A_1053, %broadcast_in_dim3A_1050] : memref<768x128xf32, #tpu.memory_space<vmem>>[vector<16xi32>, vector<16xi32>], vector<16xf32>,
        %mul3A_1055 = arith.constant 16 : i32
        %mul3A_1056 = arith.muli %add3A_614, %mul3A_1055 : i32
        %add3A_1057 = arith.constant 15 : i32
        %add3A_1058 = arith.addi %mul3A_1056, %add3A_1057 : i32
        %broadcast_in_dim3A_1059 = vector.broadcast %add3A_1058 : i32 to vector<16xi32>
        tpu.vector_store_idx %arg7[%iota3A, %broadcast_in_dim3A_1059], %gather3A_1054 : memref<16x512xf32, #tpu.memory_space<vmem>>[vector<16xi32>, vector<16xi32>], vector<16xf32>,
        %rem3A = arith.constant 8 : i32
        %rem3A_1060 = arith.remsi %add3A_614, %rem3A : i32
        %eq3A = arith.constant 7 : i32
        %eq3A_1061 = arith.cmpi eq, %rem3A_1060, %eq3A : i32
        %convert_element_type3A_1062 = arith.extui %eq3A_1061 : i1 to i32
        %cond3A_1063 = arith.constant 0 : i32
        %cond3A_1064 = arith.cmpi ne, %convert_element_type3A_1062, %cond3A_1063 : i32
        scf.if %cond3A_1064 {
          %jit3A = arith.constant 8 : i32
          %div3A = arith.divsi %add3A_614, %jit3A : i32
          %sign3A = arith.constant 0 : i32
          %sign3A_1065 = arith.cmpi sgt, %add3A_614, %sign3A : i32
          %sign3A_1066 = arith.extui %sign3A_1065 : i1 to i32
          %sign3A_1067 = arith.constant 0 : i32
          %sign3A_1068 = arith.cmpi slt, %add3A_614, %sign3A_1067 : i32
          %sign3A_1069 = arith.extui %sign3A_1068 : i1 to i32
          %sign3A_1070 = arith.subi %sign3A_1066, %sign3A_1069 : i32
          %sign3A_1071 = arith.constant 0 : i32
          %sign3A_1072 = arith.cmpi sgt, %jit3A, %sign3A_1071 : i32
          %sign3A_1073 = arith.extui %sign3A_1072 : i1 to i32
          %sign3A_1074 = arith.constant 0 : i32
          %sign3A_1075 = arith.cmpi slt, %jit3A, %sign3A_1074 : i32
          %sign3A_1076 = arith.extui %sign3A_1075 : i1 to i32
          %sign3A_1077 = arith.subi %sign3A_1073, %sign3A_1076 : i32
          %ne3A = arith.cmpi ne, %sign3A_1070, %sign3A_1077 : i32
          %rem3A_1078 = arith.remsi %add3A_614, %jit3A : i32
          %ne3A_1079 = arith.constant 0 : i32
          %ne3A_1080 = arith.cmpi ne, %rem3A_1078, %ne3A_1079 : i32
          %and3A_1081 = arith.andi %ne3A, %ne3A_1080 : i1
          %sub3A = arith.constant 1 : i32
          %sub3A_1082 = arith.subi %div3A, %sub3A : i32
          %select_n3A = arith.select %and3A_1081, %sub3A_1082, %div3A : i32
          %mul3A_1083 = arith.constant 128 : i32
          %mul3A_1084 = arith.muli %select_n3A, %mul3A_1083 : i32
          %add3A_1085 = arith.addi %mul3A_2, %mul3A_1084 : i32
          %dma_start3A_1086 = arith.constant 0 : i32
          %dma_start3A_1087 = tpu.memref_slice %arg7[%dma_start3A_1086, %mul3A_1084] : memref<16x512xf32, #tpu.memory_space<vmem>> -> memref<16x128xf32, #tpu.memory_space<vmem>>
          %dma_start3A_1088 = arith.constant 0 : i32
          %dma_start3A_1089 = tpu.memref_slice %arg4[%dma_start3A_1088, %add3A_1085] : memref<16x16384xf32, #tpu.memory_space<hbm>> -> memref<16x128xf32, #tpu.memory_space<hbm>>
          %dma_start3A_1090 = arith.constant 0 : i32
          %dma_start3A_1091 = tpu.memref_slice %arg4[%dma_start3A_1090, %add3A_1085] : memref<16x16384xf32, #tpu.memory_space<hbm>> -> memref<16x128xf32, #tpu.memory_space<hbm>>
          %dma_start3A_1092 = arith.constant 0 : i32
          %dma_start3A_1093 = tpu.memref_slice %arg7[%dma_start3A_1092, %mul3A_1084] : memref<16x512xf32, #tpu.memory_space<vmem>> -> memref<16x128xf32, #tpu.memory_space<vmem>>
          tpu.enqueue_dma source(%dma_start3A_1093 : memref<16x128xf32, #tpu.memory_space<vmem>>) target(%dma_start3A_1091 : memref<16x128xf32, #tpu.memory_space<hbm>>) target_semaphore(%arg11 : memref<!tpu.dma_semaphore, #tpu.memory_space<semaphore_mem>>)
        } else {
        }
      } else {
      }
      %mul3A_627 = arith.constant 3 : i32
      %mul3A_628 = arith.muli %scan3A_597, %mul3A_627 : i32
      %add3A_629 = arith.constant 2 : i32
      %add3A_630 = arith.addi %mul3A_628, %add3A_629 : i32
      %add3A_631 = arith.constant 2 : i32
      %add3A_632 = arith.addi %add3A_630, %add3A_631 : i32
      %lt3A_633 = arith.constant 32 : i32
      %lt3A_634 = arith.cmpi slt, %add3A_632, %lt3A_633 : i32
      %convert_element_type3A_635 = arith.extui %lt3A_634 : i1 to i32
      %cond3A_636 = arith.constant 0 : i32
      %cond3A_637 = arith.cmpi ne, %convert_element_type3A_635, %cond3A_636 : i32
      scf.if %cond3A_637 {
        %add3A_643 = arith.constant 2 : i32
        %add3A_644 = arith.addi %add3A_630, %add3A_643 : i32
        %mul3A_645 = arith.constant 16 : i32
        %mul3A_646 = arith.muli %add3A_644, %mul3A_645 : i32
        %get3A_647 = arith.index_cast %mul3A_646 : i32 to index
        %get3A_648 = tpu.vector_load %arg5[%get3A_647] {strides = array<i32>} : memref<512xi32, #tpu.memory_space<vmem>>, vector<16xi32>,
        %slice3A_649 = vector.extract_strided_slice %get3A_648 {offsets = [0], sizes = [1], strides = [1]} : vector<16xi32> to vector<1xi32>
        %squeeze3A_650 = vector.extract %slice3A_649[0] : i32 from vector<1xi32>
        %shift_right_arithmetic3A_651 = arith.constant 7 : i32
        %shift_right_arithmetic3A_652 = arith.shrsi %squeeze3A_650, %shift_right_arithmetic3A_651 : i32
        %mul3A_653 = arith.constant 128 : i32
        %mul3A_654 = arith.muli %shift_right_arithmetic3A_652, %mul3A_653 : i32
        %multiple_of3A_655 = tpu.assume_multiple %mul3A_654, 128 : i32
        %dma_start3A_656 = arith.constant 256 : i32
        %dma_start3A_657 = arith.constant 0 : i32
        %dma_start3A_658 = tpu.memref_slice %arg6[%dma_start3A_656, %dma_start3A_657] : memref<768x128xf32, #tpu.memory_space<vmem>> -> memref<16x128xf32, #tpu.memory_space<vmem>>
        %dma_start3A_659 = arith.constant 0 : i32
        %dma_start3A_660 = tpu.memref_slice %arg3[%dma_start3A_659, %multiple_of3A_655] : memref<16x1000000xf32, #tpu.memory_space<hbm>> -> memref<16x128xf32, #tpu.memory_space<hbm>>
        %dma_start3A_661 = arith.constant 256 : i32
        %dma_start3A_662 = arith.constant 0 : i32
        %dma_start3A_663 = tpu.memref_slice %arg6[%dma_start3A_661, %dma_start3A_662] : memref<768x128xf32, #tpu.memory_space<vmem>> -> memref<16x128xf32, #tpu.memory_space<vmem>>
        %dma_start3A_664 = arith.constant 0 : i32
        %dma_start3A_665 = tpu.memref_slice %arg3[%dma_start3A_664, %multiple_of3A_655] : memref<16x1000000xf32, #tpu.memory_space<hbm>> -> memref<16x128xf32, #tpu.memory_space<hbm>>
        tpu.enqueue_dma source(%dma_start3A_665 : memref<16x128xf32, #tpu.memory_space<hbm>>) target(%dma_start3A_663 : memref<16x128xf32, #tpu.memory_space<vmem>>) target_semaphore(%arg9 : memref<!tpu.dma_semaphore, #tpu.memory_space<semaphore_mem>>)
        %slice3A_666 = vector.extract_strided_slice %get3A_648 {offsets = [1], sizes = [1], strides = [1]} : vector<16xi32> to vector<1xi32>
        %squeeze3A_667 = vector.extract %slice3A_666[0] : i32 from vector<1xi32>
        %shift_right_arithmetic3A_668 = arith.constant 7 : i32
        %shift_right_arithmetic3A_669 = arith.shrsi %squeeze3A_667, %shift_right_arithmetic3A_668 : i32
        %mul3A_670 = arith.constant 128 : i32
        %mul3A_671 = arith.muli %shift_right_arithmetic3A_669, %mul3A_670 : i32
        %multiple_of3A_672 = tpu.assume_multiple %mul3A_671, 128 : i32
        %dma_start3A_673 = arith.constant 272 : i32
        %dma_start3A_674 = arith.constant 0 : i32
        %dma_start3A_675 = tpu.memref_slice %arg6[%dma_start3A_673, %dma_start3A_674] : memref<768x128xf32, #tpu.memory_space<vmem>> -> memref<16x128xf32, #tpu.memory_space<vmem>>
        %dma_start3A_676 = arith.constant 0 : i32
        %dma_start3A_677 = tpu.memref_slice %arg3[%dma_start3A_676, %multiple_of3A_672] : memref<16x1000000xf32, #tpu.memory_space<hbm>> -> memref<16x128xf32, #tpu.memory_space<hbm>>
        %dma_start3A_678 = arith.constant 272 : i32
        %dma_start3A_679 = arith.constant 0 : i32
        %dma_start3A_680 = tpu.memref_slice %arg6[%dma_start3A_678, %dma_start3A_679] : memref<768x128xf32, #tpu.memory_space<vmem>> -> memref<16x128xf32, #tpu.memory_space<vmem>>
        %dma_start3A_681 = arith.constant 0 : i32
        %dma_start3A_682 = tpu.memref_slice %arg3[%dma_start3A_681, %multiple_of3A_672] : memref<16x1000000xf32, #tpu.memory_space<hbm>> -> memref<16x128xf32, #tpu.memory_space<hbm>>
        tpu.enqueue_dma source(%dma_start3A_682 : memref<16x128xf32, #tpu.memory_space<hbm>>) target(%dma_start3A_680 : memref<16x128xf32, #tpu.memory_space<vmem>>) target_semaphore(%arg9 : memref<!tpu.dma_semaphore, #tpu.memory_space<semaphore_mem>>)
        %slice3A_683 = vector.extract_strided_slice %get3A_648 {offsets = [2], sizes = [1], strides = [1]} : vector<16xi32> to vector<1xi32>
        %squeeze3A_684 = vector.extract %slice3A_683[0] : i32 from vector<1xi32>
        %shift_right_arithmetic3A_685 = arith.constant 7 : i32
        %shift_right_arithmetic3A_686 = arith.shrsi %squeeze3A_684, %shift_right_arithmetic3A_685 : i32
        %mul3A_687 = arith.constant 128 : i32
        %mul3A_688 = arith.muli %shift_right_arithmetic3A_686, %mul3A_687 : i32
        %multiple_of3A_689 = tpu.assume_multiple %mul3A_688, 128 : i32
        %dma_start3A_690 = arith.constant 288 : i32
        %dma_start3A_691 = arith.constant 0 : i32
        %dma_start3A_692 = tpu.memref_slice %arg6[%dma_start3A_690, %dma_start3A_691] : memref<768x128xf32, #tpu.memory_space<vmem>> -> memref<16x128xf32, #tpu.memory_space<vmem>>
        %dma_start3A_693 = arith.constant 0 : i32
        %dma_start3A_694 = tpu.memref_slice %arg3[%dma_start3A_693, %multiple_of3A_689] : memref<16x1000000xf32, #tpu.memory_space<hbm>> -> memref<16x128xf32, #tpu.memory_space<hbm>>
        %dma_start3A_695 = arith.constant 288 : i32
        %dma_start3A_696 = arith.constant 0 : i32
        %dma_start3A_697 = tpu.memref_slice %arg6[%dma_start3A_695, %dma_start3A_696] : memref<768x128xf32, #tpu.memory_space<vmem>> -> memref<16x128xf32, #tpu.memory_space<vmem>>
        %dma_start3A_698 = arith.constant 0 : i32
        %dma_start3A_699 = tpu.memref_slice %arg3[%dma_start3A_698, %multiple_of3A_689] : memref<16x1000000xf32, #tpu.memory_space<hbm>> -> memref<16x128xf32, #tpu.memory_space<hbm>>
        tpu.enqueue_dma source(%dma_start3A_699 : memref<16x128xf32, #tpu.memory_space<hbm>>) target(%dma_start3A_697 : memref<16x128xf32, #tpu.memory_space<vmem>>) target_semaphore(%arg9 : memref<!tpu.dma_semaphore, #tpu.memory_space<semaphore_mem>>)
        %slice3A_700 = vector.extract_strided_slice %get3A_648 {offsets = [3], sizes = [1], strides = [1]} : vector<16xi32> to vector<1xi32>
        %squeeze3A_701 = vector.extract %slice3A_700[0] : i32 from vector<1xi32>
        %shift_right_arithmetic3A_702 = arith.constant 7 : i32
        %shift_right_arithmetic3A_703 = arith.shrsi %squeeze3A_701, %shift_right_arithmetic3A_702 : i32
        %mul3A_704 = arith.constant 128 : i32
        %mul3A_705 = arith.muli %shift_right_arithmetic3A_703, %mul3A_704 : i32
        %multiple_of3A_706 = tpu.assume_multiple %mul3A_705, 128 : i32
        %dma_start3A_707 = arith.constant 304 : i32
        %dma_start3A_708 = arith.constant 0 : i32
        %dma_start3A_709 = tpu.memref_slice %arg6[%dma_start3A_707, %dma_start3A_708] : memref<768x128xf32, #tpu.memory_space<vmem>> -> memref<16x128xf32, #tpu.memory_space<vmem>>
        %dma_start3A_710 = arith.constant 0 : i32
        %dma_start3A_711 = tpu.memref_slice %arg3[%dma_start3A_710, %multiple_of3A_706] : memref<16x1000000xf32, #tpu.memory_space<hbm>> -> memref<16x128xf32, #tpu.memory_space<hbm>>
        %dma_start3A_712 = arith.constant 304 : i32
        %dma_start3A_713 = arith.constant 0 : i32
        %dma_start3A_714 = tpu.memref_slice %arg6[%dma_start3A_712, %dma_start3A_713] : memref<768x128xf32, #tpu.memory_space<vmem>> -> memref<16x128xf32, #tpu.memory_space<vmem>>
        %dma_start3A_715 = arith.constant 0 : i32
        %dma_start3A_716 = tpu.memref_slice %arg3[%dma_start3A_715, %multiple_of3A_706] : memref<16x1000000xf32, #tpu.memory_space<hbm>> -> memref<16x128xf32, #tpu.memory_space<hbm>>
        tpu.enqueue_dma source(%dma_start3A_716 : memref<16x128xf32, #tpu.memory_space<hbm>>) target(%dma_start3A_714 : memref<16x128xf32, #tpu.memory_space<vmem>>) target_semaphore(%arg9 : memref<!tpu.dma_semaphore, #tpu.memory_space<semaphore_mem>>)
        %slice3A_717 = vector.extract_strided_slice %get3A_648 {offsets = [4], sizes = [1], strides = [1]} : vector<16xi32> to vector<1xi32>
        %squeeze3A_718 = vector.extract %slice3A_717[0] : i32 from vector<1xi32>
        %shift_right_arithmetic3A_719 = arith.constant 7 : i32
        %shift_right_arithmetic3A_720 = arith.shrsi %squeeze3A_718, %shift_right_arithmetic3A_719 : i32
        %mul3A_721 = arith.constant 128 : i32
        %mul3A_722 = arith.muli %shift_right_arithmetic3A_720, %mul3A_721 : i32
        %multiple_of3A_723 = tpu.assume_multiple %mul3A_722, 128 : i32
        %dma_start3A_724 = arith.constant 320 : i32
        %dma_start3A_725 = arith.constant 0 : i32
        %dma_start3A_726 = tpu.memref_slice %arg6[%dma_start3A_724, %dma_start3A_725] : memref<768x128xf32, #tpu.memory_space<vmem>> -> memref<16x128xf32, #tpu.memory_space<vmem>>
        %dma_start3A_727 = arith.constant 0 : i32
        %dma_start3A_728 = tpu.memref_slice %arg3[%dma_start3A_727, %multiple_of3A_723] : memref<16x1000000xf32, #tpu.memory_space<hbm>> -> memref<16x128xf32, #tpu.memory_space<hbm>>
        %dma_start3A_729 = arith.constant 320 : i32
        %dma_start3A_730 = arith.constant 0 : i32
        %dma_start3A_731 = tpu.memref_slice %arg6[%dma_start3A_729, %dma_start3A_730] : memref<768x128xf32, #tpu.memory_space<vmem>> -> memref<16x128xf32, #tpu.memory_space<vmem>>
        %dma_start3A_732 = arith.constant 0 : i32
        %dma_start3A_733 = tpu.memref_slice %arg3[%dma_start3A_732, %multiple_of3A_723] : memref<16x1000000xf32, #tpu.memory_space<hbm>> -> memref<16x128xf32, #tpu.memory_space<hbm>>
        tpu.enqueue_dma source(%dma_start3A_733 : memref<16x128xf32, #tpu.memory_space<hbm>>) target(%dma_start3A_731 : memref<16x128xf32, #tpu.memory_space<vmem>>) target_semaphore(%arg9 : memref<!tpu.dma_semaphore, #tpu.memory_space<semaphore_mem>>)
        %slice3A_734 = vector.extract_strided_slice %get3A_648 {offsets = [5], sizes = [1], strides = [1]} : vector<16xi32> to vector<1xi32>
        %squeeze3A_735 = vector.extract %slice3A_734[0] : i32 from vector<1xi32>
        %shift_right_arithmetic3A_736 = arith.constant 7 : i32
        %shift_right_arithmetic3A_737 = arith.shrsi %squeeze3A_735, %shift_right_arithmetic3A_736 : i32
        %mul3A_738 = arith.constant 128 : i32
        %mul3A_739 = arith.muli %shift_right_arithmetic3A_737, %mul3A_738 : i32
        %multiple_of3A_740 = tpu.assume_multiple %mul3A_739, 128 : i32
        %dma_start3A_741 = arith.constant 336 : i32
        %dma_start3A_742 = arith.constant 0 : i32
        %dma_start3A_743 = tpu.memref_slice %arg6[%dma_start3A_741, %dma_start3A_742] : memref<768x128xf32, #tpu.memory_space<vmem>> -> memref<16x128xf32, #tpu.memory_space<vmem>>
        %dma_start3A_744 = arith.constant 0 : i32
        %dma_start3A_745 = tpu.memref_slice %arg3[%dma_start3A_744, %multiple_of3A_740] : memref<16x1000000xf32, #tpu.memory_space<hbm>> -> memref<16x128xf32, #tpu.memory_space<hbm>>
        %dma_start3A_746 = arith.constant 336 : i32
        %dma_start3A_747 = arith.constant 0 : i32
        %dma_start3A_748 = tpu.memref_slice %arg6[%dma_start3A_746, %dma_start3A_747] : memref<768x128xf32, #tpu.memory_space<vmem>> -> memref<16x128xf32, #tpu.memory_space<vmem>>
        %dma_start3A_749 = arith.constant 0 : i32
        %dma_start3A_750 = tpu.memref_slice %arg3[%dma_start3A_749, %multiple_of3A_740] : memref<16x1000000xf32, #tpu.memory_space<hbm>> -> memref<16x128xf32, #tpu.memory_space<hbm>>
        tpu.enqueue_dma source(%dma_start3A_750 : memref<16x128xf32, #tpu.memory_space<hbm>>) target(%dma_start3A_748 : memref<16x128xf32, #tpu.memory_space<vmem>>) target_semaphore(%arg9 : memref<!tpu.dma_semaphore, #tpu.memory_space<semaphore_mem>>)
        %slice3A_751 = vector.extract_strided_slice %get3A_648 {offsets = [6], sizes = [1], strides = [1]} : vector<16xi32> to vector<1xi32>
        %squeeze3A_752 = vector.extract %slice3A_751[0] : i32 from vector<1xi32>
        %shift_right_arithmetic3A_753 = arith.constant 7 : i32
        %shift_right_arithmetic3A_754 = arith.shrsi %squeeze3A_752, %shift_right_arithmetic3A_753 : i32
        %mul3A_755 = arith.constant 128 : i32
        %mul3A_756 = arith.muli %shift_right_arithmetic3A_754, %mul3A_755 : i32
        %multiple_of3A_757 = tpu.assume_multiple %mul3A_756, 128 : i32
        %dma_start3A_758 = arith.constant 352 : i32
        %dma_start3A_759 = arith.constant 0 : i32
        %dma_start3A_760 = tpu.memref_slice %arg6[%dma_start3A_758, %dma_start3A_759] : memref<768x128xf32, #tpu.memory_space<vmem>> -> memref<16x128xf32, #tpu.memory_space<vmem>>
        %dma_start3A_761 = arith.constant 0 : i32
        %dma_start3A_762 = tpu.memref_slice %arg3[%dma_start3A_761, %multiple_of3A_757] : memref<16x1000000xf32, #tpu.memory_space<hbm>> -> memref<16x128xf32, #tpu.memory_space<hbm>>
        %dma_start3A_763 = arith.constant 352 : i32
        %dma_start3A_764 = arith.constant 0 : i32
        %dma_start3A_765 = tpu.memref_slice %arg6[%dma_start3A_763, %dma_start3A_764] : memref<768x128xf32, #tpu.memory_space<vmem>> -> memref<16x128xf32, #tpu.memory_space<vmem>>
        %dma_start3A_766 = arith.constant 0 : i32
        %dma_start3A_767 = tpu.memref_slice %arg3[%dma_start3A_766, %multiple_of3A_757] : memref<16x1000000xf32, #tpu.memory_space<hbm>> -> memref<16x128xf32, #tpu.memory_space<hbm>>
        tpu.enqueue_dma source(%dma_start3A_767 : memref<16x128xf32, #tpu.memory_space<hbm>>) target(%dma_start3A_765 : memref<16x128xf32, #tpu.memory_space<vmem>>) target_semaphore(%arg9 : memref<!tpu.dma_semaphore, #tpu.memory_space<semaphore_mem>>)
        %slice3A_768 = vector.extract_strided_slice %get3A_648 {offsets = [7], sizes = [1], strides = [1]} : vector<16xi32> to vector<1xi32>
        %squeeze3A_769 = vector.extract %slice3A_768[0] : i32 from vector<1xi32>
        %shift_right_arithmetic3A_770 = arith.constant 7 : i32
        %shift_right_arithmetic3A_771 = arith.shrsi %squeeze3A_769, %shift_right_arithmetic3A_770 : i32
        %mul3A_772 = arith.constant 128 : i32
        %mul3A_773 = arith.muli %shift_right_arithmetic3A_771, %mul3A_772 : i32
        %multiple_of3A_774 = tpu.assume_multiple %mul3A_773, 128 : i32
        %dma_start3A_775 = arith.constant 368 : i32
        %dma_start3A_776 = arith.constant 0 : i32
        %dma_start3A_777 = tpu.memref_slice %arg6[%dma_start3A_775, %dma_start3A_776] : memref<768x128xf32, #tpu.memory_space<vmem>> -> memref<16x128xf32, #tpu.memory_space<vmem>>
        %dma_start3A_778 = arith.constant 0 : i32
        %dma_start3A_779 = tpu.memref_slice %arg3[%dma_start3A_778, %multiple_of3A_774] : memref<16x1000000xf32, #tpu.memory_space<hbm>> -> memref<16x128xf32, #tpu.memory_space<hbm>>
        %dma_start3A_780 = arith.constant 368 : i32
        %dma_start3A_781 = arith.constant 0 : i32
        %dma_start3A_782 = tpu.memref_slice %arg6[%dma_start3A_780, %dma_start3A_781] : memref<768x128xf32, #tpu.memory_space<vmem>> -> memref<16x128xf32, #tpu.memory_space<vmem>>
        %dma_start3A_783 = arith.constant 0 : i32
        %dma_start3A_784 = tpu.memref_slice %arg3[%dma_start3A_783, %multiple_of3A_774] : memref<16x1000000xf32, #tpu.memory_space<hbm>> -> memref<16x128xf32, #tpu.memory_space<hbm>>
        tpu.enqueue_dma source(%dma_start3A_784 : memref<16x128xf32, #tpu.memory_space<hbm>>) target(%dma_start3A_782 : memref<16x128xf32, #tpu.memory_space<vmem>>) target_semaphore(%arg9 : memref<!tpu.dma_semaphore, #tpu.memory_space<semaphore_mem>>)
        %slice3A_785 = vector.extract_strided_slice %get3A_648 {offsets = [8], sizes = [1], strides = [1]} : vector<16xi32> to vector<1xi32>
        %squeeze3A_786 = vector.extract %slice3A_785[0] : i32 from vector<1xi32>
        %shift_right_arithmetic3A_787 = arith.constant 7 : i32
        %shift_right_arithmetic3A_788 = arith.shrsi %squeeze3A_786, %shift_right_arithmetic3A_787 : i32
        %mul3A_789 = arith.constant 128 : i32
        %mul3A_790 = arith.muli %shift_right_arithmetic3A_788, %mul3A_789 : i32
        %multiple_of3A_791 = tpu.assume_multiple %mul3A_790, 128 : i32
        %dma_start3A_792 = arith.constant 384 : i32
        %dma_start3A_793 = arith.constant 0 : i32
        %dma_start3A_794 = tpu.memref_slice %arg6[%dma_start3A_792, %dma_start3A_793] : memref<768x128xf32, #tpu.memory_space<vmem>> -> memref<16x128xf32, #tpu.memory_space<vmem>>
        %dma_start3A_795 = arith.constant 0 : i32
        %dma_start3A_796 = tpu.memref_slice %arg3[%dma_start3A_795, %multiple_of3A_791] : memref<16x1000000xf32, #tpu.memory_space<hbm>> -> memref<16x128xf32, #tpu.memory_space<hbm>>
        %dma_start3A_797 = arith.constant 384 : i32
        %dma_start3A_798 = arith.constant 0 : i32
        %dma_start3A_799 = tpu.memref_slice %arg6[%dma_start3A_797, %dma_start3A_798] : memref<768x128xf32, #tpu.memory_space<vmem>> -> memref<16x128xf32, #tpu.memory_space<vmem>>
        %dma_start3A_800 = arith.constant 0 : i32
        %dma_start3A_801 = tpu.memref_slice %arg3[%dma_start3A_800, %multiple_of3A_791] : memref<16x1000000xf32, #tpu.memory_space<hbm>> -> memref<16x128xf32, #tpu.memory_space<hbm>>
        tpu.enqueue_dma source(%dma_start3A_801 : memref<16x128xf32, #tpu.memory_space<hbm>>) target(%dma_start3A_799 : memref<16x128xf32, #tpu.memory_space<vmem>>) target_semaphore(%arg9 : memref<!tpu.dma_semaphore, #tpu.memory_space<semaphore_mem>>)
        %slice3A_802 = vector.extract_strided_slice %get3A_648 {offsets = [9], sizes = [1], strides = [1]} : vector<16xi32> to vector<1xi32>
        %squeeze3A_803 = vector.extract %slice3A_802[0] : i32 from vector<1xi32>
        %shift_right_arithmetic3A_804 = arith.constant 7 : i32
        %shift_right_arithmetic3A_805 = arith.shrsi %squeeze3A_803, %shift_right_arithmetic3A_804 : i32
        %mul3A_806 = arith.constant 128 : i32
        %mul3A_807 = arith.muli %shift_right_arithmetic3A_805, %mul3A_806 : i32
        %multiple_of3A_808 = tpu.assume_multiple %mul3A_807, 128 : i32
        %dma_start3A_809 = arith.constant 400 : i32
        %dma_start3A_810 = arith.constant 0 : i32
        %dma_start3A_811 = tpu.memref_slice %arg6[%dma_start3A_809, %dma_start3A_810] : memref<768x128xf32, #tpu.memory_space<vmem>> -> memref<16x128xf32, #tpu.memory_space<vmem>>
        %dma_start3A_812 = arith.constant 0 : i32
        %dma_start3A_813 = tpu.memref_slice %arg3[%dma_start3A_812, %multiple_of3A_808] : memref<16x1000000xf32, #tpu.memory_space<hbm>> -> memref<16x128xf32, #tpu.memory_space<hbm>>
        %dma_start3A_814 = arith.constant 400 : i32
        %dma_start3A_815 = arith.constant 0 : i32
        %dma_start3A_816 = tpu.memref_slice %arg6[%dma_start3A_814, %dma_start3A_815] : memref<768x128xf32, #tpu.memory_space<vmem>> -> memref<16x128xf32, #tpu.memory_space<vmem>>
        %dma_start3A_817 = arith.constant 0 : i32
        %dma_start3A_818 = tpu.memref_slice %arg3[%dma_start3A_817, %multiple_of3A_808] : memref<16x1000000xf32, #tpu.memory_space<hbm>> -> memref<16x128xf32, #tpu.memory_space<hbm>>
        tpu.enqueue_dma source(%dma_start3A_818 : memref<16x128xf32, #tpu.memory_space<hbm>>) target(%dma_start3A_816 : memref<16x128xf32, #tpu.memory_space<vmem>>) target_semaphore(%arg9 : memref<!tpu.dma_semaphore, #tpu.memory_space<semaphore_mem>>)
        %slice3A_819 = vector.extract_strided_slice %get3A_648 {offsets = [10], sizes = [1], strides = [1]} : vector<16xi32> to vector<1xi32>
        %squeeze3A_820 = vector.extract %slice3A_819[0] : i32 from vector<1xi32>
        %shift_right_arithmetic3A_821 = arith.constant 7 : i32
        %shift_right_arithmetic3A_822 = arith.shrsi %squeeze3A_820, %shift_right_arithmetic3A_821 : i32
        %mul3A_823 = arith.constant 128 : i32
        %mul3A_824 = arith.muli %shift_right_arithmetic3A_822, %mul3A_823 : i32
        %multiple_of3A_825 = tpu.assume_multiple %mul3A_824, 128 : i32
        %dma_start3A_826 = arith.constant 416 : i32
        %dma_start3A_827 = arith.constant 0 : i32
        %dma_start3A_828 = tpu.memref_slice %arg6[%dma_start3A_826, %dma_start3A_827] : memref<768x128xf32, #tpu.memory_space<vmem>> -> memref<16x128xf32, #tpu.memory_space<vmem>>
        %dma_start3A_829 = arith.constant 0 : i32
        %dma_start3A_830 = tpu.memref_slice %arg3[%dma_start3A_829, %multiple_of3A_825] : memref<16x1000000xf32, #tpu.memory_space<hbm>> -> memref<16x128xf32, #tpu.memory_space<hbm>>
        %dma_start3A_831 = arith.constant 416 : i32
        %dma_start3A_832 = arith.constant 0 : i32
        %dma_start3A_833 = tpu.memref_slice %arg6[%dma_start3A_831, %dma_start3A_832] : memref<768x128xf32, #tpu.memory_space<vmem>> -> memref<16x128xf32, #tpu.memory_space<vmem>>
        %dma_start3A_834 = arith.constant 0 : i32
        %dma_start3A_835 = tpu.memref_slice %arg3[%dma_start3A_834, %multiple_of3A_825] : memref<16x1000000xf32, #tpu.memory_space<hbm>> -> memref<16x128xf32, #tpu.memory_space<hbm>>
        tpu.enqueue_dma source(%dma_start3A_835 : memref<16x128xf32, #tpu.memory_space<hbm>>) target(%dma_start3A_833 : memref<16x128xf32, #tpu.memory_space<vmem>>) target_semaphore(%arg9 : memref<!tpu.dma_semaphore, #tpu.memory_space<semaphore_mem>>)
        %slice3A_836 = vector.extract_strided_slice %get3A_648 {offsets = [11], sizes = [1], strides = [1]} : vector<16xi32> to vector<1xi32>
        %squeeze3A_837 = vector.extract %slice3A_836[0] : i32 from vector<1xi32>
        %shift_right_arithmetic3A_838 = arith.constant 7 : i32
        %shift_right_arithmetic3A_839 = arith.shrsi %squeeze3A_837, %shift_right_arithmetic3A_838 : i32
        %mul3A_840 = arith.constant 128 : i32
        %mul3A_841 = arith.muli %shift_right_arithmetic3A_839, %mul3A_840 : i32
        %multiple_of3A_842 = tpu.assume_multiple %mul3A_841, 128 : i32
        %dma_start3A_843 = arith.constant 432 : i32
        %dma_start3A_844 = arith.constant 0 : i32
        %dma_start3A_845 = tpu.memref_slice %arg6[%dma_start3A_843, %dma_start3A_844] : memref<768x128xf32, #tpu.memory_space<vmem>> -> memref<16x128xf32, #tpu.memory_space<vmem>>
        %dma_start3A_846 = arith.constant 0 : i32
        %dma_start3A_847 = tpu.memref_slice %arg3[%dma_start3A_846, %multiple_of3A_842] : memref<16x1000000xf32, #tpu.memory_space<hbm>> -> memref<16x128xf32, #tpu.memory_space<hbm>>
        %dma_start3A_848 = arith.constant 432 : i32
        %dma_start3A_849 = arith.constant 0 : i32
        %dma_start3A_850 = tpu.memref_slice %arg6[%dma_start3A_848, %dma_start3A_849] : memref<768x128xf32, #tpu.memory_space<vmem>> -> memref<16x128xf32, #tpu.memory_space<vmem>>
        %dma_start3A_851 = arith.constant 0 : i32
        %dma_start3A_852 = tpu.memref_slice %arg3[%dma_start3A_851, %multiple_of3A_842] : memref<16x1000000xf32, #tpu.memory_space<hbm>> -> memref<16x128xf32, #tpu.memory_space<hbm>>
        tpu.enqueue_dma source(%dma_start3A_852 : memref<16x128xf32, #tpu.memory_space<hbm>>) target(%dma_start3A_850 : memref<16x128xf32, #tpu.memory_space<vmem>>) target_semaphore(%arg9 : memref<!tpu.dma_semaphore, #tpu.memory_space<semaphore_mem>>)
        %slice3A_853 = vector.extract_strided_slice %get3A_648 {offsets = [12], sizes = [1], strides = [1]} : vector<16xi32> to vector<1xi32>
        %squeeze3A_854 = vector.extract %slice3A_853[0] : i32 from vector<1xi32>
        %shift_right_arithmetic3A_855 = arith.constant 7 : i32
        %shift_right_arithmetic3A_856 = arith.shrsi %squeeze3A_854, %shift_right_arithmetic3A_855 : i32
        %mul3A_857 = arith.constant 128 : i32
        %mul3A_858 = arith.muli %shift_right_arithmetic3A_856, %mul3A_857 : i32
        %multiple_of3A_859 = tpu.assume_multiple %mul3A_858, 128 : i32
        %dma_start3A_860 = arith.constant 448 : i32
        %dma_start3A_861 = arith.constant 0 : i32
        %dma_start3A_862 = tpu.memref_slice %arg6[%dma_start3A_860, %dma_start3A_861] : memref<768x128xf32, #tpu.memory_space<vmem>> -> memref<16x128xf32, #tpu.memory_space<vmem>>
        %dma_start3A_863 = arith.constant 0 : i32
        %dma_start3A_864 = tpu.memref_slice %arg3[%dma_start3A_863, %multiple_of3A_859] : memref<16x1000000xf32, #tpu.memory_space<hbm>> -> memref<16x128xf32, #tpu.memory_space<hbm>>
        %dma_start3A_865 = arith.constant 448 : i32
        %dma_start3A_866 = arith.constant 0 : i32
        %dma_start3A_867 = tpu.memref_slice %arg6[%dma_start3A_865, %dma_start3A_866] : memref<768x128xf32, #tpu.memory_space<vmem>> -> memref<16x128xf32, #tpu.memory_space<vmem>>
        %dma_start3A_868 = arith.constant 0 : i32
        %dma_start3A_869 = tpu.memref_slice %arg3[%dma_start3A_868, %multiple_of3A_859] : memref<16x1000000xf32, #tpu.memory_space<hbm>> -> memref<16x128xf32, #tpu.memory_space<hbm>>
        tpu.enqueue_dma source(%dma_start3A_869 : memref<16x128xf32, #tpu.memory_space<hbm>>) target(%dma_start3A_867 : memref<16x128xf32, #tpu.memory_space<vmem>>) target_semaphore(%arg9 : memref<!tpu.dma_semaphore, #tpu.memory_space<semaphore_mem>>)
        %slice3A_870 = vector.extract_strided_slice %get3A_648 {offsets = [13], sizes = [1], strides = [1]} : vector<16xi32> to vector<1xi32>
        %squeeze3A_871 = vector.extract %slice3A_870[0] : i32 from vector<1xi32>
        %shift_right_arithmetic3A_872 = arith.constant 7 : i32
        %shift_right_arithmetic3A_873 = arith.shrsi %squeeze3A_871, %shift_right_arithmetic3A_872 : i32
        %mul3A_874 = arith.constant 128 : i32
        %mul3A_875 = arith.muli %shift_right_arithmetic3A_873, %mul3A_874 : i32
        %multiple_of3A_876 = tpu.assume_multiple %mul3A_875, 128 : i32
        %dma_start3A_877 = arith.constant 464 : i32
        %dma_start3A_878 = arith.constant 0 : i32
        %dma_start3A_879 = tpu.memref_slice %arg6[%dma_start3A_877, %dma_start3A_878] : memref<768x128xf32, #tpu.memory_space<vmem>> -> memref<16x128xf32, #tpu.memory_space<vmem>>
        %dma_start3A_880 = arith.constant 0 : i32
        %dma_start3A_881 = tpu.memref_slice %arg3[%dma_start3A_880, %multiple_of3A_876] : memref<16x1000000xf32, #tpu.memory_space<hbm>> -> memref<16x128xf32, #tpu.memory_space<hbm>>
        %dma_start3A_882 = arith.constant 464 : i32
        %dma_start3A_883 = arith.constant 0 : i32
        %dma_start3A_884 = tpu.memref_slice %arg6[%dma_start3A_882, %dma_start3A_883] : memref<768x128xf32, #tpu.memory_space<vmem>> -> memref<16x128xf32, #tpu.memory_space<vmem>>
        %dma_start3A_885 = arith.constant 0 : i32
        %dma_start3A_886 = tpu.memref_slice %arg3[%dma_start3A_885, %multiple_of3A_876] : memref<16x1000000xf32, #tpu.memory_space<hbm>> -> memref<16x128xf32, #tpu.memory_space<hbm>>
        tpu.enqueue_dma source(%dma_start3A_886 : memref<16x128xf32, #tpu.memory_space<hbm>>) target(%dma_start3A_884 : memref<16x128xf32, #tpu.memory_space<vmem>>) target_semaphore(%arg9 : memref<!tpu.dma_semaphore, #tpu.memory_space<semaphore_mem>>)
        %slice3A_887 = vector.extract_strided_slice %get3A_648 {offsets = [14], sizes = [1], strides = [1]} : vector<16xi32> to vector<1xi32>
        %squeeze3A_888 = vector.extract %slice3A_887[0] : i32 from vector<1xi32>
        %shift_right_arithmetic3A_889 = arith.constant 7 : i32
        %shift_right_arithmetic3A_890 = arith.shrsi %squeeze3A_888, %shift_right_arithmetic3A_889 : i32
        %mul3A_891 = arith.constant 128 : i32
        %mul3A_892 = arith.muli %shift_right_arithmetic3A_890, %mul3A_891 : i32
        %multiple_of3A_893 = tpu.assume_multiple %mul3A_892, 128 : i32
        %dma_start3A_894 = arith.constant 480 : i32
        %dma_start3A_895 = arith.constant 0 : i32
        %dma_start3A_896 = tpu.memref_slice %arg6[%dma_start3A_894, %dma_start3A_895] : memref<768x128xf32, #tpu.memory_space<vmem>> -> memref<16x128xf32, #tpu.memory_space<vmem>>
        %dma_start3A_897 = arith.constant 0 : i32
        %dma_start3A_898 = tpu.memref_slice %arg3[%dma_start3A_897, %multiple_of3A_893] : memref<16x1000000xf32, #tpu.memory_space<hbm>> -> memref<16x128xf32, #tpu.memory_space<hbm>>
        %dma_start3A_899 = arith.constant 480 : i32
        %dma_start3A_900 = arith.constant 0 : i32
        %dma_start3A_901 = tpu.memref_slice %arg6[%dma_start3A_899, %dma_start3A_900] : memref<768x128xf32, #tpu.memory_space<vmem>> -> memref<16x128xf32, #tpu.memory_space<vmem>>
        %dma_start3A_902 = arith.constant 0 : i32
        %dma_start3A_903 = tpu.memref_slice %arg3[%dma_start3A_902, %multiple_of3A_893] : memref<16x1000000xf32, #tpu.memory_space<hbm>> -> memref<16x128xf32, #tpu.memory_space<hbm>>
        tpu.enqueue_dma source(%dma_start3A_903 : memref<16x128xf32, #tpu.memory_space<hbm>>) target(%dma_start3A_901 : memref<16x128xf32, #tpu.memory_space<vmem>>) target_semaphore(%arg9 : memref<!tpu.dma_semaphore, #tpu.memory_space<semaphore_mem>>)
        %slice3A_904 = vector.extract_strided_slice %get3A_648 {offsets = [15], sizes = [1], strides = [1]} : vector<16xi32> to vector<1xi32>
        %squeeze3A_905 = vector.extract %slice3A_904[0] : i32 from vector<1xi32>
        %shift_right_arithmetic3A_906 = arith.constant 7 : i32
        %shift_right_arithmetic3A_907 = arith.shrsi %squeeze3A_905, %shift_right_arithmetic3A_906 : i32
        %mul3A_908 = arith.constant 128 : i32
        %mul3A_909 = arith.muli %shift_right_arithmetic3A_907, %mul3A_908 : i32
        %multiple_of3A_910 = tpu.assume_multiple %mul3A_909, 128 : i32
        %dma_start3A_911 = arith.constant 496 : i32
        %dma_start3A_912 = arith.constant 0 : i32
        %dma_start3A_913 = tpu.memref_slice %arg6[%dma_start3A_911, %dma_start3A_912] : memref<768x128xf32, #tpu.memory_space<vmem>> -> memref<16x128xf32, #tpu.memory_space<vmem>>
        %dma_start3A_914 = arith.constant 0 : i32
        %dma_start3A_915 = tpu.memref_slice %arg3[%dma_start3A_914, %multiple_of3A_910] : memref<16x1000000xf32, #tpu.memory_space<hbm>> -> memref<16x128xf32, #tpu.memory_space<hbm>>
        %dma_start3A_916 = arith.constant 496 : i32
        %dma_start3A_917 = arith.constant 0 : i32
        %dma_start3A_918 = tpu.memref_slice %arg6[%dma_start3A_916, %dma_start3A_917] : memref<768x128xf32, #tpu.memory_space<vmem>> -> memref<16x128xf32, #tpu.memory_space<vmem>>
        %dma_start3A_919 = arith.constant 0 : i32
        %dma_start3A_920 = tpu.memref_slice %arg3[%dma_start3A_919, %multiple_of3A_910] : memref<16x1000000xf32, #tpu.memory_space<hbm>> -> memref<16x128xf32, #tpu.memory_space<hbm>>
        tpu.enqueue_dma source(%dma_start3A_920 : memref<16x128xf32, #tpu.memory_space<hbm>>) target(%dma_start3A_918 : memref<16x128xf32, #tpu.memory_space<vmem>>) target_semaphore(%arg9 : memref<!tpu.dma_semaphore, #tpu.memory_space<semaphore_mem>>)
      } else {
      }
      %lt3A_638 = arith.constant 32 : i32
      %lt3A_639 = arith.cmpi slt, %add3A_630, %lt3A_638 : i32
      %convert_element_type3A_640 = arith.extui %lt3A_639 : i1 to i32
      %cond3A_641 = arith.constant 0 : i32
      %cond3A_642 = arith.cmpi ne, %convert_element_type3A_640, %cond3A_641 : i32
      scf.if %cond3A_642 {
        %dma_wait3A_643 = arith.constant 512 : i32
        %dma_wait3A_644 = arith.constant 0 : i32
        %dma_wait3A_645 = tpu.memref_slice %arg6[%dma_wait3A_643, %dma_wait3A_644] : memref<768x128xf32, #tpu.memory_space<vmem>> -> memref<16x128xf32, #tpu.memory_space<vmem>>
        %dma_wait3A_646 = arith.constant 0 : i32
        %dma_wait3A_647 = arith.constant 0 : i32
        %dma_wait3A_648 = tpu.memref_slice %arg3[%dma_wait3A_646, %dma_wait3A_647] : memref<16x1000000xf32, #tpu.memory_space<hbm>> -> memref<16x128xf32, #tpu.memory_space<hbm>>
        %dma_wait3A_649 = arith.constant 512 : i32
        %dma_wait3A_650 = arith.constant 0 : i32
        %dma_wait3A_651 = tpu.memref_slice %arg6[%dma_wait3A_649, %dma_wait3A_650] : memref<768x128xf32, #tpu.memory_space<vmem>> -> memref<16x128xf32, #tpu.memory_space<vmem>>
        %dma_wait3A_652 = arith.constant 0 : i32
        %dma_wait3A_653 = arith.constant 0 : i32
        %dma_wait3A_654 = tpu.memref_slice %arg3[%dma_wait3A_652, %dma_wait3A_653] : memref<16x1000000xf32, #tpu.memory_space<hbm>> -> memref<16x128xf32, #tpu.memory_space<hbm>>
        tpu.wait_dma2 semaphore(%arg10 : memref<!tpu.dma_semaphore, #tpu.memory_space<semaphore_mem>>) src(%dma_wait3A_654 : memref<16x128xf32, #tpu.memory_space<hbm>>) dst(%dma_wait3A_651 : memref<16x128xf32, #tpu.memory_space<vmem>>)
        %dma_wait3A_655 = arith.constant 528 : i32
        %dma_wait3A_656 = arith.constant 0 : i32
        %dma_wait3A_657 = tpu.memref_slice %arg6[%dma_wait3A_655, %dma_wait3A_656] : memref<768x128xf32, #tpu.memory_space<vmem>> -> memref<16x128xf32, #tpu.memory_space<vmem>>
        %dma_wait3A_658 = arith.constant 0 : i32
        %dma_wait3A_659 = arith.constant 0 : i32
        %dma_wait3A_660 = tpu.memref_slice %arg3[%dma_wait3A_658, %dma_wait3A_659] : memref<16x1000000xf32, #tpu.memory_space<hbm>> -> memref<16x128xf32, #tpu.memory_space<hbm>>
        %dma_wait3A_661 = arith.constant 528 : i32
        %dma_wait3A_662 = arith.constant 0 : i32
        %dma_wait3A_663 = tpu.memref_slice %arg6[%dma_wait3A_661, %dma_wait3A_662] : memref<768x128xf32, #tpu.memory_space<vmem>> -> memref<16x128xf32, #tpu.memory_space<vmem>>
        %dma_wait3A_664 = arith.constant 0 : i32
        %dma_wait3A_665 = arith.constant 0 : i32
        %dma_wait3A_666 = tpu.memref_slice %arg3[%dma_wait3A_664, %dma_wait3A_665] : memref<16x1000000xf32, #tpu.memory_space<hbm>> -> memref<16x128xf32, #tpu.memory_space<hbm>>
        tpu.wait_dma2 semaphore(%arg10 : memref<!tpu.dma_semaphore, #tpu.memory_space<semaphore_mem>>) src(%dma_wait3A_666 : memref<16x128xf32, #tpu.memory_space<hbm>>) dst(%dma_wait3A_663 : memref<16x128xf32, #tpu.memory_space<vmem>>)
        %dma_wait3A_667 = arith.constant 544 : i32
        %dma_wait3A_668 = arith.constant 0 : i32
        %dma_wait3A_669 = tpu.memref_slice %arg6[%dma_wait3A_667, %dma_wait3A_668] : memref<768x128xf32, #tpu.memory_space<vmem>> -> memref<16x128xf32, #tpu.memory_space<vmem>>
        %dma_wait3A_670 = arith.constant 0 : i32
        %dma_wait3A_671 = arith.constant 0 : i32
        %dma_wait3A_672 = tpu.memref_slice %arg3[%dma_wait3A_670, %dma_wait3A_671] : memref<16x1000000xf32, #tpu.memory_space<hbm>> -> memref<16x128xf32, #tpu.memory_space<hbm>>
        %dma_wait3A_673 = arith.constant 544 : i32
        %dma_wait3A_674 = arith.constant 0 : i32
        %dma_wait3A_675 = tpu.memref_slice %arg6[%dma_wait3A_673, %dma_wait3A_674] : memref<768x128xf32, #tpu.memory_space<vmem>> -> memref<16x128xf32, #tpu.memory_space<vmem>>
        %dma_wait3A_676 = arith.constant 0 : i32
        %dma_wait3A_677 = arith.constant 0 : i32
        %dma_wait3A_678 = tpu.memref_slice %arg3[%dma_wait3A_676, %dma_wait3A_677] : memref<16x1000000xf32, #tpu.memory_space<hbm>> -> memref<16x128xf32, #tpu.memory_space<hbm>>
        tpu.wait_dma2 semaphore(%arg10 : memref<!tpu.dma_semaphore, #tpu.memory_space<semaphore_mem>>) src(%dma_wait3A_678 : memref<16x128xf32, #tpu.memory_space<hbm>>) dst(%dma_wait3A_675 : memref<16x128xf32, #tpu.memory_space<vmem>>)
        %dma_wait3A_679 = arith.constant 560 : i32
        %dma_wait3A_680 = arith.constant 0 : i32
        %dma_wait3A_681 = tpu.memref_slice %arg6[%dma_wait3A_679, %dma_wait3A_680] : memref<768x128xf32, #tpu.memory_space<vmem>> -> memref<16x128xf32, #tpu.memory_space<vmem>>
        %dma_wait3A_682 = arith.constant 0 : i32
        %dma_wait3A_683 = arith.constant 0 : i32
        %dma_wait3A_684 = tpu.memref_slice %arg3[%dma_wait3A_682, %dma_wait3A_683] : memref<16x1000000xf32, #tpu.memory_space<hbm>> -> memref<16x128xf32, #tpu.memory_space<hbm>>
        %dma_wait3A_685 = arith.constant 560 : i32
        %dma_wait3A_686 = arith.constant 0 : i32
        %dma_wait3A_687 = tpu.memref_slice %arg6[%dma_wait3A_685, %dma_wait3A_686] : memref<768x128xf32, #tpu.memory_space<vmem>> -> memref<16x128xf32, #tpu.memory_space<vmem>>
        %dma_wait3A_688 = arith.constant 0 : i32
        %dma_wait3A_689 = arith.constant 0 : i32
        %dma_wait3A_690 = tpu.memref_slice %arg3[%dma_wait3A_688, %dma_wait3A_689] : memref<16x1000000xf32, #tpu.memory_space<hbm>> -> memref<16x128xf32, #tpu.memory_space<hbm>>
        tpu.wait_dma2 semaphore(%arg10 : memref<!tpu.dma_semaphore, #tpu.memory_space<semaphore_mem>>) src(%dma_wait3A_690 : memref<16x128xf32, #tpu.memory_space<hbm>>) dst(%dma_wait3A_687 : memref<16x128xf32, #tpu.memory_space<vmem>>)
        %dma_wait3A_691 = arith.constant 576 : i32
        %dma_wait3A_692 = arith.constant 0 : i32
        %dma_wait3A_693 = tpu.memref_slice %arg6[%dma_wait3A_691, %dma_wait3A_692] : memref<768x128xf32, #tpu.memory_space<vmem>> -> memref<16x128xf32, #tpu.memory_space<vmem>>
        %dma_wait3A_694 = arith.constant 0 : i32
        %dma_wait3A_695 = arith.constant 0 : i32
        %dma_wait3A_696 = tpu.memref_slice %arg3[%dma_wait3A_694, %dma_wait3A_695] : memref<16x1000000xf32, #tpu.memory_space<hbm>> -> memref<16x128xf32, #tpu.memory_space<hbm>>
        %dma_wait3A_697 = arith.constant 576 : i32
        %dma_wait3A_698 = arith.constant 0 : i32
        %dma_wait3A_699 = tpu.memref_slice %arg6[%dma_wait3A_697, %dma_wait3A_698] : memref<768x128xf32, #tpu.memory_space<vmem>> -> memref<16x128xf32, #tpu.memory_space<vmem>>
        %dma_wait3A_700 = arith.constant 0 : i32
        %dma_wait3A_701 = arith.constant 0 : i32
        %dma_wait3A_702 = tpu.memref_slice %arg3[%dma_wait3A_700, %dma_wait3A_701] : memref<16x1000000xf32, #tpu.memory_space<hbm>> -> memref<16x128xf32, #tpu.memory_space<hbm>>
        tpu.wait_dma2 semaphore(%arg10 : memref<!tpu.dma_semaphore, #tpu.memory_space<semaphore_mem>>) src(%dma_wait3A_702 : memref<16x128xf32, #tpu.memory_space<hbm>>) dst(%dma_wait3A_699 : memref<16x128xf32, #tpu.memory_space<vmem>>)
        %dma_wait3A_703 = arith.constant 592 : i32
        %dma_wait3A_704 = arith.constant 0 : i32
        %dma_wait3A_705 = tpu.memref_slice %arg6[%dma_wait3A_703, %dma_wait3A_704] : memref<768x128xf32, #tpu.memory_space<vmem>> -> memref<16x128xf32, #tpu.memory_space<vmem>>
        %dma_wait3A_706 = arith.constant 0 : i32
        %dma_wait3A_707 = arith.constant 0 : i32
        %dma_wait3A_708 = tpu.memref_slice %arg3[%dma_wait3A_706, %dma_wait3A_707] : memref<16x1000000xf32, #tpu.memory_space<hbm>> -> memref<16x128xf32, #tpu.memory_space<hbm>>
        %dma_wait3A_709 = arith.constant 592 : i32
        %dma_wait3A_710 = arith.constant 0 : i32
        %dma_wait3A_711 = tpu.memref_slice %arg6[%dma_wait3A_709, %dma_wait3A_710] : memref<768x128xf32, #tpu.memory_space<vmem>> -> memref<16x128xf32, #tpu.memory_space<vmem>>
        %dma_wait3A_712 = arith.constant 0 : i32
        %dma_wait3A_713 = arith.constant 0 : i32
        %dma_wait3A_714 = tpu.memref_slice %arg3[%dma_wait3A_712, %dma_wait3A_713] : memref<16x1000000xf32, #tpu.memory_space<hbm>> -> memref<16x128xf32, #tpu.memory_space<hbm>>
        tpu.wait_dma2 semaphore(%arg10 : memref<!tpu.dma_semaphore, #tpu.memory_space<semaphore_mem>>) src(%dma_wait3A_714 : memref<16x128xf32, #tpu.memory_space<hbm>>) dst(%dma_wait3A_711 : memref<16x128xf32, #tpu.memory_space<vmem>>)
        %dma_wait3A_715 = arith.constant 608 : i32
        %dma_wait3A_716 = arith.constant 0 : i32
        %dma_wait3A_717 = tpu.memref_slice %arg6[%dma_wait3A_715, %dma_wait3A_716] : memref<768x128xf32, #tpu.memory_space<vmem>> -> memref<16x128xf32, #tpu.memory_space<vmem>>
        %dma_wait3A_718 = arith.constant 0 : i32
        %dma_wait3A_719 = arith.constant 0 : i32
        %dma_wait3A_720 = tpu.memref_slice %arg3[%dma_wait3A_718, %dma_wait3A_719] : memref<16x1000000xf32, #tpu.memory_space<hbm>> -> memref<16x128xf32, #tpu.memory_space<hbm>>
        %dma_wait3A_721 = arith.constant 608 : i32
        %dma_wait3A_722 = arith.constant 0 : i32
        %dma_wait3A_723 = tpu.memref_slice %arg6[%dma_wait3A_721, %dma_wait3A_722] : memref<768x128xf32, #tpu.memory_space<vmem>> -> memref<16x128xf32, #tpu.memory_space<vmem>>
        %dma_wait3A_724 = arith.constant 0 : i32
        %dma_wait3A_725 = arith.constant 0 : i32
        %dma_wait3A_726 = tpu.memref_slice %arg3[%dma_wait3A_724, %dma_wait3A_725] : memref<16x1000000xf32, #tpu.memory_space<hbm>> -> memref<16x128xf32, #tpu.memory_space<hbm>>
        tpu.wait_dma2 semaphore(%arg10 : memref<!tpu.dma_semaphore, #tpu.memory_space<semaphore_mem>>) src(%dma_wait3A_726 : memref<16x128xf32, #tpu.memory_space<hbm>>) dst(%dma_wait3A_723 : memref<16x128xf32, #tpu.memory_space<vmem>>)
        %dma_wait3A_727 = arith.constant 624 : i32
        %dma_wait3A_728 = arith.constant 0 : i32
        %dma_wait3A_729 = tpu.memref_slice %arg6[%dma_wait3A_727, %dma_wait3A_728] : memref<768x128xf32, #tpu.memory_space<vmem>> -> memref<16x128xf32, #tpu.memory_space<vmem>>
        %dma_wait3A_730 = arith.constant 0 : i32
        %dma_wait3A_731 = arith.constant 0 : i32
        %dma_wait3A_732 = tpu.memref_slice %arg3[%dma_wait3A_730, %dma_wait3A_731] : memref<16x1000000xf32, #tpu.memory_space<hbm>> -> memref<16x128xf32, #tpu.memory_space<hbm>>
        %dma_wait3A_733 = arith.constant 624 : i32
        %dma_wait3A_734 = arith.constant 0 : i32
        %dma_wait3A_735 = tpu.memref_slice %arg6[%dma_wait3A_733, %dma_wait3A_734] : memref<768x128xf32, #tpu.memory_space<vmem>> -> memref<16x128xf32, #tpu.memory_space<vmem>>
        %dma_wait3A_736 = arith.constant 0 : i32
        %dma_wait3A_737 = arith.constant 0 : i32
        %dma_wait3A_738 = tpu.memref_slice %arg3[%dma_wait3A_736, %dma_wait3A_737] : memref<16x1000000xf32, #tpu.memory_space<hbm>> -> memref<16x128xf32, #tpu.memory_space<hbm>>
        tpu.wait_dma2 semaphore(%arg10 : memref<!tpu.dma_semaphore, #tpu.memory_space<semaphore_mem>>) src(%dma_wait3A_738 : memref<16x128xf32, #tpu.memory_space<hbm>>) dst(%dma_wait3A_735 : memref<16x128xf32, #tpu.memory_space<vmem>>)
        %dma_wait3A_739 = arith.constant 640 : i32
        %dma_wait3A_740 = arith.constant 0 : i32
        %dma_wait3A_741 = tpu.memref_slice %arg6[%dma_wait3A_739, %dma_wait3A_740] : memref<768x128xf32, #tpu.memory_space<vmem>> -> memref<16x128xf32, #tpu.memory_space<vmem>>
        %dma_wait3A_742 = arith.constant 0 : i32
        %dma_wait3A_743 = arith.constant 0 : i32
        %dma_wait3A_744 = tpu.memref_slice %arg3[%dma_wait3A_742, %dma_wait3A_743] : memref<16x1000000xf32, #tpu.memory_space<hbm>> -> memref<16x128xf32, #tpu.memory_space<hbm>>
        %dma_wait3A_745 = arith.constant 640 : i32
        %dma_wait3A_746 = arith.constant 0 : i32
        %dma_wait3A_747 = tpu.memref_slice %arg6[%dma_wait3A_745, %dma_wait3A_746] : memref<768x128xf32, #tpu.memory_space<vmem>> -> memref<16x128xf32, #tpu.memory_space<vmem>>
        %dma_wait3A_748 = arith.constant 0 : i32
        %dma_wait3A_749 = arith.constant 0 : i32
        %dma_wait3A_750 = tpu.memref_slice %arg3[%dma_wait3A_748, %dma_wait3A_749] : memref<16x1000000xf32, #tpu.memory_space<hbm>> -> memref<16x128xf32, #tpu.memory_space<hbm>>
        tpu.wait_dma2 semaphore(%arg10 : memref<!tpu.dma_semaphore, #tpu.memory_space<semaphore_mem>>) src(%dma_wait3A_750 : memref<16x128xf32, #tpu.memory_space<hbm>>) dst(%dma_wait3A_747 : memref<16x128xf32, #tpu.memory_space<vmem>>)
        %dma_wait3A_751 = arith.constant 656 : i32
        %dma_wait3A_752 = arith.constant 0 : i32
        %dma_wait3A_753 = tpu.memref_slice %arg6[%dma_wait3A_751, %dma_wait3A_752] : memref<768x128xf32, #tpu.memory_space<vmem>> -> memref<16x128xf32, #tpu.memory_space<vmem>>
        %dma_wait3A_754 = arith.constant 0 : i32
        %dma_wait3A_755 = arith.constant 0 : i32
        %dma_wait3A_756 = tpu.memref_slice %arg3[%dma_wait3A_754, %dma_wait3A_755] : memref<16x1000000xf32, #tpu.memory_space<hbm>> -> memref<16x128xf32, #tpu.memory_space<hbm>>
        %dma_wait3A_757 = arith.constant 656 : i32
        %dma_wait3A_758 = arith.constant 0 : i32
        %dma_wait3A_759 = tpu.memref_slice %arg6[%dma_wait3A_757, %dma_wait3A_758] : memref<768x128xf32, #tpu.memory_space<vmem>> -> memref<16x128xf32, #tpu.memory_space<vmem>>
        %dma_wait3A_760 = arith.constant 0 : i32
        %dma_wait3A_761 = arith.constant 0 : i32
        %dma_wait3A_762 = tpu.memref_slice %arg3[%dma_wait3A_760, %dma_wait3A_761] : memref<16x1000000xf32, #tpu.memory_space<hbm>> -> memref<16x128xf32, #tpu.memory_space<hbm>>
        tpu.wait_dma2 semaphore(%arg10 : memref<!tpu.dma_semaphore, #tpu.memory_space<semaphore_mem>>) src(%dma_wait3A_762 : memref<16x128xf32, #tpu.memory_space<hbm>>) dst(%dma_wait3A_759 : memref<16x128xf32, #tpu.memory_space<vmem>>)
        %dma_wait3A_763 = arith.constant 672 : i32
        %dma_wait3A_764 = arith.constant 0 : i32
        %dma_wait3A_765 = tpu.memref_slice %arg6[%dma_wait3A_763, %dma_wait3A_764] : memref<768x128xf32, #tpu.memory_space<vmem>> -> memref<16x128xf32, #tpu.memory_space<vmem>>
        %dma_wait3A_766 = arith.constant 0 : i32
        %dma_wait3A_767 = arith.constant 0 : i32
        %dma_wait3A_768 = tpu.memref_slice %arg3[%dma_wait3A_766, %dma_wait3A_767] : memref<16x1000000xf32, #tpu.memory_space<hbm>> -> memref<16x128xf32, #tpu.memory_space<hbm>>
        %dma_wait3A_769 = arith.constant 672 : i32
        %dma_wait3A_770 = arith.constant 0 : i32
        %dma_wait3A_771 = tpu.memref_slice %arg6[%dma_wait3A_769, %dma_wait3A_770] : memref<768x128xf32, #tpu.memory_space<vmem>> -> memref<16x128xf32, #tpu.memory_space<vmem>>
        %dma_wait3A_772 = arith.constant 0 : i32
        %dma_wait3A_773 = arith.constant 0 : i32
        %dma_wait3A_774 = tpu.memref_slice %arg3[%dma_wait3A_772, %dma_wait3A_773] : memref<16x1000000xf32, #tpu.memory_space<hbm>> -> memref<16x128xf32, #tpu.memory_space<hbm>>
        tpu.wait_dma2 semaphore(%arg10 : memref<!tpu.dma_semaphore, #tpu.memory_space<semaphore_mem>>) src(%dma_wait3A_774 : memref<16x128xf32, #tpu.memory_space<hbm>>) dst(%dma_wait3A_771 : memref<16x128xf32, #tpu.memory_space<vmem>>)
        %dma_wait3A_775 = arith.constant 688 : i32
        %dma_wait3A_776 = arith.constant 0 : i32
        %dma_wait3A_777 = tpu.memref_slice %arg6[%dma_wait3A_775, %dma_wait3A_776] : memref<768x128xf32, #tpu.memory_space<vmem>> -> memref<16x128xf32, #tpu.memory_space<vmem>>
        %dma_wait3A_778 = arith.constant 0 : i32
        %dma_wait3A_779 = arith.constant 0 : i32
        %dma_wait3A_780 = tpu.memref_slice %arg3[%dma_wait3A_778, %dma_wait3A_779] : memref<16x1000000xf32, #tpu.memory_space<hbm>> -> memref<16x128xf32, #tpu.memory_space<hbm>>
        %dma_wait3A_781 = arith.constant 688 : i32
        %dma_wait3A_782 = arith.constant 0 : i32
        %dma_wait3A_783 = tpu.memref_slice %arg6[%dma_wait3A_781, %dma_wait3A_782] : memref<768x128xf32, #tpu.memory_space<vmem>> -> memref<16x128xf32, #tpu.memory_space<vmem>>
        %dma_wait3A_784 = arith.constant 0 : i32
        %dma_wait3A_785 = arith.constant 0 : i32
        %dma_wait3A_786 = tpu.memref_slice %arg3[%dma_wait3A_784, %dma_wait3A_785] : memref<16x1000000xf32, #tpu.memory_space<hbm>> -> memref<16x128xf32, #tpu.memory_space<hbm>>
        tpu.wait_dma2 semaphore(%arg10 : memref<!tpu.dma_semaphore, #tpu.memory_space<semaphore_mem>>) src(%dma_wait3A_786 : memref<16x128xf32, #tpu.memory_space<hbm>>) dst(%dma_wait3A_783 : memref<16x128xf32, #tpu.memory_space<vmem>>)
        %dma_wait3A_787 = arith.constant 704 : i32
        %dma_wait3A_788 = arith.constant 0 : i32
        %dma_wait3A_789 = tpu.memref_slice %arg6[%dma_wait3A_787, %dma_wait3A_788] : memref<768x128xf32, #tpu.memory_space<vmem>> -> memref<16x128xf32, #tpu.memory_space<vmem>>
        %dma_wait3A_790 = arith.constant 0 : i32
        %dma_wait3A_791 = arith.constant 0 : i32
        %dma_wait3A_792 = tpu.memref_slice %arg3[%dma_wait3A_790, %dma_wait3A_791] : memref<16x1000000xf32, #tpu.memory_space<hbm>> -> memref<16x128xf32, #tpu.memory_space<hbm>>
        %dma_wait3A_793 = arith.constant 704 : i32
        %dma_wait3A_794 = arith.constant 0 : i32
        %dma_wait3A_795 = tpu.memref_slice %arg6[%dma_wait3A_793, %dma_wait3A_794] : memref<768x128xf32, #tpu.memory_space<vmem>> -> memref<16x128xf32, #tpu.memory_space<vmem>>
        %dma_wait3A_796 = arith.constant 0 : i32
        %dma_wait3A_797 = arith.constant 0 : i32
        %dma_wait3A_798 = tpu.memref_slice %arg3[%dma_wait3A_796, %dma_wait3A_797] : memref<16x1000000xf32, #tpu.memory_space<hbm>> -> memref<16x128xf32, #tpu.memory_space<hbm>>
        tpu.wait_dma2 semaphore(%arg10 : memref<!tpu.dma_semaphore, #tpu.memory_space<semaphore_mem>>) src(%dma_wait3A_798 : memref<16x128xf32, #tpu.memory_space<hbm>>) dst(%dma_wait3A_795 : memref<16x128xf32, #tpu.memory_space<vmem>>)
        %dma_wait3A_799 = arith.constant 720 : i32
        %dma_wait3A_800 = arith.constant 0 : i32
        %dma_wait3A_801 = tpu.memref_slice %arg6[%dma_wait3A_799, %dma_wait3A_800] : memref<768x128xf32, #tpu.memory_space<vmem>> -> memref<16x128xf32, #tpu.memory_space<vmem>>
        %dma_wait3A_802 = arith.constant 0 : i32
        %dma_wait3A_803 = arith.constant 0 : i32
        %dma_wait3A_804 = tpu.memref_slice %arg3[%dma_wait3A_802, %dma_wait3A_803] : memref<16x1000000xf32, #tpu.memory_space<hbm>> -> memref<16x128xf32, #tpu.memory_space<hbm>>
        %dma_wait3A_805 = arith.constant 720 : i32
        %dma_wait3A_806 = arith.constant 0 : i32
        %dma_wait3A_807 = tpu.memref_slice %arg6[%dma_wait3A_805, %dma_wait3A_806] : memref<768x128xf32, #tpu.memory_space<vmem>> -> memref<16x128xf32, #tpu.memory_space<vmem>>
        %dma_wait3A_808 = arith.constant 0 : i32
        %dma_wait3A_809 = arith.constant 0 : i32
        %dma_wait3A_810 = tpu.memref_slice %arg3[%dma_wait3A_808, %dma_wait3A_809] : memref<16x1000000xf32, #tpu.memory_space<hbm>> -> memref<16x128xf32, #tpu.memory_space<hbm>>
        tpu.wait_dma2 semaphore(%arg10 : memref<!tpu.dma_semaphore, #tpu.memory_space<semaphore_mem>>) src(%dma_wait3A_810 : memref<16x128xf32, #tpu.memory_space<hbm>>) dst(%dma_wait3A_807 : memref<16x128xf32, #tpu.memory_space<vmem>>)
        %dma_wait3A_811 = arith.constant 736 : i32
        %dma_wait3A_812 = arith.constant 0 : i32
        %dma_wait3A_813 = tpu.memref_slice %arg6[%dma_wait3A_811, %dma_wait3A_812] : memref<768x128xf32, #tpu.memory_space<vmem>> -> memref<16x128xf32, #tpu.memory_space<vmem>>
        %dma_wait3A_814 = arith.constant 0 : i32
        %dma_wait3A_815 = arith.constant 0 : i32
        %dma_wait3A_816 = tpu.memref_slice %arg3[%dma_wait3A_814, %dma_wait3A_815] : memref<16x1000000xf32, #tpu.memory_space<hbm>> -> memref<16x128xf32, #tpu.memory_space<hbm>>
        %dma_wait3A_817 = arith.constant 736 : i32
        %dma_wait3A_818 = arith.constant 0 : i32
        %dma_wait3A_819 = tpu.memref_slice %arg6[%dma_wait3A_817, %dma_wait3A_818] : memref<768x128xf32, #tpu.memory_space<vmem>> -> memref<16x128xf32, #tpu.memory_space<vmem>>
        %dma_wait3A_820 = arith.constant 0 : i32
        %dma_wait3A_821 = arith.constant 0 : i32
        %dma_wait3A_822 = tpu.memref_slice %arg3[%dma_wait3A_820, %dma_wait3A_821] : memref<16x1000000xf32, #tpu.memory_space<hbm>> -> memref<16x128xf32, #tpu.memory_space<hbm>>
        tpu.wait_dma2 semaphore(%arg10 : memref<!tpu.dma_semaphore, #tpu.memory_space<semaphore_mem>>) src(%dma_wait3A_822 : memref<16x128xf32, #tpu.memory_space<hbm>>) dst(%dma_wait3A_819 : memref<16x128xf32, #tpu.memory_space<vmem>>)
        %dma_wait3A_823 = arith.constant 752 : i32
        %dma_wait3A_824 = arith.constant 0 : i32
        %dma_wait3A_825 = tpu.memref_slice %arg6[%dma_wait3A_823, %dma_wait3A_824] : memref<768x128xf32, #tpu.memory_space<vmem>> -> memref<16x128xf32, #tpu.memory_space<vmem>>
        %dma_wait3A_826 = arith.constant 0 : i32
        %dma_wait3A_827 = arith.constant 0 : i32
        %dma_wait3A_828 = tpu.memref_slice %arg3[%dma_wait3A_826, %dma_wait3A_827] : memref<16x1000000xf32, #tpu.memory_space<hbm>> -> memref<16x128xf32, #tpu.memory_space<hbm>>
        %dma_wait3A_829 = arith.constant 752 : i32
        %dma_wait3A_830 = arith.constant 0 : i32
        %dma_wait3A_831 = tpu.memref_slice %arg6[%dma_wait3A_829, %dma_wait3A_830] : memref<768x128xf32, #tpu.memory_space<vmem>> -> memref<16x128xf32, #tpu.memory_space<vmem>>
        %dma_wait3A_832 = arith.constant 0 : i32
        %dma_wait3A_833 = arith.constant 0 : i32
        %dma_wait3A_834 = tpu.memref_slice %arg3[%dma_wait3A_832, %dma_wait3A_833] : memref<16x1000000xf32, #tpu.memory_space<hbm>> -> memref<16x128xf32, #tpu.memory_space<hbm>>
        tpu.wait_dma2 semaphore(%arg10 : memref<!tpu.dma_semaphore, #tpu.memory_space<semaphore_mem>>) src(%dma_wait3A_834 : memref<16x128xf32, #tpu.memory_space<hbm>>) dst(%dma_wait3A_831 : memref<16x128xf32, #tpu.memory_space<vmem>>)
        %mul3A_835 = arith.constant 16 : i32
        %mul3A_836 = arith.muli %add3A_630, %mul3A_835 : i32
        %get3A_837 = arith.index_cast %mul3A_836 : i32 to index
        %get3A_838 = tpu.vector_load %arg5[%get3A_837] {strides = array<i32>} : memref<512xi32, #tpu.memory_space<vmem>>, vector<16xi32>,
        %slice3A_839 = vector.extract_strided_slice %get3A_838 {offsets = [0], sizes = [1], strides = [1]} : vector<16xi32> to vector<1xi32>
        %squeeze3A_840 = vector.extract %slice3A_839[0] : i32 from vector<1xi32>
        %and3A = arith.constant 127 : i32
        %and3A_841 = arith.andi %squeeze3A_840, %and3A : i32
        %broadcast_in_dim3A = vector.broadcast %and3A_841 : i32 to vector<16xi32>
        %add3A_842 = arith.constant 512 : i32
        %add3A_843 = vector.broadcast %add3A_842 : i32 to vector<16xi32>
        %add3A_844 = arith.addi %add3A_843, %iota3A : vector<16xi32>
        %gather3A = tpu.vector_load_idx %arg6[%add3A_844, %broadcast_in_dim3A] : memref<768x128xf32, #tpu.memory_space<vmem>>[vector<16xi32>, vector<16xi32>], vector<16xf32>,
        %mul3A_845 = arith.constant 16 : i32
        %mul3A_846 = arith.muli %add3A_630, %mul3A_845 : i32
        %add3A_847 = arith.constant 0 : i32
        %add3A_848 = arith.addi %mul3A_846, %add3A_847 : i32
        %broadcast_in_dim3A_849 = vector.broadcast %add3A_848 : i32 to vector<16xi32>
        tpu.vector_store_idx %arg7[%iota3A, %broadcast_in_dim3A_849], %gather3A : memref<16x512xf32, #tpu.memory_space<vmem>>[vector<16xi32>, vector<16xi32>], vector<16xf32>,
        %slice3A_850 = vector.extract_strided_slice %get3A_838 {offsets = [1], sizes = [1], strides = [1]} : vector<16xi32> to vector<1xi32>
        %squeeze3A_851 = vector.extract %slice3A_850[0] : i32 from vector<1xi32>
        %and3A_852 = arith.constant 127 : i32
        %and3A_853 = arith.andi %squeeze3A_851, %and3A_852 : i32
        %broadcast_in_dim3A_854 = vector.broadcast %and3A_853 : i32 to vector<16xi32>
        %add3A_855 = arith.constant 528 : i32
        %add3A_856 = vector.broadcast %add3A_855 : i32 to vector<16xi32>
        %add3A_857 = arith.addi %add3A_856, %iota3A : vector<16xi32>
        %gather3A_858 = tpu.vector_load_idx %arg6[%add3A_857, %broadcast_in_dim3A_854] : memref<768x128xf32, #tpu.memory_space<vmem>>[vector<16xi32>, vector<16xi32>], vector<16xf32>,
        %mul3A_859 = arith.constant 16 : i32
        %mul3A_860 = arith.muli %add3A_630, %mul3A_859 : i32
        %add3A_861 = arith.constant 1 : i32
        %add3A_862 = arith.addi %mul3A_860, %add3A_861 : i32
        %broadcast_in_dim3A_863 = vector.broadcast %add3A_862 : i32 to vector<16xi32>
        tpu.vector_store_idx %arg7[%iota3A, %broadcast_in_dim3A_863], %gather3A_858 : memref<16x512xf32, #tpu.memory_space<vmem>>[vector<16xi32>, vector<16xi32>], vector<16xf32>,
        %slice3A_864 = vector.extract_strided_slice %get3A_838 {offsets = [2], sizes = [1], strides = [1]} : vector<16xi32> to vector<1xi32>
        %squeeze3A_865 = vector.extract %slice3A_864[0] : i32 from vector<1xi32>
        %and3A_866 = arith.constant 127 : i32
        %and3A_867 = arith.andi %squeeze3A_865, %and3A_866 : i32
        %broadcast_in_dim3A_868 = vector.broadcast %and3A_867 : i32 to vector<16xi32>
        %add3A_869 = arith.constant 544 : i32
        %add3A_870 = vector.broadcast %add3A_869 : i32 to vector<16xi32>
        %add3A_871 = arith.addi %add3A_870, %iota3A : vector<16xi32>
        %gather3A_872 = tpu.vector_load_idx %arg6[%add3A_871, %broadcast_in_dim3A_868] : memref<768x128xf32, #tpu.memory_space<vmem>>[vector<16xi32>, vector<16xi32>], vector<16xf32>,
        %mul3A_873 = arith.constant 16 : i32
        %mul3A_874 = arith.muli %add3A_630, %mul3A_873 : i32
        %add3A_875 = arith.constant 2 : i32
        %add3A_876 = arith.addi %mul3A_874, %add3A_875 : i32
        %broadcast_in_dim3A_877 = vector.broadcast %add3A_876 : i32 to vector<16xi32>
        tpu.vector_store_idx %arg7[%iota3A, %broadcast_in_dim3A_877], %gather3A_872 : memref<16x512xf32, #tpu.memory_space<vmem>>[vector<16xi32>, vector<16xi32>], vector<16xf32>,
        %slice3A_878 = vector.extract_strided_slice %get3A_838 {offsets = [3], sizes = [1], strides = [1]} : vector<16xi32> to vector<1xi32>
        %squeeze3A_879 = vector.extract %slice3A_878[0] : i32 from vector<1xi32>
        %and3A_880 = arith.constant 127 : i32
        %and3A_881 = arith.andi %squeeze3A_879, %and3A_880 : i32
        %broadcast_in_dim3A_882 = vector.broadcast %and3A_881 : i32 to vector<16xi32>
        %add3A_883 = arith.constant 560 : i32
        %add3A_884 = vector.broadcast %add3A_883 : i32 to vector<16xi32>
        %add3A_885 = arith.addi %add3A_884, %iota3A : vector<16xi32>
        %gather3A_886 = tpu.vector_load_idx %arg6[%add3A_885, %broadcast_in_dim3A_882] : memref<768x128xf32, #tpu.memory_space<vmem>>[vector<16xi32>, vector<16xi32>], vector<16xf32>,
        %mul3A_887 = arith.constant 16 : i32
        %mul3A_888 = arith.muli %add3A_630, %mul3A_887 : i32
        %add3A_889 = arith.constant 3 : i32
        %add3A_890 = arith.addi %mul3A_888, %add3A_889 : i32
        %broadcast_in_dim3A_891 = vector.broadcast %add3A_890 : i32 to vector<16xi32>
        tpu.vector_store_idx %arg7[%iota3A, %broadcast_in_dim3A_891], %gather3A_886 : memref<16x512xf32, #tpu.memory_space<vmem>>[vector<16xi32>, vector<16xi32>], vector<16xf32>,
        %slice3A_892 = vector.extract_strided_slice %get3A_838 {offsets = [4], sizes = [1], strides = [1]} : vector<16xi32> to vector<1xi32>
        %squeeze3A_893 = vector.extract %slice3A_892[0] : i32 from vector<1xi32>
        %and3A_894 = arith.constant 127 : i32
        %and3A_895 = arith.andi %squeeze3A_893, %and3A_894 : i32
        %broadcast_in_dim3A_896 = vector.broadcast %and3A_895 : i32 to vector<16xi32>
        %add3A_897 = arith.constant 576 : i32
        %add3A_898 = vector.broadcast %add3A_897 : i32 to vector<16xi32>
        %add3A_899 = arith.addi %add3A_898, %iota3A : vector<16xi32>
        %gather3A_900 = tpu.vector_load_idx %arg6[%add3A_899, %broadcast_in_dim3A_896] : memref<768x128xf32, #tpu.memory_space<vmem>>[vector<16xi32>, vector<16xi32>], vector<16xf32>,
        %mul3A_901 = arith.constant 16 : i32
        %mul3A_902 = arith.muli %add3A_630, %mul3A_901 : i32
        %add3A_903 = arith.constant 4 : i32
        %add3A_904 = arith.addi %mul3A_902, %add3A_903 : i32
        %broadcast_in_dim3A_905 = vector.broadcast %add3A_904 : i32 to vector<16xi32>
        tpu.vector_store_idx %arg7[%iota3A, %broadcast_in_dim3A_905], %gather3A_900 : memref<16x512xf32, #tpu.memory_space<vmem>>[vector<16xi32>, vector<16xi32>], vector<16xf32>,
        %slice3A_906 = vector.extract_strided_slice %get3A_838 {offsets = [5], sizes = [1], strides = [1]} : vector<16xi32> to vector<1xi32>
        %squeeze3A_907 = vector.extract %slice3A_906[0] : i32 from vector<1xi32>
        %and3A_908 = arith.constant 127 : i32
        %and3A_909 = arith.andi %squeeze3A_907, %and3A_908 : i32
        %broadcast_in_dim3A_910 = vector.broadcast %and3A_909 : i32 to vector<16xi32>
        %add3A_911 = arith.constant 592 : i32
        %add3A_912 = vector.broadcast %add3A_911 : i32 to vector<16xi32>
        %add3A_913 = arith.addi %add3A_912, %iota3A : vector<16xi32>
        %gather3A_914 = tpu.vector_load_idx %arg6[%add3A_913, %broadcast_in_dim3A_910] : memref<768x128xf32, #tpu.memory_space<vmem>>[vector<16xi32>, vector<16xi32>], vector<16xf32>,
        %mul3A_915 = arith.constant 16 : i32
        %mul3A_916 = arith.muli %add3A_630, %mul3A_915 : i32
        %add3A_917 = arith.constant 5 : i32
        %add3A_918 = arith.addi %mul3A_916, %add3A_917 : i32
        %broadcast_in_dim3A_919 = vector.broadcast %add3A_918 : i32 to vector<16xi32>
        tpu.vector_store_idx %arg7[%iota3A, %broadcast_in_dim3A_919], %gather3A_914 : memref<16x512xf32, #tpu.memory_space<vmem>>[vector<16xi32>, vector<16xi32>], vector<16xf32>,
        %slice3A_920 = vector.extract_strided_slice %get3A_838 {offsets = [6], sizes = [1], strides = [1]} : vector<16xi32> to vector<1xi32>
        %squeeze3A_921 = vector.extract %slice3A_920[0] : i32 from vector<1xi32>
        %and3A_922 = arith.constant 127 : i32
        %and3A_923 = arith.andi %squeeze3A_921, %and3A_922 : i32
        %broadcast_in_dim3A_924 = vector.broadcast %and3A_923 : i32 to vector<16xi32>
        %add3A_925 = arith.constant 608 : i32
        %add3A_926 = vector.broadcast %add3A_925 : i32 to vector<16xi32>
        %add3A_927 = arith.addi %add3A_926, %iota3A : vector<16xi32>
        %gather3A_928 = tpu.vector_load_idx %arg6[%add3A_927, %broadcast_in_dim3A_924] : memref<768x128xf32, #tpu.memory_space<vmem>>[vector<16xi32>, vector<16xi32>], vector<16xf32>,
        %mul3A_929 = arith.constant 16 : i32
        %mul3A_930 = arith.muli %add3A_630, %mul3A_929 : i32
        %add3A_931 = arith.constant 6 : i32
        %add3A_932 = arith.addi %mul3A_930, %add3A_931 : i32
        %broadcast_in_dim3A_933 = vector.broadcast %add3A_932 : i32 to vector<16xi32>
        tpu.vector_store_idx %arg7[%iota3A, %broadcast_in_dim3A_933], %gather3A_928 : memref<16x512xf32, #tpu.memory_space<vmem>>[vector<16xi32>, vector<16xi32>], vector<16xf32>,
        %slice3A_934 = vector.extract_strided_slice %get3A_838 {offsets = [7], sizes = [1], strides = [1]} : vector<16xi32> to vector<1xi32>
        %squeeze3A_935 = vector.extract %slice3A_934[0] : i32 from vector<1xi32>
        %and3A_936 = arith.constant 127 : i32
        %and3A_937 = arith.andi %squeeze3A_935, %and3A_936 : i32
        %broadcast_in_dim3A_938 = vector.broadcast %and3A_937 : i32 to vector<16xi32>
        %add3A_939 = arith.constant 624 : i32
        %add3A_940 = vector.broadcast %add3A_939 : i32 to vector<16xi32>
        %add3A_941 = arith.addi %add3A_940, %iota3A : vector<16xi32>
        %gather3A_942 = tpu.vector_load_idx %arg6[%add3A_941, %broadcast_in_dim3A_938] : memref<768x128xf32, #tpu.memory_space<vmem>>[vector<16xi32>, vector<16xi32>], vector<16xf32>,
        %mul3A_943 = arith.constant 16 : i32
        %mul3A_944 = arith.muli %add3A_630, %mul3A_943 : i32
        %add3A_945 = arith.constant 7 : i32
        %add3A_946 = arith.addi %mul3A_944, %add3A_945 : i32
        %broadcast_in_dim3A_947 = vector.broadcast %add3A_946 : i32 to vector<16xi32>
        tpu.vector_store_idx %arg7[%iota3A, %broadcast_in_dim3A_947], %gather3A_942 : memref<16x512xf32, #tpu.memory_space<vmem>>[vector<16xi32>, vector<16xi32>], vector<16xf32>,
        %slice3A_948 = vector.extract_strided_slice %get3A_838 {offsets = [8], sizes = [1], strides = [1]} : vector<16xi32> to vector<1xi32>
        %squeeze3A_949 = vector.extract %slice3A_948[0] : i32 from vector<1xi32>
        %and3A_950 = arith.constant 127 : i32
        %and3A_951 = arith.andi %squeeze3A_949, %and3A_950 : i32
        %broadcast_in_dim3A_952 = vector.broadcast %and3A_951 : i32 to vector<16xi32>
        %add3A_953 = arith.constant 640 : i32
        %add3A_954 = vector.broadcast %add3A_953 : i32 to vector<16xi32>
        %add3A_955 = arith.addi %add3A_954, %iota3A : vector<16xi32>
        %gather3A_956 = tpu.vector_load_idx %arg6[%add3A_955, %broadcast_in_dim3A_952] : memref<768x128xf32, #tpu.memory_space<vmem>>[vector<16xi32>, vector<16xi32>], vector<16xf32>,
        %mul3A_957 = arith.constant 16 : i32
        %mul3A_958 = arith.muli %add3A_630, %mul3A_957 : i32
        %add3A_959 = arith.constant 8 : i32
        %add3A_960 = arith.addi %mul3A_958, %add3A_959 : i32
        %broadcast_in_dim3A_961 = vector.broadcast %add3A_960 : i32 to vector<16xi32>
        tpu.vector_store_idx %arg7[%iota3A, %broadcast_in_dim3A_961], %gather3A_956 : memref<16x512xf32, #tpu.memory_space<vmem>>[vector<16xi32>, vector<16xi32>], vector<16xf32>,
        %slice3A_962 = vector.extract_strided_slice %get3A_838 {offsets = [9], sizes = [1], strides = [1]} : vector<16xi32> to vector<1xi32>
        %squeeze3A_963 = vector.extract %slice3A_962[0] : i32 from vector<1xi32>
        %and3A_964 = arith.constant 127 : i32
        %and3A_965 = arith.andi %squeeze3A_963, %and3A_964 : i32
        %broadcast_in_dim3A_966 = vector.broadcast %and3A_965 : i32 to vector<16xi32>
        %add3A_967 = arith.constant 656 : i32
        %add3A_968 = vector.broadcast %add3A_967 : i32 to vector<16xi32>
        %add3A_969 = arith.addi %add3A_968, %iota3A : vector<16xi32>
        %gather3A_970 = tpu.vector_load_idx %arg6[%add3A_969, %broadcast_in_dim3A_966] : memref<768x128xf32, #tpu.memory_space<vmem>>[vector<16xi32>, vector<16xi32>], vector<16xf32>,
        %mul3A_971 = arith.constant 16 : i32
        %mul3A_972 = arith.muli %add3A_630, %mul3A_971 : i32
        %add3A_973 = arith.constant 9 : i32
        %add3A_974 = arith.addi %mul3A_972, %add3A_973 : i32
        %broadcast_in_dim3A_975 = vector.broadcast %add3A_974 : i32 to vector<16xi32>
        tpu.vector_store_idx %arg7[%iota3A, %broadcast_in_dim3A_975], %gather3A_970 : memref<16x512xf32, #tpu.memory_space<vmem>>[vector<16xi32>, vector<16xi32>], vector<16xf32>,
        %slice3A_976 = vector.extract_strided_slice %get3A_838 {offsets = [10], sizes = [1], strides = [1]} : vector<16xi32> to vector<1xi32>
        %squeeze3A_977 = vector.extract %slice3A_976[0] : i32 from vector<1xi32>
        %and3A_978 = arith.constant 127 : i32
        %and3A_979 = arith.andi %squeeze3A_977, %and3A_978 : i32
        %broadcast_in_dim3A_980 = vector.broadcast %and3A_979 : i32 to vector<16xi32>
        %add3A_981 = arith.constant 672 : i32
        %add3A_982 = vector.broadcast %add3A_981 : i32 to vector<16xi32>
        %add3A_983 = arith.addi %add3A_982, %iota3A : vector<16xi32>
        %gather3A_984 = tpu.vector_load_idx %arg6[%add3A_983, %broadcast_in_dim3A_980] : memref<768x128xf32, #tpu.memory_space<vmem>>[vector<16xi32>, vector<16xi32>], vector<16xf32>,
        %mul3A_985 = arith.constant 16 : i32
        %mul3A_986 = arith.muli %add3A_630, %mul3A_985 : i32
        %add3A_987 = arith.constant 10 : i32
        %add3A_988 = arith.addi %mul3A_986, %add3A_987 : i32
        %broadcast_in_dim3A_989 = vector.broadcast %add3A_988 : i32 to vector<16xi32>
        tpu.vector_store_idx %arg7[%iota3A, %broadcast_in_dim3A_989], %gather3A_984 : memref<16x512xf32, #tpu.memory_space<vmem>>[vector<16xi32>, vector<16xi32>], vector<16xf32>,
        %slice3A_990 = vector.extract_strided_slice %get3A_838 {offsets = [11], sizes = [1], strides = [1]} : vector<16xi32> to vector<1xi32>
        %squeeze3A_991 = vector.extract %slice3A_990[0] : i32 from vector<1xi32>
        %and3A_992 = arith.constant 127 : i32
        %and3A_993 = arith.andi %squeeze3A_991, %and3A_992 : i32
        %broadcast_in_dim3A_994 = vector.broadcast %and3A_993 : i32 to vector<16xi32>
        %add3A_995 = arith.constant 688 : i32
        %add3A_996 = vector.broadcast %add3A_995 : i32 to vector<16xi32>
        %add3A_997 = arith.addi %add3A_996, %iota3A : vector<16xi32>
        %gather3A_998 = tpu.vector_load_idx %arg6[%add3A_997, %broadcast_in_dim3A_994] : memref<768x128xf32, #tpu.memory_space<vmem>>[vector<16xi32>, vector<16xi32>], vector<16xf32>,
        %mul3A_999 = arith.constant 16 : i32
        %mul3A_1000 = arith.muli %add3A_630, %mul3A_999 : i32
        %add3A_1001 = arith.constant 11 : i32
        %add3A_1002 = arith.addi %mul3A_1000, %add3A_1001 : i32
        %broadcast_in_dim3A_1003 = vector.broadcast %add3A_1002 : i32 to vector<16xi32>
        tpu.vector_store_idx %arg7[%iota3A, %broadcast_in_dim3A_1003], %gather3A_998 : memref<16x512xf32, #tpu.memory_space<vmem>>[vector<16xi32>, vector<16xi32>], vector<16xf32>,
        %slice3A_1004 = vector.extract_strided_slice %get3A_838 {offsets = [12], sizes = [1], strides = [1]} : vector<16xi32> to vector<1xi32>
        %squeeze3A_1005 = vector.extract %slice3A_1004[0] : i32 from vector<1xi32>
        %and3A_1006 = arith.constant 127 : i32
        %and3A_1007 = arith.andi %squeeze3A_1005, %and3A_1006 : i32
        %broadcast_in_dim3A_1008 = vector.broadcast %and3A_1007 : i32 to vector<16xi32>
        %add3A_1009 = arith.constant 704 : i32
        %add3A_1010 = vector.broadcast %add3A_1009 : i32 to vector<16xi32>
        %add3A_1011 = arith.addi %add3A_1010, %iota3A : vector<16xi32>
        %gather3A_1012 = tpu.vector_load_idx %arg6[%add3A_1011, %broadcast_in_dim3A_1008] : memref<768x128xf32, #tpu.memory_space<vmem>>[vector<16xi32>, vector<16xi32>], vector<16xf32>,
        %mul3A_1013 = arith.constant 16 : i32
        %mul3A_1014 = arith.muli %add3A_630, %mul3A_1013 : i32
        %add3A_1015 = arith.constant 12 : i32
        %add3A_1016 = arith.addi %mul3A_1014, %add3A_1015 : i32
        %broadcast_in_dim3A_1017 = vector.broadcast %add3A_1016 : i32 to vector<16xi32>
        tpu.vector_store_idx %arg7[%iota3A, %broadcast_in_dim3A_1017], %gather3A_1012 : memref<16x512xf32, #tpu.memory_space<vmem>>[vector<16xi32>, vector<16xi32>], vector<16xf32>,
        %slice3A_1018 = vector.extract_strided_slice %get3A_838 {offsets = [13], sizes = [1], strides = [1]} : vector<16xi32> to vector<1xi32>
        %squeeze3A_1019 = vector.extract %slice3A_1018[0] : i32 from vector<1xi32>
        %and3A_1020 = arith.constant 127 : i32
        %and3A_1021 = arith.andi %squeeze3A_1019, %and3A_1020 : i32
        %broadcast_in_dim3A_1022 = vector.broadcast %and3A_1021 : i32 to vector<16xi32>
        %add3A_1023 = arith.constant 720 : i32
        %add3A_1024 = vector.broadcast %add3A_1023 : i32 to vector<16xi32>
        %add3A_1025 = arith.addi %add3A_1024, %iota3A : vector<16xi32>
        %gather3A_1026 = tpu.vector_load_idx %arg6[%add3A_1025, %broadcast_in_dim3A_1022] : memref<768x128xf32, #tpu.memory_space<vmem>>[vector<16xi32>, vector<16xi32>], vector<16xf32>,
        %mul3A_1027 = arith.constant 16 : i32
        %mul3A_1028 = arith.muli %add3A_630, %mul3A_1027 : i32
        %add3A_1029 = arith.constant 13 : i32
        %add3A_1030 = arith.addi %mul3A_1028, %add3A_1029 : i32
        %broadcast_in_dim3A_1031 = vector.broadcast %add3A_1030 : i32 to vector<16xi32>
        tpu.vector_store_idx %arg7[%iota3A, %broadcast_in_dim3A_1031], %gather3A_1026 : memref<16x512xf32, #tpu.memory_space<vmem>>[vector<16xi32>, vector<16xi32>], vector<16xf32>,
        %slice3A_1032 = vector.extract_strided_slice %get3A_838 {offsets = [14], sizes = [1], strides = [1]} : vector<16xi32> to vector<1xi32>
        %squeeze3A_1033 = vector.extract %slice3A_1032[0] : i32 from vector<1xi32>
        %and3A_1034 = arith.constant 127 : i32
        %and3A_1035 = arith.andi %squeeze3A_1033, %and3A_1034 : i32
        %broadcast_in_dim3A_1036 = vector.broadcast %and3A_1035 : i32 to vector<16xi32>
        %add3A_1037 = arith.constant 736 : i32
        %add3A_1038 = vector.broadcast %add3A_1037 : i32 to vector<16xi32>
        %add3A_1039 = arith.addi %add3A_1038, %iota3A : vector<16xi32>
        %gather3A_1040 = tpu.vector_load_idx %arg6[%add3A_1039, %broadcast_in_dim3A_1036] : memref<768x128xf32, #tpu.memory_space<vmem>>[vector<16xi32>, vector<16xi32>], vector<16xf32>,
        %mul3A_1041 = arith.constant 16 : i32
        %mul3A_1042 = arith.muli %add3A_630, %mul3A_1041 : i32
        %add3A_1043 = arith.constant 14 : i32
        %add3A_1044 = arith.addi %mul3A_1042, %add3A_1043 : i32
        %broadcast_in_dim3A_1045 = vector.broadcast %add3A_1044 : i32 to vector<16xi32>
        tpu.vector_store_idx %arg7[%iota3A, %broadcast_in_dim3A_1045], %gather3A_1040 : memref<16x512xf32, #tpu.memory_space<vmem>>[vector<16xi32>, vector<16xi32>], vector<16xf32>,
        %slice3A_1046 = vector.extract_strided_slice %get3A_838 {offsets = [15], sizes = [1], strides = [1]} : vector<16xi32> to vector<1xi32>
        %squeeze3A_1047 = vector.extract %slice3A_1046[0] : i32 from vector<1xi32>
        %and3A_1048 = arith.constant 127 : i32
        %and3A_1049 = arith.andi %squeeze3A_1047, %and3A_1048 : i32
        %broadcast_in_dim3A_1050 = vector.broadcast %and3A_1049 : i32 to vector<16xi32>
        %add3A_1051 = arith.constant 752 : i32
        %add3A_1052 = vector.broadcast %add3A_1051 : i32 to vector<16xi32>
        %add3A_1053 = arith.addi %add3A_1052, %iota3A : vector<16xi32>
        %gather3A_1054 = tpu.vector_load_idx %arg6[%add3A_1053, %broadcast_in_dim3A_1050] : memref<768x128xf32, #tpu.memory_space<vmem>>[vector<16xi32>, vector<16xi32>], vector<16xf32>,
        %mul3A_1055 = arith.constant 16 : i32
        %mul3A_1056 = arith.muli %add3A_630, %mul3A_1055 : i32
        %add3A_1057 = arith.constant 15 : i32
        %add3A_1058 = arith.addi %mul3A_1056, %add3A_1057 : i32
        %broadcast_in_dim3A_1059 = vector.broadcast %add3A_1058 : i32 to vector<16xi32>
        tpu.vector_store_idx %arg7[%iota3A, %broadcast_in_dim3A_1059], %gather3A_1054 : memref<16x512xf32, #tpu.memory_space<vmem>>[vector<16xi32>, vector<16xi32>], vector<16xf32>,
        %rem3A = arith.constant 8 : i32
        %rem3A_1060 = arith.remsi %add3A_630, %rem3A : i32
        %eq3A = arith.constant 7 : i32
        %eq3A_1061 = arith.cmpi eq, %rem3A_1060, %eq3A : i32
        %convert_element_type3A_1062 = arith.extui %eq3A_1061 : i1 to i32
        %cond3A_1063 = arith.constant 0 : i32
        %cond3A_1064 = arith.cmpi ne, %convert_element_type3A_1062, %cond3A_1063 : i32
        scf.if %cond3A_1064 {
          %jit3A = arith.constant 8 : i32
          %div3A = arith.divsi %add3A_630, %jit3A : i32
          %sign3A = arith.constant 0 : i32
          %sign3A_1065 = arith.cmpi sgt, %add3A_630, %sign3A : i32
          %sign3A_1066 = arith.extui %sign3A_1065 : i1 to i32
          %sign3A_1067 = arith.constant 0 : i32
          %sign3A_1068 = arith.cmpi slt, %add3A_630, %sign3A_1067 : i32
          %sign3A_1069 = arith.extui %sign3A_1068 : i1 to i32
          %sign3A_1070 = arith.subi %sign3A_1066, %sign3A_1069 : i32
          %sign3A_1071 = arith.constant 0 : i32
          %sign3A_1072 = arith.cmpi sgt, %jit3A, %sign3A_1071 : i32
          %sign3A_1073 = arith.extui %sign3A_1072 : i1 to i32
          %sign3A_1074 = arith.constant 0 : i32
          %sign3A_1075 = arith.cmpi slt, %jit3A, %sign3A_1074 : i32
          %sign3A_1076 = arith.extui %sign3A_1075 : i1 to i32
          %sign3A_1077 = arith.subi %sign3A_1073, %sign3A_1076 : i32
          %ne3A = arith.cmpi ne, %sign3A_1070, %sign3A_1077 : i32
          %rem3A_1078 = arith.remsi %add3A_630, %jit3A : i32
          %ne3A_1079 = arith.constant 0 : i32
          %ne3A_1080 = arith.cmpi ne, %rem3A_1078, %ne3A_1079 : i32
          %and3A_1081 = arith.andi %ne3A, %ne3A_1080 : i1
          %sub3A = arith.constant 1 : i32
          %sub3A_1082 = arith.subi %div3A, %sub3A : i32
          %select_n3A = arith.select %and3A_1081, %sub3A_1082, %div3A : i32
          %mul3A_1083 = arith.constant 128 : i32
          %mul3A_1084 = arith.muli %select_n3A, %mul3A_1083 : i32
          %add3A_1085 = arith.addi %mul3A_2, %mul3A_1084 : i32
          %dma_start3A_1086 = arith.constant 0 : i32
          %dma_start3A_1087 = tpu.memref_slice %arg7[%dma_start3A_1086, %mul3A_1084] : memref<16x512xf32, #tpu.memory_space<vmem>> -> memref<16x128xf32, #tpu.memory_space<vmem>>
          %dma_start3A_1088 = arith.constant 0 : i32
          %dma_start3A_1089 = tpu.memref_slice %arg4[%dma_start3A_1088, %add3A_1085] : memref<16x16384xf32, #tpu.memory_space<hbm>> -> memref<16x128xf32, #tpu.memory_space<hbm>>
          %dma_start3A_1090 = arith.constant 0 : i32
          %dma_start3A_1091 = tpu.memref_slice %arg4[%dma_start3A_1090, %add3A_1085] : memref<16x16384xf32, #tpu.memory_space<hbm>> -> memref<16x128xf32, #tpu.memory_space<hbm>>
          %dma_start3A_1092 = arith.constant 0 : i32
          %dma_start3A_1093 = tpu.memref_slice %arg7[%dma_start3A_1092, %mul3A_1084] : memref<16x512xf32, #tpu.memory_space<vmem>> -> memref<16x128xf32, #tpu.memory_space<vmem>>
          tpu.enqueue_dma source(%dma_start3A_1093 : memref<16x128xf32, #tpu.memory_space<vmem>>) target(%dma_start3A_1091 : memref<16x128xf32, #tpu.memory_space<hbm>>) target_semaphore(%arg11 : memref<!tpu.dma_semaphore, #tpu.memory_space<semaphore_mem>>)
        } else {
        }
      } else {
      }
    }
    %scan3A_549 = arith.constant 11 : i32
    %dma_wait3A = arith.constant 0 : i32
    %dma_wait3A_550 = arith.constant 0 : i32
    %dma_wait3A_551 = tpu.memref_slice %arg7[%dma_wait3A, %dma_wait3A_550] : memref<16x512xf32, #tpu.memory_space<vmem>> -> memref<16x128xf32, #tpu.memory_space<vmem>>
    %dma_wait3A_552 = arith.constant 0 : i32
    %dma_wait3A_553 = arith.constant 0 : i32
    %dma_wait3A_554 = tpu.memref_slice %arg3[%dma_wait3A_552, %dma_wait3A_553] : memref<16x1000000xf32, #tpu.memory_space<hbm>> -> memref<16x128xf32, #tpu.memory_space<hbm>>
    %dma_wait3A_555 = arith.constant 0 : i32
    %dma_wait3A_556 = arith.constant 0 : i32
    %dma_wait3A_557 = tpu.memref_slice %arg7[%dma_wait3A_555, %dma_wait3A_556] : memref<16x512xf32, #tpu.memory_space<vmem>> -> memref<16x128xf32, #tpu.memory_space<vmem>>
    %dma_wait3A_558 = arith.constant 0 : i32
    %dma_wait3A_559 = arith.constant 0 : i32
    %dma_wait3A_560 = tpu.memref_slice %arg3[%dma_wait3A_558, %dma_wait3A_559] : memref<16x1000000xf32, #tpu.memory_space<hbm>> -> memref<16x128xf32, #tpu.memory_space<hbm>>
    tpu.wait_dma2 semaphore(%arg11 : memref<!tpu.dma_semaphore, #tpu.memory_space<semaphore_mem>>) src(%dma_wait3A_560 : memref<16x128xf32, #tpu.memory_space<hbm>>) dst(%dma_wait3A_557 : memref<16x128xf32, #tpu.memory_space<vmem>>)
    %dma_wait3A_561 = arith.constant 0 : i32
    %dma_wait3A_562 = arith.constant 128 : i32
    %dma_wait3A_563 = tpu.memref_slice %arg7[%dma_wait3A_561, %dma_wait3A_562] : memref<16x512xf32, #tpu.memory_space<vmem>> -> memref<16x128xf32, #tpu.memory_space<vmem>>
    %dma_wait3A_564 = arith.constant 0 : i32
    %dma_wait3A_565 = arith.constant 0 : i32
    %dma_wait3A_566 = tpu.memref_slice %arg3[%dma_wait3A_564, %dma_wait3A_565] : memref<16x1000000xf32, #tpu.memory_space<hbm>> -> memref<16x128xf32, #tpu.memory_space<hbm>>
    %dma_wait3A_567 = arith.constant 0 : i32
    %dma_wait3A_568 = arith.constant 128 : i32
    %dma_wait3A_569 = tpu.memref_slice %arg7[%dma_wait3A_567, %dma_wait3A_568] : memref<16x512xf32, #tpu.memory_space<vmem>> -> memref<16x128xf32, #tpu.memory_space<vmem>>
    %dma_wait3A_570 = arith.constant 0 : i32
    %dma_wait3A_571 = arith.constant 0 : i32
    %dma_wait3A_572 = tpu.memref_slice %arg3[%dma_wait3A_570, %dma_wait3A_571] : memref<16x1000000xf32, #tpu.memory_space<hbm>> -> memref<16x128xf32, #tpu.memory_space<hbm>>
    tpu.wait_dma2 semaphore(%arg11 : memref<!tpu.dma_semaphore, #tpu.memory_space<semaphore_mem>>) src(%dma_wait3A_572 : memref<16x128xf32, #tpu.memory_space<hbm>>) dst(%dma_wait3A_569 : memref<16x128xf32, #tpu.memory_space<vmem>>)
    %dma_wait3A_573 = arith.constant 0 : i32
    %dma_wait3A_574 = arith.constant 256 : i32
    %dma_wait3A_575 = tpu.memref_slice %arg7[%dma_wait3A_573, %dma_wait3A_574] : memref<16x512xf32, #tpu.memory_space<vmem>> -> memref<16x128xf32, #tpu.memory_space<vmem>>
    %dma_wait3A_576 = arith.constant 0 : i32
    %dma_wait3A_577 = arith.constant 0 : i32
    %dma_wait3A_578 = tpu.memref_slice %arg3[%dma_wait3A_576, %dma_wait3A_577] : memref<16x1000000xf32, #tpu.memory_space<hbm>> -> memref<16x128xf32, #tpu.memory_space<hbm>>
    %dma_wait3A_579 = arith.constant 0 : i32
    %dma_wait3A_580 = arith.constant 256 : i32
    %dma_wait3A_581 = tpu.memref_slice %arg7[%dma_wait3A_579, %dma_wait3A_580] : memref<16x512xf32, #tpu.memory_space<vmem>> -> memref<16x128xf32, #tpu.memory_space<vmem>>
    %dma_wait3A_582 = arith.constant 0 : i32
    %dma_wait3A_583 = arith.constant 0 : i32
    %dma_wait3A_584 = tpu.memref_slice %arg3[%dma_wait3A_582, %dma_wait3A_583] : memref<16x1000000xf32, #tpu.memory_space<hbm>> -> memref<16x128xf32, #tpu.memory_space<hbm>>
    tpu.wait_dma2 semaphore(%arg11 : memref<!tpu.dma_semaphore, #tpu.memory_space<semaphore_mem>>) src(%dma_wait3A_584 : memref<16x128xf32, #tpu.memory_space<hbm>>) dst(%dma_wait3A_581 : memref<16x128xf32, #tpu.memory_space<vmem>>)
    %dma_wait3A_585 = arith.constant 0 : i32
    %dma_wait3A_586 = arith.constant 384 : i32
    %dma_wait3A_587 = tpu.memref_slice %arg7[%dma_wait3A_585, %dma_wait3A_586] : memref<16x512xf32, #tpu.memory_space<vmem>> -> memref<16x128xf32, #tpu.memory_space<vmem>>
    %dma_wait3A_588 = arith.constant 0 : i32
    %dma_wait3A_589 = arith.constant 0 : i32
    %dma_wait3A_590 = tpu.memref_slice %arg3[%dma_wait3A_588, %dma_wait3A_589] : memref<16x1000000xf32, #tpu.memory_space<hbm>> -> memref<16x128xf32, #tpu.memory_space<hbm>>
    %dma_wait3A_591 = arith.constant 0 : i32
    %dma_wait3A_592 = arith.constant 384 : i32
    %dma_wait3A_593 = tpu.memref_slice %arg7[%dma_wait3A_591, %dma_wait3A_592] : memref<16x512xf32, #tpu.memory_space<vmem>> -> memref<16x128xf32, #tpu.memory_space<vmem>>
    %dma_wait3A_594 = arith.constant 0 : i32
    %dma_wait3A_595 = arith.constant 0 : i32
    %dma_wait3A_596 = tpu.memref_slice %arg3[%dma_wait3A_594, %dma_wait3A_595] : memref<16x1000000xf32, #tpu.memory_space<hbm>> -> memref<16x128xf32, #tpu.memory_space<hbm>>
    tpu.wait_dma2 semaphore(%arg11 : memref<!tpu.dma_semaphore, #tpu.memory_space<semaphore_mem>>) src(%dma_wait3A_596 : memref<16x128xf32, #tpu.memory_space<hbm>>) dst(%dma_wait3A_593 : memref<16x128xf32, #tpu.memory_space<vmem>>)
    return
  }
}

</mosaic_0001>

<sc_bundles>
// kernel: kernel.3.cloned.1.call-start
scs
__scs_entry_jumppad:
0x0: {  	(pc) =	sbr.rel $0x88, $3  }
0x1: {  	(tag) =	ssettag $0x0;
	lr =	simm.s32 $0x1  }
0x2: {  	[smem:$0x3F9F] =	sst lr;
	_ =	strace $0xD0000000  }
0x3: {  	_ = 	snop  }
0x4: {  	_ = 	snop  }
0x5: {  	_ = 	snop  }
0x6: {  	_ = 	snop  }
0x7: {  	_ = 	snop  }
__scs_overlays_trampoline_lowered:
0x8: {  	[smem:$0x3FAE] =	sst s0  }
0x9: {  	[smem:$0x3FAF] =	sst s1  }
0xa: {  	[smem:$0x3FB0] =	sst s2  }
0xb: {  	[smem:$0x3FB1] =	sst s3  }
0xc: {  	[smem:$0x3FB2] =	sst s4  }
0xd: {  	[smem:$0x3FB3] =	sst s5  }
0xe: {  	[smem:$0x3FB4] =	sst s6  }
0xf: {  	[smem:$0x3FB5] =	sst s7  }
0x10: {  	[smem:$0x3FB6] =	sst s8  }
0x11: {  	[smem:$0x3FB7] =	sst s9;
	s0 =	simm.s32 @!p0 $0x0  }
0x12: {  	s1 =	sld [smem:$0x3F9D];
	s0 =	simm.s32 @p0 $0x1  }
0x13: {  	[smem:$0x3FB8] =	sst s0;
	s0 =	simm.s32 @!p1 $0x0  }
0x14: {  	s2 =	sld [smem:$0x3F9C];
	s0 =	simm.s32 @p1 $0x1  }
0x15: {  	[smem:$0x3FB9] =	sst s0;
	s0 =	simm.s32 @!p2 $0x0  }
0x16: {  	s3 =	sld [smem:$0x3FDB];
	s0 =	simm.s32 @p2 $0x1  }
0x17: {  	s4 =	simm.s32 $0x1BF5;
	[smem:$0x3FBB] =	sst s0  }
0x18: {  	s0 =	sld [smem:$0x3F9E];
	_ =	swait.ge [sflag:s4], $0x0  }
0x19: {  	s7 =	sld [smem:$0x3F9F]  }
0x1a: {  	s8 =	sadd.s32 $0xFFFFE003, lr  }
0x1b: {  	s9 =	sadd.s32 $0xFFFFFEF7, lr;
	s5 =	simm.s32 $0xFFFFFFFF;
	p2 =	slt.u32 s8, $0xFFFFF086  }
0x1c: {  	p1 =	slt.u32 s9, $0xF7A;
	s5 =	simm.s32 @!p2 $0x0  }
0x1d: {  	s5 =	simm.s32 @p1 $0x1;
	p0 =	seq.s32 s7, s2  }
0x1e: {  	s7 =	smul.u32 @!p0 $0xF7A, s2;
	p2 =	seq.s32 @!p0 s5, $0x0  }
0x1f: {  	s9 =	smul.u32 $0xF7A, s1;
	s8 =	simm.s32 @!p0 $0x1BF5;
	p2 =	por !p2, p0  }
0x20: {  	[sflag:s8] =	ssyncset.s32 @!p0 $0xFFFFF086;
	s6 =	sadd.s32 @!p0 s3, s7;
	s7 =	simm.s32 @!p0 $0x108  }
0x21: {  	s3 =	sadd.s32 s3, s9;
	s6 =	sadd.s32 @!p0 $0x88, s6;
	s7 =	simm.s32 @p2 $0x1082  }
0x22: {  	[simem:s7], [sflag:s8] =	dma.local @!p0 [hbm:s6], $0xF7A  }
0x23: {  	s9 =	sor.u32 $0xD0000000, s2;
	s6 =	simm.s32 $0x108;
	_ =	swait.ge @!p0 [sflag:s8], $0x0  }
0x24: {  	s3 =	sadd.s32 $0x88, s3;
	s6 =	simm.s32 @!p1 $0x1082;
	[sflag:s4] =	ssyncset.s32 $0xFFFFF086  }
0x25: {  	[simem:s6], [sflag:s4] =	dma.local [hbm:s3], $0xF7A  }
0x26: {  	[smem:$0x3F9F] =	sst s1;
	(tag) =	ssettag s2;
	_ =	strace s9  }
0x27: {  	s1 =	sld [smem:$0x3FAF]  }
0x28: {  	s2 =	sld [smem:$0x3FB0]  }
0x29: {  	s4 =	sld [smem:$0x3FB2]  }
0x2a: {  	p0 =	seq.s32 s5, $0x0;
	s5 =	sld [smem:$0x3FB3]  }
0x2b: {  	s6 =	sld [smem:$0x3FB4]  }
0x2c: {  	s7 =	sld [smem:$0x3FB5]  }
0x2d: {  	s3 =	simm.s32 $0x108;
	s8 =	sld [smem:$0x3FB6]  }
0x2e: {  	s3 =	simm.s32 @!p0 $0x1082;
	s9 =	sld [smem:$0x3FB7]  }
0x2f: {  	lr =	sadd.s32 s0, s3;
	s0 =	sld [smem:$0x3FAE]  }
0x30: {  	s3 =	sld [smem:$0x3FB1]  }
0x31: {  	[smem:$0x3FBA] =	sst s10  }
0x32: {  	s10 =	sld [smem:$0x3FB8];
	_ =	sdelay $0x3  }
0x33: {  	p0 =	seq.s32 s10, $0x1;
	s10 =	sld [smem:$0x3FBA];
	_ =	sdelay $0x3  }
0x34: {  	[smem:$0x3FBA] =	sst s10  }
0x35: {  	s10 =	sld [smem:$0x3FB9];
	_ =	sdelay $0x3  }
0x36: {  	p1 =	seq.s32 s10, $0x1;
	s10 =	sld [smem:$0x3FBA];
	_ =	sdelay $0x3  }
0x37: {  	[smem:$0x3FBA] =	sst s10  }
0x38: {  	s10 =	sld [smem:$0x3FBB]  }
0x39: {  	_ = 	snop;
	(pc) =	sbr.ind lr, $3  }
0x3a: {  	_ = 	snop  }
0x3b: {  	_ = 	snop  }
0x3c: {  	p2 =	seq.s32 s10, $0x1;
	s10 =	sld [smem:$0x3FBA]  }
0x3d: {  	_ =	shalt  }
0x3e: {  	_ =	shalt  }
0x3f: {  	_ =	shalt  }
0x40: {  	_ =	shalt  }
0x41: {  	_ =	shalt  }
0x42: {  	_ =	shalt  }
0x43: {  	_ =	shalt  }
0x44: {  	_ =	shalt  }
0x45: {  	_ =	shalt  }
0x46: {  	_ =	shalt  }
0x47: {  	_ =	shalt  }
0x48: {  	_ =	shalt  }
0x49: {  	_ =	shalt  }
0x4a: {  	_ =	shalt  }
0x4b: {  	_ =	shalt  }
0x4c: {  	_ =	shalt  }
0x4d: {  	_ =	shalt  }
0x4e: {  	_ =	shalt  }
0x4f: {  	_ =	shalt  }
0x50: {  	_ =	shalt  }
0x51: {  	_ =	shalt  }
0x52: {  	_ =	shalt  }
0x53: {  	_ =	shalt  }
0x54: {  	_ =	shalt  }
0x55: {  	_ =	shalt  }
0x56: {  	_ =	shalt  }
0x57: {  	_ =	shalt  }
0x58: {  	_ =	shalt  }
0x59: {  	_ =	shalt  }
0x5a: {  	_ =	shalt  }
0x5b: {  	_ =	shalt  }
0x5c: {  	_ =	shalt  }
0x5d: {  	_ =	shalt  }
0x5e: {  	_ =	shalt  }
0x5f: {  	_ =	shalt  }
0x60: {  	_ =	shalt  }
0x61: {  	_ =	shalt  }
0x62: {  	_ =	shalt  }
0x63: {  	_ =	shalt  }
0x64: {  	_ =	shalt  }
0x65: {  	_ =	shalt  }
0x66: {  	_ =	shalt  }
0x67: {  	_ =	shalt  }
0x68: {  	_ =	shalt  }
0x69: {  	_ =	shalt  }
0x6a: {  	_ =	shalt  }
0x6b: {  	_ =	shalt  }
0x6c: {  	_ =	shalt  }
0x6d: {  	_ =	shalt  }
0x6e: {  	_ =	shalt  }
0x6f: {  	_ =	shalt  }
0x70: {  	_ =	shalt  }
0x71: {  	_ =	shalt  }
0x72: {  	_ =	shalt  }
0x73: {  	_ =	shalt  }
0x74: {  	_ =	shalt  }
0x75: {  	_ =	shalt  }
0x76: {  	_ =	shalt  }
0x77: {  	_ =	shalt  }
0x78: {  	_ =	shalt  }
0x79: {  	_ =	shalt  }
0x7a: {  	_ =	shalt  }
0x7b: {  	_ =	shalt  }
0x7c: {  	_ =	shalt  }
0x7d: {  	_ =	shalt  }
0x7e: {  	_ =	shalt  }
0x7f: {  	_ =	shalt  }
0x80: {  	_ =	shalt  }
0x81: {  	_ =	shalt  }
0x82: {  	_ =	shalt  }
0x83: {  	_ =	shalt  }
0x84: {  	_ =	shalt  }
0x85: {  	_ =	shalt  }
0x86: {  	_ =	shalt  }
0x87: {  	_ =	shalt  }
.Lfunc_end0:
.L_simem_size_0:
called_computation_lowered:
.L_overlay_start_0:
0x88: {  	s2 =	sld [smem:$0x3FD9]  }
0x89: {  	s3 =	sld [smem:$0x3FFE];
	_ =	sdelay $0x1  }
0x8a: {  	s1 =	srdreg.scid  }
0x8b: {  	s0 =	sand.u32 $0x1, s1  }
0x8c: {  	s18 =	sshll.u32 s0, $0xA;
	s2 =	sadd.s32 s3, s2  }
0x8d: {  	s2 =	sadd.s32 s2, s18  }
0x8e: {  	[smem:$0x3FC6] =	sst s2  }
0x8f: {  	_ = 	snop  }
0x90: {  	s2 =	sld [smem:$0x3FC9]  }
0x91: {  	s19 =	sld [smem:$0x3FC8]  }
0x92: {  	s4 =	sld [smem:$0x3FD0];
	(tm) =	ssettm $0x1  }
0x93: {  	s5 =	sld [smem:$0x3FFB];
	_ =	sdelay $0x3  }
0x94: {  	_ =	strace s5  }
0x95: {  	s5 =	sld [smem:$0x3FFC];
	_ =	sdelay $0x3  }
0x96: {  	_ =	strace s5  }
0x97: {  	s5 =	sld [smem:$0x3FFD];
	_ =	sdelay $0x3  }
0x98: {  	_ =	strace s5  }
0x99: {  	_ =	strace $0x8FFFFFFF  }
0x9a: {  	s20 =	sld [smem:$0x3FDB];
	_ =	sdelay $0x1  }
0x9b: {  	s6 =	simm.s32 $_scs_section_size  }
0x9c: {  	s7 =	simm.s32 $_size__tile_overlayer_lowered;
	s8 =	simm.s32 $_tile_overlayer_lowered  }
0x9d: {  	s23 =	simm.s32 $0x1BFF;
	s22 =	sshll.u32 s8, $0x1;
	s5 =	sadd.s32 s6, s20  }
0x9e: {  	s9 =	simm.s32 $0x0;
	s21 =	sshll.u32 s7, $0x1;
	s7 =	sadd.s32 s22, s5  }
0x9f: {  	[timem:s9], [sflag:s23] =	dma.local [hbm:s7], s21  }
0xa0: {  	_ =	swait.ge [sflag:s23], s21  }
0xa1: {  	s6 =	ssub.s32 $0x0, s21;
	[sflag:s23] =	ssyncset.done $0x0  }
0xa2: {  	[sflag:s23] =	ssyncadd.s32 s6;
	_ =	sdelay $0x1  }
0xa3: {  	s24 =	simm.s32 $0x1B8B  }
0xa4: {  	_ =	swait.ge [sflag:s24], $0x1  }
0xa5: {  	[sflag:s24] =	ssyncset.done $0x0  }
0xa6: {  	s25 =	simm.s32 $0x1B8E;
	[sflag:s24] =	ssyncadd.s32 $0xFFFFFFFF  }
0xa7: {  	s26 =	simm.s32 $execute0_lowered;
	[smem:$0x3FD2] =	sst s25  }
0xa8: {  	s6 =	sshll.u32 s26, $0x1;
	_ =	strace $0x80000046;
	[dreg:$0x1] =	wrdreg $0xFFFFFFFF  }
0xa9: {  	s28 =	simm.s32 $_size_execute0_lowered;
	s5 =	sadd.s32 s5, s6;
	[dreg:$0x0] =	wrdreg $0x0  }
0xaa: {  	s6 =	sshll.u32 s28, $0x1;
	[dreg:$0x2] =	wrdreg s5  }
0xab: {  	[dreg:$0x3] =	wrdreg s6  }
0xac: {  	[dreg:$0x4] =	wrdreg $0xC0  }
0xad: {  	_ =	task [dreg:s9], $0x5FFFF  }
0xae: {  	[dreg:$0x1] =	wrdreg $0xFFFFFFFF  }
0xaf: {  	[dreg:$0x0] =	wrdreg $0x60  }
0xb0: {  	[dreg:$0x2] =	wrdreg s2  }
0xb1: {  	[dreg:$0x3] =	wrdreg s19  }
0xb2: {  	[dreg:$0x4] =	wrdreg s4  }
0xb3: {  	[dreg:$0x5] =	wrdreg $0x9  }
0xb4: {  	_ =	task.clear_ibuf [dreg:s9], $0x6FFFF;
	_ =	strace $0x90000046  }
0xb5: {  	s29 =	simm.s32 $0x9;
	_ =	strace $0x80000048  }
0xb6: {  	_ =	swait.ge [sflag:s29], $0x1  }
0xb7: {  	[sflag:s29] =	ssyncadd.s32 $0xFFFFFFFF  }
0xb8: {  	_ =	strace $0x90000048  }
0xb9: {  	_ =	sfence  }
0xba: {  	s30 =	sld [smem:$0x0];
	_ =	sdelay $0x2  }
0xbb: {  	s31 =	sshll.u32 s1, $0xD;
	s1 =	sshrl.u32 s1, $0x2  }
0xbc: {  	s3 =	sand.u32 $0x4000, s31;
	s1 =	sadd.s32 s1, s30  }
0xbd: {  	s0 =	sor.u32 s3, s0;
	s1 =	sshll.u32 s1, $0x11  }
0xbe: {  	s0 =	sor.u32 s1, s0  }
0xbf: {  	s0 =	sadd.s32 $0x8F2B, s0  }
0xc0: {  	[sflag:s0] =	ssyncadd.remote.s32 $0x1  }
0xc1: {  	_ =	sfence.sel $0xFFFF  }
0xc2: {  	[dreg:$0x0] =	wrdreg $0xFFFFFFFF;
	(pc) =	sbr.abs _section_cstart, $3  }
0xc3: {  	[dreg:$0x1] =	wrdreg $0xFFFFFFFF  }
0xc4: {  	_ =	task.clear_ibuf [dreg:s9], $0x2FFFF;
	_ =	strace $0x9FFFFFFF  }
0xc5: {  	(tm) =	ssettm $0x7FFFFFFF  }
tec
execute0_lowered:
.L_overlay_start_1:
0x0: {  	(tag) =	ssettag $0x1  }
0x1: {  	v0 =	vimm.s32 $0x1380;
	vm0 =	vcmask $0x300  }
0x2: {  	vm14 =	vcmask $0x704;
	v0 =	vsel vm0, $0x0, v0  }
0x3: {  	vm15 =	vcmask $0xB08;
	v0 =	vsel vm14, $0x80, v0  }
0x4: {  	vm4 =	vcmask $0xF0C;
	v0 =	vsel vm15, $0x100, v0  }
0x5: {  	vm5 =	vcmask $0x1310;
	v0 =	vsel vm4, $0x180, v0  }
0x6: {  	vm6 =	vcmask $0x1714;
	v0 =	vsel vm5, $0x200, v0  }
0x7: {  	vm7 =	vcmask $0x1B18;
	v0 =	vsel vm6, $0x280, v0  }
0x8: {  	vm8 =	vcmask $0x1F1C;
	v0 =	vsel vm7, $0x300, v0  }
0x9: {  	vm9 =	vcmask $0x2320;
	v0 =	vsel vm8, $0x380, v0  }
0xa: {  	vm10 =	vcmask $0x2724;
	v0 =	vsel vm9, $0x1000, v0  }
0xb: {  	vm11 =	vcmask $0x2B28;
	v0 =	vsel vm10, $0x1080, v0  }
0xc: {  	vm12 =	vcmask $0x2F2C;
	v0 =	vsel vm11, $0x1100, v0  }
0xd: {  	v1 =	vlaneseq.u32;
	vm13 =	vcmask $0x3330;
	v2 =	vsel vm12, $0x1180, v0  }
0xe: {  	vm14 =	vcmask $0x3734;
	v0 =	vmul.u32 $0x80, v1;
	v1 =	vsel vm13, $0x1200, v2  }
0xf: {  	vm15 =	vcmask $0x3B38;
	v1 =	vsel vm14, $0x1280, v1  }
0x10: {  	s1 =	rddreg [dreg:$0x0];
	v2 =	vor.u32 $0x800, v0;
	v3 =	vor.u32 $0x1000, v0;
	v4 =	vor.u32 $0x1800, v0  }
0x11: {  	s0 =	rddreg [dreg:$0x1];
	v5 =	vor.u32 $0x2000, v0;
	v6 =	vor.u32 $0x2800, v0;
	v7 =	vor.u32 $0x3000, v0  }
0x12: {  	s2 =	rddreg [dreg:$0x2];
	s3 =	srdreg.scid;
	v8 =	vor.u32 $0x3800, v0;
	v9 =	vor.u32 $0x4000, v0;
	v10 =	vor.u32 $0x4800, v0  }
0x13: {  	s5 =	stileid.u32;
	s7 =	simm.s32 $0x0;
	s10 =	simm.s32 $0x7A1400;
	v11 =	vor.u32 $0x5000, v0;
	v12 =	vor.u32 $0x5800, v0;
	v13 =	vor.u32 $0x6000, v0  }
0x14: {  	s9 =	simm.s32 $0x400;
	s11 =	simm.s32 $0x200;
	s30 =	simm.s32 $0x9200;
	v14 =	vor.u32 $0x6800, v0;
	v15 =	vor.u32 $0x7000, v0;
	v16 =	vor.u32 $0x7800, v0  }
0x15: {  	s31 =	simm.s32 $0x9A00;
	s8 =	simm.s32 $0xCA00;
	s12 =	simm.s32 $0xD200;
	v17 =	vor.u32 $0x8000, v0;
	v18 =	vor.u32 $0x8800, v0;
	v19 =	vor.u32 $0x9000, v0  }
0x16: {  	s13 =	simm.s32 $0xDA00;
	s14 =	simm.s32 $0xE200;
	s15 =	simm.s32 $0xEA00;
	v20 =	vor.u32 $0x9800, v0;
	v21 =	vor.u32 $0xA000, v0;
	v22 =	vor.u32 $0xA800, v0  }
0x17: {  	s16 =	simm.s32 $0xF200;
	s17 =	simm.s32 $0xFA00;
	s18 =	simm.s32 $0x1;
	v23 =	vor.u32 $0xB000, v0;
	v24 =	vor.u32 $0xB800, v0;
	v25 =	vor.u32 $0xC000, v0  }
0x18: {  	s19 =	simm.s32 $0x18200;
	s20 =	simm.s32 $0x2;
	s21 =	simm.s32 $0x3;
	v26 =	vor.u32 $0xC800, v0;
	v27 =	vor.u32 $0xD000, v0;
	v28 =	vor.u32 $0xD800, v0  }
0x19: {  	s24 =	simm.s32 $0x0;
	s3 =	sand.u32 $0x1, s3;
	s5 =	sshll.u32 s5, $0xA;
	v29 =	vor.u32 $0xE000, v0;
	v30 =	vor.u32 $0xE800, v0;
	v31 =	vor.u32 $0xF000, v0  }
0x1a: {  	[smem:$0x7FF] =	sst s7;
	s4 =	ssub.s32 $0x2, s3;
	s3 =	sshll.u32 s3, $0x9;
	v32 =	vor.u32 $0xF800, v0;
	v33 =	vor.u32 $0x10000, v0;
	v34 =	vor.u32 $0x10800, v0  }
.Ltmp0:
0x1b: {  	s7 =	simm.s32 $0xC200;
	s5 =	sor.u32 s3, s5;
	v35 =	vor.u32 $0x11000, v0;
	v36 =	vor.u32 $0x11800, v0;
	v37 =	vor.u32 $0x12000, v0;
	(pc) =	sbr.rel .LBB2_1-.Ltmp0, $4  }
0x1c: {  	_ =	strace $0x80000047;
	s6 =	sshrl.u32 s4, $0x1;
	s28 =	sshrl.u32 s5, $0x3;
	v38 =	vor.u32 $0x12800, v0;
	v39 =	vor.u32 $0x13000, v0;
	v40 =	vor.u32 $0x13800, v0  }
0x1d: {  	s3 =	simm.s32 $0xAA00;
	s26 =	ssub.s32 s4, s6;
	s1 =	sadd.s32 s1, s28;
	v41 =	vor.u32 $0x14000, v0;
	v42 =	vor.u32 $0x14800, v0;
	v43 =	vor.u32 $0x15000, v0  }
0x1e: {  	s4 =	simm.s32 $0xB200;
	s29 =	smax.u32 s26, $0x1;
	[dreg:$0x4] =	wrdreg s1;
	v44 =	vor.u32 $0x15800, v0;
	v45 =	vor.u32 $0x16000, v0;
	v46 =	vor.u32 $0x16800, v0  }
0x1f: {  	s6 =	simm.s32 $0xBA00;
	[dreg:$0x5] =	wrdreg s29;
	s1 =	simm.s32 $0xA200;
	v47 =	vor.u32 $0x17000, v0;
	v48 =	vor.u32 $0x17800, v0;
	v1 =	vsel vm15, $0x1300, v1  }
.LBB2_8:
0x20: {  	s23 =	simm.s32 $0x4  }
0x21: {  	_ =	swait.ge [sflag:s23], $0x800  }
0x22: {  	[sflag:s23] =	ssyncset.done $0x0  }
0x23: {  	[sflag:s23] =	ssyncadd.s32 $0xFFFFF800  }
0x24: {  	_ =	swait.ge [sflag:s23], $0x800  }
0x25: {  	[sflag:s23] =	ssyncset.done $0x0  }
0x26: {  	[sflag:s23] =	ssyncadd.s32 $0xFFFFF800  }
0x27: {  	_ =	swait.ge [sflag:s23], $0x800  }
0x28: {  	[sflag:s23] =	ssyncset.done $0x0  }
0x29: {  	[sflag:s23] =	ssyncadd.s32 $0xFFFFF800  }
0x2a: {  	_ =	swait.ge [sflag:s23], $0x800  }
0x2b: {  	s24 =	rddreg [dreg:$0x6]  }
0x2c: {  	s22 =	rddreg [dreg:$0x5];
	s24 =	sadd.s32 $0x1, s24  }
0x2d: {  	p0 =	sne.s32 s24, s22  }
.Ltmp1:
0x2e: {  	_ = 	snop;
	(pc) =	sbr.rel @!p0 .LBB2_9-.Ltmp1, $3  }
0x2f: {  	_ =	sdelay $0x1  }
0x30: {  	[sflag:s23] =	ssyncset.done $0x0  }
0x31: {  	[sflag:s23] =	ssyncadd.s32 $0xFFFFF800  }
.LBB2_1:
0x32: {  	s22 =	simm.s32 $0x0;
	s23 =	rddreg [dreg:$0x4]  }
0x33: {  	[tilespmem:s22], [sflag:$0x5] =	stream.linear.gather [hbm4b:s23+s22], $0x200, $0x38;
	[tilespmem:$0x1A200] =	vst v63  }
0x34: {  	[dreg:$0x6] =	wrdreg s24;
	s23 =	simm.s32 $0x5  }
0x35: {  	_ =	swait.ge [sflag:s23], $0x200  }
0x36: {  	[sflag:s23] =	ssyncset.done $0x0  }
0x37: {  	[sflag:s23] =	ssyncadd.s32 $0xFFFFFE00  }
0x38: {  	v49 =	vld [tilespmem:$0x0];
	_ =	sdelay $0x4  }
0x39: {  	(v2sf) =	vpush v49, $0x0;
	_ =	sdelay $0x1  }
0x3a: {  	(v2sf) =	vpush v49, $0x1;
	_ =	sdelay $0x1  }
0x3b: {  	(v2sf) =	vpush v49, $0x2;
	_ =	sdelay $0x8  }
0x3c: {  	(v2sf) =	vpush v49, $0x3;
	_ =	sdelay $0x1  }
0x3d: {  	s24 =	spop (v2sf);
	(v2sf) =	vpush v49, $0x4;
	_ =	sdelay $0x1  }
0x3e: {  	s25 =	spop (v2sf);
	(v2sf) =	vpush v49, $0x5;
	_ =	sdelay $0x1  }
0x3f: {  	s28 =	spop (v2sf);
	(v2sf) =	vpush v49, $0x6;
	_ =	sdelay $0x1  }
0x40: {  	s22 =	sand.u32 $0xFFFFF80, s24  }
0x41: {  	s22 =	sadd.s32 s0, s22;
	(v2sf) =	vpush v49, $0x7  }
0x42: {  	[tilespmem:s11], [sflag:$0x1] =	stream.strided.gather [hbm4b:s22+s9], $0x800, s10, s9, $0x38;
	[tilespmem:$0x1A200] =	vst v63  }
0x43: {  	s22 =	sand.u32 $0xFFFFF80, s25  }
0x44: {  	s26 =	simm.s32 $0xA00;
	s22 =	sadd.s32 s0, s22  }
0x45: {  	[tilespmem:s26], [sflag:$0x1] =	stream.strided.gather [hbm4b:s22+s9], $0x800, s10, s9, $0x38;
	[tilespmem:$0x1A200] =	vst v63  }
0x46: {  	s22 =	sand.u32 $0xFFFFF80, s28  }
0x47: {  	s29 =	simm.s32 $0x1200;
	s23 =	spop (v2sf);
	s22 =	sadd.s32 s0, s22  }
0x48: {  	[tilespmem:s29], [sflag:$0x1] =	stream.strided.gather [hbm4b:s22+s9], $0x800, s10, s9, $0x38;
	[tilespmem:$0x1A200] =	vst v63  }
0x49: {  	s25 =	spop (v2sf);
	(v2sf) =	vpush v49, $0x8  }
0x4a: {  	s22 =	sand.u32 $0xFFFFF80, s23  }
0x4b: {  	s24 =	simm.s32 $0x1A00;
	s22 =	sadd.s32 s0, s22;
	s28 =	spop (v2sf);
	(v2sf) =	vpush v49, $0x9  }
0x4c: {  	[tilespmem:s24], [sflag:$0x1] =	stream.strided.gather [hbm4b:s22+s9], $0x800, s10, s9, $0x38;
	[tilespmem:$0x1A200] =	vst v63  }
0x4d: {  	s22 =	sand.u32 $0xFFFFF80, s25;
	s23 =	spop (v2sf);
	(v2sf) =	vpush v49, $0xA  }
0x4e: {  	s26 =	simm.s32 $0x2200;
	s22 =	sadd.s32 s0, s22  }
0x4f: {  	[tilespmem:s26], [sflag:$0x1] =	stream.strided.gather [hbm4b:s22+s9], $0x800, s10, s9, $0x38;
	[tilespmem:$0x1A200] =	vst v63  }
0x50: {  	s25 =	spop (v2sf);
	(v2sf) =	vpush v49, $0xB  }
0x51: {  	s22 =	sand.u32 $0xFFFFF80, s28  }
0x52: {  	s29 =	simm.s32 $0x2A00;
	s22 =	sadd.s32 s0, s22  }
0x53: {  	[tilespmem:s29], [sflag:$0x1] =	stream.strided.gather [hbm4b:s22+s9], $0x800, s10, s9, $0x38;
	[tilespmem:$0x1A200] =	vst v63  }
0x54: {  	s22 =	sand.u32 $0xFFFFF80, s23  }
0x55: {  	s24 =	simm.s32 $0x3200;
	s22 =	sadd.s32 s0, s22  }
0x56: {  	[tilespmem:s24], [sflag:$0x1] =	stream.strided.gather [hbm4b:s22+s9], $0x800, s10, s9, $0x38;
	[tilespmem:$0x1A200] =	vst v63  }
0x57: {  	s22 =	sand.u32 $0xFFFFF80, s25  }
0x58: {  	s26 =	simm.s32 $0x3A00;
	s22 =	sadd.s32 s0, s22;
	s28 =	spop (v2sf);
	(v2sf) =	vpush v49, $0xC  }
0x59: {  	[tilespmem:s26], [sflag:$0x1] =	stream.strided.gather [hbm4b:s22+s9], $0x800, s10, s9, $0x38;
	[tilespmem:$0x1A200] =	vst v63  }
0x5a: {  	s23 =	spop (v2sf);
	(v2sf) =	vpush v49, $0xD  }
0x5b: {  	s22 =	sand.u32 $0xFFFFF80, s28  }
0x5c: {  	s29 =	simm.s32 $0x4200;
	s22 =	sadd.s32 s0, s22;
	s25 =	spop (v2sf)  }
0x5d: {  	(v2sf) =	vpush v49, $0xE;
	[tilespmem:s29], [sflag:$0x1] =	stream.strided.gather [hbm4b:s22+s9], $0x800, s10, s9, $0x38;
	[tilespmem:$0x1A200] =	vst v63  }
0x5e: {  	s22 =	sand.u32 $0xFFFFF80, s23  }
0x5f: {  	s24 =	simm.s32 $0x4A00;
	s28 =	spop (v2sf);
	s22 =	sadd.s32 s0, s22  }
0x60: {  	(v2sf) =	vpush v49, $0xF;
	[tilespmem:s24], [sflag:$0x1] =	stream.strided.gather [hbm4b:s22+s9], $0x800, s10, s9, $0x38;
	[tilespmem:$0x1A200] =	vst v63  }
0x61: {  	s22 =	sand.u32 $0xFFFFF80, s25  }
0x62: {  	s26 =	simm.s32 $0x5200;
	s22 =	sadd.s32 s0, s22  }
0x63: {  	[tilespmem:s26], [sflag:$0x1] =	stream.strided.gather [hbm4b:s22+s9], $0x800, s10, s9, $0x38;
	[tilespmem:$0x1A200] =	vst v63  }
0x64: {  	s22 =	sand.u32 $0xFFFFF80, s28  }
0x65: {  	s29 =	simm.s32 $0x5A00;
	s22 =	sadd.s32 s0, s22  }
0x66: {  	[tilespmem:s29], [sflag:$0x1] =	stream.strided.gather [hbm4b:s22+s9], $0x800, s10, s9, $0x38;
	[tilespmem:$0x1A200] =	vst v63  }
0x67: {  	s23 =	spop (v2sf)  }
0x68: {  	s22 =	sand.u32 $0xFFFFF80, s23  }
0x69: {  	s24 =	simm.s32 $0x6200;
	s25 =	spop (v2sf);
	s22 =	sadd.s32 s0, s22  }
0x6a: {  	[tilespmem:s24], [sflag:$0x1] =	stream.strided.gather [hbm4b:s22+s9], $0x800, s10, s9, $0x38;
	[tilespmem:$0x1A200] =	vst v63  }
0x6b: {  	s22 =	sand.u32 $0xFFFFF80, s25  }
0x6c: {  	s26 =	simm.s32 $0x6A00;
	s28 =	spop (v2sf);
	s22 =	sadd.s32 s0, s22  }
0x6d: {  	[tilespmem:s26], [sflag:$0x1] =	stream.strided.gather [hbm4b:s22+s9], $0x800, s10, s9, $0x38;
	[tilespmem:$0x1A200] =	vst v63  }
0x6e: {  	s22 =	sand.u32 $0xFFFFF80, s28  }
0x6f: {  	s29 =	simm.s32 $0x7200;
	s23 =	spop (v2sf);
	s22 =	sadd.s32 s0, s22  }
0x70: {  	[tilespmem:s29], [sflag:$0x1] =	stream.strided.gather [hbm4b:s22+s9], $0x800, s10, s9, $0x38;
	[tilespmem:$0x1A200] =	vst v63  }
0x71: {  	s22 =	sand.u32 $0xFFFFF80, s23  }
0x72: {  	s24 =	simm.s32 $0x7A00;
	s22 =	sadd.s32 s0, s22  }
0x73: {  	[tilespmem:s24], [sflag:$0x1] =	stream.strided.gather [hbm4b:s22+s9], $0x800, s10, s9, $0x38;
	[tilespmem:$0x1A200] =	vst v63  }
0x74: {  	v63 =	vld [tilespmem:$0x10];
	_ =	sdelay $0x4  }
0x75: {  	(v2sf) =	vpush v63, $0x0;
	_ =	sdelay $0x2  }
0x76: {  	(v2sf) =	vpush v63, $0x1  }
0x77: {  	(v2sf) =	vpush v63, $0x2;
	_ =	sdelay $0x2  }
0x78: {  	(v2sf) =	vpush v63, $0x3;
	_ =	sdelay $0x1  }
0x79: {  	(v2sf) =	vpush v63, $0x4;
	_ =	sdelay $0x5  }
0x7a: {  	s25 =	spop (v2sf);
	(v2sf) =	vpush v63, $0x5;
	_ =	sdelay $0x2  }
0x7b: {  	s22 =	sand.u32 $0xFFFFF80, s25;
	s28 =	spop (v2sf)  }
0x7c: {  	s26 =	simm.s32 $0x8200;
	s22 =	sadd.s32 s0, s22;
	s23 =	spop (v2sf)  }
0x7d: {  	(v2sf) =	vpush v63, $0x6;
	[tilespmem:s26], [sflag:$0x2] =	stream.strided.gather [hbm4b:s22+s9], $0x800, s10, s9, $0x38;
	[tilespmem:$0x1A200] =	vst v63  }
0x7e: {  	s22 =	sand.u32 $0xFFFFF80, s28  }
0x7f: {  	s29 =	simm.s32 $0x8A00;
	s24 =	spop (v2sf);
	(v2sf) =	vpush v63, $0x7;
	s22 =	sadd.s32 s0, s22  }
0x80: {  	[tilespmem:s29], [sflag:$0x2] =	stream.strided.gather [hbm4b:s22+s9], $0x800, s10, s9, $0x38;
	[tilespmem:$0x1A200] =	vst v63  }
0x81: {  	s25 =	spop (v2sf);
	(v2sf) =	vpush v63, $0x8;
	s22 =	sand.u32 $0xFFFFF80, s23  }
0x82: {  	s22 =	sadd.s32 s0, s22  }
0x83: {  	[tilespmem:s30], [sflag:$0x2] =	stream.strided.gather [hbm4b:s22+s9], $0x800, s10, s9, $0x38;
	[tilespmem:$0x1A200] =	vst v63  }
0x84: {  	s22 =	sand.u32 $0xFFFFF80, s24  }
0x85: {  	s22 =	sadd.s32 s0, s22  }
0x86: {  	[tilespmem:s31], [sflag:$0x2] =	stream.strided.gather [hbm4b:s22+s9], $0x800, s10, s9, $0x38;
	[tilespmem:$0x1A200] =	vst v63  }
0x87: {  	s26 =	spop (v2sf);
	(v2sf) =	vpush v63, $0x9  }
0x88: {  	s22 =	sand.u32 $0xFFFFF80, s25  }
0x89: {  	s22 =	sadd.s32 s0, s22;
	(v2sf) =	vpush v63, $0xA  }
0x8a: {  	[tilespmem:s1], [sflag:$0x2] =	stream.strided.gather [hbm4b:s22+s9], $0x800, s10, s9, $0x38;
	[tilespmem:$0x1A200] =	vst v63  }
0x8b: {  	s22 =	sand.u32 $0xFFFFF80, s26  }
0x8c: {  	s22 =	sadd.s32 s0, s22;
	s28 =	spop (v2sf)  }
0x8d: {  	(v2sf) =	vpush v63, $0xB;
	[tilespmem:s3], [sflag:$0x2] =	stream.strided.gather [hbm4b:s22+s9], $0x800, s10, s9, $0x38;
	[tilespmem:$0x1A200] =	vst v63  }
0x8e: {  	s29 =	spop (v2sf);
	(v2sf) =	vpush v63, $0xC  }
0x8f: {  	s22 =	sand.u32 $0xFFFFF80, s28  }
0x90: {  	s22 =	sadd.s32 s0, s22;
	s23 =	spop (v2sf);
	(v2sf) =	vpush v63, $0xD  }
0x91: {  	[tilespmem:s4], [sflag:$0x2] =	stream.strided.gather [hbm4b:s22+s9], $0x800, s10, s9, $0x38;
	[tilespmem:$0x1A200] =	vst v63  }
0x92: {  	s22 =	sand.u32 $0xFFFFF80, s29  }
0x93: {  	s22 =	sadd.s32 s0, s22  }
0x94: {  	[tilespmem:s6], [sflag:$0x2] =	stream.strided.gather [hbm4b:s22+s9], $0x800, s10, s9, $0x38;
	[tilespmem:$0x1A200] =	vst v63  }
0x95: {  	s22 =	sand.u32 $0xFFFFF80, s23  }
0x96: {  	s22 =	sadd.s32 s0, s22;
	s24 =	spop (v2sf);
	(v2sf) =	vpush v63, $0xE  }
0x97: {  	[tilespmem:s7], [sflag:$0x2] =	stream.strided.gather [hbm4b:s22+s9], $0x800, s10, s9, $0x38;
	[tilespmem:$0x1A200] =	vst v63  }
0x98: {  	s25 =	spop (v2sf);
	(v2sf) =	vpush v63, $0xF  }
0x99: {  	s22 =	sand.u32 $0xFFFFF80, s24  }
0x9a: {  	s22 =	sadd.s32 s0, s22  }
0x9b: {  	[tilespmem:s8], [sflag:$0x2] =	stream.strided.gather [hbm4b:s22+s9], $0x800, s10, s9, $0x38;
	[tilespmem:$0x1A200] =	vst v63  }
0x9c: {  	s26 =	spop (v2sf);
	s22 =	sand.u32 $0xFFFFF80, s25  }
0x9d: {  	s28 =	sand.u32 $0xFFFFF80, s26;
	s29 =	spop (v2sf);
	s22 =	sadd.s32 s0, s22  }
0x9e: {  	[tilespmem:s12], [sflag:$0x2] =	stream.strided.gather [hbm4b:s22+s9], $0x800, s10, s9, $0x38;
	[tilespmem:$0x1A200] =	vst v63  }
0x9f: {  	s23 =	sand.u32 $0xFFFFF80, s29;
	s24 =	spop (v2sf);
	s22 =	sadd.s32 s0, s28  }
0xa0: {  	[tilespmem:s13], [sflag:$0x2] =	stream.strided.gather [hbm4b:s22+s9], $0x800, s10, s9, $0x38;
	[tilespmem:$0x1A200] =	vst v63  }
0xa1: {  	s25 =	sand.u32 $0xFFFFF80, s24;
	s22 =	sadd.s32 s0, s23  }
0xa2: {  	[tilespmem:s14], [sflag:$0x2] =	stream.strided.gather [hbm4b:s22+s9], $0x800, s10, s9, $0x38;
	[tilespmem:$0x1A200] =	vst v63  }
0xa3: {  	s22 =	sadd.s32 s0, s25  }
0xa4: {  	[tilespmem:s15], [sflag:$0x2] =	stream.strided.gather [hbm4b:s22+s9], $0x800, s10, s9, $0x38;
	[tilespmem:$0x1A200] =	vst v63  }
0xa5: {  	s26 =	spop (v2sf)  }
0xa6: {  	s28 =	sand.u32 $0xFFFFF80, s26  }
0xa7: {  	s29 =	spop (v2sf);
	s22 =	sadd.s32 s0, s28  }
0xa8: {  	[tilespmem:s16], [sflag:$0x2] =	stream.strided.gather [hbm4b:s22+s9], $0x800, s10, s9, $0x38;
	[tilespmem:$0x1A200] =	vst v63  }
0xa9: {  	s22 =	sand.u32 $0xFFFFF80, s29  }
0xaa: {  	s22 =	sadd.s32 s0, s22  }
0xab: {  	[tilespmem:s17], [sflag:$0x2] =	stream.strided.gather [hbm4b:s22+s9], $0x800, s10, s9, $0x38;
	[tilespmem:$0x1A200] =	vst v63  }
0xac: {  	s24 =	simm.s32 $0x2;
	s23 =	simm.s32 $0x0;
	s22 =	simm.s32 $0x20  }
.LBB2_2:
0xad: {  	p0 =	seq.s32 s23, $0x1E0  }
.Ltmp2:
0xae: {  	_ = 	snop;
	(pc) =	sbr.rel @p0 .LBB2_4-.Ltmp2, $1  }
0xaf: {  	_ =	sdelay $0x3  }
0xb0: {  	v49 =	vld [tilespmem:s22+$0x0];
	_ =	sdelay $0x4  }
0xb1: {  	(v2sf) =	vpush v49, $0x0;
	_ =	sdelay $0x1  }
0xb2: {  	(v2sf) =	vpush v49, $0x1;
	_ =	sdelay $0x2  }
0xb3: {  	(v2sf) =	vpush v49, $0x2;
	_ =	sdelay $0x2  }
0xb4: {  	(v2sf) =	vpush v49, $0x3;
	_ =	sdelay $0x6  }
0xb5: {  	s25 =	spop (v2sf);
	(v2sf) =	vpush v49, $0x4;
	_ =	sdelay $0x1  }
0xb6: {  	s25 =	sand.u32 $0xFFFFF80, s25;
	s28 =	spop (v2sf);
	(v2sf) =	vpush v49, $0x5  }
0xb7: {  	s26 =	simm.s32 $0x10200;
	s25 =	sadd.s32 s0, s25  }
0xb8: {  	[tilespmem:s26], [sflag:$0x3] =	stream.strided.gather [hbm4b:s25+s9], $0x800, s10, s9, $0x38;
	[tilespmem:$0x1A200] =	vst v63  }
0xb9: {  	s25 =	sand.u32 $0xFFFFF80, s28;
	s28 =	spop (v2sf);
	(v2sf) =	vpush v49, $0x6  }
0xba: {  	s29 =	simm.s32 $0x10A00;
	s25 =	sadd.s32 s0, s25  }
0xbb: {  	[tilespmem:s29], [sflag:$0x3] =	stream.strided.gather [hbm4b:s25+s9], $0x800, s10, s9, $0x38;
	[tilespmem:$0x1A200] =	vst v63  }
0xbc: {  	s25 =	sand.u32 $0xFFFFF80, s28;
	s28 =	spop (v2sf);
	(v2sf) =	vpush v49, $0x7;
	_ =	sdelay $0x3  }
0xbd: {  	s29 =	simm.s32 $0x11200;
	s25 =	sadd.s32 s0, s25  }
0xbe: {  	[tilespmem:s29], [sflag:$0x3] =	stream.strided.gather [hbm4b:s25+s9], $0x800, s10, s9, $0x38;
	[tilespmem:$0x1A200] =	vst v63  }
0xbf: {  	s25 =	sand.u32 $0xFFFFF80, s28  }
0xc0: {  	s29 =	simm.s32 $0x11A00;
	s25 =	sadd.s32 s0, s25;
	s28 =	spop (v2sf);
	(v2sf) =	vpush v49, $0x8  }
0xc1: {  	[tilespmem:s29], [sflag:$0x3] =	stream.strided.gather [hbm4b:s25+s9], $0x800, s10, s9, $0x38;
	[tilespmem:$0x1A200] =	vst v63  }
0xc2: {  	s25 =	sand.u32 $0xFFFFF80, s28;
	s28 =	spop (v2sf);
	(v2sf) =	vpush v49, $0x9  }
0xc3: {  	s29 =	simm.s32 $0x12200;
	s25 =	sadd.s32 s0, s25  }
0xc4: {  	[tilespmem:s29], [sflag:$0x3] =	stream.strided.gather [hbm4b:s25+s9], $0x800, s10, s9, $0x38;
	[tilespmem:$0x1A200] =	vst v63  }
0xc5: {  	s25 =	sand.u32 $0xFFFFF80, s28;
	s28 =	spop (v2sf);
	(v2sf) =	vpush v49, $0xA  }
0xc6: {  	s29 =	simm.s32 $0x12A00;
	s25 =	sadd.s32 s0, s25  }
0xc7: {  	[tilespmem:s29], [sflag:$0x3] =	stream.strided.gather [hbm4b:s25+s9], $0x800, s10, s9, $0x38;
	[tilespmem:$0x1A200] =	vst v63  }
0xc8: {  	s25 =	sand.u32 $0xFFFFF80, s28;
	s28 =	spop (v2sf);
	(v2sf) =	vpush v49, $0xB;
	_ =	sdelay $0x3  }
0xc9: {  	s29 =	simm.s32 $0x13200;
	s25 =	sadd.s32 s0, s25  }
0xca: {  	[tilespmem:s29], [sflag:$0x3] =	stream.strided.gather [hbm4b:s25+s9], $0x800, s10, s9, $0x38;
	[tilespmem:$0x1A200] =	vst v63  }
0xcb: {  	s25 =	sand.u32 $0xFFFFF80, s28  }
0xcc: {  	s29 =	simm.s32 $0x13A00;
	s25 =	sadd.s32 s0, s25;
	s28 =	spop (v2sf);
	(v2sf) =	vpush v49, $0xC  }
0xcd: {  	[tilespmem:s29], [sflag:$0x3] =	stream.strided.gather [hbm4b:s25+s9], $0x800, s10, s9, $0x38;
	[tilespmem:$0x1A200] =	vst v63  }
0xce: {  	s25 =	sand.u32 $0xFFFFF80, s28;
	s28 =	spop (v2sf);
	(v2sf) =	vpush v49, $0xD  }
0xcf: {  	s29 =	simm.s32 $0x14200;
	s25 =	sadd.s32 s0, s25  }
0xd0: {  	[tilespmem:s29], [sflag:$0x3] =	stream.strided.gather [hbm4b:s25+s9], $0x800, s10, s9, $0x38;
	[tilespmem:$0x1A200] =	vst v63  }
0xd1: {  	s25 =	sand.u32 $0xFFFFF80, s28;
	s28 =	spop (v2sf);
	(v2sf) =	vpush v49, $0xE  }
0xd2: {  	s29 =	simm.s32 $0x14A00;
	s25 =	sadd.s32 s0, s25  }
0xd3: {  	[tilespmem:s29], [sflag:$0x3] =	stream.strided.gather [hbm4b:s25+s9], $0x800, s10, s9, $0x38;
	[tilespmem:$0x1A200] =	vst v63  }
0xd4: {  	s25 =	sand.u32 $0xFFFFF80, s28;
	s28 =	spop (v2sf);
	(v2sf) =	vpush v49, $0xF;
	_ =	sdelay $0x1  }
0xd5: {  	s29 =	simm.s32 $0x15200;
	s25 =	sadd.s32 s0, s25  }
0xd6: {  	[tilespmem:s29], [sflag:$0x3] =	stream.strided.gather [hbm4b:s25+s9], $0x800, s10, s9, $0x38;
	[tilespmem:$0x1A200] =	vst v63  }
0xd7: {  	s25 =	sand.u32 $0xFFFFF80, s28  }
0xd8: {  	s29 =	simm.s32 $0x15A00;
	s25 =	sadd.s32 s0, s25  }
0xd9: {  	[tilespmem:s29], [sflag:$0x3] =	stream.strided.gather [hbm4b:s25+s9], $0x800, s10, s9, $0x38;
	[tilespmem:$0x1A200] =	vst v63  }
0xda: {  	s28 =	spop (v2sf)  }
0xdb: {  	s25 =	sand.u32 $0xFFFFF80, s28  }
0xdc: {  	s29 =	simm.s32 $0x16200;
	s28 =	spop (v2sf);
	s25 =	sadd.s32 s0, s25  }
0xdd: {  	[tilespmem:s29], [sflag:$0x3] =	stream.strided.gather [hbm4b:s25+s9], $0x800, s10, s9, $0x38;
	[tilespmem:$0x1A200] =	vst v63  }
0xde: {  	s25 =	sand.u32 $0xFFFFF80, s28  }
0xdf: {  	s29 =	simm.s32 $0x16A00;
	s28 =	spop (v2sf);
	s25 =	sadd.s32 s0, s25  }
0xe0: {  	[tilespmem:s29], [sflag:$0x3] =	stream.strided.gather [hbm4b:s25+s9], $0x800, s10, s9, $0x38;
	[tilespmem:$0x1A200] =	vst v63  }
0xe1: {  	s25 =	sand.u32 $0xFFFFF80, s28  }
0xe2: {  	s29 =	simm.s32 $0x17200;
	s28 =	spop (v2sf);
	s25 =	sadd.s32 s0, s25  }
0xe3: {  	[tilespmem:s29], [sflag:$0x3] =	stream.strided.gather [hbm4b:s25+s9], $0x800, s10, s9, $0x38;
	[tilespmem:$0x1A200] =	vst v63  }
0xe4: {  	s25 =	sand.u32 $0xFFFFF80, s28  }
0xe5: {  	s29 =	simm.s32 $0x17A00;
	s25 =	sadd.s32 s0, s25  }
0xe6: {  	[tilespmem:s29], [sflag:$0x3] =	stream.strided.gather [hbm4b:s25+s9], $0x800, s10, s9, $0x38;
	[tilespmem:$0x1A200] =	vst v63  }
.LBB2_4:
0xe7: {  	_ =	swait.ge [sflag:s18], $0x800  }
0xe8: {  	[sflag:s18] =	ssyncset.done $0x0  }
0xe9: {  	[sflag:s18] =	ssyncadd.s32 $0xFFFFF800  }
0xea: {  	_ =	swait.ge [sflag:s18], $0x800  }
0xeb: {  	[sflag:s18] =	ssyncset.done $0x0  }
0xec: {  	[sflag:s18] =	ssyncadd.s32 $0xFFFFF800  }
0xed: {  	_ =	swait.ge [sflag:s18], $0x800  }
0xee: {  	[sflag:s18] =	ssyncset.done $0x0  }
0xef: {  	[sflag:s18] =	ssyncadd.s32 $0xFFFFF800  }
0xf0: {  	_ =	swait.ge [sflag:s18], $0x800  }
0xf1: {  	[sflag:s18] =	ssyncset.done $0x0  }
0xf2: {  	[sflag:s18] =	ssyncadd.s32 $0xFFFFF800  }
0xf3: {  	_ =	swait.ge [sflag:s18], $0x800  }
0xf4: {  	[sflag:s18] =	ssyncset.done $0x0  }
0xf5: {  	[sflag:s18] =	ssyncadd.s32 $0xFFFFF800  }
0xf6: {  	_ =	swait.ge [sflag:s18], $0x800  }
0xf7: {  	[sflag:s18] =	ssyncset.done $0x0  }
0xf8: {  	[sflag:s18] =	ssyncadd.s32 $0xFFFFF800  }
0xf9: {  	_ =	swait.ge [sflag:s18], $0x800  }
0xfa: {  	[sflag:s18] =	ssyncset.done $0x0  }
0xfb: {  	[sflag:s18] =	ssyncadd.s32 $0xFFFFF800  }
0xfc: {  	_ =	swait.ge [sflag:s18], $0x800  }
0xfd: {  	[sflag:s18] =	ssyncset.done $0x0  }
0xfe: {  	[sflag:s18] =	ssyncadd.s32 $0xFFFFF800  }
0xff: {  	_ =	swait.ge [sflag:s18], $0x800  }
0x100: {  	[sflag:s18] =	ssyncset.done $0x0  }
0x101: {  	[sflag:s18] =	ssyncadd.s32 $0xFFFFF800  }
0x102: {  	_ =	swait.ge [sflag:s18], $0x800  }
0x103: {  	[sflag:s18] =	ssyncset.done $0x0  }
0x104: {  	[sflag:s18] =	ssyncadd.s32 $0xFFFFF800  }
0x105: {  	_ =	swait.ge [sflag:s18], $0x800  }
0x106: {  	[sflag:s18] =	ssyncset.done $0x0  }
0x107: {  	[sflag:s18] =	ssyncadd.s32 $0xFFFFF800  }
0x108: {  	_ =	swait.ge [sflag:s18], $0x800  }
0x109: {  	[sflag:s18] =	ssyncset.done $0x0  }
0x10a: {  	[sflag:s18] =	ssyncadd.s32 $0xFFFFF800  }
0x10b: {  	_ =	swait.ge [sflag:s18], $0x800  }
0x10c: {  	[sflag:s18] =	ssyncset.done $0x0  }
0x10d: {  	[sflag:s18] =	ssyncadd.s32 $0xFFFFF800  }
0x10e: {  	_ =	swait.ge [sflag:s18], $0x800  }
0x10f: {  	[sflag:s18] =	ssyncset.done $0x0  }
0x110: {  	[sflag:s18] =	ssyncadd.s32 $0xFFFFF800  }
0x111: {  	_ =	swait.ge [sflag:s18], $0x800  }
0x112: {  	[sflag:s18] =	ssyncset.done $0x0  }
0x113: {  	[sflag:s18] =	ssyncadd.s32 $0xFFFFF800  }
0x114: {  	_ =	swait.ge [sflag:s18], $0x800  }
0x115: {  	[sflag:s18] =	ssyncset.done $0x0  }
0x116: {  	[sflag:s18] =	ssyncadd.s32 $0xFFFFF800  }
0x117: {  	v49 =	vld [tilespmem:s22+$0xFFFFFFE0];
	_ =	sdelay $0x4  }
0x118: {  	(v2sf) =	vpush v49, $0x0;
	_ =	sdelay $0x5  }
0x119: {  	(v2sf) =	vpush v49, $0x1;
	_ =	sdelay $0x5  }
0x11a: {  	(v2sf) =	vpush v49, $0x2;
	_ =	sdelay $0x2  }
0x11b: {  	s25 =	spop (v2sf)  }
0x11c: {  	s25 =	sand.u32 $0x7F, s25  }
0x11d: {  	v50 =	vor.u32 s25, v0  }
0x11e: {  	v51 =	vmov s23;
	(v2sf) =	vpush v49, $0x3  }
0x11f: {  	v52 =	vshll.u32 v51, $0x3  }
0x120: {  	v51 =	vand.u32 $0x70, v51;
	v52 =	vand.u32 $0x1C00, v52  }
0x121: {  	v51 =	vor.u32 v51, v52;
	s29 =	spop (v2sf)  }
0x122: {  	v51 =	vadd.s32 v1, v51;
	s25 =	sand.u32 $0x7F, s29;
	v50 =	vld.idx.msk [tilespmem:v50+s11+$0x0], $0xffff  }
0x123: {  	s26 =	sadd.s32 $0x1, s23;
	v63 =	vor.u32 s25, v2  }
0x124: {  	v53 =	vmov s26;
	(v2sf) =	vpush v49, $0x4  }
0x125: {  	v54 =	vshll.u32 v53, $0x3  }
0x126: {  	v53 =	vand.u32 $0x71, v53;
	v54 =	vand.u32 $0x1C00, v54  }
0x127: {  	v56 =	vor.u32 v53, v54;
	s28 =	spop (v2sf);
	[tilespmem:v51+s19+$0x0] =	vst.idx.msk $0xffff, v50  }
0x128: {  	s25 =	sand.u32 $0x7F, s28;
	v50 =	vadd.s32 v1, v56;
	v51 =	vld.idx.msk [tilespmem:v63+s11+$0x0], $0xffff  }
0x129: {  	s29 =	sadd.s32 $0x2, s23;
	v57 =	vor.u32 s25, v3  }
0x12a: {  	(v2sf) =	vpush v49, $0x5;
	v58 =	vmov s29  }
0x12b: {  	v59 =	vshll.u32 v58, $0x3  }
0x12c: {  	v53 =	vand.u32 $0x72, v58;
	v54 =	vand.u32 $0x1C00, v59  }
0x12d: {  	v60 =	vor.u32 v53, v54;
	s26 =	spop (v2sf);
	[tilespmem:v50+s19+$0x0] =	vst.idx.msk $0xffff, v51  }
0x12e: {  	s25 =	sand.u32 $0x7F, s26;
	v50 =	vadd.s32 v1, v60;
	v51 =	vld.idx.msk [tilespmem:v57+s11+$0x0], $0xffff  }
0x12f: {  	s28 =	sadd.s32 $0x3, s23;
	v61 =	vor.u32 s25, v4  }
0x130: {  	v62 =	vmov s28;
	(v2sf) =	vpush v49, $0x6  }
0x131: {  	v63 =	vshll.u32 v62, $0x3  }
0x132: {  	v53 =	vand.u32 $0x73, v62;
	v54 =	vand.u32 $0x1C00, v63  }
0x133: {  	v56 =	vor.u32 v53, v54;
	s29 =	spop (v2sf);
	[tilespmem:v50+s19+$0x0] =	vst.idx.msk $0xffff, v51  }
0x134: {  	s25 =	sand.u32 $0x7F, s29;
	v50 =	vadd.s32 v1, v56;
	v51 =	vld.idx.msk [tilespmem:v61+s11+$0x0], $0xffff  }
0x135: {  	s26 =	sadd.s32 $0x4, s23;
	v57 =	vor.u32 s25, v5  }
0x136: {  	(v2sf) =	vpush v49, $0x7;
	v58 =	vmov s26  }
0x137: {  	v59 =	vshll.u32 v58, $0x3  }
0x138: {  	v53 =	vand.u32 $0x74, v58;
	v54 =	vand.u32 $0x1C00, v59  }
0x139: {  	s28 =	spop (v2sf);
	v60 =	vor.u32 v53, v54;
	[tilespmem:v50+s19+$0x0] =	vst.idx.msk $0xffff, v51  }
0x13a: {  	s25 =	sand.u32 $0x7F, s28;
	v50 =	vadd.s32 v1, v60;
	v51 =	vld.idx.msk [tilespmem:v57+s11+$0x0], $0xffff  }
0x13b: {  	s29 =	sadd.s32 $0x5, s23;
	v61 =	vor.u32 s25, v6  }
0x13c: {  	(v2sf) =	vpush v49, $0x8;
	v62 =	vmov s29  }
0x13d: {  	v63 =	vshll.u32 v62, $0x3  }
0x13e: {  	v53 =	vand.u32 $0x75, v62;
	v54 =	vand.u32 $0x1C00, v63  }
0x13f: {  	v56 =	vor.u32 v53, v54;
	s26 =	spop (v2sf);
	[tilespmem:v50+s19+$0x0] =	vst.idx.msk $0xffff, v51  }
0x140: {  	s25 =	sand.u32 $0x7F, s26;
	v50 =	vadd.s32 v1, v56;
	v51 =	vld.idx.msk [tilespmem:v61+s11+$0x0], $0xffff  }
0x141: {  	s28 =	sadd.s32 $0x6, s23;
	v57 =	vor.u32 s25, v7  }
0x142: {  	v58 =	vmov s28;
	(v2sf) =	vpush v49, $0x9  }
0x143: {  	v59 =	vshll.u32 v58, $0x3  }
0x144: {  	v53 =	vand.u32 $0x76, v58;
	v54 =	vand.u32 $0x1C00, v59  }
0x145: {  	v60 =	vor.u32 v53, v54;
	s29 =	spop (v2sf);
	[tilespmem:v50+s19+$0x0] =	vst.idx.msk $0xffff, v51  }
0x146: {  	s25 =	sand.u32 $0x7F, s29;
	v50 =	vadd.s32 v1, v60;
	v51 =	vld.idx.msk [tilespmem:v57+s11+$0x0], $0xffff  }
0x147: {  	s26 =	sadd.s32 $0x7, s23;
	v61 =	vor.u32 s25, v8  }
0x148: {  	(v2sf) =	vpush v49, $0xA;
	v62 =	vmov s26  }
0x149: {  	v63 =	vshll.u32 v62, $0x3  }
0x14a: {  	v53 =	vand.u32 $0x77, v62;
	v54 =	vand.u32 $0x1C00, v63  }
0x14b: {  	s28 =	spop (v2sf);
	v56 =	vor.u32 v53, v54;
	[tilespmem:v50+s19+$0x0] =	vst.idx.msk $0xffff, v51  }
0x14c: {  	s25 =	sand.u32 $0x7F, s28;
	v50 =	vadd.s32 v1, v56;
	v51 =	vld.idx.msk [tilespmem:v61+s11+$0x0], $0xffff  }
0x14d: {  	s29 =	sadd.s32 $0x8, s23;
	v57 =	vor.u32 s25, v9  }
0x14e: {  	(v2sf) =	vpush v49, $0xB;
	v58 =	vmov s29  }
0x14f: {  	v59 =	vshll.u32 v58, $0x3  }
0x150: {  	v53 =	vand.u32 $0x78, v58;
	v54 =	vand.u32 $0x1C00, v59  }
0x151: {  	v60 =	vor.u32 v53, v54;
	s26 =	spop (v2sf);
	[tilespmem:v50+s19+$0x0] =	vst.idx.msk $0xffff, v51  }
0x152: {  	s25 =	sand.u32 $0x7F, s26;
	v50 =	vadd.s32 v1, v60;
	v51 =	vld.idx.msk [tilespmem:v57+s11+$0x0], $0xffff  }
0x153: {  	s28 =	sadd.s32 $0x9, s23;
	v61 =	vor.u32 s25, v10  }
0x154: {  	v62 =	vmov s28;
	(v2sf) =	vpush v49, $0xC  }
0x155: {  	v63 =	vshll.u32 v62, $0x3  }
0x156: {  	v53 =	vand.u32 $0x79, v62;
	v54 =	vand.u32 $0x1C00, v63  }
0x157: {  	s29 =	spop (v2sf);
	v56 =	vor.u32 v53, v54;
	[tilespmem:v50+s19+$0x0] =	vst.idx.msk $0xffff, v51  }
0x158: {  	s25 =	sand.u32 $0x7F, s29;
	v50 =	vadd.s32 v1, v56;
	v51 =	vld.idx.msk [tilespmem:v61+s11+$0x0], $0xffff  }
0x159: {  	s26 =	sadd.s32 $0xA, s23;
	v57 =	vor.u32 s25, v11  }
0x15a: {  	(v2sf) =	vpush v49, $0xD;
	v58 =	vmov s26  }
0x15b: {  	v59 =	vshll.u32 v58, $0x3  }
0x15c: {  	v53 =	vand.u32 $0x7A, v58;
	v54 =	vand.u32 $0x1C00, v59  }
0x15d: {  	s28 =	spop (v2sf);
	v60 =	vor.u32 v53, v54;
	[tilespmem:v50+s19+$0x0] =	vst.idx.msk $0xffff, v51  }
0x15e: {  	s25 =	sand.u32 $0x7F, s28;
	v50 =	vadd.s32 v1, v60;
	v51 =	vld.idx.msk [tilespmem:v57+s11+$0x0], $0xffff  }
0x15f: {  	s29 =	sadd.s32 $0xB, s23;
	v61 =	vor.u32 s25, v12  }
0x160: {  	(v2sf) =	vpush v49, $0xE;
	v62 =	vmov s29  }
0x161: {  	v63 =	vshll.u32 v62, $0x3  }
0x162: {  	v53 =	vand.u32 $0x7B, v62;
	v54 =	vand.u32 $0x1C00, v63  }
0x163: {  	s26 =	spop (v2sf);
	v57 =	vor.u32 v53, v54;
	[tilespmem:v50+s19+$0x0] =	vst.idx.msk $0xffff, v51  }
0x164: {  	s25 =	sand.u32 $0x7F, s26;
	v50 =	vadd.s32 v1, v57;
	v51 =	vld.idx.msk [tilespmem:v61+s11+$0x0], $0xffff  }
0x165: {  	s28 =	sadd.s32 $0xC, s23;
	v58 =	vor.u32 s25, v13  }
0x166: {  	v59 =	vmov s28;
	(v2sf) =	vpush v49, $0xF  }
0x167: {  	v60 =	vshll.u32 v59, $0x3  }
0x168: {  	v53 =	vand.u32 $0x7C, v59;
	v49 =	vand.u32 $0x1C00, v60  }
0x169: {  	s29 =	spop (v2sf);
	v49 =	vor.u32 v53, v49;
	[tilespmem:v50+s19+$0x0] =	vst.idx.msk $0xffff, v51  }
0x16a: {  	s25 =	sand.u32 $0x7F, s29;
	v49 =	vadd.s32 v1, v49;
	v50 =	vld.idx.msk [tilespmem:v58+s11+$0x0], $0xffff  }
0x16b: {  	s26 =	sadd.s32 $0xD, s23;
	v61 =	vor.u32 s25, v14  }
0x16c: {  	v62 =	vmov s26  }
0x16d: {  	v63 =	vshll.u32 v62, $0x3  }
0x16e: {  	v52 =	vand.u32 $0x7D, v62;
	v53 =	vand.u32 $0x1C00, v63  }
0x16f: {  	s28 =	spop (v2sf);
	v55 =	vor.u32 v52, v53;
	[tilespmem:v49+s19+$0x0] =	vst.idx.msk $0xffff, v50  }
0x170: {  	s25 =	sand.u32 $0x7F, s28;
	v49 =	vadd.s32 v1, v55;
	v50 =	vld.idx.msk [tilespmem:v61+s11+$0x0], $0xffff  }
0x171: {  	s29 =	sadd.s32 $0xE, s23;
	v56 =	vor.u32 s25, v15  }
0x172: {  	v57 =	vmov s29  }
0x173: {  	v58 =	vshll.u32 v57, $0x3  }
0x174: {  	v52 =	vand.u32 $0x7E, v57;
	v53 =	vand.u32 $0x1C00, v58  }
0x175: {  	s26 =	spop (v2sf);
	v59 =	vor.u32 v52, v53;
	[tilespmem:v49+s19+$0x0] =	vst.idx.msk $0xffff, v50  }
0x176: {  	s25 =	sand.u32 $0x7F, s26;
	v49 =	vadd.s32 v1, v59;
	v50 =	vld.idx.msk [tilespmem:v56+s11+$0x0], $0xffff  }
0x177: {  	s28 =	sadd.s32 $0xF, s23;
	s26 =	sadd.s32 $0xFFFFFFFE, s24;
	v60 =	vor.u32 s25, v16  }
0x178: {  	s29 =	sand.u32 $0x7, s26;
	v61 =	vmov s28  }
0x179: {  	p1 =	sne.s32 s29, $0x7;
	v62 =	vshll.u32 v61, $0x3  }
0x17a: {  	p2 =	seq.s32 @!p1 s23, $0x0;
	v52 =	vand.u32 $0x7F, v61;
	v53 =	vand.u32 $0x1C00, v62  }
0x17b: {  	s25 =	simm.s32 @!p1 $0x1;
	p2 =	por !p2, p1;
	v63 =	vor.u32 v52, v53;
	[tilespmem:v49+s19+$0x0] =	vst.idx.msk $0xffff, v50  }
0x17c: {  	s26 =	sshrl.u32 @!p1 s26, $0x3;
	s25 =	simm.s32 @p2 $0x0;
	v49 =	vadd.s32 v1, v63;
	v50 =	vld.idx.msk [tilespmem:v60+s11+$0x0], $0xffff  }
0x17d: {  	s25 =	ssub.s32 @!p1 s26, s25  }
0x17e: {  	s26 =	sshll.u32 @!p1 s25, $0x7  }
0x17f: {  	s25 =	sshll.u32 @!p1 s25, $0xC;
	s26 =	sadd.s32 @!p1 s5, s26  }
.Ltmp3:
0x180: {  	s25 =	sshra.s32 @!p1 s25, $0x2;
	s26 =	sand.u32 @!p1 $0x1FFFFF80, s26;
	(pc) =	sbr.rel @p0 .LBB2_6-.Ltmp3, $4  }
0x181: {  	s29 =	simm.s32 @!p1 $0x0;
	s28 =	sadd.s32 @!p1 $0x18200, s25;
	s26 =	sadd.s32 @!p1 s2, s26;
	[tilespmem:v49+s19+$0x0] =	vst.idx.msk $0xffff, v50  }
0x182: {  	[hbm4b:s26+s29] =	stream.linear.scatter @!p1 [tilespmem:s28], [sflag:$0x4], $0x400, $0x38;
	[tilespmem:$0x1A200] =	vst v63  }
0x183: {  	s25 =	sadd.s32 @!p1 $0x19200, s25;
	s26 =	sadd.s32 @!p1 $0x4000, s26  }
0x184: {  	[hbm4b:s26+s29] =	stream.linear.scatter @!p1 [tilespmem:s25], [sflag:$0x4], $0x400, $0x38;
	[tilespmem:$0x1A200] =	vst v63  }
0x185: {  	v49 =	vld [tilespmem:s22+$0x10];
	_ =	sdelay $0x4  }
0x186: {  	(v2sf) =	vpush v49, $0x0;
	_ =	sdelay $0x1  }
0x187: {  	(v2sf) =	vpush v49, $0x1;
	_ =	sdelay $0x2  }
0x188: {  	(v2sf) =	vpush v49, $0x2;
	_ =	sdelay $0x2  }
0x189: {  	(v2sf) =	vpush v49, $0x3;
	_ =	sdelay $0x6  }
0x18a: {  	s25 =	spop (v2sf);
	(v2sf) =	vpush v49, $0x4;
	_ =	sdelay $0x1  }
0x18b: {  	s25 =	sand.u32 $0xFFFFF80, s25;
	s26 =	spop (v2sf);
	(v2sf) =	vpush v49, $0x5  }
0x18c: {  	s25 =	sadd.s32 s0, s25  }
0x18d: {  	[tilespmem:s11], [sflag:$0x1] =	stream.strided.gather [hbm4b:s25+s9], $0x800, s10, s9, $0x38;
	[tilespmem:$0x1A200] =	vst v63  }
0x18e: {  	s28 =	spop (v2sf);
	(v2sf) =	vpush v49, $0x6;
	s25 =	sand.u32 $0xFFFFF80, s26  }
0x18f: {  	s26 =	simm.s32 $0xA00;
	s25 =	sadd.s32 s0, s25  }
0x190: {  	[tilespmem:s26], [sflag:$0x1] =	stream.strided.gather [hbm4b:s25+s9], $0x800, s10, s9, $0x38;
	[tilespmem:$0x1A200] =	vst v63  }
0x191: {  	s25 =	sand.u32 $0xFFFFF80, s28;
	s28 =	spop (v2sf);
	(v2sf) =	vpush v49, $0x7;
	_ =	sdelay $0x3  }
0x192: {  	s29 =	simm.s32 $0x1200;
	s25 =	sadd.s32 s0, s25  }
0x193: {  	[tilespmem:s29], [sflag:$0x1] =	stream.strided.gather [hbm4b:s25+s9], $0x800, s10, s9, $0x38;
	[tilespmem:$0x1A200] =	vst v63  }
0x194: {  	s25 =	sand.u32 $0xFFFFF80, s28  }
0x195: {  	s29 =	simm.s32 $0x1A00;
	s25 =	sadd.s32 s0, s25;
	s28 =	spop (v2sf);
	(v2sf) =	vpush v49, $0x8  }
0x196: {  	[tilespmem:s29], [sflag:$0x1] =	stream.strided.gather [hbm4b:s25+s9], $0x800, s10, s9, $0x38;
	[tilespmem:$0x1A200] =	vst v63  }
0x197: {  	s25 =	sand.u32 $0xFFFFF80, s28;
	s28 =	spop (v2sf);
	(v2sf) =	vpush v49, $0x9  }
0x198: {  	s29 =	simm.s32 $0x2200;
	s25 =	sadd.s32 s0, s25  }
0x199: {  	[tilespmem:s29], [sflag:$0x1] =	stream.strided.gather [hbm4b:s25+s9], $0x800, s10, s9, $0x38;
	[tilespmem:$0x1A200] =	vst v63  }
0x19a: {  	s25 =	sand.u32 $0xFFFFF80, s28;
	s28 =	spop (v2sf);
	(v2sf) =	vpush v49, $0xA  }
0x19b: {  	s29 =	simm.s32 $0x2A00;
	s25 =	sadd.s32 s0, s25  }
0x19c: {  	[tilespmem:s29], [sflag:$0x1] =	stream.strided.gather [hbm4b:s25+s9], $0x800, s10, s9, $0x38;
	[tilespmem:$0x1A200] =	vst v63  }
0x19d: {  	s25 =	sand.u32 $0xFFFFF80, s28;
	s28 =	spop (v2sf);
	(v2sf) =	vpush v49, $0xB;
	_ =	sdelay $0x3  }
0x19e: {  	s29 =	simm.s32 $0x3200;
	s25 =	sadd.s32 s0, s25  }
0x19f: {  	[tilespmem:s29], [sflag:$0x1] =	stream.strided.gather [hbm4b:s25+s9], $0x800, s10, s9, $0x38;
	[tilespmem:$0x1A200] =	vst v63  }
0x1a0: {  	s25 =	sand.u32 $0xFFFFF80, s28  }
0x1a1: {  	s29 =	simm.s32 $0x3A00;
	s25 =	sadd.s32 s0, s25;
	s28 =	spop (v2sf);
	(v2sf) =	vpush v49, $0xC  }
0x1a2: {  	[tilespmem:s29], [sflag:$0x1] =	stream.strided.gather [hbm4b:s25+s9], $0x800, s10, s9, $0x38;
	[tilespmem:$0x1A200] =	vst v63  }
0x1a3: {  	s25 =	sand.u32 $0xFFFFF80, s28;
	s28 =	spop (v2sf);
	(v2sf) =	vpush v49, $0xD  }
0x1a4: {  	s29 =	simm.s32 $0x4200;
	s25 =	sadd.s32 s0, s25  }
0x1a5: {  	[tilespmem:s29], [sflag:$0x1] =	stream.strided.gather [hbm4b:s25+s9], $0x800, s10, s9, $0x38;
	[tilespmem:$0x1A200] =	vst v63  }
0x1a6: {  	s25 =	sand.u32 $0xFFFFF80, s28;
	s28 =	spop (v2sf);
	(v2sf) =	vpush v49, $0xE  }
0x1a7: {  	s29 =	simm.s32 $0x4A00;
	s25 =	sadd.s32 s0, s25  }
0x1a8: {  	[tilespmem:s29], [sflag:$0x1] =	stream.strided.gather [hbm4b:s25+s9], $0x800, s10, s9, $0x38;
	[tilespmem:$0x1A200] =	vst v63  }
0x1a9: {  	s25 =	sand.u32 $0xFFFFF80, s28;
	s28 =	spop (v2sf);
	(v2sf) =	vpush v49, $0xF;
	_ =	sdelay $0x1  }
0x1aa: {  	s29 =	simm.s32 $0x5200;
	s25 =	sadd.s32 s0, s25  }
0x1ab: {  	[tilespmem:s29], [sflag:$0x1] =	stream.strided.gather [hbm4b:s25+s9], $0x800, s10, s9, $0x38;
	[tilespmem:$0x1A200] =	vst v63  }
0x1ac: {  	s25 =	sand.u32 $0xFFFFF80, s28  }
0x1ad: {  	s29 =	simm.s32 $0x5A00;
	s25 =	sadd.s32 s0, s25  }
0x1ae: {  	[tilespmem:s29], [sflag:$0x1] =	stream.strided.gather [hbm4b:s25+s9], $0x800, s10, s9, $0x38;
	[tilespmem:$0x1A200] =	vst v63  }
0x1af: {  	s28 =	spop (v2sf)  }
0x1b0: {  	s25 =	sand.u32 $0xFFFFF80, s28  }
0x1b1: {  	s29 =	simm.s32 $0x6200;
	s28 =	spop (v2sf);
	s25 =	sadd.s32 s0, s25  }
0x1b2: {  	[tilespmem:s29], [sflag:$0x1] =	stream.strided.gather [hbm4b:s25+s9], $0x800, s10, s9, $0x38;
	[tilespmem:$0x1A200] =	vst v63  }
0x1b3: {  	s25 =	sand.u32 $0xFFFFF80, s28  }
0x1b4: {  	s29 =	simm.s32 $0x6A00;
	s28 =	spop (v2sf);
	s25 =	sadd.s32 s0, s25  }
0x1b5: {  	[tilespmem:s29], [sflag:$0x1] =	stream.strided.gather [hbm4b:s25+s9], $0x800, s10, s9, $0x38;
	[tilespmem:$0x1A200] =	vst v63  }
0x1b6: {  	s25 =	sand.u32 $0xFFFFF80, s28  }
0x1b7: {  	s29 =	simm.s32 $0x7200;
	s28 =	spop (v2sf);
	s25 =	sadd.s32 s0, s25  }
0x1b8: {  	[tilespmem:s29], [sflag:$0x1] =	stream.strided.gather [hbm4b:s25+s9], $0x800, s10, s9, $0x38;
	[tilespmem:$0x1A200] =	vst v63  }
0x1b9: {  	s25 =	sand.u32 $0xFFFFF80, s28  }
0x1ba: {  	s29 =	simm.s32 $0x7A00;
	s25 =	sadd.s32 s0, s25  }
0x1bb: {  	[tilespmem:s29], [sflag:$0x1] =	stream.strided.gather [hbm4b:s25+s9], $0x800, s10, s9, $0x38;
	[tilespmem:$0x1A200] =	vst v63  }
.LBB2_6:
0x1bc: {  	_ =	swait.ge [sflag:s20], $0x800  }
0x1bd: {  	[sflag:s20] =	ssyncset.done $0x0  }
0x1be: {  	[sflag:s20] =	ssyncadd.s32 $0xFFFFF800  }
0x1bf: {  	_ =	swait.ge [sflag:s20], $0x800  }
0x1c0: {  	[sflag:s20] =	ssyncset.done $0x0  }
0x1c1: {  	[sflag:s20] =	ssyncadd.s32 $0xFFFFF800  }
0x1c2: {  	_ =	swait.ge [sflag:s20], $0x800  }
0x1c3: {  	[sflag:s20] =	ssyncset.done $0x0  }
0x1c4: {  	[sflag:s20] =	ssyncadd.s32 $0xFFFFF800  }
0x1c5: {  	_ =	swait.ge [sflag:s20], $0x800  }
0x1c6: {  	[sflag:s20] =	ssyncset.done $0x0  }
0x1c7: {  	[sflag:s20] =	ssyncadd.s32 $0xFFFFF800  }
0x1c8: {  	_ =	swait.ge [sflag:s20], $0x800  }
0x1c9: {  	[sflag:s20] =	ssyncset.done $0x0  }
0x1ca: {  	[sflag:s20] =	ssyncadd.s32 $0xFFFFF800  }
0x1cb: {  	_ =	swait.ge [sflag:s20], $0x800  }
0x1cc: {  	[sflag:s20] =	ssyncset.done $0x0  }
0x1cd: {  	[sflag:s20] =	ssyncadd.s32 $0xFFFFF800  }
0x1ce: {  	_ =	swait.ge [sflag:s20], $0x800  }
0x1cf: {  	[sflag:s20] =	ssyncset.done $0x0  }
0x1d0: {  	[sflag:s20] =	ssyncadd.s32 $0xFFFFF800  }
0x1d1: {  	_ =	swait.ge [sflag:s20], $0x800  }
0x1d2: {  	[sflag:s20] =	ssyncset.done $0x0  }
0x1d3: {  	[sflag:s20] =	ssyncadd.s32 $0xFFFFF800  }
0x1d4: {  	_ =	swait.ge [sflag:s20], $0x800  }
0x1d5: {  	[sflag:s20] =	ssyncset.done $0x0  }
0x1d6: {  	[sflag:s20] =	ssyncadd.s32 $0xFFFFF800  }
0x1d7: {  	_ =	swait.ge [sflag:s20], $0x800  }
0x1d8: {  	[sflag:s20] =	ssyncset.done $0x0  }
0x1d9: {  	[sflag:s20] =	ssyncadd.s32 $0xFFFFF800  }
0x1da: {  	_ =	swait.ge [sflag:s20], $0x800  }
0x1db: {  	[sflag:s20] =	ssyncset.done $0x0  }
0x1dc: {  	[sflag:s20] =	ssyncadd.s32 $0xFFFFF800  }
0x1dd: {  	_ =	swait.ge [sflag:s20], $0x800  }
0x1de: {  	[sflag:s20] =	ssyncset.done $0x0  }
0x1df: {  	[sflag:s20] =	ssyncadd.s32 $0xFFFFF800  }
0x1e0: {  	_ =	swait.ge [sflag:s20], $0x800  }
0x1e1: {  	[sflag:s20] =	ssyncset.done $0x0  }
0x1e2: {  	[sflag:s20] =	ssyncadd.s32 $0xFFFFF800  }
0x1e3: {  	_ =	swait.ge [sflag:s20], $0x800  }
0x1e4: {  	[sflag:s20] =	ssyncset.done $0x0  }
0x1e5: {  	[sflag:s20] =	ssyncadd.s32 $0xFFFFF800  }
0x1e6: {  	_ =	swait.ge [sflag:s20], $0x800  }
0x1e7: {  	[sflag:s20] =	ssyncset.done $0x0  }
0x1e8: {  	[sflag:s20] =	ssyncadd.s32 $0xFFFFF800  }
0x1e9: {  	_ =	swait.ge [sflag:s20], $0x800  }
0x1ea: {  	[sflag:s20] =	ssyncset.done $0x0  }
0x1eb: {  	[sflag:s20] =	ssyncadd.s32 $0xFFFFF800  }
0x1ec: {  	v49 =	vld [tilespmem:s22+$0xFFFFFFF0];
	_ =	sdelay $0x4  }
0x1ed: {  	(v2sf) =	vpush v49, $0x0;
	_ =	sdelay $0x5  }
0x1ee: {  	(v2sf) =	vpush v49, $0x1;
	_ =	sdelay $0x5  }
0x1ef: {  	(v2sf) =	vpush v49, $0x2;
	_ =	sdelay $0x2  }
0x1f0: {  	s25 =	spop (v2sf)  }
0x1f1: {  	s25 =	sand.u32 $0x7F, s25  }
0x1f2: {  	s26 =	sadd.s32 $0x10, s23;
	v50 =	vor.u32 s25, v17  }
0x1f3: {  	v51 =	vmov s26;
	(v2sf) =	vpush v49, $0x3  }
0x1f4: {  	v52 =	vshll.u32 v51, $0x3  }
0x1f5: {  	v51 =	vand.u32 $0x70, v51;
	v52 =	vand.u32 $0x7FFFFC00, v52  }
0x1f6: {  	v51 =	vor.u32 v51, v52;
	s29 =	spop (v2sf)  }
0x1f7: {  	v51 =	vadd.s32 v1, v51;
	s25 =	sand.u32 $0x7F, s29;
	v50 =	vld.idx.msk [tilespmem:v50+s11+$0x0], $0xffff  }
0x1f8: {  	s26 =	sadd.s32 $0x11, s23;
	v63 =	vor.u32 s25, v18  }
0x1f9: {  	v53 =	vmov s26;
	(v2sf) =	vpush v49, $0x4  }
0x1fa: {  	v54 =	vshll.u32 v53, $0x3  }
0x1fb: {  	v53 =	vand.u32 $0x71, v53;
	v54 =	vand.u32 $0x7FFFFC00, v54  }
0x1fc: {  	v56 =	vor.u32 v53, v54;
	s28 =	spop (v2sf);
	[tilespmem:v51+s19+$0x0] =	vst.idx.msk $0xffff, v50  }
0x1fd: {  	s25 =	sand.u32 $0x7F, s28;
	v50 =	vadd.s32 v1, v56;
	v51 =	vld.idx.msk [tilespmem:v63+s11+$0x0], $0xffff  }
0x1fe: {  	s29 =	sadd.s32 $0x12, s23;
	v57 =	vor.u32 s25, v19  }
0x1ff: {  	(v2sf) =	vpush v49, $0x5;
	v58 =	vmov s29  }
0x200: {  	v59 =	vshll.u32 v58, $0x3  }
0x201: {  	v53 =	vand.u32 $0x72, v58;
	v54 =	vand.u32 $0x7FFFFC00, v59  }
0x202: {  	v60 =	vor.u32 v53, v54;
	s26 =	spop (v2sf);
	[tilespmem:v50+s19+$0x0] =	vst.idx.msk $0xffff, v51  }
0x203: {  	s25 =	sand.u32 $0x7F, s26;
	v50 =	vadd.s32 v1, v60;
	v51 =	vld.idx.msk [tilespmem:v57+s11+$0x0], $0xffff  }
0x204: {  	s28 =	sadd.s32 $0x13, s23;
	v61 =	vor.u32 s25, v20  }
0x205: {  	v62 =	vmov s28;
	(v2sf) =	vpush v49, $0x6  }
0x206: {  	v63 =	vshll.u32 v62, $0x3  }
0x207: {  	v53 =	vand.u32 $0x73, v62;
	v54 =	vand.u32 $0x7FFFFC00, v63  }
0x208: {  	v56 =	vor.u32 v53, v54;
	s29 =	spop (v2sf);
	[tilespmem:v50+s19+$0x0] =	vst.idx.msk $0xffff, v51  }
0x209: {  	s25 =	sand.u32 $0x7F, s29;
	v50 =	vadd.s32 v1, v56;
	v51 =	vld.idx.msk [tilespmem:v61+s11+$0x0], $0xffff  }
0x20a: {  	s26 =	sadd.s32 $0x14, s23;
	v57 =	vor.u32 s25, v21  }
0x20b: {  	(v2sf) =	vpush v49, $0x7;
	v58 =	vmov s26  }
0x20c: {  	v59 =	vshll.u32 v58, $0x3  }
0x20d: {  	v53 =	vand.u32 $0x74, v58;
	v54 =	vand.u32 $0x7FFFFC00, v59  }
0x20e: {  	s28 =	spop (v2sf);
	v60 =	vor.u32 v53, v54;
	[tilespmem:v50+s19+$0x0] =	vst.idx.msk $0xffff, v51  }
0x20f: {  	s25 =	sand.u32 $0x7F, s28;
	v50 =	vadd.s32 v1, v60;
	v51 =	vld.idx.msk [tilespmem:v57+s11+$0x0], $0xffff  }
0x210: {  	s29 =	sadd.s32 $0x15, s23;
	v61 =	vor.u32 s25, v22  }
0x211: {  	(v2sf) =	vpush v49, $0x8;
	v62 =	vmov s29  }
0x212: {  	v63 =	vshll.u32 v62, $0x3  }
0x213: {  	v53 =	vand.u32 $0x75, v62;
	v54 =	vand.u32 $0x7FFFFC00, v63  }
0x214: {  	v56 =	vor.u32 v53, v54;
	s26 =	spop (v2sf);
	[tilespmem:v50+s19+$0x0] =	vst.idx.msk $0xffff, v51  }
0x215: {  	s25 =	sand.u32 $0x7F, s26;
	v50 =	vadd.s32 v1, v56;
	v51 =	vld.idx.msk [tilespmem:v61+s11+$0x0], $0xffff  }
0x216: {  	s28 =	sadd.s32 $0x16, s23;
	v57 =	vor.u32 s25, v23  }
0x217: {  	v58 =	vmov s28;
	(v2sf) =	vpush v49, $0x9  }
0x218: {  	v59 =	vshll.u32 v58, $0x3  }
0x219: {  	v53 =	vand.u32 $0x76, v58;
	v54 =	vand.u32 $0x7FFFFC00, v59  }
0x21a: {  	v60 =	vor.u32 v53, v54;
	s29 =	spop (v2sf);
	[tilespmem:v50+s19+$0x0] =	vst.idx.msk $0xffff, v51  }
0x21b: {  	s25 =	sand.u32 $0x7F, s29;
	v50 =	vadd.s32 v1, v60;
	v51 =	vld.idx.msk [tilespmem:v57+s11+$0x0], $0xffff  }
0x21c: {  	s26 =	sadd.s32 $0x17, s23;
	v61 =	vor.u32 s25, v24  }
0x21d: {  	(v2sf) =	vpush v49, $0xA;
	v62 =	vmov s26  }
0x21e: {  	v63 =	vshll.u32 v62, $0x3  }
0x21f: {  	v53 =	vand.u32 $0x77, v62;
	v54 =	vand.u32 $0x7FFFFC00, v63  }
0x220: {  	s28 =	spop (v2sf);
	v56 =	vor.u32 v53, v54;
	[tilespmem:v50+s19+$0x0] =	vst.idx.msk $0xffff, v51  }
0x221: {  	s25 =	sand.u32 $0x7F, s28;
	v50 =	vadd.s32 v1, v56;
	v51 =	vld.idx.msk [tilespmem:v61+s11+$0x0], $0xffff  }
0x222: {  	s29 =	sadd.s32 $0x18, s23;
	v57 =	vor.u32 s25, v25  }
0x223: {  	(v2sf) =	vpush v49, $0xB;
	v58 =	vmov s29  }
0x224: {  	v59 =	vshll.u32 v58, $0x3  }
0x225: {  	v53 =	vand.u32 $0x78, v58;
	v54 =	vand.u32 $0x7FFFFC00, v59  }
0x226: {  	v60 =	vor.u32 v53, v54;
	s26 =	spop (v2sf);
	[tilespmem:v50+s19+$0x0] =	vst.idx.msk $0xffff, v51  }
0x227: {  	s25 =	sand.u32 $0x7F, s26;
	v50 =	vadd.s32 v1, v60;
	v51 =	vld.idx.msk [tilespmem:v57+s11+$0x0], $0xffff  }
0x228: {  	s28 =	sadd.s32 $0x19, s23;
	v61 =	vor.u32 s25, v26  }
0x229: {  	v62 =	vmov s28;
	(v2sf) =	vpush v49, $0xC  }
0x22a: {  	v63 =	vshll.u32 v62, $0x3  }
0x22b: {  	v53 =	vand.u32 $0x79, v62;
	v54 =	vand.u32 $0x7FFFFC00, v63  }
0x22c: {  	s29 =	spop (v2sf);
	v56 =	vor.u32 v53, v54;
	[tilespmem:v50+s19+$0x0] =	vst.idx.msk $0xffff, v51  }
0x22d: {  	s25 =	sand.u32 $0x7F, s29;
	v50 =	vadd.s32 v1, v56;
	v51 =	vld.idx.msk [tilespmem:v61+s11+$0x0], $0xffff  }
0x22e: {  	s26 =	sadd.s32 $0x1A, s23;
	v57 =	vor.u32 s25, v27  }
0x22f: {  	(v2sf) =	vpush v49, $0xD;
	v58 =	vmov s26  }
0x230: {  	v59 =	vshll.u32 v58, $0x3  }
0x231: {  	v53 =	vand.u32 $0x7A, v58;
	v54 =	vand.u32 $0x7FFFFC00, v59  }
0x232: {  	s28 =	spop (v2sf);
	v60 =	vor.u32 v53, v54;
	[tilespmem:v50+s19+$0x0] =	vst.idx.msk $0xffff, v51  }
0x233: {  	s25 =	sand.u32 $0x7F, s28;
	v50 =	vadd.s32 v1, v60;
	v51 =	vld.idx.msk [tilespmem:v57+s11+$0x0], $0xffff  }
0x234: {  	s29 =	sadd.s32 $0x1B, s23;
	v61 =	vor.u32 s25, v28  }
0x235: {  	(v2sf) =	vpush v49, $0xE;
	v62 =	vmov s29  }
0x236: {  	v63 =	vshll.u32 v62, $0x3  }
0x237: {  	v53 =	vand.u32 $0x7B, v62;
	v54 =	vand.u32 $0x7FFFFC00, v63  }
0x238: {  	s26 =	spop (v2sf);
	v57 =	vor.u32 v53, v54;
	[tilespmem:v50+s19+$0x0] =	vst.idx.msk $0xffff, v51  }
0x239: {  	s25 =	sand.u32 $0x7F, s26;
	v50 =	vadd.s32 v1, v57;
	v51 =	vld.idx.msk [tilespmem:v61+s11+$0x0], $0xffff  }
0x23a: {  	s28 =	sadd.s32 $0x1C, s23;
	v58 =	vor.u32 s25, v29  }
0x23b: {  	v59 =	vmov s28;
	(v2sf) =	vpush v49, $0xF  }
0x23c: {  	v60 =	vshll.u32 v59, $0x3  }
0x23d: {  	v53 =	vand.u32 $0x7C, v59;
	v49 =	vand.u32 $0x7FFFFC00, v60  }
0x23e: {  	s29 =	spop (v2sf);
	v49 =	vor.u32 v53, v49;
	[tilespmem:v50+s19+$0x0] =	vst.idx.msk $0xffff, v51  }
0x23f: {  	s25 =	sand.u32 $0x7F, s29;
	v49 =	vadd.s32 v1, v49;
	v50 =	vld.idx.msk [tilespmem:v58+s11+$0x0], $0xffff  }
0x240: {  	s26 =	sadd.s32 $0x1D, s23;
	v61 =	vor.u32 s25, v30  }
0x241: {  	v62 =	vmov s26  }
0x242: {  	v63 =	vshll.u32 v62, $0x3  }
0x243: {  	v52 =	vand.u32 $0x7D, v62;
	v53 =	vand.u32 $0x7FFFFC00, v63  }
0x244: {  	s28 =	spop (v2sf);
	v55 =	vor.u32 v52, v53;
	[tilespmem:v49+s19+$0x0] =	vst.idx.msk $0xffff, v50  }
0x245: {  	s25 =	sand.u32 $0x7F, s28;
	v49 =	vadd.s32 v1, v55;
	v50 =	vld.idx.msk [tilespmem:v61+s11+$0x0], $0xffff  }
0x246: {  	s29 =	sadd.s32 $0x1E, s23;
	v56 =	vor.u32 s25, v31  }
0x247: {  	v57 =	vmov s29  }
0x248: {  	v58 =	vshll.u32 v57, $0x3  }
0x249: {  	v52 =	vand.u32 $0x7E, v57;
	v53 =	vand.u32 $0x7FFFFC00, v58  }
0x24a: {  	s26 =	spop (v2sf);
	v59 =	vor.u32 v52, v53;
	[tilespmem:v49+s19+$0x0] =	vst.idx.msk $0xffff, v50  }
0x24b: {  	s25 =	sand.u32 $0x7F, s26;
	v49 =	vadd.s32 v1, v59;
	v50 =	vld.idx.msk [tilespmem:v56+s11+$0x0], $0xffff  }
0x24c: {  	s28 =	sadd.s32 $0x1F, s23;
	v60 =	vor.u32 s25, v32  }
0x24d: {  	v61 =	vmov s28  }
0x24e: {  	v62 =	vshll.u32 v61, $0x3  }
0x24f: {  	s25 =	sadd.s32 $0xFFFFFFFF, s24;
	v52 =	vand.u32 $0x7F, v61;
	v53 =	vand.u32 $0x7FFFFC00, v62  }
0x250: {  	s29 =	sand.u32 $0x7, s25;
	v63 =	vor.u32 v52, v53;
	[tilespmem:v49+s19+$0x0] =	vst.idx.msk $0xffff, v50  }
0x251: {  	p1 =	sne.s32 s29, $0x7;
	v49 =	vadd.s32 v1, v63;
	v50 =	vld.idx.msk [tilespmem:v60+s11+$0x0], $0xffff  }
0x252: {  	s26 =	sshll.u32 @!p1 s25, $0x4  }
0x253: {  	s25 =	sshll.u32 @!p1 s25, $0x7;
	s26 =	sand.u32 @!p1 $0xFFFFFF80, s26  }
0x254: {  	s25 =	sand.u32 @!p1 $0x3FFFFC00, s25;
	s26 =	sadd.s32 @!p1 s5, s26  }
.Ltmp4:
0x255: {  	s26 =	sand.u32 @!p1 $0x1FFFFF80, s26;
	(pc) =	sbr.rel @p0 .LBB2_8-.Ltmp4, $4  }
0x256: {  	s29 =	simm.s32 @!p1 $0x0;
	s26 =	sadd.s32 @!p1 s2, s26;
	s28 =	sadd.s32 @!p1 $0x18200, s25;
	[tilespmem:v49+s19+$0x0] =	vst.idx.msk $0xffff, v50  }
0x257: {  	[hbm4b:s26+s29] =	stream.linear.scatter @!p1 [tilespmem:s28], [sflag:$0x4], $0x400, $0x38;
	[tilespmem:$0x1A200] =	vst v63  }
0x258: {  	s25 =	sadd.s32 @!p1 $0x19200, s25;
	s26 =	sadd.s32 @!p1 $0x4000, s26  }
0x259: {  	[hbm4b:s26+s29] =	stream.linear.scatter @!p1 [tilespmem:s25], [sflag:$0x4], $0x400, $0x38;
	[tilespmem:$0x1A200] =	vst v63  }
0x25a: {  	v49 =	vld [tilespmem:s22+$0x20];
	_ =	sdelay $0x4  }
0x25b: {  	(v2sf) =	vpush v49, $0x0;
	_ =	sdelay $0x1  }
0x25c: {  	(v2sf) =	vpush v49, $0x1;
	_ =	sdelay $0x2  }
0x25d: {  	(v2sf) =	vpush v49, $0x2;
	_ =	sdelay $0x4  }
0x25e: {  	(v2sf) =	vpush v49, $0x3;
	_ =	sdelay $0x2  }
0x25f: {  	(v2sf) =	vpush v49, $0x4;
	_ =	sdelay $0x1  }
0x260: {  	s25 =	spop (v2sf);
	(v2sf) =	vpush v49, $0x5;
	_ =	sdelay $0x1  }
0x261: {  	s25 =	sand.u32 $0xFFFFF80, s25;
	s28 =	spop (v2sf);
	(v2sf) =	vpush v49, $0x6  }
0x262: {  	s26 =	simm.s32 $0x8200;
	s25 =	sadd.s32 s0, s25  }
0x263: {  	[tilespmem:s26], [sflag:$0x2] =	stream.strided.gather [hbm4b:s25+s9], $0x800, s10, s9, $0x38;
	[tilespmem:$0x1A200] =	vst v63  }
0x264: {  	s26 =	spop (v2sf);
	(v2sf) =	vpush v49, $0x7;
	_ =	sdelay $0x3  }
0x265: {  	s25 =	sand.u32 $0xFFFFF80, s28  }
0x266: {  	s29 =	simm.s32 $0x8A00;
	s25 =	sadd.s32 s0, s25;
	s28 =	spop (v2sf);
	(v2sf) =	vpush v49, $0x8  }
0x267: {  	[tilespmem:s29], [sflag:$0x2] =	stream.strided.gather [hbm4b:s25+s9], $0x800, s10, s9, $0x38;
	[tilespmem:$0x1A200] =	vst v63  }
0x268: {  	s25 =	sand.u32 $0xFFFFF80, s26  }
0x269: {  	s29 =	spop (v2sf);
	s25 =	sadd.s32 s0, s25  }
0x26a: {  	[tilespmem:s30], [sflag:$0x2] =	stream.strided.gather [hbm4b:s25+s9], $0x800, s10, s9, $0x38;
	[tilespmem:$0x1A200] =	vst v63  }
0x26b: {  	s25 =	sand.u32 $0xFFFFF80, s28;
	s28 =	sand.u32 $0xFFFFF80, s29;
	s29 =	spop (v2sf);
	(v2sf) =	vpush v49, $0x9  }
0x26c: {  	_ = 	snop  }
0x26d: {  	s26 =	spop (v2sf);
	(v2sf) =	vpush v49, $0xA  }
0x26e: {  	s25 =	sadd.s32 s0, s25  }
0x26f: {  	[tilespmem:s31], [sflag:$0x2] =	stream.strided.gather [hbm4b:s25+s9], $0x800, s10, s9, $0x38;
	[tilespmem:$0x1A200] =	vst v63  }
0x270: {  	s25 =	sadd.s32 s0, s28;
	s28 =	spop (v2sf);
	(v2sf) =	vpush v49, $0xB  }
0x271: {  	[tilespmem:s1], [sflag:$0x2] =	stream.strided.gather [hbm4b:s25+s9], $0x800, s10, s9, $0x38;
	[tilespmem:$0x1A200] =	vst v63  }
0x272: {  	s25 =	sand.u32 $0xFFFFF80, s29  }
0x273: {  	s25 =	sadd.s32 s0, s25  }
0x274: {  	[tilespmem:s3], [sflag:$0x2] =	stream.strided.gather [hbm4b:s25+s9], $0x800, s10, s9, $0x38;
	[tilespmem:$0x1A200] =	vst v63  }
0x275: {  	s29 =	spop (v2sf);
	(v2sf) =	vpush v49, $0xC  }
0x276: {  	s25 =	sand.u32 $0xFFFFF80, s26  }
0x277: {  	s25 =	sadd.s32 s0, s25  }
0x278: {  	[tilespmem:s4], [sflag:$0x2] =	stream.strided.gather [hbm4b:s25+s9], $0x800, s10, s9, $0x38;
	[tilespmem:$0x1A200] =	vst v63  }
0x279: {  	s25 =	sand.u32 $0xFFFFF80, s28  }
0x27a: {  	s26 =	sand.u32 $0xFFFFF80, s29;
	s25 =	sadd.s32 s0, s25;
	s28 =	spop (v2sf);
	(v2sf) =	vpush v49, $0xD  }
0x27b: {  	[tilespmem:s6], [sflag:$0x2] =	stream.strided.gather [hbm4b:s25+s9], $0x800, s10, s9, $0x38;
	[tilespmem:$0x1A200] =	vst v63  }
0x27c: {  	s25 =	sadd.s32 s0, s26;
	s29 =	spop (v2sf);
	(v2sf) =	vpush v49, $0xE  }
0x27d: {  	[tilespmem:s7], [sflag:$0x2] =	stream.strided.gather [hbm4b:s25+s9], $0x800, s10, s9, $0x38;
	[tilespmem:$0x1A200] =	vst v63  }
0x27e: {  	s25 =	sand.u32 $0xFFFFF80, s28  }
0x27f: {  	s25 =	sadd.s32 s0, s25;
	s26 =	spop (v2sf);
	(v2sf) =	vpush v49, $0xF  }
0x280: {  	[tilespmem:s8], [sflag:$0x2] =	stream.strided.gather [hbm4b:s25+s9], $0x800, s10, s9, $0x38;
	[tilespmem:$0x1A200] =	vst v63  }
0x281: {  	s25 =	sand.u32 $0xFFFFF80, s29  }
0x282: {  	s25 =	sadd.s32 s0, s25  }
0x283: {  	[tilespmem:s12], [sflag:$0x2] =	stream.strided.gather [hbm4b:s25+s9], $0x800, s10, s9, $0x38;
	[tilespmem:$0x1A200] =	vst v63  }
0x284: {  	s28 =	spop (v2sf);
	s25 =	sand.u32 $0xFFFFF80, s26  }
0x285: {  	s29 =	sand.u32 $0xFFFFF80, s28;
	s25 =	sadd.s32 s0, s25  }
0x286: {  	[tilespmem:s13], [sflag:$0x2] =	stream.strided.gather [hbm4b:s25+s9], $0x800, s10, s9, $0x38;
	[tilespmem:$0x1A200] =	vst v63  }
0x287: {  	s25 =	sadd.s32 s0, s29  }
0x288: {  	[tilespmem:s14], [sflag:$0x2] =	stream.strided.gather [hbm4b:s25+s9], $0x800, s10, s9, $0x38;
	[tilespmem:$0x1A200] =	vst v63  }
0x289: {  	s26 =	spop (v2sf)  }
0x28a: {  	s25 =	sand.u32 $0xFFFFF80, s26  }
0x28b: {  	s28 =	spop (v2sf);
	s25 =	sadd.s32 s0, s25  }
0x28c: {  	[tilespmem:s15], [sflag:$0x2] =	stream.strided.gather [hbm4b:s25+s9], $0x800, s10, s9, $0x38;
	[tilespmem:$0x1A200] =	vst v63  }
0x28d: {  	s25 =	sand.u32 $0xFFFFF80, s28  }
0x28e: {  	s29 =	spop (v2sf);
	s25 =	sadd.s32 s0, s25  }
0x28f: {  	[tilespmem:s16], [sflag:$0x2] =	stream.strided.gather [hbm4b:s25+s9], $0x800, s10, s9, $0x38;
	[tilespmem:$0x1A200] =	vst v63  }
0x290: {  	s25 =	sand.u32 $0xFFFFF80, s29  }
0x291: {  	s25 =	sadd.s32 s0, s25  }
0x292: {  	[tilespmem:s17], [sflag:$0x2] =	stream.strided.gather [hbm4b:s25+s9], $0x800, s10, s9, $0x38;
	[tilespmem:$0x1A200] =	vst v63  }
0x293: {  	_ =	swait.ge [sflag:s21], $0x800  }
0x294: {  	[sflag:s21] =	ssyncset.done $0x0  }
0x295: {  	[sflag:s21] =	ssyncadd.s32 $0xFFFFF800  }
0x296: {  	_ =	swait.ge [sflag:s21], $0x800  }
0x297: {  	[sflag:s21] =	ssyncset.done $0x0  }
0x298: {  	[sflag:s21] =	ssyncadd.s32 $0xFFFFF800  }
0x299: {  	_ =	swait.ge [sflag:s21], $0x800  }
0x29a: {  	[sflag:s21] =	ssyncset.done $0x0  }
0x29b: {  	[sflag:s21] =	ssyncadd.s32 $0xFFFFF800  }
0x29c: {  	_ =	swait.ge [sflag:s21], $0x800  }
0x29d: {  	[sflag:s21] =	ssyncset.done $0x0  }
0x29e: {  	[sflag:s21] =	ssyncadd.s32 $0xFFFFF800  }
0x29f: {  	_ =	swait.ge [sflag:s21], $0x800  }
0x2a0: {  	[sflag:s21] =	ssyncset.done $0x0  }
0x2a1: {  	[sflag:s21] =	ssyncadd.s32 $0xFFFFF800  }
0x2a2: {  	_ =	swait.ge [sflag:s21], $0x800  }
0x2a3: {  	[sflag:s21] =	ssyncset.done $0x0  }
0x2a4: {  	[sflag:s21] =	ssyncadd.s32 $0xFFFFF800  }
0x2a5: {  	_ =	swait.ge [sflag:s21], $0x800  }
0x2a6: {  	[sflag:s21] =	ssyncset.done $0x0  }
0x2a7: {  	[sflag:s21] =	ssyncadd.s32 $0xFFFFF800  }
0x2a8: {  	_ =	swait.ge [sflag:s21], $0x800  }
0x2a9: {  	[sflag:s21] =	ssyncset.done $0x0  }
0x2aa: {  	[sflag:s21] =	ssyncadd.s32 $0xFFFFF800  }
0x2ab: {  	_ =	swait.ge [sflag:s21], $0x800  }
0x2ac: {  	[sflag:s21] =	ssyncset.done $0x0  }
0x2ad: {  	[sflag:s21] =	ssyncadd.s32 $0xFFFFF800  }
0x2ae: {  	_ =	swait.ge [sflag:s21], $0x800  }
0x2af: {  	[sflag:s21] =	ssyncset.done $0x0  }
0x2b0: {  	[sflag:s21] =	ssyncadd.s32 $0xFFFFF800  }
0x2b1: {  	_ =	swait.ge [sflag:s21], $0x800  }
0x2b2: {  	[sflag:s21] =	ssyncset.done $0x0  }
0x2b3: {  	[sflag:s21] =	ssyncadd.s32 $0xFFFFF800  }
0x2b4: {  	_ =	swait.ge [sflag:s21], $0x800  }
0x2b5: {  	[sflag:s21] =	ssyncset.done $0x0  }
0x2b6: {  	[sflag:s21] =	ssyncadd.s32 $0xFFFFF800  }
0x2b7: {  	_ =	swait.ge [sflag:s21], $0x800  }
0x2b8: {  	[sflag:s21] =	ssyncset.done $0x0  }
0x2b9: {  	[sflag:s21] =	ssyncadd.s32 $0xFFFFF800  }
0x2ba: {  	_ =	swait.ge [sflag:s21], $0x800  }
0x2bb: {  	[sflag:s21] =	ssyncset.done $0x0  }
0x2bc: {  	[sflag:s21] =	ssyncadd.s32 $0xFFFFF800  }
0x2bd: {  	_ =	swait.ge [sflag:s21], $0x800  }
0x2be: {  	[sflag:s21] =	ssyncset.done $0x0  }
0x2bf: {  	[sflag:s21] =	ssyncadd.s32 $0xFFFFF800  }
0x2c0: {  	_ =	swait.ge [sflag:s21], $0x800  }
0x2c1: {  	[sflag:s21] =	ssyncset.done $0x0  }
0x2c2: {  	[sflag:s21] =	ssyncadd.s32 $0xFFFFF800  }
0x2c3: {  	v49 =	vld [tilespmem:s22+$0x0];
	_ =	sdelay $0x4  }
0x2c4: {  	(v2sf) =	vpush v49, $0x0;
	_ =	sdelay $0x5  }
0x2c5: {  	(v2sf) =	vpush v49, $0x1;
	_ =	sdelay $0x5  }
0x2c6: {  	(v2sf) =	vpush v49, $0x2;
	_ =	sdelay $0x2  }
0x2c7: {  	s26 =	spop (v2sf)  }
0x2c8: {  	s25 =	sand.u32 $0x7F, s26  }
0x2c9: {  	s28 =	sadd.s32 $0x20, s23;
	v50 =	vor.u32 s25, v33  }
0x2ca: {  	v51 =	vmov s28;
	(v2sf) =	vpush v49, $0x3  }
0x2cb: {  	v52 =	vshll.u32 v51, $0x3  }
0x2cc: {  	v51 =	vand.u32 $0x70, v51;
	v52 =	vand.u32 $0x7FFFFC00, v52  }
0x2cd: {  	v51 =	vor.u32 v51, v52;
	s29 =	spop (v2sf)  }
0x2ce: {  	v51 =	vadd.s32 v1, v51;
	s25 =	sand.u32 $0x7F, s29;
	v50 =	vld.idx.msk [tilespmem:v50+s11+$0x0], $0xffff  }
0x2cf: {  	s26 =	sadd.s32 $0x21, s23;
	v63 =	vor.u32 s25, v34  }
0x2d0: {  	(v2sf) =	vpush v49, $0x4;
	v53 =	vmov s26  }
0x2d1: {  	v54 =	vshll.u32 v53, $0x3  }
0x2d2: {  	v53 =	vand.u32 $0x71, v53;
	v54 =	vand.u32 $0x7FFFFC00, v54  }
0x2d3: {  	s28 =	spop (v2sf);
	v56 =	vor.u32 v53, v54;
	[tilespmem:v51+s19+$0x0] =	vst.idx.msk $0xffff, v50  }
0x2d4: {  	s25 =	sand.u32 $0x7F, s28;
	v50 =	vadd.s32 v1, v56;
	v51 =	vld.idx.msk [tilespmem:v63+s11+$0x0], $0xffff  }
0x2d5: {  	s29 =	sadd.s32 $0x22, s23;
	v57 =	vor.u32 s25, v35  }
0x2d6: {  	(v2sf) =	vpush v49, $0x5;
	v58 =	vmov s29  }
0x2d7: {  	v59 =	vshll.u32 v58, $0x3  }
0x2d8: {  	v53 =	vand.u32 $0x72, v58;
	v54 =	vand.u32 $0x7FFFFC00, v59  }
0x2d9: {  	v60 =	vor.u32 v53, v54;
	s26 =	spop (v2sf);
	[tilespmem:v50+s19+$0x0] =	vst.idx.msk $0xffff, v51  }
0x2da: {  	s25 =	sand.u32 $0x7F, s26;
	v50 =	vadd.s32 v1, v60;
	v51 =	vld.idx.msk [tilespmem:v57+s11+$0x0], $0xffff  }
0x2db: {  	s28 =	sadd.s32 $0x23, s23;
	v61 =	vor.u32 s25, v36  }
0x2dc: {  	v62 =	vmov s28;
	(v2sf) =	vpush v49, $0x6  }
0x2dd: {  	v63 =	vshll.u32 v62, $0x3  }
0x2de: {  	v53 =	vand.u32 $0x73, v62;
	v54 =	vand.u32 $0x7FFFFC00, v63  }
0x2df: {  	v56 =	vor.u32 v53, v54;
	s29 =	spop (v2sf);
	[tilespmem:v50+s19+$0x0] =	vst.idx.msk $0xffff, v51  }
0x2e0: {  	s25 =	sand.u32 $0x7F, s29;
	v50 =	vadd.s32 v1, v56;
	v51 =	vld.idx.msk [tilespmem:v61+s11+$0x0], $0xffff  }
0x2e1: {  	s26 =	sadd.s32 $0x24, s23;
	v57 =	vor.u32 s25, v37  }
0x2e2: {  	(v2sf) =	vpush v49, $0x7;
	v58 =	vmov s26  }
0x2e3: {  	v59 =	vshll.u32 v58, $0x3  }
0x2e4: {  	v53 =	vand.u32 $0x74, v58;
	v54 =	vand.u32 $0x7FFFFC00, v59  }
0x2e5: {  	s28 =	spop (v2sf);
	v60 =	vor.u32 v53, v54;
	[tilespmem:v50+s19+$0x0] =	vst.idx.msk $0xffff, v51  }
0x2e6: {  	s25 =	sand.u32 $0x7F, s28;
	v50 =	vadd.s32 v1, v60;
	v51 =	vld.idx.msk [tilespmem:v57+s11+$0x0], $0xffff  }
0x2e7: {  	s29 =	sadd.s32 $0x25, s23;
	v61 =	vor.u32 s25, v38  }
0x2e8: {  	(v2sf) =	vpush v49, $0x8;
	v62 =	vmov s29  }
0x2e9: {  	v63 =	vshll.u32 v62, $0x3  }
0x2ea: {  	v53 =	vand.u32 $0x75, v62;
	v54 =	vand.u32 $0x7FFFFC00, v63  }
0x2eb: {  	v56 =	vor.u32 v53, v54;
	s26 =	spop (v2sf);
	[tilespmem:v50+s19+$0x0] =	vst.idx.msk $0xffff, v51  }
0x2ec: {  	s25 =	sand.u32 $0x7F, s26;
	v50 =	vadd.s32 v1, v56;
	v51 =	vld.idx.msk [tilespmem:v61+s11+$0x0], $0xffff  }
0x2ed: {  	s28 =	sadd.s32 $0x26, s23;
	v57 =	vor.u32 s25, v39  }
0x2ee: {  	v58 =	vmov s28;
	(v2sf) =	vpush v49, $0x9  }
0x2ef: {  	v59 =	vshll.u32 v58, $0x3  }
0x2f0: {  	v53 =	vand.u32 $0x76, v58;
	v54 =	vand.u32 $0x7FFFFC00, v59  }
0x2f1: {  	v60 =	vor.u32 v53, v54;
	s29 =	spop (v2sf);
	[tilespmem:v50+s19+$0x0] =	vst.idx.msk $0xffff, v51  }
0x2f2: {  	s25 =	sand.u32 $0x7F, s29;
	v50 =	vadd.s32 v1, v60;
	v51 =	vld.idx.msk [tilespmem:v57+s11+$0x0], $0xffff  }
0x2f3: {  	s26 =	sadd.s32 $0x27, s23;
	v61 =	vor.u32 s25, v40  }
0x2f4: {  	(v2sf) =	vpush v49, $0xA;
	v62 =	vmov s26  }
0x2f5: {  	v63 =	vshll.u32 v62, $0x3  }
0x2f6: {  	v53 =	vand.u32 $0x77, v62;
	v54 =	vand.u32 $0x7FFFFC00, v63  }
0x2f7: {  	s28 =	spop (v2sf);
	v56 =	vor.u32 v53, v54;
	[tilespmem:v50+s19+$0x0] =	vst.idx.msk $0xffff, v51  }
0x2f8: {  	s25 =	sand.u32 $0x7F, s28;
	v50 =	vadd.s32 v1, v56;
	v51 =	vld.idx.msk [tilespmem:v61+s11+$0x0], $0xffff  }
0x2f9: {  	s29 =	sadd.s32 $0x28, s23;
	v57 =	vor.u32 s25, v41  }
0x2fa: {  	(v2sf) =	vpush v49, $0xB;
	v58 =	vmov s29  }
0x2fb: {  	v59 =	vshll.u32 v58, $0x3  }
0x2fc: {  	v53 =	vand.u32 $0x78, v58;
	v54 =	vand.u32 $0x7FFFFC00, v59  }
0x2fd: {  	v60 =	vor.u32 v53, v54;
	s26 =	spop (v2sf);
	[tilespmem:v50+s19+$0x0] =	vst.idx.msk $0xffff, v51  }
0x2fe: {  	s25 =	sand.u32 $0x7F, s26;
	v50 =	vadd.s32 v1, v60;
	v51 =	vld.idx.msk [tilespmem:v57+s11+$0x0], $0xffff  }
0x2ff: {  	s28 =	sadd.s32 $0x29, s23;
	v61 =	vor.u32 s25, v42  }
0x300: {  	v62 =	vmov s28;
	(v2sf) =	vpush v49, $0xC  }
0x301: {  	v63 =	vshll.u32 v62, $0x3  }
0x302: {  	v53 =	vand.u32 $0x79, v62;
	v54 =	vand.u32 $0x7FFFFC00, v63  }
0x303: {  	s29 =	spop (v2sf);
	v56 =	vor.u32 v53, v54;
	[tilespmem:v50+s19+$0x0] =	vst.idx.msk $0xffff, v51  }
0x304: {  	s25 =	sand.u32 $0x7F, s29;
	v50 =	vadd.s32 v1, v56;
	v51 =	vld.idx.msk [tilespmem:v61+s11+$0x0], $0xffff  }
0x305: {  	s26 =	sadd.s32 $0x2A, s23;
	v57 =	vor.u32 s25, v43  }
0x306: {  	(v2sf) =	vpush v49, $0xD;
	v58 =	vmov s26  }
0x307: {  	v59 =	vshll.u32 v58, $0x3  }
0x308: {  	v53 =	vand.u32 $0x7A, v58;
	v54 =	vand.u32 $0x7FFFFC00, v59  }
0x309: {  	s28 =	spop (v2sf);
	v60 =	vor.u32 v53, v54;
	[tilespmem:v50+s19+$0x0] =	vst.idx.msk $0xffff, v51  }
0x30a: {  	s25 =	sand.u32 $0x7F, s28;
	v50 =	vadd.s32 v1, v60;
	v51 =	vld.idx.msk [tilespmem:v57+s11+$0x0], $0xffff  }
0x30b: {  	s29 =	sadd.s32 $0x2B, s23;
	v61 =	vor.u32 s25, v44  }
0x30c: {  	(v2sf) =	vpush v49, $0xE;
	v62 =	vmov s29  }
0x30d: {  	v63 =	vshll.u32 v62, $0x3  }
0x30e: {  	v53 =	vand.u32 $0x7B, v62;
	v54 =	vand.u32 $0x7FFFFC00, v63  }
0x30f: {  	s26 =	spop (v2sf);
	v57 =	vor.u32 v53, v54;
	[tilespmem:v50+s19+$0x0] =	vst.idx.msk $0xffff, v51  }
0x310: {  	s25 =	sand.u32 $0x7F, s26;
	v50 =	vadd.s32 v1, v57;
	v51 =	vld.idx.msk [tilespmem:v61+s11+$0x0], $0xffff  }
0x311: {  	s28 =	sadd.s32 $0x2C, s23;
	v58 =	vor.u32 s25, v45  }
0x312: {  	v59 =	vmov s28;
	(v2sf) =	vpush v49, $0xF  }
0x313: {  	v60 =	vshll.u32 v59, $0x3  }
0x314: {  	v53 =	vand.u32 $0x7C, v59;
	v49 =	vand.u32 $0x7FFFFC00, v60  }
0x315: {  	s29 =	spop (v2sf);
	v49 =	vor.u32 v53, v49;
	[tilespmem:v50+s19+$0x0] =	vst.idx.msk $0xffff, v51  }
0x316: {  	s25 =	sand.u32 $0x7F, s29;
	v49 =	vadd.s32 v1, v49;
	v50 =	vld.idx.msk [tilespmem:v58+s11+$0x0], $0xffff  }
0x317: {  	s26 =	sadd.s32 $0x2D, s23;
	v61 =	vor.u32 s25, v46  }
0x318: {  	v62 =	vmov s26  }
0x319: {  	v63 =	vshll.u32 v62, $0x3  }
0x31a: {  	v52 =	vand.u32 $0x7D, v62;
	v53 =	vand.u32 $0x7FFFFC00, v63  }
0x31b: {  	s28 =	spop (v2sf);
	v55 =	vor.u32 v52, v53;
	[tilespmem:v49+s19+$0x0] =	vst.idx.msk $0xffff, v50  }
0x31c: {  	s25 =	sand.u32 $0x7F, s28;
	v49 =	vadd.s32 v1, v55;
	v50 =	vld.idx.msk [tilespmem:v61+s11+$0x0], $0xffff  }
0x31d: {  	s29 =	sadd.s32 $0x2E, s23;
	v56 =	vor.u32 s25, v47  }
0x31e: {  	v57 =	vmov s29  }
0x31f: {  	v58 =	vshll.u32 v57, $0x3  }
0x320: {  	v52 =	vand.u32 $0x7E, v57;
	v53 =	vand.u32 $0x7FFFFC00, v58  }
0x321: {  	s26 =	spop (v2sf);
	v59 =	vor.u32 v52, v53;
	[tilespmem:v49+s19+$0x0] =	vst.idx.msk $0xffff, v50  }
0x322: {  	s25 =	sand.u32 $0x7F, s26;
	v49 =	vadd.s32 v1, v59;
	v50 =	vld.idx.msk [tilespmem:v56+s11+$0x0], $0xffff  }
0x323: {  	s28 =	sadd.s32 $0x2F, s23;
	v60 =	vor.u32 s25, v48  }
0x324: {  	v61 =	vmov s28  }
0x325: {  	v62 =	vshll.u32 v61, $0x3  }
0x326: {  	v52 =	vand.u32 $0x7F, v61;
	v53 =	vand.u32 $0x7FFFFC00, v62  }
0x327: {  	s29 =	sand.u32 $0x7, s24;
	v63 =	vor.u32 v52, v53;
	[tilespmem:v49+s19+$0x0] =	vst.idx.msk $0xffff, v50  }
0x328: {  	p0 =	sne.s32 s29, $0x7;
	v49 =	vadd.s32 v1, v63;
	v50 =	vld.idx.msk [tilespmem:v60+s11+$0x0], $0xffff  }
0x329: {  	s25 =	sshll.u32 @!p0 s24, $0x4  }
0x32a: {  	s26 =	sshll.u32 @!p0 s24, $0x7;
	s25 =	sand.u32 @!p0 $0xFFFFFF80, s25  }
0x32b: {  	s22 =	sadd.s32 $0x30, s22;
	s26 =	sand.u32 @!p0 $0x3FFFFC00, s26;
	s25 =	sadd.s32 @!p0 s5, s25  }
.Ltmp5:
0x32c: {  	s23 =	sadd.s32 $0x30, s23;
	s25 =	sand.u32 @!p0 $0x1FFFFF80, s25;
	(pc) =	sbr.rel .LBB2_2-.Ltmp5, $4  }
0x32d: {  	s29 =	simm.s32 @!p0 $0x0;
	s25 =	sadd.s32 @!p0 s2, s25;
	s28 =	sadd.s32 @!p0 $0x18200, s26;
	[tilespmem:v49+s19+$0x0] =	vst.idx.msk $0xffff, v50  }
0x32e: {  	[hbm4b:s25+s29] =	stream.linear.scatter @!p0 [tilespmem:s28], [sflag:$0x4], $0x400, $0x38;
	[tilespmem:$0x1A200] =	vst v63  }
0x32f: {  	s24 =	sadd.s32 $0x3, s24;
	s26 =	sadd.s32 @!p0 $0x19200, s26;
	s25 =	sadd.s32 @!p0 $0x4000, s25  }
0x330: {  	[hbm4b:s25+s29] =	stream.linear.scatter @!p0 [tilespmem:s26], [sflag:$0x4], $0x400, $0x38;
	[tilespmem:$0x1A200] =	vst v63  }
.LBB2_9:
0x331: {  	_ =	sfence.sel $0x180000  }
0x332: {  	[bflag:$0x0] =	sbarrier.arrive $0xFFFF  }
0x333: {  	_ =	strace $0x90000047  }
0x334: {  	s0 =	stileid.u32;
	[bflag:$0x2] =	sbarrier.arrive $0xFFFF  }
0x335: {  	p0 =	sne.s32 s0, $0x0;
	s0 =	rddreg [dreg:$0x3]  }
0x336: {  	s0 =	sadd.s32 @!p0 $0x100000, s0  }
0x337: {  	[sflag:s0] =	ssyncadd.tile.s32 @!p0 $0x1;
	_ =	shalt  }
.Lfunc_end2:
_tile_overlayer_lowered:
.L_overlay_start_2:
0x338: {  	(tag) =	ssettag $0x2  }
0x339: {  	s0 =	rddreg [dreg:$0x0];
	s2 =	stileid.u32  }
0x33a: {  	s1 =	rddreg [dreg:$0x1];
	p0 =	sne.s32 s2, $0x0  }
0x33b: {  	s3 =	rddreg [dreg:$0x2];
	[bflag:$0x3] =	sbarrier.arrive $0xFFFF;
	s2 =	simm.s32 @!p0 $0x1C05  }
0x33c: {  	[timem:s3], [sflag:s2] =	dma.local @!p0 [hbm:s0], s1  }
0x33d: {  	s0 =	simm.s32 @!p0 $0x5  }
0x33e: {  	_ =	swait.ge @!p0 [sflag:s0], s1  }
0x33f: {  	s1 =	ssub.s32 @!p0 $0x0, s1;
	[sflag:s0] =	ssyncset.done @!p0 $0x0  }
0x340: {  	[sflag:s0] =	ssyncadd.s32 @!p0 s1  }
0x341: {  	[bflag:$0x3] =	sbarrier.arrive $0xFFFF  }
0x342: {  	_ =	shalt  }

</sc_bundles>
